<compile_context>
chip_gen: v7x
topology: tpu7x:2x2x1
jax: 0.10.2.dev20260603
libtpu: 0.0.44.dev20260713+nightly
codegen_flags: <defaults>
</compile_context>

<pallas_src>
import functools

import jax
import jax.numpy as jnp
from jax import lax
from jax.experimental import pallas as pl
from jax.experimental.pallas import tpu as pltpu
from jax.experimental.pallas import tpu_sc as plsc

_N = 50000
_E = 800000
_G = 256
_HID = 64
_NCLS = 40

_NTILES = 16
_CHUNK = 512
_NCHUNK = 98
_MACRO = 7
_EPT = _NCHUNK * _CHUNK
_EPAD = _EPT * _NTILES - _E
_NACC = 50176
_STRIPE = _NACC // _NTILES
_ZROWS = 56
_RPT = _G // _NTILES


def _make_edge_agg(edge_split, with_root):
    mesh = plsc.VectorSubcoreMesh(core_axis_name="c", subcore_axis_name="s")
    bf16 = jnp.bfloat16
    out_type = [jax.ShapeDtypeStruct((_NACC, 32), bf16),
                jax.ShapeDtypeStruct((_NACC, 32), bf16)]
    if with_root:
        out_type += [jax.ShapeDtypeStruct((_G, 32), bf16)] * 4
    scratch_types = [
        pltpu.VMEM((2, _MACRO, _CHUNK), jnp.int32),
        pltpu.VMEM((2, _MACRO, _CHUNK), jnp.int32),
        pltpu.VMEM((4, _CHUNK, 32), bf16),
        pltpu.VMEM((_ZROWS, 32), bf16),
        pltpu.VMEM_SHARED((_NACC, 32), bf16),
        [pltpu.SemaphoreType.DMA] * 4,
        [pltpu.SemaphoreType.DMA] * 4,
        pltpu.SemaphoreType.DMA,
    ]
    if with_root:
        scratch_types += [
            pltpu.VMEM((_RPT,), jnp.int32),
            pltpu.VMEM((_RPT, 32), bf16),
        ]

    def body(refs):
        if with_root:
            (h0_hbm, h1_hbm, src_hbm, dst_hbm, root_hbm,
             out0_hbm, out1_hbm, ra0_hbm, ra1_hbm, rh0_hbm, rh1_hbm,
             src_v, dst_v, rows_v, zbuf, acc, semg, sems, semi,
             ridx_v, rrows_v) = refs
        else:
            (h0_hbm, h1_hbm, src_hbm, dst_hbm, out0_hbm, out1_hbm,
             src_v, dst_v, rows_v, zbuf, acc, semg, sems, semi) = refs
        c = lax.axis_index("c")
        s = lax.axis_index("s")
        base = s * _STRIPE

        zero = jnp.zeros((32,), jnp.bfloat16)

        def zrow(i, carry):
            zbuf[i, pl.ds(0, 32)] = zero
            return carry
        lax.fori_loop(0, _ZROWS, zrow, 0)

        def zcopy(k, carry):
            pltpu.sync_copy(zbuf, acc.at[pl.ds(base + k * _ZROWS, _ZROWS)])
            return carry
        lax.fori_loop(0, _STRIPE // _ZROWS, zcopy, 0)
        plsc.subcore_barrier()

        def run(h_hbm, coff, nmacro):
            def gather(j, b, mb):
                return pltpu.async_copy(h_hbm.at[src_v.at[mb, j]],
                                        rows_v.at[b], semg[b])

            def scatter(j, b, mb):
                return pltpu.async_copy(rows_v.at[b], acc.at[dst_v.at[mb, j]],
                                        sems[b], add=True)

            def stage(mi, mb):
                off = coff + mi * _MACRO
                pltpu.async_copy(src_hbm.at[s, pl.ds(off, _MACRO)],
                                 src_v.at[mb], semi)
                pltpu.async_copy(dst_hbm.at[s, pl.ds(off, _MACRO)],
                                 dst_v.at[mb], semi)

            def wait_stage(mb):
                pltpu.make_async_copy(src_hbm.at[s, pl.ds(coff, _MACRO)],
                                      src_v.at[mb], semi).wait()
                pltpu.make_async_copy(dst_hbm.at[s, pl.ds(coff, _MACRO)],
                                      dst_v.at[mb], semi).wait()

            stage(0, 0)

            def macro(m, carry):
                mb = lax.rem(m, 2)

                @pl.when(m + 1 < nmacro)
                def _():
                    stage(m + 1, 1 - mb)

                wait_stage(mb)
                gds = [gather(j, j, mb) for j in range(4)]
                sds = [None] * _MACRO
                for j in range(_MACRO):
                    b = j % 4
                    gds[b].wait()
                    sds[j] = scatter(j, b, mb)
                    pj = j - 2
                    if pj >= 0 and pj + 4 < _MACRO:
                        sds[pj].wait()
                        b2 = (pj + 4) % 4
                        gds[b2] = gather(pj + 4, b2, mb)
                for j in range(max(0, _MACRO - 4), _MACRO):
                    sds[j].wait()
                return carry
            lax.fori_loop(0, nmacro, macro, 0)

        if edge_split:
            run(h0_hbm, c * (_NCHUNK // 2), _NCHUNK // 2 // _MACRO)
        else:
            @pl.when(c == 0)
            def _():
                run(h0_hbm, 0, _NCHUNK // _MACRO)

            @pl.when(c == 1)
            def _():
                run(h1_hbm, 0, _NCHUNK // _MACRO)

        plsc.subcore_barrier()

        @pl.when(c == 0)
        def _():
            pltpu.sync_copy(acc.at[pl.ds(base, _STRIPE)],
                            out0_hbm.at[pl.ds(base, _STRIPE)])

        @pl.when(c == 1)
        def _():
            pltpu.sync_copy(acc.at[pl.ds(base, _STRIPE)],
                            out1_hbm.at[pl.ds(base, _STRIPE)])

        if with_root:
            rbase = s * _RPT
            pltpu.sync_copy(root_hbm.at[pl.ds(rbase, _RPT)], ridx_v)
            pltpu.async_copy(acc.at[ridx_v], rrows_v, semg[0]).wait()

            @pl.when(c == 0)
            def _():
                pltpu.sync_copy(rrows_v, ra0_hbm.at[pl.ds(rbase, _RPT)])
                pltpu.async_copy(h0_hbm.at[ridx_v], rrows_v, semg[1]).wait()
                pltpu.sync_copy(rrows_v, rh0_hbm.at[pl.ds(rbase, _RPT)])

            @pl.when(c == 1)
            def _():
                pltpu.sync_copy(rrows_v, ra1_hbm.at[pl.ds(rbase, _RPT)])
                pltpu.async_copy(h1_hbm.at[ridx_v], rrows_v, semg[1]).wait()
                pltpu.sync_copy(rrows_v, rh1_hbm.at[pl.ds(rbase, _RPT)])

    @functools.partial(
        pl.kernel,
        out_type=out_type,
        mesh=mesh,
        scratch_types=scratch_types,
        compiler_params=pltpu.CompilerParams(use_tc_tiling_on_sc=False),
    )
    def edge_agg(*refs):
        body(refs)

    return edge_agg


_agg1 = _make_edge_agg(edge_split=True, with_root=False)
_agg2 = _make_edge_agg(edge_split=False, with_root=True)

_BLK = 2000


def _gin_mlp(z, w1, b1, w2, b2):
    t = jnp.maximum(jnp.dot(z, w1, preferred_element_type=jnp.float32) + b1, 0.0)
    return jnp.maximum(jnp.dot(t, w2, preferred_element_type=jnp.float32) + b2, 0.0)


def _make_mlp1():
    def mlp1_body(x_ref, p0_ref, p1_ref, w1_ref, b1_ref, w2_ref, b2_ref,
                  eps_ref, o0_ref, o1_ref):
        z = ((1.0 + eps_ref[0, 0]) * x_ref[...]
             + p0_ref[...].astype(jnp.float32)
             + p1_ref[...].astype(jnp.float32))
        hh = _gin_mlp(z, w1_ref[...], b1_ref[...], w2_ref[...], b2_ref[...])
        o0_ref[...] = hh[:, :32].astype(jnp.bfloat16)
        o1_ref[...] = hh[:, 32:].astype(jnp.bfloat16)

    return pl.pallas_call(
        mlp1_body,
        grid=(_N // _BLK,),
        in_specs=[
            pl.BlockSpec((_BLK, 32), lambda i: (i, 0)),
            pl.BlockSpec((_BLK, 32), lambda i: (i, 0)),
            pl.BlockSpec((_BLK, 32), lambda i: (i, 0)),
            pl.BlockSpec((32, _HID), lambda i: (0, 0)),
            pl.BlockSpec((1, _HID), lambda i: (0, 0)),
            pl.BlockSpec((_HID, _HID), lambda i: (0, 0)),
            pl.BlockSpec((1, _HID), lambda i: (0, 0)),
            pl.BlockSpec(memory_space=pltpu.SMEM),
        ],
        out_specs=[
            pl.BlockSpec((_BLK, 32), lambda i: (i, 0)),
            pl.BlockSpec((_BLK, 32), lambda i: (i, 0)),
        ],
        out_shape=[jax.ShapeDtypeStruct((_N, 32), jnp.bfloat16),
                   jax.ShapeDtypeStruct((_N, 32), jnp.bfloat16)],
    )


_mlp1 = _make_mlp1()


def _make_mlp2_head():

    def head_body(h0_ref, h1_ref, a0_ref, a1_ref, w1_ref, b1_ref, w2_ref,
                  b2_ref, eps_ref, bat_ref, rh0_ref, rh1_ref, ra0_ref,
                  ra1_ref, cw_ref, cb_ref, out_ref, pool_ref):
        eps = eps_ref[0, 0]
        z = ((1.0 + eps)
             * jnp.concatenate([h0_ref[...], h1_ref[...]],
                               axis=1).astype(jnp.float32)
             + jnp.concatenate([a0_ref[...], a1_ref[...]],
                               axis=1).astype(jnp.float32))
        hh = _gin_mlp(z, w1_ref[...], b1_ref[...], w2_ref[...], b2_ref[...])
        gids = lax.broadcasted_iota(jnp.int32, (_BLK, _G), 1)
        onehot = (bat_ref[...] == gids).astype(jnp.float32)
        aug = jnp.concatenate([hh, jnp.ones((_BLK, _HID), jnp.float32)],
                              axis=1)
        blockpool = lax.dot_general(onehot, aug, (((0,), (0,)), ((), ())),
                                    preferred_element_type=jnp.float32)

        @pl.when(pl.program_id(0) == 0)
        def _():
            pool_ref[...] = blockpool

        @pl.when(pl.program_id(0) != 0)
        def _():
            pool_ref[...] += blockpool

        @pl.when(pl.program_id(0) == _N // _BLK - 1)
        def _():
            zr = ((1.0 + eps)
                  * jnp.concatenate([rh0_ref[...], rh1_ref[...]],
                                    axis=1).astype(jnp.float32)
                  + jnp.concatenate([ra0_ref[...], ra1_ref[...]],
                                    axis=1).astype(jnp.float32))
            h2r = _gin_mlp(zr, w1_ref[...], b1_ref[...], w2_ref[...],
                           b2_ref[...])
            pool = pool_ref[...]
            mean = pool[:, :_HID] / jnp.maximum(pool[:, _HID:], 1.0)
            h_fc = mean + h2r
            out_ref[...] = (jnp.dot(h_fc, cw_ref[...],
                                    preferred_element_type=jnp.float32)
                            + cb_ref[...])

    return pl.pallas_call(
        head_body,
        grid=(_N // _BLK,),
        in_specs=[
            pl.BlockSpec((_BLK, 32), lambda i: (i, 0)),
            pl.BlockSpec((_BLK, 32), lambda i: (i, 0)),
            pl.BlockSpec((_BLK, 32), lambda i: (i, 0)),
            pl.BlockSpec((_BLK, 32), lambda i: (i, 0)),
            pl.BlockSpec((_HID, _HID), lambda i: (0, 0)),
            pl.BlockSpec((1, _HID), lambda i: (0, 0)),
            pl.BlockSpec((_HID, _HID), lambda i: (0, 0)),
            pl.BlockSpec((1, _HID), lambda i: (0, 0)),
            pl.BlockSpec(memory_space=pltpu.SMEM),
            pl.BlockSpec((_BLK, 1), lambda i: (i, 0)),
            pl.BlockSpec((_G, 32), lambda i: (0, 0)),
            pl.BlockSpec((_G, 32), lambda i: (0, 0)),
            pl.BlockSpec((_G, 32), lambda i: (0, 0)),
            pl.BlockSpec((_G, 32), lambda i: (0, 0)),
            pl.BlockSpec((_HID, _NCLS), lambda i: (0, 0)),
            pl.BlockSpec((1, _NCLS), lambda i: (0, 0)),
        ],
        out_specs=pl.BlockSpec((_G, _NCLS), lambda i: (0, 0)),
        out_shape=jax.ShapeDtypeStruct((_G, _NCLS), jnp.float32),
        scratch_shapes=[pltpu.VMEM((_G, 2 * _HID), jnp.float32)],
    )


_mlp2_head = _make_mlp2_head()


def kernel(x, x_sim, edge_index, batch, root_n_id, enc_params, tc_params,
           zc1, zc2, cls):
    src = edge_index[0]
    dst = edge_index[1]
    src_p = jnp.concatenate(
        [src, jnp.zeros((_EPAD,), jnp.int32)]).reshape(_NTILES, _NCHUNK, _CHUNK)
    dst_p = jnp.concatenate(
        [dst, jnp.full((_EPAD,), _N, jnp.int32)]).reshape(_NTILES, _NCHUNK, _CHUNK)

    (w1a, b1a, w2a, b2a, epsa), (w1b, b1b, w2b, b2b, epsb) = enc_params

    xb = x.astype(jnp.bfloat16)
    p0, p1 = _agg1(xb, xb, src_p, dst_p)
    h0, h1 = _mlp1(x, p0, p1, w1a, b1a.reshape(1, -1), w2a,
                   b2a.reshape(1, -1), epsa.reshape(1, 1))

    a0, a1, ra0, ra1, rh0, rh1 = _agg2(h0, h1, src_p, dst_p, root_n_id)

    return _mlp2_head(h0, h1, a0, a1, w1b, b1b.reshape(1, -1), w2b,
                      b2b.reshape(1, -1), epsb.reshape(1, 1),
                      batch.reshape(_N, 1), rh0, rh1, ra0, ra1,
                      cls["W"], cls["b"].reshape(1, -1))

# --- scband reference (transcript-rebuilt; emitter-appended) ---
"""Pipeline reference for scband-gcc-graph-control-85435489452298 (READ-ONLY COPY).

The authoritative reference and input builder live on the scoring server;
editing this copy changes nothing except your own understanding.
"""

import jax, jax.numpy as jnp
import numpy as np

N = 50000
E = 800000
G = 256
IN_DIM = 32
HID = 64
NUM_CLASSES = 40
NUM_LAYERS = 2


def _make_gin_params(key, in_dim, hid, num_layers):
    params = []
    dims = [in_dim] + [hid] * num_layers
    for l in range(num_layers):
        key, k1, k2 = jax.random.split(key, 3)
        W1 = jax.random.normal(k1, (dims[l], hid), dtype=jnp.float32) * 0.1
        b1 = jnp.zeros((hid,), dtype=jnp.float32)
        W2 = jax.random.normal(k2, (hid, hid), dtype=jnp.float32) * 0.1
        b2 = jnp.zeros((hid,), dtype=jnp.float32)
        eps = jnp.zeros((), dtype=jnp.float32)
        params.append((W1, b1, W2, b2, eps))
    return params, key


def setup_inputs(seed: int = 0) -> dict:
    key = jax.random.key(seed)
    key, kx, kxs, ke, kb, kr, kc = jax.random.split(key, 7)
    x = jax.random.normal(kx, (N, IN_DIM), dtype=jnp.float32)
    x_sim = jax.random.normal(kxs, (N, IN_DIM), dtype=jnp.float32)
    edge_index = jax.random.randint(ke, (2, E), 0, N, dtype=jnp.int32)
    batch = jnp.sort(jax.random.randint(kb, (N,), 0, G, dtype=jnp.int32))
    root_n_id = jax.random.randint(kr, (G,), 0, N, dtype=jnp.int32)
    enc_params, key = _make_gin_params(key, IN_DIM, HID, NUM_LAYERS)
    tc_params, key = _make_gin_params(key, IN_DIM, HID, NUM_LAYERS)
    # zero convs are zero-initialized per the torch module
    zc1 = {"W": jnp.zeros((IN_DIM, IN_DIM), dtype=jnp.float32), "b": jnp.zeros((IN_DIM,), dtype=jnp.float32)}
    zc2 = {"W": jnp.zeros((HID, HID), dtype=jnp.float32), "b": jnp.zeros((HID,), dtype=jnp.float32)}
    cls = {"W": jax.random.normal(kc, (HID, NUM_CLASSES), dtype=jnp.float32) * 0.1,
           "b": jnp.zeros((NUM_CLASSES,), dtype=jnp.float32)}
    return {"x": x, "x_sim": x_sim, "edge_index": edge_index, "batch": batch,
            "root_n_id": root_n_id, "enc_params": enc_params, "tc_params": tc_params,
            "zc1": zc1, "zc2": zc2, "cls": cls}


def _gin_encode(h, edge_index, params):
    src = edge_index[0]
    dst = edge_index[1]
    for (W1, b1, W2, b2, eps) in params:
        msg = jnp.take(h, src, axis=0)
        agg = jax.ops.segment_sum(msg, dst, num_segments=h.shape[0])
        z = (1.0 + eps) * h + agg
        z = jax.nn.relu(z @ W1 + b1)
        h = jax.nn.relu(z @ W2 + b2)
    return h


def _readout(h, batch, root_n_id, num_graphs):
    ones = jnp.ones((h.shape[0], 1), dtype=h.dtype)
    counts = jax.ops.segment_sum(ones, batch, num_segments=num_graphs)
    pooled = jax.ops.segment_sum(h, batch, num_segments=num_graphs) / jnp.maximum(counts, 1.0)
    root = jnp.take(h, root_n_id, axis=0)
    return pooled + root


def reference(x, x_sim, edge_index, batch, root_n_id, enc_params, tc_params, zc1, zc2, cls):
    # frozen encoder branch (torch.no_grad + eval)
    h_f = jax.lax.stop_gradient(
        _readout(_gin_encode(x, edge_index, enc_params), batch, root_n_id, G))
    # trainable ControlNet-style branch
    x_down = x_sim @ zc1["W"] + zc1["b"]
    x_down = x_down + x
    h_tc_raw = _readout(_gin_encode(x_down, edge_index, tc_params), batch, root_n_id, G)
    h_c = h_tc_raw @ zc2["W"] + zc2["b"]
    h_fc = h_f + h_c
    z_fc = h_fc @ cls["W"] + cls["b"]
    return z_fc

if __name__ == "__main__":
    import jax
    _d = setup_inputs()
    print(jax.jit(kernel)(*tuple(_d.values())))

</pallas_src>

<mosaic_0001>
#map = affine_map<(d0, d1) -> (0, 0)>
#map1 = affine_map<(d0, d1) -> (0, 0, 0)>
module attributes {stable_mosaic.version = 14 : i64} {
  func.func @edge_agg(%arg0: i32, %arg1: i32, %arg2: memref<50000x32xbf16, #tpu.memory_space<hbm>>, %arg3: memref<50000x32xbf16, #tpu.memory_space<hbm>>, %arg4: memref<16x98x512xi32, #tpu.memory_space<hbm>>, %arg5: memref<16x98x512xi32, #tpu.memory_space<hbm>>, %arg6: memref<50176x32xbf16, #tpu.memory_space<hbm>>, %arg7: memref<50176x32xbf16, #tpu.memory_space<hbm>>, %arg8: memref<2x7x512xi32, #tpu.memory_space<vmem>>, %arg9: memref<2x7x512xi32, #tpu.memory_space<vmem>>, %arg10: memref<4x512x32xbf16, #tpu.memory_space<vmem>>, %arg11: memref<56x32xbf16, #tpu.memory_space<vmem>>, %arg12: memref<50176x32xbf16, #tpu.memory_space<vmem_shared>>, %arg13: memref<!tpu.dma_semaphore, #tpu.memory_space<semaphore_mem>>, %arg14: memref<!tpu.dma_semaphore, #tpu.memory_space<semaphore_mem>>, %arg15: memref<!tpu.dma_semaphore, #tpu.memory_space<semaphore_mem>>, %arg16: memref<!tpu.dma_semaphore, #tpu.memory_space<semaphore_mem>>, %arg17: memref<!tpu.dma_semaphore, #tpu.memory_space<semaphore_mem>>, %arg18: memref<!tpu.dma_semaphore, #tpu.memory_space<semaphore_mem>>, %arg19: memref<!tpu.dma_semaphore, #tpu.memory_space<semaphore_mem>>, %arg20: memref<!tpu.dma_semaphore, #tpu.memory_space<semaphore_mem>>, %arg21: memref<!tpu.dma_semaphore, #tpu.memory_space<semaphore_mem>>) attributes {dimension_semantics = [#tpu.dimension_semantics<core_parallel>, #tpu.dimension_semantics<subcore_parallel>], iteration_bounds = array<i64: 2, 16>, scalar_prefetch = 0 : i64, scratch_operands = 14 : i64, tpu.core_type = #tpu.core_type<sc_vector_subcore>, window_params = [{transform_indices = #map}, {transform_indices = #map}, {transform_indices = #map1}, {transform_indices = #map1}, {transform_indices = #map}, {transform_indices = #map}]} {
    %mul3A = arith.constant 3136 : i32
    %mul3A_0 = arith.muli %arg1, %mul3A : i32
    %broadcast_in_dim3A = arith.constant 0.000000e+00 : bf16
    %broadcast_in_dim3A_1 = vector.broadcast %broadcast_in_dim3A : bf16 to vector<32xbf16>
    %scan3A = arith.constant 0 : i32
    %scan3A_2 = arith.constant 0 : i32
    %scan3A_3 = arith.constant 56 : i32
    %scan3A_4 = arith.addi %scan3A_2, %scan3A_3 : i32
    %scan3A_5 = arith.constant 1 : i32
    scf.for %scan3A_59 = %scan3A_2 to %scan3A_4 step %scan3A_5  : i32 {
      %swap3A = arith.index_cast %scan3A_59 : i32 to index
      %swap3A_60 = arith.constant 0 : index
      %swap3A_61 = tpu.vector_load %arg11[%swap3A, %swap3A_60] {strides = array<i32>} : memref<56x32xbf16, #tpu.memory_space<vmem>>, vector<1x32xbf16>,
      %swap3A_62 = vector.shape_cast %swap3A_61 : vector<1x32xbf16> to vector<32xbf16>
      %swap3A_63 = vector.shape_cast %broadcast_in_dim3A_1 : vector<32xbf16> to vector<1x32xbf16>
      tpu.vector_store %arg11[%swap3A, %swap3A_60], %swap3A_63 {strides = array<i32>} : memref<56x32xbf16, #tpu.memory_space<vmem>>, vector<1x32xbf16>,
    }
    %scan3A_6 = arith.constant 56 : i32
    %scan3A_7 = arith.constant 0 : i32
    %scan3A_8 = arith.constant 0 : i32
    %scan3A_9 = arith.constant 56 : i32
    %scan3A_10 = arith.addi %scan3A_8, %scan3A_9 : i32
    %scan3A_11 = arith.constant 1 : i32
    scf.for %scan3A_59 = %scan3A_8 to %scan3A_10 step %scan3A_11  : i32 {
      %mul3A_60 = arith.constant 56 : i32
      %mul3A_61 = arith.muli %scan3A_59, %mul3A_60 : i32
      %add3A_62 = arith.addi %mul3A_0, %mul3A_61 : i32
      "tpu.region"() ({
        %run_scoped3A = tpu.sem_alloc : memref<!tpu.dma_semaphore, #tpu.memory_space<semaphore_mem>>
        %dma_start3A_63 = arith.constant 0 : i32
        %dma_start3A_64 = tpu.memref_slice %arg12[%add3A_62, %dma_start3A_63] : memref<50176x32xbf16, #tpu.memory_space<vmem_shared>> -> memref<56x32xbf16, #tpu.memory_space<vmem_shared>>
        %dma_start3A_65 = arith.constant 0 : i32
        %dma_start3A_66 = tpu.memref_slice %arg12[%add3A_62, %dma_start3A_65] : memref<50176x32xbf16, #tpu.memory_space<vmem_shared>> -> memref<56x32xbf16, #tpu.memory_space<vmem_shared>>
        tpu.enqueue_dma source(%arg11 : memref<56x32xbf16, #tpu.memory_space<vmem>>) target(%dma_start3A_66 : memref<56x32xbf16, #tpu.memory_space<vmem_shared>>) target_semaphore(%run_scoped3A : memref<!tpu.dma_semaphore, #tpu.memory_space<semaphore_mem>>)
        %dma_wait3A = arith.constant 0 : i32
        %dma_wait3A_67 = tpu.memref_slice %arg12[%add3A_62, %dma_wait3A] : memref<50176x32xbf16, #tpu.memory_space<vmem_shared>> -> memref<56x32xbf16, #tpu.memory_space<vmem_shared>>
        %dma_wait3A_68 = arith.constant 0 : i32
        %dma_wait3A_69 = tpu.memref_slice %arg12[%add3A_62, %dma_wait3A_68] : memref<50176x32xbf16, #tpu.memory_space<vmem_shared>> -> memref<56x32xbf16, #tpu.memory_space<vmem_shared>>
        tpu.wait_dma2 semaphore(%run_scoped3A : memref<!tpu.dma_semaphore, #tpu.memory_space<semaphore_mem>>) src(%arg11 : memref<56x32xbf16, #tpu.memory_space<vmem>>) dst(%dma_wait3A_69 : memref<56x32xbf16, #tpu.memory_space<vmem_shared>>)
        tpu.yield
      }) : () -> ()
    }
    %scan3A_12 = arith.constant 56 : i32
    %barrier3A = arith.constant 0 : index
    tpu.barrier barrier_id(%barrier3A)
    %mul3A_13 = arith.constant 49 : i32
    %mul3A_14 = arith.muli %arg0, %mul3A_13 : i32
    %add3A = arith.constant 0 : i32
    %add3A_15 = arith.addi %mul3A_14, %add3A : i32
    %dma_start3A = arith.constant 0 : i32
    %dma_start3A_16 = arith.constant 0 : i32
    %dma_start3A_17 = arith.constant 0 : i32
    %dma_start3A_18 = tpu.memref_slice %arg8[%dma_start3A, %dma_start3A_16, %dma_start3A_17] : memref<2x7x512xi32, #tpu.memory_space<vmem>> -> memref<1x7x512xi32, #tpu.memory_space<vmem>>
    %dma_start3A_19 = tpu.memref_squeeze %dma_start3A_18 : memref<1x7x512xi32, #tpu.memory_space<vmem>> -> memref<7x512xi32, #tpu.memory_space<vmem>>
    %dma_start3A_20 = arith.constant 0 : i32
    %dma_start3A_21 = tpu.memref_slice %arg4[%arg1, %add3A_15, %dma_start3A_20] : memref<16x98x512xi32, #tpu.memory_space<hbm>> -> memref<1x7x512xi32, #tpu.memory_space<hbm>>
    %dma_start3A_22 = tpu.memref_squeeze %dma_start3A_21 : memref<1x7x512xi32, #tpu.memory_space<hbm>> -> memref<7x512xi32, #tpu.memory_space<hbm>>
    %dma_start3A_23 = arith.constant 0 : i32
    %dma_start3A_24 = arith.constant 0 : i32
    %dma_start3A_25 = tpu.memref_slice %arg8[%dma_start3A, %dma_start3A_23, %dma_start3A_24] : memref<2x7x512xi32, #tpu.memory_space<vmem>> -> memref<1x7x512xi32, #tpu.memory_space<vmem>>
    %dma_start3A_26 = tpu.memref_squeeze %dma_start3A_25 : memref<1x7x512xi32, #tpu.memory_space<vmem>> -> memref<7x512xi32, #tpu.memory_space<vmem>>
    %dma_start3A_27 = arith.constant 0 : i32
    %dma_start3A_28 = tpu.memref_slice %arg4[%arg1, %add3A_15, %dma_start3A_27] : memref<16x98x512xi32, #tpu.memory_space<hbm>> -> memref<1x7x512xi32, #tpu.memory_space<hbm>>
    %dma_start3A_29 = tpu.memref_squeeze %dma_start3A_28 : memref<1x7x512xi32, #tpu.memory_space<hbm>> -> memref<7x512xi32, #tpu.memory_space<hbm>>
    tpu.enqueue_dma source(%dma_start3A_29 : memref<7x512xi32, #tpu.memory_space<hbm>>) target(%dma_start3A_26 : memref<7x512xi32, #tpu.memory_space<vmem>>) target_semaphore(%arg21 : memref<!tpu.dma_semaphore, #tpu.memory_space<semaphore_mem>>)
    %dma_start3A_30 = arith.constant 0 : i32
    %dma_start3A_31 = arith.constant 0 : i32
    %dma_start3A_32 = arith.constant 0 : i32
    %dma_start3A_33 = tpu.memref_slice %arg9[%dma_start3A_30, %dma_start3A_31, %dma_start3A_32] : memref<2x7x512xi32, #tpu.memory_space<vmem>> -> memref<1x7x512xi32, #tpu.memory_space<vmem>>
    %dma_start3A_34 = tpu.memref_squeeze %dma_start3A_33 : memref<1x7x512xi32, #tpu.memory_space<vmem>> -> memref<7x512xi32, #tpu.memory_space<vmem>>
    %dma_start3A_35 = arith.constant 0 : i32
    %dma_start3A_36 = tpu.memref_slice %arg5[%arg1, %add3A_15, %dma_start3A_35] : memref<16x98x512xi32, #tpu.memory_space<hbm>> -> memref<1x7x512xi32, #tpu.memory_space<hbm>>
    %dma_start3A_37 = tpu.memref_squeeze %dma_start3A_36 : memref<1x7x512xi32, #tpu.memory_space<hbm>> -> memref<7x512xi32, #tpu.memory_space<hbm>>
    %dma_start3A_38 = arith.constant 0 : i32
    %dma_start3A_39 = arith.constant 0 : i32
    %dma_start3A_40 = tpu.memref_slice %arg9[%dma_start3A_30, %dma_start3A_38, %dma_start3A_39] : memref<2x7x512xi32, #tpu.memory_space<vmem>> -> memref<1x7x512xi32, #tpu.memory_space<vmem>>
    %dma_start3A_41 = tpu.memref_squeeze %dma_start3A_40 : memref<1x7x512xi32, #tpu.memory_space<vmem>> -> memref<7x512xi32, #tpu.memory_space<vmem>>
    %dma_start3A_42 = arith.constant 0 : i32
    %dma_start3A_43 = tpu.memref_slice %arg5[%arg1, %add3A_15, %dma_start3A_42] : memref<16x98x512xi32, #tpu.memory_space<hbm>> -> memref<1x7x512xi32, #tpu.memory_space<hbm>>
    %dma_start3A_44 = tpu.memref_squeeze %dma_start3A_43 : memref<1x7x512xi32, #tpu.memory_space<hbm>> -> memref<7x512xi32, #tpu.memory_space<hbm>>
    tpu.enqueue_dma source(%dma_start3A_44 : memref<7x512xi32, #tpu.memory_space<hbm>>) target(%dma_start3A_41 : memref<7x512xi32, #tpu.memory_space<vmem>>) target_semaphore(%arg21 : memref<!tpu.dma_semaphore, #tpu.memory_space<semaphore_mem>>)
    %scan3A_45 = arith.constant 0 : i32
    %scan3A_46 = arith.constant 0 : i32
    %scan3A_47 = arith.constant 7 : i32
    %scan3A_48 = arith.addi %scan3A_46, %scan3A_47 : i32
    %scan3A_49 = arith.constant 1 : i32
    scf.for %scan3A_59 = %scan3A_46 to %scan3A_48 step %scan3A_49  : i32 {
      %rem3A = arith.constant 2 : i32
      %rem3A_60 = arith.remsi %scan3A_59, %rem3A : i32
      %add3A_61 = arith.constant 1 : i32
      %add3A_62 = arith.addi %scan3A_59, %add3A_61 : i32
      %lt3A = arith.constant 7 : i32
      %lt3A_63 = arith.cmpi slt, %add3A_62, %lt3A : i32
      %convert_element_type3A_64 = arith.extui %lt3A_63 : i1 to i32
      %cond3A_65 = arith.constant 0 : i32
      %cond3A_66 = arith.cmpi ne, %convert_element_type3A_64, %cond3A_65 : i32
      scf.if %cond3A_66 {
        %add3A_430 = arith.constant 1 : i32
        %add3A_431 = arith.addi %scan3A_59, %add3A_430 : i32
        %sub3A = arith.constant 1 : i32
        %sub3A_432 = arith.subi %sub3A, %rem3A_60 : i32
        %mul3A_433 = arith.constant 7 : i32
        %mul3A_434 = arith.muli %add3A_431, %mul3A_433 : i32
        %add3A_435 = arith.addi %mul3A_14, %mul3A_434 : i32
        %dma_start3A_436 = arith.constant 0 : i32
        %dma_start3A_437 = arith.constant 0 : i32
        %dma_start3A_438 = tpu.memref_slice %arg8[%sub3A_432, %dma_start3A_436, %dma_start3A_437] : memref<2x7x512xi32, #tpu.memory_space<vmem>> -> memref<1x7x512xi32, #tpu.memory_space<vmem>>
        %dma_start3A_439 = tpu.memref_squeeze %dma_start3A_438 : memref<1x7x512xi32, #tpu.memory_space<vmem>> -> memref<7x512xi32, #tpu.memory_space<vmem>>
        %dma_start3A_440 = arith.constant 0 : i32
        %dma_start3A_441 = tpu.memref_slice %arg4[%arg1, %add3A_435, %dma_start3A_440] : memref<16x98x512xi32, #tpu.memory_space<hbm>> -> memref<1x7x512xi32, #tpu.memory_space<hbm>>
        %dma_start3A_442 = tpu.memref_squeeze %dma_start3A_441 : memref<1x7x512xi32, #tpu.memory_space<hbm>> -> memref<7x512xi32, #tpu.memory_space<hbm>>
        %dma_start3A_443 = arith.constant 0 : i32
        %dma_start3A_444 = arith.constant 0 : i32
        %dma_start3A_445 = tpu.memref_slice %arg8[%sub3A_432, %dma_start3A_443, %dma_start3A_444] : memref<2x7x512xi32, #tpu.memory_space<vmem>> -> memref<1x7x512xi32, #tpu.memory_space<vmem>>
        %dma_start3A_446 = tpu.memref_squeeze %dma_start3A_445 : memref<1x7x512xi32, #tpu.memory_space<vmem>> -> memref<7x512xi32, #tpu.memory_space<vmem>>
        %dma_start3A_447 = arith.constant 0 : i32
        %dma_start3A_448 = tpu.memref_slice %arg4[%arg1, %add3A_435, %dma_start3A_447] : memref<16x98x512xi32, #tpu.memory_space<hbm>> -> memref<1x7x512xi32, #tpu.memory_space<hbm>>
        %dma_start3A_449 = tpu.memref_squeeze %dma_start3A_448 : memref<1x7x512xi32, #tpu.memory_space<hbm>> -> memref<7x512xi32, #tpu.memory_space<hbm>>
        tpu.enqueue_dma source(%dma_start3A_449 : memref<7x512xi32, #tpu.memory_space<hbm>>) target(%dma_start3A_446 : memref<7x512xi32, #tpu.memory_space<vmem>>) target_semaphore(%arg21 : memref<!tpu.dma_semaphore, #tpu.memory_space<semaphore_mem>>)
        %dma_start3A_450 = arith.constant 0 : i32
        %dma_start3A_451 = arith.constant 0 : i32
        %dma_start3A_452 = tpu.memref_slice %arg9[%sub3A_432, %dma_start3A_450, %dma_start3A_451] : memref<2x7x512xi32, #tpu.memory_space<vmem>> -> memref<1x7x512xi32, #tpu.memory_space<vmem>>
        %dma_start3A_453 = tpu.memref_squeeze %dma_start3A_452 : memref<1x7x512xi32, #tpu.memory_space<vmem>> -> memref<7x512xi32, #tpu.memory_space<vmem>>
        %dma_start3A_454 = arith.constant 0 : i32
        %dma_start3A_455 = tpu.memref_slice %arg5[%arg1, %add3A_435, %dma_start3A_454] : memref<16x98x512xi32, #tpu.memory_space<hbm>> -> memref<1x7x512xi32, #tpu.memory_space<hbm>>
        %dma_start3A_456 = tpu.memref_squeeze %dma_start3A_455 : memref<1x7x512xi32, #tpu.memory_space<hbm>> -> memref<7x512xi32, #tpu.memory_space<hbm>>
        %dma_start3A_457 = arith.constant 0 : i32
        %dma_start3A_458 = arith.constant 0 : i32
        %dma_start3A_459 = tpu.memref_slice %arg9[%sub3A_432, %dma_start3A_457, %dma_start3A_458] : memref<2x7x512xi32, #tpu.memory_space<vmem>> -> memref<1x7x512xi32, #tpu.memory_space<vmem>>
        %dma_start3A_460 = tpu.memref_squeeze %dma_start3A_459 : memref<1x7x512xi32, #tpu.memory_space<vmem>> -> memref<7x512xi32, #tpu.memory_space<vmem>>
        %dma_start3A_461 = arith.constant 0 : i32
        %dma_start3A_462 = tpu.memref_slice %arg5[%arg1, %add3A_435, %dma_start3A_461] : memref<16x98x512xi32, #tpu.memory_space<hbm>> -> memref<1x7x512xi32, #tpu.memory_space<hbm>>
        %dma_start3A_463 = tpu.memref_squeeze %dma_start3A_462 : memref<1x7x512xi32, #tpu.memory_space<hbm>> -> memref<7x512xi32, #tpu.memory_space<hbm>>
        tpu.enqueue_dma source(%dma_start3A_463 : memref<7x512xi32, #tpu.memory_space<hbm>>) target(%dma_start3A_460 : memref<7x512xi32, #tpu.memory_space<vmem>>) target_semaphore(%arg21 : memref<!tpu.dma_semaphore, #tpu.memory_space<semaphore_mem>>)
      } else {
      }
      %dma_wait3A = arith.constant 0 : i32
      %dma_wait3A_67 = arith.constant 0 : i32
      %dma_wait3A_68 = tpu.memref_slice %arg8[%rem3A_60, %dma_wait3A, %dma_wait3A_67] : memref<2x7x512xi32, #tpu.memory_space<vmem>> -> memref<1x7x512xi32, #tpu.memory_space<vmem>>
      %dma_wait3A_69 = tpu.memref_squeeze %dma_wait3A_68 : memref<1x7x512xi32, #tpu.memory_space<vmem>> -> memref<7x512xi32, #tpu.memory_space<vmem>>
      %dma_wait3A_70 = arith.constant 0 : i32
      %dma_wait3A_71 = tpu.memref_slice %arg4[%arg1, %mul3A_14, %dma_wait3A_70] : memref<16x98x512xi32, #tpu.memory_space<hbm>> -> memref<1x7x512xi32, #tpu.memory_space<hbm>>
      %dma_wait3A_72 = tpu.memref_squeeze %dma_wait3A_71 : memref<1x7x512xi32, #tpu.memory_space<hbm>> -> memref<7x512xi32, #tpu.memory_space<hbm>>
      %dma_wait3A_73 = arith.constant 0 : i32
      %dma_wait3A_74 = arith.constant 0 : i32
      %dma_wait3A_75 = tpu.memref_slice %arg8[%rem3A_60, %dma_wait3A_73, %dma_wait3A_74] : memref<2x7x512xi32, #tpu.memory_space<vmem>> -> memref<1x7x512xi32, #tpu.memory_space<vmem>>
      %dma_wait3A_76 = tpu.memref_squeeze %dma_wait3A_75 : memref<1x7x512xi32, #tpu.memory_space<vmem>> -> memref<7x512xi32, #tpu.memory_space<vmem>>
      %dma_wait3A_77 = arith.constant 0 : i32
      %dma_wait3A_78 = tpu.memref_slice %arg4[%arg1, %mul3A_14, %dma_wait3A_77] : memref<16x98x512xi32, #tpu.memory_space<hbm>> -> memref<1x7x512xi32, #tpu.memory_space<hbm>>
      %dma_wait3A_79 = tpu.memref_squeeze %dma_wait3A_78 : memref<1x7x512xi32, #tpu.memory_space<hbm>> -> memref<7x512xi32, #tpu.memory_space<hbm>>
      tpu.wait_dma2 semaphore(%arg21 : memref<!tpu.dma_semaphore, #tpu.memory_space<semaphore_mem>>) src(%dma_wait3A_79 : memref<7x512xi32, #tpu.memory_space<hbm>>) dst(%dma_wait3A_76 : memref<7x512xi32, #tpu.memory_space<vmem>>)
      %dma_wait3A_80 = arith.constant 0 : i32
      %dma_wait3A_81 = arith.constant 0 : i32
      %dma_wait3A_82 = tpu.memref_slice %arg9[%rem3A_60, %dma_wait3A_80, %dma_wait3A_81] : memref<2x7x512xi32, #tpu.memory_space<vmem>> -> memref<1x7x512xi32, #tpu.memory_space<vmem>>
      %dma_wait3A_83 = tpu.memref_squeeze %dma_wait3A_82 : memref<1x7x512xi32, #tpu.memory_space<vmem>> -> memref<7x512xi32, #tpu.memory_space<vmem>>
      %dma_wait3A_84 = arith.constant 0 : i32
      %dma_wait3A_85 = tpu.memref_slice %arg5[%arg1, %mul3A_14, %dma_wait3A_84] : memref<16x98x512xi32, #tpu.memory_space<hbm>> -> memref<1x7x512xi32, #tpu.memory_space<hbm>>
      %dma_wait3A_86 = tpu.memref_squeeze %dma_wait3A_85 : memref<1x7x512xi32, #tpu.memory_space<hbm>> -> memref<7x512xi32, #tpu.memory_space<hbm>>
      %dma_wait3A_87 = arith.constant 0 : i32
      %dma_wait3A_88 = arith.constant 0 : i32
      %dma_wait3A_89 = tpu.memref_slice %arg9[%rem3A_60, %dma_wait3A_87, %dma_wait3A_88] : memref<2x7x512xi32, #tpu.memory_space<vmem>> -> memref<1x7x512xi32, #tpu.memory_space<vmem>>
      %dma_wait3A_90 = tpu.memref_squeeze %dma_wait3A_89 : memref<1x7x512xi32, #tpu.memory_space<vmem>> -> memref<7x512xi32, #tpu.memory_space<vmem>>
      %dma_wait3A_91 = arith.constant 0 : i32
      %dma_wait3A_92 = tpu.memref_slice %arg5[%arg1, %mul3A_14, %dma_wait3A_91] : memref<16x98x512xi32, #tpu.memory_space<hbm>> -> memref<1x7x512xi32, #tpu.memory_space<hbm>>
      %dma_wait3A_93 = tpu.memref_squeeze %dma_wait3A_92 : memref<1x7x512xi32, #tpu.memory_space<hbm>> -> memref<7x512xi32, #tpu.memory_space<hbm>>
      tpu.wait_dma2 semaphore(%arg21 : memref<!tpu.dma_semaphore, #tpu.memory_space<semaphore_mem>>) src(%dma_wait3A_93 : memref<7x512xi32, #tpu.memory_space<hbm>>) dst(%dma_wait3A_90 : memref<7x512xi32, #tpu.memory_space<vmem>>)
      %dma_start3A_94 = arith.constant 0 : i32
      %dma_start3A_95 = arith.constant 0 : i32
      %dma_start3A_96 = arith.constant 0 : i32
      %dma_start3A_97 = arith.constant 0 : i32
      %dma_start3A_98 = tpu.memref_slice %arg10[%dma_start3A_95, %dma_start3A_96, %dma_start3A_97] : memref<4x512x32xbf16, #tpu.memory_space<vmem>> -> memref<1x512x32xbf16, #tpu.memory_space<vmem>>
      %dma_start3A_99 = tpu.memref_squeeze %dma_start3A_98 : memref<1x512x32xbf16, #tpu.memory_space<vmem>> -> memref<512x32xbf16, #tpu.memory_space<vmem>>
      %dma_start3A_100 = arith.constant 0 : i32
      %dma_start3A_101 = tpu.memref_slice %arg8[%rem3A_60, %dma_start3A_94, %dma_start3A_100] : memref<2x7x512xi32, #tpu.memory_space<vmem>> -> memref<1x1x512xi32, #tpu.memory_space<vmem>>
      %dma_start3A_102 = tpu.memref_squeeze %dma_start3A_101 : memref<1x1x512xi32, #tpu.memory_space<vmem>> -> memref<512xi32, #tpu.memory_space<vmem>>
      %dma_start3A_103 = arith.constant 0 : i32
      %dma_start3A_104 = arith.constant 0 : i32
      %dma_start3A_105 = tpu.memref_slice %arg2[%dma_start3A_103, %dma_start3A_104] : memref<50000x32xbf16, #tpu.memory_space<hbm>> -> memref<50000x32xbf16, #tpu.memory_space<hbm>>
      tpu.enqueue_indirect_dma source(%dma_start3A_105 : memref<50000x32xbf16, #tpu.memory_space<hbm>>) target(%dma_start3A_99 : memref<512x32xbf16, #tpu.memory_space<vmem>>) offsets(%dma_start3A_102 : memref<512xi32, #tpu.memory_space<vmem>>) semaphore(%arg13 : memref<!tpu.dma_semaphore, #tpu.memory_space<semaphore_mem>>)
      %dma_start3A_106 = arith.constant 1 : i32
      %dma_start3A_107 = arith.constant 1 : i32
      %dma_start3A_108 = arith.constant 0 : i32
      %dma_start3A_109 = arith.constant 0 : i32
      %dma_start3A_110 = tpu.memref_slice %arg10[%dma_start3A_107, %dma_start3A_108, %dma_start3A_109] : memref<4x512x32xbf16, #tpu.memory_space<vmem>> -> memref<1x512x32xbf16, #tpu.memory_space<vmem>>
      %dma_start3A_111 = tpu.memref_squeeze %dma_start3A_110 : memref<1x512x32xbf16, #tpu.memory_space<vmem>> -> memref<512x32xbf16, #tpu.memory_space<vmem>>
      %dma_start3A_112 = arith.constant 0 : i32
      %dma_start3A_113 = tpu.memref_slice %arg8[%rem3A_60, %dma_start3A_106, %dma_start3A_112] : memref<2x7x512xi32, #tpu.memory_space<vmem>> -> memref<1x1x512xi32, #tpu.memory_space<vmem>>
      %dma_start3A_114 = tpu.memref_squeeze %dma_start3A_113 : memref<1x1x512xi32, #tpu.memory_space<vmem>> -> memref<512xi32, #tpu.memory_space<vmem>>
      %dma_start3A_115 = arith.constant 0 : i32
      %dma_start3A_116 = arith.constant 0 : i32
      %dma_start3A_117 = tpu.memref_slice %arg2[%dma_start3A_115, %dma_start3A_116] : memref<50000x32xbf16, #tpu.memory_space<hbm>> -> memref<50000x32xbf16, #tpu.memory_space<hbm>>
      tpu.enqueue_indirect_dma source(%dma_start3A_117 : memref<50000x32xbf16, #tpu.memory_space<hbm>>) target(%dma_start3A_111 : memref<512x32xbf16, #tpu.memory_space<vmem>>) offsets(%dma_start3A_114 : memref<512xi32, #tpu.memory_space<vmem>>) semaphore(%arg14 : memref<!tpu.dma_semaphore, #tpu.memory_space<semaphore_mem>>)
      %dma_start3A_118 = arith.constant 2 : i32
      %dma_start3A_119 = arith.constant 2 : i32
      %dma_start3A_120 = arith.constant 0 : i32
      %dma_start3A_121 = arith.constant 0 : i32
      %dma_start3A_122 = tpu.memref_slice %arg10[%dma_start3A_119, %dma_start3A_120, %dma_start3A_121] : memref<4x512x32xbf16, #tpu.memory_space<vmem>> -> memref<1x512x32xbf16, #tpu.memory_space<vmem>>
      %dma_start3A_123 = tpu.memref_squeeze %dma_start3A_122 : memref<1x512x32xbf16, #tpu.memory_space<vmem>> -> memref<512x32xbf16, #tpu.memory_space<vmem>>
      %dma_start3A_124 = arith.constant 0 : i32
      %dma_start3A_125 = tpu.memref_slice %arg8[%rem3A_60, %dma_start3A_118, %dma_start3A_124] : memref<2x7x512xi32, #tpu.memory_space<vmem>> -> memref<1x1x512xi32, #tpu.memory_space<vmem>>
      %dma_start3A_126 = tpu.memref_squeeze %dma_start3A_125 : memref<1x1x512xi32, #tpu.memory_space<vmem>> -> memref<512xi32, #tpu.memory_space<vmem>>
      %dma_start3A_127 = arith.constant 0 : i32
      %dma_start3A_128 = arith.constant 0 : i32
      %dma_start3A_129 = tpu.memref_slice %arg2[%dma_start3A_127, %dma_start3A_128] : memref<50000x32xbf16, #tpu.memory_space<hbm>> -> memref<50000x32xbf16, #tpu.memory_space<hbm>>
      tpu.enqueue_indirect_dma source(%dma_start3A_129 : memref<50000x32xbf16, #tpu.memory_space<hbm>>) target(%dma_start3A_123 : memref<512x32xbf16, #tpu.memory_space<vmem>>) offsets(%dma_start3A_126 : memref<512xi32, #tpu.memory_space<vmem>>) semaphore(%arg15 : memref<!tpu.dma_semaphore, #tpu.memory_space<semaphore_mem>>)
      %dma_start3A_130 = arith.constant 3 : i32
      %dma_start3A_131 = arith.constant 3 : i32
      %dma_start3A_132 = arith.constant 0 : i32
      %dma_start3A_133 = arith.constant 0 : i32
      %dma_start3A_134 = tpu.memref_slice %arg10[%dma_start3A_131, %dma_start3A_132, %dma_start3A_133] : memref<4x512x32xbf16, #tpu.memory_space<vmem>> -> memref<1x512x32xbf16, #tpu.memory_space<vmem>>
      %dma_start3A_135 = tpu.memref_squeeze %dma_start3A_134 : memref<1x512x32xbf16, #tpu.memory_space<vmem>> -> memref<512x32xbf16, #tpu.memory_space<vmem>>
      %dma_start3A_136 = arith.constant 0 : i32
      %dma_start3A_137 = tpu.memref_slice %arg8[%rem3A_60, %dma_start3A_130, %dma_start3A_136] : memref<2x7x512xi32, #tpu.memory_space<vmem>> -> memref<1x1x512xi32, #tpu.memory_space<vmem>>
      %dma_start3A_138 = tpu.memref_squeeze %dma_start3A_137 : memref<1x1x512xi32, #tpu.memory_space<vmem>> -> memref<512xi32, #tpu.memory_space<vmem>>
      %dma_start3A_139 = arith.constant 0 : i32
      %dma_start3A_140 = arith.constant 0 : i32
      %dma_start3A_141 = tpu.memref_slice %arg2[%dma_start3A_139, %dma_start3A_140] : memref<50000x32xbf16, #tpu.memory_space<hbm>> -> memref<50000x32xbf16, #tpu.memory_space<hbm>>
      tpu.enqueue_indirect_dma source(%dma_start3A_141 : memref<50000x32xbf16, #tpu.memory_space<hbm>>) target(%dma_start3A_135 : memref<512x32xbf16, #tpu.memory_space<vmem>>) offsets(%dma_start3A_138 : memref<512xi32, #tpu.memory_space<vmem>>) semaphore(%arg16 : memref<!tpu.dma_semaphore, #tpu.memory_space<semaphore_mem>>)
      %dma_wait3A_142 = arith.constant 0 : i32
      %dma_wait3A_143 = arith.constant 0 : i32
      %dma_wait3A_144 = arith.constant 0 : i32
      %dma_wait3A_145 = arith.constant 0 : i32
      %dma_wait3A_146 = tpu.memref_slice %arg10[%dma_wait3A_143, %dma_wait3A_144, %dma_wait3A_145] : memref<4x512x32xbf16, #tpu.memory_space<vmem>> -> memref<1x512x32xbf16, #tpu.memory_space<vmem>>
      %dma_wait3A_147 = tpu.memref_squeeze %dma_wait3A_146 : memref<1x512x32xbf16, #tpu.memory_space<vmem>> -> memref<512x32xbf16, #tpu.memory_space<vmem>>
      %dma_wait3A_148 = arith.constant 0 : i32
      %dma_wait3A_149 = tpu.memref_slice %arg8[%rem3A_60, %dma_wait3A_142, %dma_wait3A_148] : memref<2x7x512xi32, #tpu.memory_space<vmem>> -> memref<1x1x512xi32, #tpu.memory_space<vmem>>
      %dma_wait3A_150 = tpu.memref_squeeze %dma_wait3A_149 : memref<1x1x512xi32, #tpu.memory_space<vmem>> -> memref<512xi32, #tpu.memory_space<vmem>>
      %dma_wait3A_151 = arith.constant 0 : i32
      %dma_wait3A_152 = arith.constant 0 : i32
      %dma_wait3A_153 = tpu.memref_slice %arg2[%dma_wait3A_151, %dma_wait3A_152] : memref<50000x32xbf16, #tpu.memory_space<hbm>> -> memref<50000x32xbf16, #tpu.memory_space<hbm>>
      tpu.wait_indirect_dma semaphore(%arg13 : memref<!tpu.dma_semaphore, #tpu.memory_space<semaphore_mem>>) src(%dma_wait3A_153 : memref<50000x32xbf16, #tpu.memory_space<hbm>>) dst(%dma_wait3A_147 : memref<512x32xbf16, #tpu.memory_space<vmem>>)
      %dma_start3A_154 = arith.constant 0 : i32
      %dma_start3A_155 = arith.constant 0 : i32
      %dma_start3A_156 = arith.constant 0 : i32
      %dma_start3A_157 = arith.constant 0 : i32
      %dma_start3A_158 = tpu.memref_slice %arg10[%dma_start3A_154, %dma_start3A_156, %dma_start3A_157] : memref<4x512x32xbf16, #tpu.memory_space<vmem>> -> memref<1x512x32xbf16, #tpu.memory_space<vmem>>
      %dma_start3A_159 = tpu.memref_squeeze %dma_start3A_158 : memref<1x512x32xbf16, #tpu.memory_space<vmem>> -> memref<512x32xbf16, #tpu.memory_space<vmem>>
      %dma_start3A_160 = arith.constant 0 : i32
      %dma_start3A_161 = tpu.memref_slice %arg9[%rem3A_60, %dma_start3A_155, %dma_start3A_160] : memref<2x7x512xi32, #tpu.memory_space<vmem>> -> memref<1x1x512xi32, #tpu.memory_space<vmem>>
      %dma_start3A_162 = tpu.memref_squeeze %dma_start3A_161 : memref<1x1x512xi32, #tpu.memory_space<vmem>> -> memref<512xi32, #tpu.memory_space<vmem>>
      %dma_start3A_163 = arith.constant 0 : i32
      %dma_start3A_164 = arith.constant 0 : i32
      %dma_start3A_165 = tpu.memref_slice %arg12[%dma_start3A_163, %dma_start3A_164] : memref<50176x32xbf16, #tpu.memory_space<vmem_shared>> -> memref<50176x32xbf16, #tpu.memory_space<vmem_shared>>
      tpu.enqueue_indirect_dma source(%dma_start3A_159 : memref<512x32xbf16, #tpu.memory_space<vmem>>) target(%dma_start3A_165 : memref<50176x32xbf16, #tpu.memory_space<vmem_shared>>) offsets(%dma_start3A_162 : memref<512xi32, #tpu.memory_space<vmem>>) semaphore(%arg17 : memref<!tpu.dma_semaphore, #tpu.memory_space<semaphore_mem>>) {add = true}
      %dma_wait3A_166 = arith.constant 1 : i32
      %dma_wait3A_167 = arith.constant 1 : i32
      %dma_wait3A_168 = arith.constant 0 : i32
      %dma_wait3A_169 = arith.constant 0 : i32
      %dma_wait3A_170 = tpu.memref_slice %arg10[%dma_wait3A_167, %dma_wait3A_168, %dma_wait3A_169] : memref<4x512x32xbf16, #tpu.memory_space<vmem>> -> memref<1x512x32xbf16, #tpu.memory_space<vmem>>
      %dma_wait3A_171 = tpu.memref_squeeze %dma_wait3A_170 : memref<1x512x32xbf16, #tpu.memory_space<vmem>> -> memref<512x32xbf16, #tpu.memory_space<vmem>>
      %dma_wait3A_172 = arith.constant 0 : i32
      %dma_wait3A_173 = tpu.memref_slice %arg8[%rem3A_60, %dma_wait3A_166, %dma_wait3A_172] : memref<2x7x512xi32, #tpu.memory_space<vmem>> -> memref<1x1x512xi32, #tpu.memory_space<vmem>>
      %dma_wait3A_174 = tpu.memref_squeeze %dma_wait3A_173 : memref<1x1x512xi32, #tpu.memory_space<vmem>> -> memref<512xi32, #tpu.memory_space<vmem>>
      %dma_wait3A_175 = arith.constant 0 : i32
      %dma_wait3A_176 = arith.constant 0 : i32
      %dma_wait3A_177 = tpu.memref_slice %arg2[%dma_wait3A_175, %dma_wait3A_176] : memref<50000x32xbf16, #tpu.memory_space<hbm>> -> memref<50000x32xbf16, #tpu.memory_space<hbm>>
      tpu.wait_indirect_dma semaphore(%arg14 : memref<!tpu.dma_semaphore, #tpu.memory_space<semaphore_mem>>) src(%dma_wait3A_177 : memref<50000x32xbf16, #tpu.memory_space<hbm>>) dst(%dma_wait3A_171 : memref<512x32xbf16, #tpu.memory_space<vmem>>)
      %dma_start3A_178 = arith.constant 1 : i32
      %dma_start3A_179 = arith.constant 1 : i32
      %dma_start3A_180 = arith.constant 0 : i32
      %dma_start3A_181 = arith.constant 0 : i32
      %dma_start3A_182 = tpu.memref_slice %arg10[%dma_start3A_178, %dma_start3A_180, %dma_start3A_181] : memref<4x512x32xbf16, #tpu.memory_space<vmem>> -> memref<1x512x32xbf16, #tpu.memory_space<vmem>>
      %dma_start3A_183 = tpu.memref_squeeze %dma_start3A_182 : memref<1x512x32xbf16, #tpu.memory_space<vmem>> -> memref<512x32xbf16, #tpu.memory_space<vmem>>
      %dma_start3A_184 = arith.constant 0 : i32
      %dma_start3A_185 = tpu.memref_slice %arg9[%rem3A_60, %dma_start3A_179, %dma_start3A_184] : memref<2x7x512xi32, #tpu.memory_space<vmem>> -> memref<1x1x512xi32, #tpu.memory_space<vmem>>
      %dma_start3A_186 = tpu.memref_squeeze %dma_start3A_185 : memref<1x1x512xi32, #tpu.memory_space<vmem>> -> memref<512xi32, #tpu.memory_space<vmem>>
      %dma_start3A_187 = arith.constant 0 : i32
      %dma_start3A_188 = arith.constant 0 : i32
      %dma_start3A_189 = tpu.memref_slice %arg12[%dma_start3A_187, %dma_start3A_188] : memref<50176x32xbf16, #tpu.memory_space<vmem_shared>> -> memref<50176x32xbf16, #tpu.memory_space<vmem_shared>>
      tpu.enqueue_indirect_dma source(%dma_start3A_183 : memref<512x32xbf16, #tpu.memory_space<vmem>>) target(%dma_start3A_189 : memref<50176x32xbf16, #tpu.memory_space<vmem_shared>>) offsets(%dma_start3A_186 : memref<512xi32, #tpu.memory_space<vmem>>) semaphore(%arg18 : memref<!tpu.dma_semaphore, #tpu.memory_space<semaphore_mem>>) {add = true}
      %dma_wait3A_190 = arith.constant 2 : i32
      %dma_wait3A_191 = arith.constant 2 : i32
      %dma_wait3A_192 = arith.constant 0 : i32
      %dma_wait3A_193 = arith.constant 0 : i32
      %dma_wait3A_194 = tpu.memref_slice %arg10[%dma_wait3A_191, %dma_wait3A_192, %dma_wait3A_193] : memref<4x512x32xbf16, #tpu.memory_space<vmem>> -> memref<1x512x32xbf16, #tpu.memory_space<vmem>>
      %dma_wait3A_195 = tpu.memref_squeeze %dma_wait3A_194 : memref<1x512x32xbf16, #tpu.memory_space<vmem>> -> memref<512x32xbf16, #tpu.memory_space<vmem>>
      %dma_wait3A_196 = arith.constant 0 : i32
      %dma_wait3A_197 = tpu.memref_slice %arg8[%rem3A_60, %dma_wait3A_190, %dma_wait3A_196] : memref<2x7x512xi32, #tpu.memory_space<vmem>> -> memref<1x1x512xi32, #tpu.memory_space<vmem>>
      %dma_wait3A_198 = tpu.memref_squeeze %dma_wait3A_197 : memref<1x1x512xi32, #tpu.memory_space<vmem>> -> memref<512xi32, #tpu.memory_space<vmem>>
      %dma_wait3A_199 = arith.constant 0 : i32
      %dma_wait3A_200 = arith.constant 0 : i32
      %dma_wait3A_201 = tpu.memref_slice %arg2[%dma_wait3A_199, %dma_wait3A_200] : memref<50000x32xbf16, #tpu.memory_space<hbm>> -> memref<50000x32xbf16, #tpu.memory_space<hbm>>
      tpu.wait_indirect_dma semaphore(%arg15 : memref<!tpu.dma_semaphore, #tpu.memory_space<semaphore_mem>>) src(%dma_wait3A_201 : memref<50000x32xbf16, #tpu.memory_space<hbm>>) dst(%dma_wait3A_195 : memref<512x32xbf16, #tpu.memory_space<vmem>>)
      %dma_start3A_202 = arith.constant 2 : i32
      %dma_start3A_203 = arith.constant 2 : i32
      %dma_start3A_204 = arith.constant 0 : i32
      %dma_start3A_205 = arith.constant 0 : i32
      %dma_start3A_206 = tpu.memref_slice %arg10[%dma_start3A_202, %dma_start3A_204, %dma_start3A_205] : memref<4x512x32xbf16, #tpu.memory_space<vmem>> -> memref<1x512x32xbf16, #tpu.memory_space<vmem>>
      %dma_start3A_207 = tpu.memref_squeeze %dma_start3A_206 : memref<1x512x32xbf16, #tpu.memory_space<vmem>> -> memref<512x32xbf16, #tpu.memory_space<vmem>>
      %dma_start3A_208 = arith.constant 0 : i32
      %dma_start3A_209 = tpu.memref_slice %arg9[%rem3A_60, %dma_start3A_203, %dma_start3A_208] : memref<2x7x512xi32, #tpu.memory_space<vmem>> -> memref<1x1x512xi32, #tpu.memory_space<vmem>>
      %dma_start3A_210 = tpu.memref_squeeze %dma_start3A_209 : memref<1x1x512xi32, #tpu.memory_space<vmem>> -> memref<512xi32, #tpu.memory_space<vmem>>
      %dma_start3A_211 = arith.constant 0 : i32
      %dma_start3A_212 = arith.constant 0 : i32
      %dma_start3A_213 = tpu.memref_slice %arg12[%dma_start3A_211, %dma_start3A_212] : memref<50176x32xbf16, #tpu.memory_space<vmem_shared>> -> memref<50176x32xbf16, #tpu.memory_space<vmem_shared>>
      tpu.enqueue_indirect_dma source(%dma_start3A_207 : memref<512x32xbf16, #tpu.memory_space<vmem>>) target(%dma_start3A_213 : memref<50176x32xbf16, #tpu.memory_space<vmem_shared>>) offsets(%dma_start3A_210 : memref<512xi32, #tpu.memory_space<vmem>>) semaphore(%arg19 : memref<!tpu.dma_semaphore, #tpu.memory_space<semaphore_mem>>) {add = true}
      %dma_wait3A_214 = arith.constant 0 : i32
      %dma_wait3A_215 = arith.constant 0 : i32
      %dma_wait3A_216 = arith.constant 0 : i32
      %dma_wait3A_217 = arith.constant 0 : i32
      %dma_wait3A_218 = tpu.memref_slice %arg10[%dma_wait3A_214, %dma_wait3A_216, %dma_wait3A_217] : memref<4x512x32xbf16, #tpu.memory_space<vmem>> -> memref<1x512x32xbf16, #tpu.memory_space<vmem>>
      %dma_wait3A_219 = tpu.memref_squeeze %dma_wait3A_218 : memref<1x512x32xbf16, #tpu.memory_space<vmem>> -> memref<512x32xbf16, #tpu.memory_space<vmem>>
      %dma_wait3A_220 = arith.constant 0 : i32
      %dma_wait3A_221 = tpu.memref_slice %arg9[%rem3A_60, %dma_wait3A_215, %dma_wait3A_220] : memref<2x7x512xi32, #tpu.memory_space<vmem>> -> memref<1x1x512xi32, #tpu.memory_space<vmem>>
      %dma_wait3A_222 = tpu.memref_squeeze %dma_wait3A_221 : memref<1x1x512xi32, #tpu.memory_space<vmem>> -> memref<512xi32, #tpu.memory_space<vmem>>
      %dma_wait3A_223 = arith.constant 0 : i32
      %dma_wait3A_224 = arith.constant 0 : i32
      %dma_wait3A_225 = tpu.memref_slice %arg12[%dma_wait3A_223, %dma_wait3A_224] : memref<50176x32xbf16, #tpu.memory_space<vmem_shared>> -> memref<50176x32xbf16, #tpu.memory_space<vmem_shared>>
      tpu.wait_indirect_dma semaphore(%arg17 : memref<!tpu.dma_semaphore, #tpu.memory_space<semaphore_mem>>) src(%dma_wait3A_219 : memref<512x32xbf16, #tpu.memory_space<vmem>>) dst(%dma_wait3A_225 : memref<50176x32xbf16, #tpu.memory_space<vmem_shared>>)
      %dma_start3A_226 = arith.constant 4 : i32
      %dma_start3A_227 = arith.constant 0 : i32
      %dma_start3A_228 = arith.constant 0 : i32
      %dma_start3A_229 = arith.constant 0 : i32
      %dma_start3A_230 = tpu.memref_slice %arg10[%dma_start3A_227, %dma_start3A_228, %dma_start3A_229] : memref<4x512x32xbf16, #tpu.memory_space<vmem>> -> memref<1x512x32xbf16, #tpu.memory_space<vmem>>
      %dma_start3A_231 = tpu.memref_squeeze %dma_start3A_230 : memref<1x512x32xbf16, #tpu.memory_space<vmem>> -> memref<512x32xbf16, #tpu.memory_space<vmem>>
      %dma_start3A_232 = arith.constant 0 : i32
      %dma_start3A_233 = tpu.memref_slice %arg8[%rem3A_60, %dma_start3A_226, %dma_start3A_232] : memref<2x7x512xi32, #tpu.memory_space<vmem>> -> memref<1x1x512xi32, #tpu.memory_space<vmem>>
      %dma_start3A_234 = tpu.memref_squeeze %dma_start3A_233 : memref<1x1x512xi32, #tpu.memory_space<vmem>> -> memref<512xi32, #tpu.memory_space<vmem>>
      %dma_start3A_235 = arith.constant 0 : i32
      %dma_start3A_236 = arith.constant 0 : i32
      %dma_start3A_237 = tpu.memref_slice %arg2[%dma_start3A_235, %dma_start3A_236] : memref<50000x32xbf16, #tpu.memory_space<hbm>> -> memref<50000x32xbf16, #tpu.memory_space<hbm>>
      tpu.enqueue_indirect_dma source(%dma_start3A_237 : memref<50000x32xbf16, #tpu.memory_space<hbm>>) target(%dma_start3A_231 : memref<512x32xbf16, #tpu.memory_space<vmem>>) offsets(%dma_start3A_234 : memref<512xi32, #tpu.memory_space<vmem>>) semaphore(%arg13 : memref<!tpu.dma_semaphore, #tpu.memory_space<semaphore_mem>>)
      %dma_wait3A_238 = arith.constant 3 : i32
      %dma_wait3A_239 = arith.constant 3 : i32
      %dma_wait3A_240 = arith.constant 0 : i32
      %dma_wait3A_241 = arith.constant 0 : i32
      %dma_wait3A_242 = tpu.memref_slice %arg10[%dma_wait3A_239, %dma_wait3A_240, %dma_wait3A_241] : memref<4x512x32xbf16, #tpu.memory_space<vmem>> -> memref<1x512x32xbf16, #tpu.memory_space<vmem>>
      %dma_wait3A_243 = tpu.memref_squeeze %dma_wait3A_242 : memref<1x512x32xbf16, #tpu.memory_space<vmem>> -> memref<512x32xbf16, #tpu.memory_space<vmem>>
      %dma_wait3A_244 = arith.constant 0 : i32
      %dma_wait3A_245 = tpu.memref_slice %arg8[%rem3A_60, %dma_wait3A_238, %dma_wait3A_244] : memref<2x7x512xi32, #tpu.memory_space<vmem>> -> memref<1x1x512xi32, #tpu.memory_space<vmem>>
      %dma_wait3A_246 = tpu.memref_squeeze %dma_wait3A_245 : memref<1x1x512xi32, #tpu.memory_space<vmem>> -> memref<512xi32, #tpu.memory_space<vmem>>
      %dma_wait3A_247 = arith.constant 0 : i32
      %dma_wait3A_248 = arith.constant 0 : i32
      %dma_wait3A_249 = tpu.memref_slice %arg2[%dma_wait3A_247, %dma_wait3A_248] : memref<50000x32xbf16, #tpu.memory_space<hbm>> -> memref<50000x32xbf16, #tpu.memory_space<hbm>>
      tpu.wait_indirect_dma semaphore(%arg16 : memref<!tpu.dma_semaphore, #tpu.memory_space<semaphore_mem>>) src(%dma_wait3A_249 : memref<50000x32xbf16, #tpu.memory_space<hbm>>) dst(%dma_wait3A_243 : memref<512x32xbf16, #tpu.memory_space<vmem>>)
      %dma_start3A_250 = arith.constant 3 : i32
      %dma_start3A_251 = arith.constant 3 : i32
      %dma_start3A_252 = arith.constant 0 : i32
      %dma_start3A_253 = arith.constant 0 : i32
      %dma_start3A_254 = tpu.memref_slice %arg10[%dma_start3A_250, %dma_start3A_252, %dma_start3A_253] : memref<4x512x32xbf16, #tpu.memory_space<vmem>> -> memref<1x512x32xbf16, #tpu.memory_space<vmem>>
      %dma_start3A_255 = tpu.memref_squeeze %dma_start3A_254 : memref<1x512x32xbf16, #tpu.memory_space<vmem>> -> memref<512x32xbf16, #tpu.memory_space<vmem>>
      %dma_start3A_256 = arith.constant 0 : i32
      %dma_start3A_257 = tpu.memref_slice %arg9[%rem3A_60, %dma_start3A_251, %dma_start3A_256] : memref<2x7x512xi32, #tpu.memory_space<vmem>> -> memref<1x1x512xi32, #tpu.memory_space<vmem>>
      %dma_start3A_258 = tpu.memref_squeeze %dma_start3A_257 : memref<1x1x512xi32, #tpu.memory_space<vmem>> -> memref<512xi32, #tpu.memory_space<vmem>>
      %dma_start3A_259 = arith.constant 0 : i32
      %dma_start3A_260 = arith.constant 0 : i32
      %dma_start3A_261 = tpu.memref_slice %arg12[%dma_start3A_259, %dma_start3A_260] : memref<50176x32xbf16, #tpu.memory_space<vmem_shared>> -> memref<50176x32xbf16, #tpu.memory_space<vmem_shared>>
      tpu.enqueue_indirect_dma source(%dma_start3A_255 : memref<512x32xbf16, #tpu.memory_space<vmem>>) target(%dma_start3A_261 : memref<50176x32xbf16, #tpu.memory_space<vmem_shared>>) offsets(%dma_start3A_258 : memref<512xi32, #tpu.memory_space<vmem>>) semaphore(%arg20 : memref<!tpu.dma_semaphore, #tpu.memory_space<semaphore_mem>>) {add = true}
      %dma_wait3A_262 = arith.constant 1 : i32
      %dma_wait3A_263 = arith.constant 1 : i32
      %dma_wait3A_264 = arith.constant 0 : i32
      %dma_wait3A_265 = arith.constant 0 : i32
      %dma_wait3A_266 = tpu.memref_slice %arg10[%dma_wait3A_262, %dma_wait3A_264, %dma_wait3A_265] : memref<4x512x32xbf16, #tpu.memory_space<vmem>> -> memref<1x512x32xbf16, #tpu.memory_space<vmem>>
      %dma_wait3A_267 = tpu.memref_squeeze %dma_wait3A_266 : memref<1x512x32xbf16, #tpu.memory_space<vmem>> -> memref<512x32xbf16, #tpu.memory_space<vmem>>
      %dma_wait3A_268 = arith.constant 0 : i32
      %dma_wait3A_269 = tpu.memref_slice %arg9[%rem3A_60, %dma_wait3A_263, %dma_wait3A_268] : memref<2x7x512xi32, #tpu.memory_space<vmem>> -> memref<1x1x512xi32, #tpu.memory_space<vmem>>
      %dma_wait3A_270 = tpu.memref_squeeze %dma_wait3A_269 : memref<1x1x512xi32, #tpu.memory_space<vmem>> -> memref<512xi32, #tpu.memory_space<vmem>>
      %dma_wait3A_271 = arith.constant 0 : i32
      %dma_wait3A_272 = arith.constant 0 : i32
      %dma_wait3A_273 = tpu.memref_slice %arg12[%dma_wait3A_271, %dma_wait3A_272] : memref<50176x32xbf16, #tpu.memory_space<vmem_shared>> -> memref<50176x32xbf16, #tpu.memory_space<vmem_shared>>
      tpu.wait_indirect_dma semaphore(%arg18 : memref<!tpu.dma_semaphore, #tpu.memory_space<semaphore_mem>>) src(%dma_wait3A_267 : memref<512x32xbf16, #tpu.memory_space<vmem>>) dst(%dma_wait3A_273 : memref<50176x32xbf16, #tpu.memory_space<vmem_shared>>)
      %dma_start3A_274 = arith.constant 5 : i32
      %dma_start3A_275 = arith.constant 1 : i32
      %dma_start3A_276 = arith.constant 0 : i32
      %dma_start3A_277 = arith.constant 0 : i32
      %dma_start3A_278 = tpu.memref_slice %arg10[%dma_start3A_275, %dma_start3A_276, %dma_start3A_277] : memref<4x512x32xbf16, #tpu.memory_space<vmem>> -> memref<1x512x32xbf16, #tpu.memory_space<vmem>>
      %dma_start3A_279 = tpu.memref_squeeze %dma_start3A_278 : memref<1x512x32xbf16, #tpu.memory_space<vmem>> -> memref<512x32xbf16, #tpu.memory_space<vmem>>
      %dma_start3A_280 = arith.constant 0 : i32
      %dma_start3A_281 = tpu.memref_slice %arg8[%rem3A_60, %dma_start3A_274, %dma_start3A_280] : memref<2x7x512xi32, #tpu.memory_space<vmem>> -> memref<1x1x512xi32, #tpu.memory_space<vmem>>
      %dma_start3A_282 = tpu.memref_squeeze %dma_start3A_281 : memref<1x1x512xi32, #tpu.memory_space<vmem>> -> memref<512xi32, #tpu.memory_space<vmem>>
      %dma_start3A_283 = arith.constant 0 : i32
      %dma_start3A_284 = arith.constant 0 : i32
      %dma_start3A_285 = tpu.memref_slice %arg2[%dma_start3A_283, %dma_start3A_284] : memref<50000x32xbf16, #tpu.memory_space<hbm>> -> memref<50000x32xbf16, #tpu.memory_space<hbm>>
      tpu.enqueue_indirect_dma source(%dma_start3A_285 : memref<50000x32xbf16, #tpu.memory_space<hbm>>) target(%dma_start3A_279 : memref<512x32xbf16, #tpu.memory_space<vmem>>) offsets(%dma_start3A_282 : memref<512xi32, #tpu.memory_space<vmem>>) semaphore(%arg14 : memref<!tpu.dma_semaphore, #tpu.memory_space<semaphore_mem>>)
      %dma_wait3A_286 = arith.constant 4 : i32
      %dma_wait3A_287 = arith.constant 0 : i32
      %dma_wait3A_288 = arith.constant 0 : i32
      %dma_wait3A_289 = arith.constant 0 : i32
      %dma_wait3A_290 = tpu.memref_slice %arg10[%dma_wait3A_287, %dma_wait3A_288, %dma_wait3A_289] : memref<4x512x32xbf16, #tpu.memory_space<vmem>> -> memref<1x512x32xbf16, #tpu.memory_space<vmem>>
      %dma_wait3A_291 = tpu.memref_squeeze %dma_wait3A_290 : memref<1x512x32xbf16, #tpu.memory_space<vmem>> -> memref<512x32xbf16, #tpu.memory_space<vmem>>
      %dma_wait3A_292 = arith.constant 0 : i32
      %dma_wait3A_293 = tpu.memref_slice %arg8[%rem3A_60, %dma_wait3A_286, %dma_wait3A_292] : memref<2x7x512xi32, #tpu.memory_space<vmem>> -> memref<1x1x512xi32, #tpu.memory_space<vmem>>
      %dma_wait3A_294 = tpu.memref_squeeze %dma_wait3A_293 : memref<1x1x512xi32, #tpu.memory_space<vmem>> -> memref<512xi32, #tpu.memory_space<vmem>>
      %dma_wait3A_295 = arith.constant 0 : i32
      %dma_wait3A_296 = arith.constant 0 : i32
      %dma_wait3A_297 = tpu.memref_slice %arg2[%dma_wait3A_295, %dma_wait3A_296] : memref<50000x32xbf16, #tpu.memory_space<hbm>> -> memref<50000x32xbf16, #tpu.memory_space<hbm>>
      tpu.wait_indirect_dma semaphore(%arg13 : memref<!tpu.dma_semaphore, #tpu.memory_space<semaphore_mem>>) src(%dma_wait3A_297 : memref<50000x32xbf16, #tpu.memory_space<hbm>>) dst(%dma_wait3A_291 : memref<512x32xbf16, #tpu.memory_space<vmem>>)
      %dma_start3A_298 = arith.constant 0 : i32
      %dma_start3A_299 = arith.constant 4 : i32
      %dma_start3A_300 = arith.constant 0 : i32
      %dma_start3A_301 = arith.constant 0 : i32
      %dma_start3A_302 = tpu.memref_slice %arg10[%dma_start3A_298, %dma_start3A_300, %dma_start3A_301] : memref<4x512x32xbf16, #tpu.memory_space<vmem>> -> memref<1x512x32xbf16, #tpu.memory_space<vmem>>
      %dma_start3A_303 = tpu.memref_squeeze %dma_start3A_302 : memref<1x512x32xbf16, #tpu.memory_space<vmem>> -> memref<512x32xbf16, #tpu.memory_space<vmem>>
      %dma_start3A_304 = arith.constant 0 : i32
      %dma_start3A_305 = tpu.memref_slice %arg9[%rem3A_60, %dma_start3A_299, %dma_start3A_304] : memref<2x7x512xi32, #tpu.memory_space<vmem>> -> memref<1x1x512xi32, #tpu.memory_space<vmem>>
      %dma_start3A_306 = tpu.memref_squeeze %dma_start3A_305 : memref<1x1x512xi32, #tpu.memory_space<vmem>> -> memref<512xi32, #tpu.memory_space<vmem>>
      %dma_start3A_307 = arith.constant 0 : i32
      %dma_start3A_308 = arith.constant 0 : i32
      %dma_start3A_309 = tpu.memref_slice %arg12[%dma_start3A_307, %dma_start3A_308] : memref<50176x32xbf16, #tpu.memory_space<vmem_shared>> -> memref<50176x32xbf16, #tpu.memory_space<vmem_shared>>
      tpu.enqueue_indirect_dma source(%dma_start3A_303 : memref<512x32xbf16, #tpu.memory_space<vmem>>) target(%dma_start3A_309 : memref<50176x32xbf16, #tpu.memory_space<vmem_shared>>) offsets(%dma_start3A_306 : memref<512xi32, #tpu.memory_space<vmem>>) semaphore(%arg17 : memref<!tpu.dma_semaphore, #tpu.memory_space<semaphore_mem>>) {add = true}
      %dma_wait3A_310 = arith.constant 2 : i32
      %dma_wait3A_311 = arith.constant 2 : i32
      %dma_wait3A_312 = arith.constant 0 : i32
      %dma_wait3A_313 = arith.constant 0 : i32
      %dma_wait3A_314 = tpu.memref_slice %arg10[%dma_wait3A_310, %dma_wait3A_312, %dma_wait3A_313] : memref<4x512x32xbf16, #tpu.memory_space<vmem>> -> memref<1x512x32xbf16, #tpu.memory_space<vmem>>
      %dma_wait3A_315 = tpu.memref_squeeze %dma_wait3A_314 : memref<1x512x32xbf16, #tpu.memory_space<vmem>> -> memref<512x32xbf16, #tpu.memory_space<vmem>>
      %dma_wait3A_316 = arith.constant 0 : i32
      %dma_wait3A_317 = tpu.memref_slice %arg9[%rem3A_60, %dma_wait3A_311, %dma_wait3A_316] : memref<2x7x512xi32, #tpu.memory_space<vmem>> -> memref<1x1x512xi32, #tpu.memory_space<vmem>>
      %dma_wait3A_318 = tpu.memref_squeeze %dma_wait3A_317 : memref<1x1x512xi32, #tpu.memory_space<vmem>> -> memref<512xi32, #tpu.memory_space<vmem>>
      %dma_wait3A_319 = arith.constant 0 : i32
      %dma_wait3A_320 = arith.constant 0 : i32
      %dma_wait3A_321 = tpu.memref_slice %arg12[%dma_wait3A_319, %dma_wait3A_320] : memref<50176x32xbf16, #tpu.memory_space<vmem_shared>> -> memref<50176x32xbf16, #tpu.memory_space<vmem_shared>>
      tpu.wait_indirect_dma semaphore(%arg19 : memref<!tpu.dma_semaphore, #tpu.memory_space<semaphore_mem>>) src(%dma_wait3A_315 : memref<512x32xbf16, #tpu.memory_space<vmem>>) dst(%dma_wait3A_321 : memref<50176x32xbf16, #tpu.memory_space<vmem_shared>>)
      %dma_start3A_322 = arith.constant 6 : i32
      %dma_start3A_323 = arith.constant 2 : i32
      %dma_start3A_324 = arith.constant 0 : i32
      %dma_start3A_325 = arith.constant 0 : i32
      %dma_start3A_326 = tpu.memref_slice %arg10[%dma_start3A_323, %dma_start3A_324, %dma_start3A_325] : memref<4x512x32xbf16, #tpu.memory_space<vmem>> -> memref<1x512x32xbf16, #tpu.memory_space<vmem>>
      %dma_start3A_327 = tpu.memref_squeeze %dma_start3A_326 : memref<1x512x32xbf16, #tpu.memory_space<vmem>> -> memref<512x32xbf16, #tpu.memory_space<vmem>>
      %dma_start3A_328 = arith.constant 0 : i32
      %dma_start3A_329 = tpu.memref_slice %arg8[%rem3A_60, %dma_start3A_322, %dma_start3A_328] : memref<2x7x512xi32, #tpu.memory_space<vmem>> -> memref<1x1x512xi32, #tpu.memory_space<vmem>>
      %dma_start3A_330 = tpu.memref_squeeze %dma_start3A_329 : memref<1x1x512xi32, #tpu.memory_space<vmem>> -> memref<512xi32, #tpu.memory_space<vmem>>
      %dma_start3A_331 = arith.constant 0 : i32
      %dma_start3A_332 = arith.constant 0 : i32
      %dma_start3A_333 = tpu.memref_slice %arg2[%dma_start3A_331, %dma_start3A_332] : memref<50000x32xbf16, #tpu.memory_space<hbm>> -> memref<50000x32xbf16, #tpu.memory_space<hbm>>
      tpu.enqueue_indirect_dma source(%dma_start3A_333 : memref<50000x32xbf16, #tpu.memory_space<hbm>>) target(%dma_start3A_327 : memref<512x32xbf16, #tpu.memory_space<vmem>>) offsets(%dma_start3A_330 : memref<512xi32, #tpu.memory_space<vmem>>) semaphore(%arg15 : memref<!tpu.dma_semaphore, #tpu.memory_space<semaphore_mem>>)
      %dma_wait3A_334 = arith.constant 5 : i32
      %dma_wait3A_335 = arith.constant 1 : i32
      %dma_wait3A_336 = arith.constant 0 : i32
      %dma_wait3A_337 = arith.constant 0 : i32
      %dma_wait3A_338 = tpu.memref_slice %arg10[%dma_wait3A_335, %dma_wait3A_336, %dma_wait3A_337] : memref<4x512x32xbf16, #tpu.memory_space<vmem>> -> memref<1x512x32xbf16, #tpu.memory_space<vmem>>
      %dma_wait3A_339 = tpu.memref_squeeze %dma_wait3A_338 : memref<1x512x32xbf16, #tpu.memory_space<vmem>> -> memref<512x32xbf16, #tpu.memory_space<vmem>>
      %dma_wait3A_340 = arith.constant 0 : i32
      %dma_wait3A_341 = tpu.memref_slice %arg8[%rem3A_60, %dma_wait3A_334, %dma_wait3A_340] : memref<2x7x512xi32, #tpu.memory_space<vmem>> -> memref<1x1x512xi32, #tpu.memory_space<vmem>>
      %dma_wait3A_342 = tpu.memref_squeeze %dma_wait3A_341 : memref<1x1x512xi32, #tpu.memory_space<vmem>> -> memref<512xi32, #tpu.memory_space<vmem>>
      %dma_wait3A_343 = arith.constant 0 : i32
      %dma_wait3A_344 = arith.constant 0 : i32
      %dma_wait3A_345 = tpu.memref_slice %arg2[%dma_wait3A_343, %dma_wait3A_344] : memref<50000x32xbf16, #tpu.memory_space<hbm>> -> memref<50000x32xbf16, #tpu.memory_space<hbm>>
      tpu.wait_indirect_dma semaphore(%arg14 : memref<!tpu.dma_semaphore, #tpu.memory_space<semaphore_mem>>) src(%dma_wait3A_345 : memref<50000x32xbf16, #tpu.memory_space<hbm>>) dst(%dma_wait3A_339 : memref<512x32xbf16, #tpu.memory_space<vmem>>)
      %dma_start3A_346 = arith.constant 1 : i32
      %dma_start3A_347 = arith.constant 5 : i32
      %dma_start3A_348 = arith.constant 0 : i32
      %dma_start3A_349 = arith.constant 0 : i32
      %dma_start3A_350 = tpu.memref_slice %arg10[%dma_start3A_346, %dma_start3A_348, %dma_start3A_349] : memref<4x512x32xbf16, #tpu.memory_space<vmem>> -> memref<1x512x32xbf16, #tpu.memory_space<vmem>>
      %dma_start3A_351 = tpu.memref_squeeze %dma_start3A_350 : memref<1x512x32xbf16, #tpu.memory_space<vmem>> -> memref<512x32xbf16, #tpu.memory_space<vmem>>
      %dma_start3A_352 = arith.constant 0 : i32
      %dma_start3A_353 = tpu.memref_slice %arg9[%rem3A_60, %dma_start3A_347, %dma_start3A_352] : memref<2x7x512xi32, #tpu.memory_space<vmem>> -> memref<1x1x512xi32, #tpu.memory_space<vmem>>
      %dma_start3A_354 = tpu.memref_squeeze %dma_start3A_353 : memref<1x1x512xi32, #tpu.memory_space<vmem>> -> memref<512xi32, #tpu.memory_space<vmem>>
      %dma_start3A_355 = arith.constant 0 : i32
      %dma_start3A_356 = arith.constant 0 : i32
      %dma_start3A_357 = tpu.memref_slice %arg12[%dma_start3A_355, %dma_start3A_356] : memref<50176x32xbf16, #tpu.memory_space<vmem_shared>> -> memref<50176x32xbf16, #tpu.memory_space<vmem_shared>>
      tpu.enqueue_indirect_dma source(%dma_start3A_351 : memref<512x32xbf16, #tpu.memory_space<vmem>>) target(%dma_start3A_357 : memref<50176x32xbf16, #tpu.memory_space<vmem_shared>>) offsets(%dma_start3A_354 : memref<512xi32, #tpu.memory_space<vmem>>) semaphore(%arg18 : memref<!tpu.dma_semaphore, #tpu.memory_space<semaphore_mem>>) {add = true}
      %dma_wait3A_358 = arith.constant 6 : i32
      %dma_wait3A_359 = arith.constant 2 : i32
      %dma_wait3A_360 = arith.constant 0 : i32
      %dma_wait3A_361 = arith.constant 0 : i32
      %dma_wait3A_362 = tpu.memref_slice %arg10[%dma_wait3A_359, %dma_wait3A_360, %dma_wait3A_361] : memref<4x512x32xbf16, #tpu.memory_space<vmem>> -> memref<1x512x32xbf16, #tpu.memory_space<vmem>>
      %dma_wait3A_363 = tpu.memref_squeeze %dma_wait3A_362 : memref<1x512x32xbf16, #tpu.memory_space<vmem>> -> memref<512x32xbf16, #tpu.memory_space<vmem>>
      %dma_wait3A_364 = arith.constant 0 : i32
      %dma_wait3A_365 = tpu.memref_slice %arg8[%rem3A_60, %dma_wait3A_358, %dma_wait3A_364] : memref<2x7x512xi32, #tpu.memory_space<vmem>> -> memref<1x1x512xi32, #tpu.memory_space<vmem>>
      %dma_wait3A_366 = tpu.memref_squeeze %dma_wait3A_365 : memref<1x1x512xi32, #tpu.memory_space<vmem>> -> memref<512xi32, #tpu.memory_space<vmem>>
      %dma_wait3A_367 = arith.constant 0 : i32
      %dma_wait3A_368 = arith.constant 0 : i32
      %dma_wait3A_369 = tpu.memref_slice %arg2[%dma_wait3A_367, %dma_wait3A_368] : memref<50000x32xbf16, #tpu.memory_space<hbm>> -> memref<50000x32xbf16, #tpu.memory_space<hbm>>
      tpu.wait_indirect_dma semaphore(%arg15 : memref<!tpu.dma_semaphore, #tpu.memory_space<semaphore_mem>>) src(%dma_wait3A_369 : memref<50000x32xbf16, #tpu.memory_space<hbm>>) dst(%dma_wait3A_363 : memref<512x32xbf16, #tpu.memory_space<vmem>>)
      %dma_start3A_370 = arith.constant 2 : i32
      %dma_start3A_371 = arith.constant 6 : i32
      %dma_start3A_372 = arith.constant 0 : i32
      %dma_start3A_373 = arith.constant 0 : i32
      %dma_start3A_374 = tpu.memref_slice %arg10[%dma_start3A_370, %dma_start3A_372, %dma_start3A_373] : memref<4x512x32xbf16, #tpu.memory_space<vmem>> -> memref<1x512x32xbf16, #tpu.memory_space<vmem>>
      %dma_start3A_375 = tpu.memref_squeeze %dma_start3A_374 : memref<1x512x32xbf16, #tpu.memory_space<vmem>> -> memref<512x32xbf16, #tpu.memory_space<vmem>>
      %dma_start3A_376 = arith.constant 0 : i32
      %dma_start3A_377 = tpu.memref_slice %arg9[%rem3A_60, %dma_start3A_371, %dma_start3A_376] : memref<2x7x512xi32, #tpu.memory_space<vmem>> -> memref<1x1x512xi32, #tpu.memory_space<vmem>>
      %dma_start3A_378 = tpu.memref_squeeze %dma_start3A_377 : memref<1x1x512xi32, #tpu.memory_space<vmem>> -> memref<512xi32, #tpu.memory_space<vmem>>
      %dma_start3A_379 = arith.constant 0 : i32
      %dma_start3A_380 = arith.constant 0 : i32
      %dma_start3A_381 = tpu.memref_slice %arg12[%dma_start3A_379, %dma_start3A_380] : memref<50176x32xbf16, #tpu.memory_space<vmem_shared>> -> memref<50176x32xbf16, #tpu.memory_space<vmem_shared>>
      tpu.enqueue_indirect_dma source(%dma_start3A_375 : memref<512x32xbf16, #tpu.memory_space<vmem>>) target(%dma_start3A_381 : memref<50176x32xbf16, #tpu.memory_space<vmem_shared>>) offsets(%dma_start3A_378 : memref<512xi32, #tpu.memory_space<vmem>>) semaphore(%arg19 : memref<!tpu.dma_semaphore, #tpu.memory_space<semaphore_mem>>) {add = true}
      %dma_wait3A_382 = arith.constant 3 : i32
      %dma_wait3A_383 = arith.constant 3 : i32
      %dma_wait3A_384 = arith.constant 0 : i32
      %dma_wait3A_385 = arith.constant 0 : i32
      %dma_wait3A_386 = tpu.memref_slice %arg10[%dma_wait3A_382, %dma_wait3A_384, %dma_wait3A_385] : memref<4x512x32xbf16, #tpu.memory_space<vmem>> -> memref<1x512x32xbf16, #tpu.memory_space<vmem>>
      %dma_wait3A_387 = tpu.memref_squeeze %dma_wait3A_386 : memref<1x512x32xbf16, #tpu.memory_space<vmem>> -> memref<512x32xbf16, #tpu.memory_space<vmem>>
      %dma_wait3A_388 = arith.constant 0 : i32
      %dma_wait3A_389 = tpu.memref_slice %arg9[%rem3A_60, %dma_wait3A_383, %dma_wait3A_388] : memref<2x7x512xi32, #tpu.memory_space<vmem>> -> memref<1x1x512xi32, #tpu.memory_space<vmem>>
      %dma_wait3A_390 = tpu.memref_squeeze %dma_wait3A_389 : memref<1x1x512xi32, #tpu.memory_space<vmem>> -> memref<512xi32, #tpu.memory_space<vmem>>
      %dma_wait3A_391 = arith.constant 0 : i32
      %dma_wait3A_392 = arith.constant 0 : i32
      %dma_wait3A_393 = tpu.memref_slice %arg12[%dma_wait3A_391, %dma_wait3A_392] : memref<50176x32xbf16, #tpu.memory_space<vmem_shared>> -> memref<50176x32xbf16, #tpu.memory_space<vmem_shared>>
      tpu.wait_indirect_dma semaphore(%arg20 : memref<!tpu.dma_semaphore, #tpu.memory_space<semaphore_mem>>) src(%dma_wait3A_387 : memref<512x32xbf16, #tpu.memory_space<vmem>>) dst(%dma_wait3A_393 : memref<50176x32xbf16, #tpu.memory_space<vmem_shared>>)
      %dma_wait3A_394 = arith.constant 0 : i32
      %dma_wait3A_395 = arith.constant 4 : i32
      %dma_wait3A_396 = arith.constant 0 : i32
      %dma_wait3A_397 = arith.constant 0 : i32
      %dma_wait3A_398 = tpu.memref_slice %arg10[%dma_wait3A_394, %dma_wait3A_396, %dma_wait3A_397] : memref<4x512x32xbf16, #tpu.memory_space<vmem>> -> memref<1x512x32xbf16, #tpu.memory_space<vmem>>
      %dma_wait3A_399 = tpu.memref_squeeze %dma_wait3A_398 : memref<1x512x32xbf16, #tpu.memory_space<vmem>> -> memref<512x32xbf16, #tpu.memory_space<vmem>>
      %dma_wait3A_400 = arith.constant 0 : i32
      %dma_wait3A_401 = tpu.memref_slice %arg9[%rem3A_60, %dma_wait3A_395, %dma_wait3A_400] : memref<2x7x512xi32, #tpu.memory_space<vmem>> -> memref<1x1x512xi32, #tpu.memory_space<vmem>>
      %dma_wait3A_402 = tpu.memref_squeeze %dma_wait3A_401 : memref<1x1x512xi32, #tpu.memory_space<vmem>> -> memref<512xi32, #tpu.memory_space<vmem>>
      %dma_wait3A_403 = arith.constant 0 : i32
      %dma_wait3A_404 = arith.constant 0 : i32
      %dma_wait3A_405 = tpu.memref_slice %arg12[%dma_wait3A_403, %dma_wait3A_404] : memref<50176x32xbf16, #tpu.memory_space<vmem_shared>> -> memref<50176x32xbf16, #tpu.memory_space<vmem_shared>>
      tpu.wait_indirect_dma semaphore(%arg17 : memref<!tpu.dma_semaphore, #tpu.memory_space<semaphore_mem>>) src(%dma_wait3A_399 : memref<512x32xbf16, #tpu.memory_space<vmem>>) dst(%dma_wait3A_405 : memref<50176x32xbf16, #tpu.memory_space<vmem_shared>>)
      %dma_wait3A_406 = arith.constant 1 : i32
      %dma_wait3A_407 = arith.constant 5 : i32
      %dma_wait3A_408 = arith.constant 0 : i32
      %dma_wait3A_409 = arith.constant 0 : i32
      %dma_wait3A_410 = tpu.memref_slice %arg10[%dma_wait3A_406, %dma_wait3A_408, %dma_wait3A_409] : memref<4x512x32xbf16, #tpu.memory_space<vmem>> -> memref<1x512x32xbf16, #tpu.memory_space<vmem>>
      %dma_wait3A_411 = tpu.memref_squeeze %dma_wait3A_410 : memref<1x512x32xbf16, #tpu.memory_space<vmem>> -> memref<512x32xbf16, #tpu.memory_space<vmem>>
      %dma_wait3A_412 = arith.constant 0 : i32
      %dma_wait3A_413 = tpu.memref_slice %arg9[%rem3A_60, %dma_wait3A_407, %dma_wait3A_412] : memref<2x7x512xi32, #tpu.memory_space<vmem>> -> memref<1x1x512xi32, #tpu.memory_space<vmem>>
      %dma_wait3A_414 = tpu.memref_squeeze %dma_wait3A_413 : memref<1x1x512xi32, #tpu.memory_space<vmem>> -> memref<512xi32, #tpu.memory_space<vmem>>
      %dma_wait3A_415 = arith.constant 0 : i32
      %dma_wait3A_416 = arith.constant 0 : i32
      %dma_wait3A_417 = tpu.memref_slice %arg12[%dma_wait3A_415, %dma_wait3A_416] : memref<50176x32xbf16, #tpu.memory_space<vmem_shared>> -> memref<50176x32xbf16, #tpu.memory_space<vmem_shared>>
      tpu.wait_indirect_dma semaphore(%arg18 : memref<!tpu.dma_semaphore, #tpu.memory_space<semaphore_mem>>) src(%dma_wait3A_411 : memref<512x32xbf16, #tpu.memory_space<vmem>>) dst(%dma_wait3A_417 : memref<50176x32xbf16, #tpu.memory_space<vmem_shared>>)
      %dma_wait3A_418 = arith.constant 2 : i32
      %dma_wait3A_419 = arith.constant 6 : i32
      %dma_wait3A_420 = arith.constant 0 : i32
      %dma_wait3A_421 = arith.constant 0 : i32
      %dma_wait3A_422 = tpu.memref_slice %arg10[%dma_wait3A_418, %dma_wait3A_420, %dma_wait3A_421] : memref<4x512x32xbf16, #tpu.memory_space<vmem>> -> memref<1x512x32xbf16, #tpu.memory_space<vmem>>
      %dma_wait3A_423 = tpu.memref_squeeze %dma_wait3A_422 : memref<1x512x32xbf16, #tpu.memory_space<vmem>> -> memref<512x32xbf16, #tpu.memory_space<vmem>>
      %dma_wait3A_424 = arith.constant 0 : i32
      %dma_wait3A_425 = tpu.memref_slice %arg9[%rem3A_60, %dma_wait3A_419, %dma_wait3A_424] : memref<2x7x512xi32, #tpu.memory_space<vmem>> -> memref<1x1x512xi32, #tpu.memory_space<vmem>>
      %dma_wait3A_426 = tpu.memref_squeeze %dma_wait3A_425 : memref<1x1x512xi32, #tpu.memory_space<vmem>> -> memref<512xi32, #tpu.memory_space<vmem>>
      %dma_wait3A_427 = arith.constant 0 : i32
      %dma_wait3A_428 = arith.constant 0 : i32
      %dma_wait3A_429 = tpu.memref_slice %arg12[%dma_wait3A_427, %dma_wait3A_428] : memref<50176x32xbf16, #tpu.memory_space<vmem_shared>> -> memref<50176x32xbf16, #tpu.memory_space<vmem_shared>>
      tpu.wait_indirect_dma semaphore(%arg19 : memref<!tpu.dma_semaphore, #tpu.memory_space<semaphore_mem>>) src(%dma_wait3A_423 : memref<512x32xbf16, #tpu.memory_space<vmem>>) dst(%dma_wait3A_429 : memref<50176x32xbf16, #tpu.memory_space<vmem_shared>>)
    }
    %scan3A_50 = arith.constant 7 : i32
    %barrier3A_51 = arith.constant 0 : index
    tpu.barrier barrier_id(%barrier3A_51)
    %eq3A = arith.constant 0 : i32
    %eq3A_52 = arith.cmpi eq, %arg0, %eq3A : i32
    %convert_element_type3A = arith.extui %eq3A_52 : i1 to i32
    %cond3A = arith.constant 0 : i32
    %cond3A_53 = arith.cmpi ne, %convert_element_type3A, %cond3A : i32
    scf.if %cond3A_53 {
      "tpu.region"() ({
        %run_scoped3A = tpu.sem_alloc : memref<!tpu.dma_semaphore, #tpu.memory_space<semaphore_mem>>
        %dma_start3A_59 = arith.constant 0 : i32
        %dma_start3A_60 = tpu.memref_slice %arg6[%mul3A_0, %dma_start3A_59] : memref<50176x32xbf16, #tpu.memory_space<hbm>> -> memref<3136x32xbf16, #tpu.memory_space<hbm>>
        %dma_start3A_61 = arith.constant 0 : i32
        %dma_start3A_62 = tpu.memref_slice %arg12[%mul3A_0, %dma_start3A_61] : memref<50176x32xbf16, #tpu.memory_space<vmem_shared>> -> memref<3136x32xbf16, #tpu.memory_space<vmem_shared>>
        tpu.enqueue_dma source(%dma_start3A_62 : memref<3136x32xbf16, #tpu.memory_space<vmem_shared>>) target(%dma_start3A_60 : memref<3136x32xbf16, #tpu.memory_space<hbm>>) target_semaphore(%run_scoped3A : memref<!tpu.dma_semaphore, #tpu.memory_space<semaphore_mem>>)
        %dma_wait3A = arith.constant 0 : i32
        %dma_wait3A_63 = tpu.memref_slice %arg6[%mul3A_0, %dma_wait3A] : memref<50176x32xbf16, #tpu.memory_space<hbm>> -> memref<3136x32xbf16, #tpu.memory_space<hbm>>
        %dma_wait3A_64 = arith.constant 0 : i32
        %dma_wait3A_65 = tpu.memref_slice %arg12[%mul3A_0, %dma_wait3A_64] : memref<50176x32xbf16, #tpu.memory_space<vmem_shared>> -> memref<3136x32xbf16, #tpu.memory_space<vmem_shared>>
        tpu.wait_dma2 semaphore(%run_scoped3A : memref<!tpu.dma_semaphore, #tpu.memory_space<semaphore_mem>>) src(%dma_wait3A_65 : memref<3136x32xbf16, #tpu.memory_space<vmem_shared>>) dst(%dma_wait3A_63 : memref<3136x32xbf16, #tpu.memory_space<hbm>>)
        tpu.yield
      }) : () -> ()
    } else {
    }
    %eq3A_54 = arith.constant 1 : i32
    %eq3A_55 = arith.cmpi eq, %arg0, %eq3A_54 : i32
    %convert_element_type3A_56 = arith.extui %eq3A_55 : i1 to i32
    %cond3A_57 = arith.constant 0 : i32
    %cond3A_58 = arith.cmpi ne, %convert_element_type3A_56, %cond3A_57 : i32
    scf.if %cond3A_58 {
      "tpu.region"() ({
        %run_scoped3A = tpu.sem_alloc : memref<!tpu.dma_semaphore, #tpu.memory_space<semaphore_mem>>
        %dma_start3A_59 = arith.constant 0 : i32
        %dma_start3A_60 = tpu.memref_slice %arg7[%mul3A_0, %dma_start3A_59] : memref<50176x32xbf16, #tpu.memory_space<hbm>> -> memref<3136x32xbf16, #tpu.memory_space<hbm>>
        %dma_start3A_61 = arith.constant 0 : i32
        %dma_start3A_62 = tpu.memref_slice %arg12[%mul3A_0, %dma_start3A_61] : memref<50176x32xbf16, #tpu.memory_space<vmem_shared>> -> memref<3136x32xbf16, #tpu.memory_space<vmem_shared>>
        tpu.enqueue_dma source(%dma_start3A_62 : memref<3136x32xbf16, #tpu.memory_space<vmem_shared>>) target(%dma_start3A_60 : memref<3136x32xbf16, #tpu.memory_space<hbm>>) target_semaphore(%run_scoped3A : memref<!tpu.dma_semaphore, #tpu.memory_space<semaphore_mem>>)
        %dma_wait3A = arith.constant 0 : i32
        %dma_wait3A_63 = tpu.memref_slice %arg7[%mul3A_0, %dma_wait3A] : memref<50176x32xbf16, #tpu.memory_space<hbm>> -> memref<3136x32xbf16, #tpu.memory_space<hbm>>
        %dma_wait3A_64 = arith.constant 0 : i32
        %dma_wait3A_65 = tpu.memref_slice %arg12[%mul3A_0, %dma_wait3A_64] : memref<50176x32xbf16, #tpu.memory_space<vmem_shared>> -> memref<3136x32xbf16, #tpu.memory_space<vmem_shared>>
        tpu.wait_dma2 semaphore(%run_scoped3A : memref<!tpu.dma_semaphore, #tpu.memory_space<semaphore_mem>>) src(%dma_wait3A_65 : memref<3136x32xbf16, #tpu.memory_space<vmem_shared>>) dst(%dma_wait3A_63 : memref<3136x32xbf16, #tpu.memory_space<hbm>>)
        tpu.yield
      }) : () -> ()
    } else {
    }
    return
  }
}

#map = affine_map<(d0, d1) -> (0, 0)>
#map1 = affine_map<(d0, d1) -> (0, 0, 0)>
#map2 = affine_map<(d0, d1) -> (0)>
module attributes {stable_mosaic.version = 14 : i64} {
  func.func @edge_agg(%arg0: i32, %arg1: i32, %arg2: memref<50000x32xbf16, #tpu.memory_space<hbm>>, %arg3: memref<50000x32xbf16, #tpu.memory_space<hbm>>, %arg4: memref<16x98x512xi32, #tpu.memory_space<hbm>>, %arg5: memref<16x98x512xi32, #tpu.memory_space<hbm>>, %arg6: memref<256xi32, #tpu.memory_space<hbm>>, %arg7: memref<50176x32xbf16, #tpu.memory_space<hbm>>, %arg8: memref<50176x32xbf16, #tpu.memory_space<hbm>>, %arg9: memref<256x32xbf16, #tpu.memory_space<hbm>>, %arg10: memref<256x32xbf16, #tpu.memory_space<hbm>>, %arg11: memref<256x32xbf16, #tpu.memory_space<hbm>>, %arg12: memref<256x32xbf16, #tpu.memory_space<hbm>>, %arg13: memref<2x7x512xi32, #tpu.memory_space<vmem>>, %arg14: memref<2x7x512xi32, #tpu.memory_space<vmem>>, %arg15: memref<4x512x32xbf16, #tpu.memory_space<vmem>>, %arg16: memref<56x32xbf16, #tpu.memory_space<vmem>>, %arg17: memref<50176x32xbf16, #tpu.memory_space<vmem_shared>>, %arg18: memref<!tpu.dma_semaphore, #tpu.memory_space<semaphore_mem>>, %arg19: memref<!tpu.dma_semaphore, #tpu.memory_space<semaphore_mem>>, %arg20: memref<!tpu.dma_semaphore, #tpu.memory_space<semaphore_mem>>, %arg21: memref<!tpu.dma_semaphore, #tpu.memory_space<semaphore_mem>>, %arg22: memref<!tpu.dma_semaphore, #tpu.memory_space<semaphore_mem>>, %arg23: memref<!tpu.dma_semaphore, #tpu.memory_space<semaphore_mem>>, %arg24: memref<!tpu.dma_semaphore, #tpu.memory_space<semaphore_mem>>, %arg25: memref<!tpu.dma_semaphore, #tpu.memory_space<semaphore_mem>>, %arg26: memref<!tpu.dma_semaphore, #tpu.memory_space<semaphore_mem>>, %arg27: memref<16xi32, #tpu.memory_space<vmem>>, %arg28: memref<16x32xbf16, #tpu.memory_space<vmem>>) attributes {dimension_semantics = [#tpu.dimension_semantics<core_parallel>, #tpu.dimension_semantics<subcore_parallel>], iteration_bounds = array<i64: 2, 16>, scalar_prefetch = 0 : i64, scratch_operands = 16 : i64, tpu.core_type = #tpu.core_type<sc_vector_subcore>, window_params = [{transform_indices = #map}, {transform_indices = #map}, {transform_indices = #map1}, {transform_indices = #map1}, {transform_indices = #map2}, {transform_indices = #map}, {transform_indices = #map}, {transform_indices = #map}, {transform_indices = #map}, {transform_indices = #map}, {transform_indices = #map}]} {
    %mul3A = arith.constant 3136 : i32
    %mul3A_0 = arith.muli %arg1, %mul3A : i32
    %broadcast_in_dim3A = arith.constant 0.000000e+00 : bf16
    %broadcast_in_dim3A_1 = vector.broadcast %broadcast_in_dim3A : bf16 to vector<32xbf16>
    %scan3A = arith.constant 0 : i32
    %scan3A_2 = arith.constant 0 : i32
    %scan3A_3 = arith.constant 56 : i32
    %scan3A_4 = arith.addi %scan3A_2, %scan3A_3 : i32
    %scan3A_5 = arith.constant 1 : i32
    scf.for %scan3A_47 = %scan3A_2 to %scan3A_4 step %scan3A_5  : i32 {
      %swap3A = arith.index_cast %scan3A_47 : i32 to index
      %swap3A_48 = arith.constant 0 : index
      %swap3A_49 = tpu.vector_load %arg16[%swap3A, %swap3A_48] {strides = array<i32>} : memref<56x32xbf16, #tpu.memory_space<vmem>>, vector<1x32xbf16>,
      %swap3A_50 = vector.shape_cast %swap3A_49 : vector<1x32xbf16> to vector<32xbf16>
      %swap3A_51 = vector.shape_cast %broadcast_in_dim3A_1 : vector<32xbf16> to vector<1x32xbf16>
      tpu.vector_store %arg16[%swap3A, %swap3A_48], %swap3A_51 {strides = array<i32>} : memref<56x32xbf16, #tpu.memory_space<vmem>>, vector<1x32xbf16>,
    }
    %scan3A_6 = arith.constant 56 : i32
    %scan3A_7 = arith.constant 0 : i32
    %scan3A_8 = arith.constant 0 : i32
    %scan3A_9 = arith.constant 56 : i32
    %scan3A_10 = arith.addi %scan3A_8, %scan3A_9 : i32
    %scan3A_11 = arith.constant 1 : i32
    scf.for %scan3A_47 = %scan3A_8 to %scan3A_10 step %scan3A_11  : i32 {
      %mul3A_48 = arith.constant 56 : i32
      %mul3A_49 = arith.muli %scan3A_47, %mul3A_48 : i32
      %add3A = arith.addi %mul3A_0, %mul3A_49 : i32
      "tpu.region"() ({
        %run_scoped3A = tpu.sem_alloc : memref<!tpu.dma_semaphore, #tpu.memory_space<semaphore_mem>>
        %dma_start3A_50 = arith.constant 0 : i32
        %dma_start3A_51 = tpu.memref_slice %arg17[%add3A, %dma_start3A_50] : memref<50176x32xbf16, #tpu.memory_space<vmem_shared>> -> memref<56x32xbf16, #tpu.memory_space<vmem_shared>>
        %dma_start3A_52 = arith.constant 0 : i32
        %dma_start3A_53 = tpu.memref_slice %arg17[%add3A, %dma_start3A_52] : memref<50176x32xbf16, #tpu.memory_space<vmem_shared>> -> memref<56x32xbf16, #tpu.memory_space<vmem_shared>>
        tpu.enqueue_dma source(%arg16 : memref<56x32xbf16, #tpu.memory_space<vmem>>) target(%dma_start3A_53 : memref<56x32xbf16, #tpu.memory_space<vmem_shared>>) target_semaphore(%run_scoped3A : memref<!tpu.dma_semaphore, #tpu.memory_space<semaphore_mem>>)
        %dma_wait3A_54 = arith.constant 0 : i32
        %dma_wait3A_55 = tpu.memref_slice %arg17[%add3A, %dma_wait3A_54] : memref<50176x32xbf16, #tpu.memory_space<vmem_shared>> -> memref<56x32xbf16, #tpu.memory_space<vmem_shared>>
        %dma_wait3A_56 = arith.constant 0 : i32
        %dma_wait3A_57 = tpu.memref_slice %arg17[%add3A, %dma_wait3A_56] : memref<50176x32xbf16, #tpu.memory_space<vmem_shared>> -> memref<56x32xbf16, #tpu.memory_space<vmem_shared>>
        tpu.wait_dma2 semaphore(%run_scoped3A : memref<!tpu.dma_semaphore, #tpu.memory_space<semaphore_mem>>) src(%arg16 : memref<56x32xbf16, #tpu.memory_space<vmem>>) dst(%dma_wait3A_57 : memref<56x32xbf16, #tpu.memory_space<vmem_shared>>)
        tpu.yield
      }) : () -> ()
    }
    %scan3A_12 = arith.constant 56 : i32
    %barrier3A = arith.constant 0 : index
    tpu.barrier barrier_id(%barrier3A)
    %eq3A = arith.constant 0 : i32
    %eq3A_13 = arith.cmpi eq, %arg0, %eq3A : i32
    %convert_element_type3A = arith.extui %eq3A_13 : i1 to i32
    %cond3A = arith.constant 0 : i32
    %cond3A_14 = arith.cmpi ne, %convert_element_type3A, %cond3A : i32
    scf.if %cond3A_14 {
      %dma_start3A_47 = arith.constant 0 : i32
      %dma_start3A_48 = arith.constant 0 : i32
      %dma_start3A_49 = arith.constant 0 : i32
      %dma_start3A_50 = tpu.memref_slice %arg13[%dma_start3A_47, %dma_start3A_48, %dma_start3A_49] : memref<2x7x512xi32, #tpu.memory_space<vmem>> -> memref<1x7x512xi32, #tpu.memory_space<vmem>>
      %dma_start3A_51 = tpu.memref_squeeze %dma_start3A_50 : memref<1x7x512xi32, #tpu.memory_space<vmem>> -> memref<7x512xi32, #tpu.memory_space<vmem>>
      %dma_start3A_52 = arith.constant 0 : i32
      %dma_start3A_53 = arith.constant 0 : i32
      %dma_start3A_54 = tpu.memref_slice %arg4[%arg1, %dma_start3A_52, %dma_start3A_53] : memref<16x98x512xi32, #tpu.memory_space<hbm>> -> memref<1x7x512xi32, #tpu.memory_space<hbm>>
      %dma_start3A_55 = tpu.memref_squeeze %dma_start3A_54 : memref<1x7x512xi32, #tpu.memory_space<hbm>> -> memref<7x512xi32, #tpu.memory_space<hbm>>
      %dma_start3A_56 = arith.constant 0 : i32
      %dma_start3A_57 = arith.constant 0 : i32
      %dma_start3A_58 = tpu.memref_slice %arg13[%dma_start3A_47, %dma_start3A_56, %dma_start3A_57] : memref<2x7x512xi32, #tpu.memory_space<vmem>> -> memref<1x7x512xi32, #tpu.memory_space<vmem>>
      %dma_start3A_59 = tpu.memref_squeeze %dma_start3A_58 : memref<1x7x512xi32, #tpu.memory_space<vmem>> -> memref<7x512xi32, #tpu.memory_space<vmem>>
      %dma_start3A_60 = arith.constant 0 : i32
      %dma_start3A_61 = arith.constant 0 : i32
      %dma_start3A_62 = tpu.memref_slice %arg4[%arg1, %dma_start3A_60, %dma_start3A_61] : memref<16x98x512xi32, #tpu.memory_space<hbm>> -> memref<1x7x512xi32, #tpu.memory_space<hbm>>
      %dma_start3A_63 = tpu.memref_squeeze %dma_start3A_62 : memref<1x7x512xi32, #tpu.memory_space<hbm>> -> memref<7x512xi32, #tpu.memory_space<hbm>>
      tpu.enqueue_dma source(%dma_start3A_63 : memref<7x512xi32, #tpu.memory_space<hbm>>) target(%dma_start3A_59 : memref<7x512xi32, #tpu.memory_space<vmem>>) target_semaphore(%arg26 : memref<!tpu.dma_semaphore, #tpu.memory_space<semaphore_mem>>)
      %dma_start3A_64 = arith.constant 0 : i32
      %dma_start3A_65 = arith.constant 0 : i32
      %dma_start3A_66 = arith.constant 0 : i32
      %dma_start3A_67 = tpu.memref_slice %arg14[%dma_start3A_64, %dma_start3A_65, %dma_start3A_66] : memref<2x7x512xi32, #tpu.memory_space<vmem>> -> memref<1x7x512xi32, #tpu.memory_space<vmem>>
      %dma_start3A_68 = tpu.memref_squeeze %dma_start3A_67 : memref<1x7x512xi32, #tpu.memory_space<vmem>> -> memref<7x512xi32, #tpu.memory_space<vmem>>
      %dma_start3A_69 = arith.constant 0 : i32
      %dma_start3A_70 = arith.constant 0 : i32
      %dma_start3A_71 = tpu.memref_slice %arg5[%arg1, %dma_start3A_69, %dma_start3A_70] : memref<16x98x512xi32, #tpu.memory_space<hbm>> -> memref<1x7x512xi32, #tpu.memory_space<hbm>>
      %dma_start3A_72 = tpu.memref_squeeze %dma_start3A_71 : memref<1x7x512xi32, #tpu.memory_space<hbm>> -> memref<7x512xi32, #tpu.memory_space<hbm>>
      %dma_start3A_73 = arith.constant 0 : i32
      %dma_start3A_74 = arith.constant 0 : i32
      %dma_start3A_75 = tpu.memref_slice %arg14[%dma_start3A_64, %dma_start3A_73, %dma_start3A_74] : memref<2x7x512xi32, #tpu.memory_space<vmem>> -> memref<1x7x512xi32, #tpu.memory_space<vmem>>
      %dma_start3A_76 = tpu.memref_squeeze %dma_start3A_75 : memref<1x7x512xi32, #tpu.memory_space<vmem>> -> memref<7x512xi32, #tpu.memory_space<vmem>>
      %dma_start3A_77 = arith.constant 0 : i32
      %dma_start3A_78 = arith.constant 0 : i32
      %dma_start3A_79 = tpu.memref_slice %arg5[%arg1, %dma_start3A_77, %dma_start3A_78] : memref<16x98x512xi32, #tpu.memory_space<hbm>> -> memref<1x7x512xi32, #tpu.memory_space<hbm>>
      %dma_start3A_80 = tpu.memref_squeeze %dma_start3A_79 : memref<1x7x512xi32, #tpu.memory_space<hbm>> -> memref<7x512xi32, #tpu.memory_space<hbm>>
      tpu.enqueue_dma source(%dma_start3A_80 : memref<7x512xi32, #tpu.memory_space<hbm>>) target(%dma_start3A_76 : memref<7x512xi32, #tpu.memory_space<vmem>>) target_semaphore(%arg26 : memref<!tpu.dma_semaphore, #tpu.memory_space<semaphore_mem>>)
      %scan3A_81 = arith.constant 0 : i32
      %scan3A_82 = arith.constant 0 : i32
      %scan3A_83 = arith.constant 14 : i32
      %scan3A_84 = arith.addi %scan3A_82, %scan3A_83 : i32
      %scan3A_85 = arith.constant 1 : i32
      scf.for %scan3A_87 = %scan3A_82 to %scan3A_84 step %scan3A_85  : i32 {
        %rem3A = arith.constant 2 : i32
        %rem3A_88 = arith.remsi %scan3A_87, %rem3A : i32
        %add3A = arith.constant 1 : i32
        %add3A_89 = arith.addi %scan3A_87, %add3A : i32
        %lt3A = arith.constant 14 : i32
        %lt3A_90 = arith.cmpi slt, %add3A_89, %lt3A : i32
        %convert_element_type3A_91 = arith.extui %lt3A_90 : i1 to i32
        %cond3A_92 = arith.constant 0 : i32
        %cond3A_93 = arith.cmpi ne, %convert_element_type3A_91, %cond3A_92 : i32
        scf.if %cond3A_93 {
          %add3A_462 = arith.constant 1 : i32
          %add3A_463 = arith.addi %scan3A_87, %add3A_462 : i32
          %sub3A = arith.constant 1 : i32
          %sub3A_464 = arith.subi %sub3A, %rem3A_88 : i32
          %mul3A_465 = arith.constant 7 : i32
          %mul3A_466 = arith.muli %add3A_463, %mul3A_465 : i32
          %add3A_467 = arith.constant 0 : i32
          %add3A_468 = arith.addi %add3A_467, %mul3A_466 : i32
          %dma_start3A_469 = arith.constant 0 : i32
          %dma_start3A_470 = arith.constant 0 : i32
          %dma_start3A_471 = tpu.memref_slice %arg13[%sub3A_464, %dma_start3A_469, %dma_start3A_470] : memref<2x7x512xi32, #tpu.memory_space<vmem>> -> memref<1x7x512xi32, #tpu.memory_space<vmem>>
          %dma_start3A_472 = tpu.memref_squeeze %dma_start3A_471 : memref<1x7x512xi32, #tpu.memory_space<vmem>> -> memref<7x512xi32, #tpu.memory_space<vmem>>
          %dma_start3A_473 = arith.constant 0 : i32
          %dma_start3A_474 = tpu.memref_slice %arg4[%arg1, %add3A_468, %dma_start3A_473] : memref<16x98x512xi32, #tpu.memory_space<hbm>> -> memref<1x7x512xi32, #tpu.memory_space<hbm>>
          %dma_start3A_475 = tpu.memref_squeeze %dma_start3A_474 : memref<1x7x512xi32, #tpu.memory_space<hbm>> -> memref<7x512xi32, #tpu.memory_space<hbm>>
          %dma_start3A_476 = arith.constant 0 : i32
          %dma_start3A_477 = arith.constant 0 : i32
          %dma_start3A_478 = tpu.memref_slice %arg13[%sub3A_464, %dma_start3A_476, %dma_start3A_477] : memref<2x7x512xi32, #tpu.memory_space<vmem>> -> memref<1x7x512xi32, #tpu.memory_space<vmem>>
          %dma_start3A_479 = tpu.memref_squeeze %dma_start3A_478 : memref<1x7x512xi32, #tpu.memory_space<vmem>> -> memref<7x512xi32, #tpu.memory_space<vmem>>
          %dma_start3A_480 = arith.constant 0 : i32
          %dma_start3A_481 = tpu.memref_slice %arg4[%arg1, %add3A_468, %dma_start3A_480] : memref<16x98x512xi32, #tpu.memory_space<hbm>> -> memref<1x7x512xi32, #tpu.memory_space<hbm>>
          %dma_start3A_482 = tpu.memref_squeeze %dma_start3A_481 : memref<1x7x512xi32, #tpu.memory_space<hbm>> -> memref<7x512xi32, #tpu.memory_space<hbm>>
          tpu.enqueue_dma source(%dma_start3A_482 : memref<7x512xi32, #tpu.memory_space<hbm>>) target(%dma_start3A_479 : memref<7x512xi32, #tpu.memory_space<vmem>>) target_semaphore(%arg26 : memref<!tpu.dma_semaphore, #tpu.memory_space<semaphore_mem>>)
          %dma_start3A_483 = arith.constant 0 : i32
          %dma_start3A_484 = arith.constant 0 : i32
          %dma_start3A_485 = tpu.memref_slice %arg14[%sub3A_464, %dma_start3A_483, %dma_start3A_484] : memref<2x7x512xi32, #tpu.memory_space<vmem>> -> memref<1x7x512xi32, #tpu.memory_space<vmem>>
          %dma_start3A_486 = tpu.memref_squeeze %dma_start3A_485 : memref<1x7x512xi32, #tpu.memory_space<vmem>> -> memref<7x512xi32, #tpu.memory_space<vmem>>
          %dma_start3A_487 = arith.constant 0 : i32
          %dma_start3A_488 = tpu.memref_slice %arg5[%arg1, %add3A_468, %dma_start3A_487] : memref<16x98x512xi32, #tpu.memory_space<hbm>> -> memref<1x7x512xi32, #tpu.memory_space<hbm>>
          %dma_start3A_489 = tpu.memref_squeeze %dma_start3A_488 : memref<1x7x512xi32, #tpu.memory_space<hbm>> -> memref<7x512xi32, #tpu.memory_space<hbm>>
          %dma_start3A_490 = arith.constant 0 : i32
          %dma_start3A_491 = arith.constant 0 : i32
          %dma_start3A_492 = tpu.memref_slice %arg14[%sub3A_464, %dma_start3A_490, %dma_start3A_491] : memref<2x7x512xi32, #tpu.memory_space<vmem>> -> memref<1x7x512xi32, #tpu.memory_space<vmem>>
          %dma_start3A_493 = tpu.memref_squeeze %dma_start3A_492 : memref<1x7x512xi32, #tpu.memory_space<vmem>> -> memref<7x512xi32, #tpu.memory_space<vmem>>
          %dma_start3A_494 = arith.constant 0 : i32
          %dma_start3A_495 = tpu.memref_slice %arg5[%arg1, %add3A_468, %dma_start3A_494] : memref<16x98x512xi32, #tpu.memory_space<hbm>> -> memref<1x7x512xi32, #tpu.memory_space<hbm>>
          %dma_start3A_496 = tpu.memref_squeeze %dma_start3A_495 : memref<1x7x512xi32, #tpu.memory_space<hbm>> -> memref<7x512xi32, #tpu.memory_space<hbm>>
          tpu.enqueue_dma source(%dma_start3A_496 : memref<7x512xi32, #tpu.memory_space<hbm>>) target(%dma_start3A_493 : memref<7x512xi32, #tpu.memory_space<vmem>>) target_semaphore(%arg26 : memref<!tpu.dma_semaphore, #tpu.memory_space<semaphore_mem>>)
        } else {
        }
        %dma_wait3A_94 = arith.constant 0 : i32
        %dma_wait3A_95 = arith.constant 0 : i32
        %dma_wait3A_96 = tpu.memref_slice %arg13[%rem3A_88, %dma_wait3A_94, %dma_wait3A_95] : memref<2x7x512xi32, #tpu.memory_space<vmem>> -> memref<1x7x512xi32, #tpu.memory_space<vmem>>
        %dma_wait3A_97 = tpu.memref_squeeze %dma_wait3A_96 : memref<1x7x512xi32, #tpu.memory_space<vmem>> -> memref<7x512xi32, #tpu.memory_space<vmem>>
        %dma_wait3A_98 = arith.constant 0 : i32
        %dma_wait3A_99 = arith.constant 0 : i32
        %dma_wait3A_100 = tpu.memref_slice %arg4[%arg1, %dma_wait3A_98, %dma_wait3A_99] : memref<16x98x512xi32, #tpu.memory_space<hbm>> -> memref<1x7x512xi32, #tpu.memory_space<hbm>>
        %dma_wait3A_101 = tpu.memref_squeeze %dma_wait3A_100 : memref<1x7x512xi32, #tpu.memory_space<hbm>> -> memref<7x512xi32, #tpu.memory_space<hbm>>
        %dma_wait3A_102 = arith.constant 0 : i32
        %dma_wait3A_103 = arith.constant 0 : i32
        %dma_wait3A_104 = tpu.memref_slice %arg13[%rem3A_88, %dma_wait3A_102, %dma_wait3A_103] : memref<2x7x512xi32, #tpu.memory_space<vmem>> -> memref<1x7x512xi32, #tpu.memory_space<vmem>>
        %dma_wait3A_105 = tpu.memref_squeeze %dma_wait3A_104 : memref<1x7x512xi32, #tpu.memory_space<vmem>> -> memref<7x512xi32, #tpu.memory_space<vmem>>
        %dma_wait3A_106 = arith.constant 0 : i32
        %dma_wait3A_107 = arith.constant 0 : i32
        %dma_wait3A_108 = tpu.memref_slice %arg4[%arg1, %dma_wait3A_106, %dma_wait3A_107] : memref<16x98x512xi32, #tpu.memory_space<hbm>> -> memref<1x7x512xi32, #tpu.memory_space<hbm>>
        %dma_wait3A_109 = tpu.memref_squeeze %dma_wait3A_108 : memref<1x7x512xi32, #tpu.memory_space<hbm>> -> memref<7x512xi32, #tpu.memory_space<hbm>>
        tpu.wait_dma2 semaphore(%arg26 : memref<!tpu.dma_semaphore, #tpu.memory_space<semaphore_mem>>) src(%dma_wait3A_109 : memref<7x512xi32, #tpu.memory_space<hbm>>) dst(%dma_wait3A_105 : memref<7x512xi32, #tpu.memory_space<vmem>>)
        %dma_wait3A_110 = arith.constant 0 : i32
        %dma_wait3A_111 = arith.constant 0 : i32
        %dma_wait3A_112 = tpu.memref_slice %arg14[%rem3A_88, %dma_wait3A_110, %dma_wait3A_111] : memref<2x7x512xi32, #tpu.memory_space<vmem>> -> memref<1x7x512xi32, #tpu.memory_space<vmem>>
        %dma_wait3A_113 = tpu.memref_squeeze %dma_wait3A_112 : memref<1x7x512xi32, #tpu.memory_space<vmem>> -> memref<7x512xi32, #tpu.memory_space<vmem>>
        %dma_wait3A_114 = arith.constant 0 : i32
        %dma_wait3A_115 = arith.constant 0 : i32
        %dma_wait3A_116 = tpu.memref_slice %arg5[%arg1, %dma_wait3A_114, %dma_wait3A_115] : memref<16x98x512xi32, #tpu.memory_space<hbm>> -> memref<1x7x512xi32, #tpu.memory_space<hbm>>
        %dma_wait3A_117 = tpu.memref_squeeze %dma_wait3A_116 : memref<1x7x512xi32, #tpu.memory_space<hbm>> -> memref<7x512xi32, #tpu.memory_space<hbm>>
        %dma_wait3A_118 = arith.constant 0 : i32
        %dma_wait3A_119 = arith.constant 0 : i32
        %dma_wait3A_120 = tpu.memref_slice %arg14[%rem3A_88, %dma_wait3A_118, %dma_wait3A_119] : memref<2x7x512xi32, #tpu.memory_space<vmem>> -> memref<1x7x512xi32, #tpu.memory_space<vmem>>
        %dma_wait3A_121 = tpu.memref_squeeze %dma_wait3A_120 : memref<1x7x512xi32, #tpu.memory_space<vmem>> -> memref<7x512xi32, #tpu.memory_space<vmem>>
        %dma_wait3A_122 = arith.constant 0 : i32
        %dma_wait3A_123 = arith.constant 0 : i32
        %dma_wait3A_124 = tpu.memref_slice %arg5[%arg1, %dma_wait3A_122, %dma_wait3A_123] : memref<16x98x512xi32, #tpu.memory_space<hbm>> -> memref<1x7x512xi32, #tpu.memory_space<hbm>>
        %dma_wait3A_125 = tpu.memref_squeeze %dma_wait3A_124 : memref<1x7x512xi32, #tpu.memory_space<hbm>> -> memref<7x512xi32, #tpu.memory_space<hbm>>
        tpu.wait_dma2 semaphore(%arg26 : memref<!tpu.dma_semaphore, #tpu.memory_space<semaphore_mem>>) src(%dma_wait3A_125 : memref<7x512xi32, #tpu.memory_space<hbm>>) dst(%dma_wait3A_121 : memref<7x512xi32, #tpu.memory_space<vmem>>)
        %dma_start3A_126 = arith.constant 0 : i32
        %dma_start3A_127 = arith.constant 0 : i32
        %dma_start3A_128 = arith.constant 0 : i32
        %dma_start3A_129 = arith.constant 0 : i32
        %dma_start3A_130 = tpu.memref_slice %arg15[%dma_start3A_127, %dma_start3A_128, %dma_start3A_129] : memref<4x512x32xbf16, #tpu.memory_space<vmem>> -> memref<1x512x32xbf16, #tpu.memory_space<vmem>>
        %dma_start3A_131 = tpu.memref_squeeze %dma_start3A_130 : memref<1x512x32xbf16, #tpu.memory_space<vmem>> -> memref<512x32xbf16, #tpu.memory_space<vmem>>
        %dma_start3A_132 = arith.constant 0 : i32
        %dma_start3A_133 = tpu.memref_slice %arg13[%rem3A_88, %dma_start3A_126, %dma_start3A_132] : memref<2x7x512xi32, #tpu.memory_space<vmem>> -> memref<1x1x512xi32, #tpu.memory_space<vmem>>
        %dma_start3A_134 = tpu.memref_squeeze %dma_start3A_133 : memref<1x1x512xi32, #tpu.memory_space<vmem>> -> memref<512xi32, #tpu.memory_space<vmem>>
        %dma_start3A_135 = arith.constant 0 : i32
        %dma_start3A_136 = arith.constant 0 : i32
        %dma_start3A_137 = tpu.memref_slice %arg2[%dma_start3A_135, %dma_start3A_136] : memref<50000x32xbf16, #tpu.memory_space<hbm>> -> memref<50000x32xbf16, #tpu.memory_space<hbm>>
        tpu.enqueue_indirect_dma source(%dma_start3A_137 : memref<50000x32xbf16, #tpu.memory_space<hbm>>) target(%dma_start3A_131 : memref<512x32xbf16, #tpu.memory_space<vmem>>) offsets(%dma_start3A_134 : memref<512xi32, #tpu.memory_space<vmem>>) semaphore(%arg18 : memref<!tpu.dma_semaphore, #tpu.memory_space<semaphore_mem>>)
        %dma_start3A_138 = arith.constant 1 : i32
        %dma_start3A_139 = arith.constant 1 : i32
        %dma_start3A_140 = arith.constant 0 : i32
        %dma_start3A_141 = arith.constant 0 : i32
        %dma_start3A_142 = tpu.memref_slice %arg15[%dma_start3A_139, %dma_start3A_140, %dma_start3A_141] : memref<4x512x32xbf16, #tpu.memory_space<vmem>> -> memref<1x512x32xbf16, #tpu.memory_space<vmem>>
        %dma_start3A_143 = tpu.memref_squeeze %dma_start3A_142 : memref<1x512x32xbf16, #tpu.memory_space<vmem>> -> memref<512x32xbf16, #tpu.memory_space<vmem>>
        %dma_start3A_144 = arith.constant 0 : i32
        %dma_start3A_145 = tpu.memref_slice %arg13[%rem3A_88, %dma_start3A_138, %dma_start3A_144] : memref<2x7x512xi32, #tpu.memory_space<vmem>> -> memref<1x1x512xi32, #tpu.memory_space<vmem>>
        %dma_start3A_146 = tpu.memref_squeeze %dma_start3A_145 : memref<1x1x512xi32, #tpu.memory_space<vmem>> -> memref<512xi32, #tpu.memory_space<vmem>>
        %dma_start3A_147 = arith.constant 0 : i32
        %dma_start3A_148 = arith.constant 0 : i32
        %dma_start3A_149 = tpu.memref_slice %arg2[%dma_start3A_147, %dma_start3A_148] : memref<50000x32xbf16, #tpu.memory_space<hbm>> -> memref<50000x32xbf16, #tpu.memory_space<hbm>>
        tpu.enqueue_indirect_dma source(%dma_start3A_149 : memref<50000x32xbf16, #tpu.memory_space<hbm>>) target(%dma_start3A_143 : memref<512x32xbf16, #tpu.memory_space<vmem>>) offsets(%dma_start3A_146 : memref<512xi32, #tpu.memory_space<vmem>>) semaphore(%arg19 : memref<!tpu.dma_semaphore, #tpu.memory_space<semaphore_mem>>)
        %dma_start3A_150 = arith.constant 2 : i32
        %dma_start3A_151 = arith.constant 2 : i32
        %dma_start3A_152 = arith.constant 0 : i32
        %dma_start3A_153 = arith.constant 0 : i32
        %dma_start3A_154 = tpu.memref_slice %arg15[%dma_start3A_151, %dma_start3A_152, %dma_start3A_153] : memref<4x512x32xbf16, #tpu.memory_space<vmem>> -> memref<1x512x32xbf16, #tpu.memory_space<vmem>>
        %dma_start3A_155 = tpu.memref_squeeze %dma_start3A_154 : memref<1x512x32xbf16, #tpu.memory_space<vmem>> -> memref<512x32xbf16, #tpu.memory_space<vmem>>
        %dma_start3A_156 = arith.constant 0 : i32
        %dma_start3A_157 = tpu.memref_slice %arg13[%rem3A_88, %dma_start3A_150, %dma_start3A_156] : memref<2x7x512xi32, #tpu.memory_space<vmem>> -> memref<1x1x512xi32, #tpu.memory_space<vmem>>
        %dma_start3A_158 = tpu.memref_squeeze %dma_start3A_157 : memref<1x1x512xi32, #tpu.memory_space<vmem>> -> memref<512xi32, #tpu.memory_space<vmem>>
        %dma_start3A_159 = arith.constant 0 : i32
        %dma_start3A_160 = arith.constant 0 : i32
        %dma_start3A_161 = tpu.memref_slice %arg2[%dma_start3A_159, %dma_start3A_160] : memref<50000x32xbf16, #tpu.memory_space<hbm>> -> memref<50000x32xbf16, #tpu.memory_space<hbm>>
        tpu.enqueue_indirect_dma source(%dma_start3A_161 : memref<50000x32xbf16, #tpu.memory_space<hbm>>) target(%dma_start3A_155 : memref<512x32xbf16, #tpu.memory_space<vmem>>) offsets(%dma_start3A_158 : memref<512xi32, #tpu.memory_space<vmem>>) semaphore(%arg20 : memref<!tpu.dma_semaphore, #tpu.memory_space<semaphore_mem>>)
        %dma_start3A_162 = arith.constant 3 : i32
        %dma_start3A_163 = arith.constant 3 : i32
        %dma_start3A_164 = arith.constant 0 : i32
        %dma_start3A_165 = arith.constant 0 : i32
        %dma_start3A_166 = tpu.memref_slice %arg15[%dma_start3A_163, %dma_start3A_164, %dma_start3A_165] : memref<4x512x32xbf16, #tpu.memory_space<vmem>> -> memref<1x512x32xbf16, #tpu.memory_space<vmem>>
        %dma_start3A_167 = tpu.memref_squeeze %dma_start3A_166 : memref<1x512x32xbf16, #tpu.memory_space<vmem>> -> memref<512x32xbf16, #tpu.memory_space<vmem>>
        %dma_start3A_168 = arith.constant 0 : i32
        %dma_start3A_169 = tpu.memref_slice %arg13[%rem3A_88, %dma_start3A_162, %dma_start3A_168] : memref<2x7x512xi32, #tpu.memory_space<vmem>> -> memref<1x1x512xi32, #tpu.memory_space<vmem>>
        %dma_start3A_170 = tpu.memref_squeeze %dma_start3A_169 : memref<1x1x512xi32, #tpu.memory_space<vmem>> -> memref<512xi32, #tpu.memory_space<vmem>>
        %dma_start3A_171 = arith.constant 0 : i32
        %dma_start3A_172 = arith.constant 0 : i32
        %dma_start3A_173 = tpu.memref_slice %arg2[%dma_start3A_171, %dma_start3A_172] : memref<50000x32xbf16, #tpu.memory_space<hbm>> -> memref<50000x32xbf16, #tpu.memory_space<hbm>>
        tpu.enqueue_indirect_dma source(%dma_start3A_173 : memref<50000x32xbf16, #tpu.memory_space<hbm>>) target(%dma_start3A_167 : memref<512x32xbf16, #tpu.memory_space<vmem>>) offsets(%dma_start3A_170 : memref<512xi32, #tpu.memory_space<vmem>>) semaphore(%arg21 : memref<!tpu.dma_semaphore, #tpu.memory_space<semaphore_mem>>)
        %dma_wait3A_174 = arith.constant 0 : i32
        %dma_wait3A_175 = arith.constant 0 : i32
        %dma_wait3A_176 = arith.constant 0 : i32
        %dma_wait3A_177 = arith.constant 0 : i32
        %dma_wait3A_178 = tpu.memref_slice %arg15[%dma_wait3A_175, %dma_wait3A_176, %dma_wait3A_177] : memref<4x512x32xbf16, #tpu.memory_space<vmem>> -> memref<1x512x32xbf16, #tpu.memory_space<vmem>>
        %dma_wait3A_179 = tpu.memref_squeeze %dma_wait3A_178 : memref<1x512x32xbf16, #tpu.memory_space<vmem>> -> memref<512x32xbf16, #tpu.memory_space<vmem>>
        %dma_wait3A_180 = arith.constant 0 : i32
        %dma_wait3A_181 = tpu.memref_slice %arg13[%rem3A_88, %dma_wait3A_174, %dma_wait3A_180] : memref<2x7x512xi32, #tpu.memory_space<vmem>> -> memref<1x1x512xi32, #tpu.memory_space<vmem>>
        %dma_wait3A_182 = tpu.memref_squeeze %dma_wait3A_181 : memref<1x1x512xi32, #tpu.memory_space<vmem>> -> memref<512xi32, #tpu.memory_space<vmem>>
        %dma_wait3A_183 = arith.constant 0 : i32
        %dma_wait3A_184 = arith.constant 0 : i32
        %dma_wait3A_185 = tpu.memref_slice %arg2[%dma_wait3A_183, %dma_wait3A_184] : memref<50000x32xbf16, #tpu.memory_space<hbm>> -> memref<50000x32xbf16, #tpu.memory_space<hbm>>
        tpu.wait_indirect_dma semaphore(%arg18 : memref<!tpu.dma_semaphore, #tpu.memory_space<semaphore_mem>>) src(%dma_wait3A_185 : memref<50000x32xbf16, #tpu.memory_space<hbm>>) dst(%dma_wait3A_179 : memref<512x32xbf16, #tpu.memory_space<vmem>>)
        %dma_start3A_186 = arith.constant 0 : i32
        %dma_start3A_187 = arith.constant 0 : i32
        %dma_start3A_188 = arith.constant 0 : i32
        %dma_start3A_189 = arith.constant 0 : i32
        %dma_start3A_190 = tpu.memref_slice %arg15[%dma_start3A_186, %dma_start3A_188, %dma_start3A_189] : memref<4x512x32xbf16, #tpu.memory_space<vmem>> -> memref<1x512x32xbf16, #tpu.memory_space<vmem>>
        %dma_start3A_191 = tpu.memref_squeeze %dma_start3A_190 : memref<1x512x32xbf16, #tpu.memory_space<vmem>> -> memref<512x32xbf16, #tpu.memory_space<vmem>>
        %dma_start3A_192 = arith.constant 0 : i32
        %dma_start3A_193 = tpu.memref_slice %arg14[%rem3A_88, %dma_start3A_187, %dma_start3A_192] : memref<2x7x512xi32, #tpu.memory_space<vmem>> -> memref<1x1x512xi32, #tpu.memory_space<vmem>>
        %dma_start3A_194 = tpu.memref_squeeze %dma_start3A_193 : memref<1x1x512xi32, #tpu.memory_space<vmem>> -> memref<512xi32, #tpu.memory_space<vmem>>
        %dma_start3A_195 = arith.constant 0 : i32
        %dma_start3A_196 = arith.constant 0 : i32
        %dma_start3A_197 = tpu.memref_slice %arg17[%dma_start3A_195, %dma_start3A_196] : memref<50176x32xbf16, #tpu.memory_space<vmem_shared>> -> memref<50176x32xbf16, #tpu.memory_space<vmem_shared>>
        tpu.enqueue_indirect_dma source(%dma_start3A_191 : memref<512x32xbf16, #tpu.memory_space<vmem>>) target(%dma_start3A_197 : memref<50176x32xbf16, #tpu.memory_space<vmem_shared>>) offsets(%dma_start3A_194 : memref<512xi32, #tpu.memory_space<vmem>>) semaphore(%arg22 : memref<!tpu.dma_semaphore, #tpu.memory_space<semaphore_mem>>) {add = true}
        %dma_wait3A_198 = arith.constant 1 : i32
        %dma_wait3A_199 = arith.constant 1 : i32
        %dma_wait3A_200 = arith.constant 0 : i32
        %dma_wait3A_201 = arith.constant 0 : i32
        %dma_wait3A_202 = tpu.memref_slice %arg15[%dma_wait3A_199, %dma_wait3A_200, %dma_wait3A_201] : memref<4x512x32xbf16, #tpu.memory_space<vmem>> -> memref<1x512x32xbf16, #tpu.memory_space<vmem>>
        %dma_wait3A_203 = tpu.memref_squeeze %dma_wait3A_202 : memref<1x512x32xbf16, #tpu.memory_space<vmem>> -> memref<512x32xbf16, #tpu.memory_space<vmem>>
        %dma_wait3A_204 = arith.constant 0 : i32
        %dma_wait3A_205 = tpu.memref_slice %arg13[%rem3A_88, %dma_wait3A_198, %dma_wait3A_204] : memref<2x7x512xi32, #tpu.memory_space<vmem>> -> memref<1x1x512xi32, #tpu.memory_space<vmem>>
        %dma_wait3A_206 = tpu.memref_squeeze %dma_wait3A_205 : memref<1x1x512xi32, #tpu.memory_space<vmem>> -> memref<512xi32, #tpu.memory_space<vmem>>
        %dma_wait3A_207 = arith.constant 0 : i32
        %dma_wait3A_208 = arith.constant 0 : i32
        %dma_wait3A_209 = tpu.memref_slice %arg2[%dma_wait3A_207, %dma_wait3A_208] : memref<50000x32xbf16, #tpu.memory_space<hbm>> -> memref<50000x32xbf16, #tpu.memory_space<hbm>>
        tpu.wait_indirect_dma semaphore(%arg19 : memref<!tpu.dma_semaphore, #tpu.memory_space<semaphore_mem>>) src(%dma_wait3A_209 : memref<50000x32xbf16, #tpu.memory_space<hbm>>) dst(%dma_wait3A_203 : memref<512x32xbf16, #tpu.memory_space<vmem>>)
        %dma_start3A_210 = arith.constant 1 : i32
        %dma_start3A_211 = arith.constant 1 : i32
        %dma_start3A_212 = arith.constant 0 : i32
        %dma_start3A_213 = arith.constant 0 : i32
        %dma_start3A_214 = tpu.memref_slice %arg15[%dma_start3A_210, %dma_start3A_212, %dma_start3A_213] : memref<4x512x32xbf16, #tpu.memory_space<vmem>> -> memref<1x512x32xbf16, #tpu.memory_space<vmem>>
        %dma_start3A_215 = tpu.memref_squeeze %dma_start3A_214 : memref<1x512x32xbf16, #tpu.memory_space<vmem>> -> memref<512x32xbf16, #tpu.memory_space<vmem>>
        %dma_start3A_216 = arith.constant 0 : i32
        %dma_start3A_217 = tpu.memref_slice %arg14[%rem3A_88, %dma_start3A_211, %dma_start3A_216] : memref<2x7x512xi32, #tpu.memory_space<vmem>> -> memref<1x1x512xi32, #tpu.memory_space<vmem>>
        %dma_start3A_218 = tpu.memref_squeeze %dma_start3A_217 : memref<1x1x512xi32, #tpu.memory_space<vmem>> -> memref<512xi32, #tpu.memory_space<vmem>>
        %dma_start3A_219 = arith.constant 0 : i32
        %dma_start3A_220 = arith.constant 0 : i32
        %dma_start3A_221 = tpu.memref_slice %arg17[%dma_start3A_219, %dma_start3A_220] : memref<50176x32xbf16, #tpu.memory_space<vmem_shared>> -> memref<50176x32xbf16, #tpu.memory_space<vmem_shared>>
        tpu.enqueue_indirect_dma source(%dma_start3A_215 : memref<512x32xbf16, #tpu.memory_space<vmem>>) target(%dma_start3A_221 : memref<50176x32xbf16, #tpu.memory_space<vmem_shared>>) offsets(%dma_start3A_218 : memref<512xi32, #tpu.memory_space<vmem>>) semaphore(%arg23 : memref<!tpu.dma_semaphore, #tpu.memory_space<semaphore_mem>>) {add = true}
        %dma_wait3A_222 = arith.constant 2 : i32
        %dma_wait3A_223 = arith.constant 2 : i32
        %dma_wait3A_224 = arith.constant 0 : i32
        %dma_wait3A_225 = arith.constant 0 : i32
        %dma_wait3A_226 = tpu.memref_slice %arg15[%dma_wait3A_223, %dma_wait3A_224, %dma_wait3A_225] : memref<4x512x32xbf16, #tpu.memory_space<vmem>> -> memref<1x512x32xbf16, #tpu.memory_space<vmem>>
        %dma_wait3A_227 = tpu.memref_squeeze %dma_wait3A_226 : memref<1x512x32xbf16, #tpu.memory_space<vmem>> -> memref<512x32xbf16, #tpu.memory_space<vmem>>
        %dma_wait3A_228 = arith.constant 0 : i32
        %dma_wait3A_229 = tpu.memref_slice %arg13[%rem3A_88, %dma_wait3A_222, %dma_wait3A_228] : memref<2x7x512xi32, #tpu.memory_space<vmem>> -> memref<1x1x512xi32, #tpu.memory_space<vmem>>
        %dma_wait3A_230 = tpu.memref_squeeze %dma_wait3A_229 : memref<1x1x512xi32, #tpu.memory_space<vmem>> -> memref<512xi32, #tpu.memory_space<vmem>>
        %dma_wait3A_231 = arith.constant 0 : i32
        %dma_wait3A_232 = arith.constant 0 : i32
        %dma_wait3A_233 = tpu.memref_slice %arg2[%dma_wait3A_231, %dma_wait3A_232] : memref<50000x32xbf16, #tpu.memory_space<hbm>> -> memref<50000x32xbf16, #tpu.memory_space<hbm>>
        tpu.wait_indirect_dma semaphore(%arg20 : memref<!tpu.dma_semaphore, #tpu.memory_space<semaphore_mem>>) src(%dma_wait3A_233 : memref<50000x32xbf16, #tpu.memory_space<hbm>>) dst(%dma_wait3A_227 : memref<512x32xbf16, #tpu.memory_space<vmem>>)
        %dma_start3A_234 = arith.constant 2 : i32
        %dma_start3A_235 = arith.constant 2 : i32
        %dma_start3A_236 = arith.constant 0 : i32
        %dma_start3A_237 = arith.constant 0 : i32
        %dma_start3A_238 = tpu.memref_slice %arg15[%dma_start3A_234, %dma_start3A_236, %dma_start3A_237] : memref<4x512x32xbf16, #tpu.memory_space<vmem>> -> memref<1x512x32xbf16, #tpu.memory_space<vmem>>
        %dma_start3A_239 = tpu.memref_squeeze %dma_start3A_238 : memref<1x512x32xbf16, #tpu.memory_space<vmem>> -> memref<512x32xbf16, #tpu.memory_space<vmem>>
        %dma_start3A_240 = arith.constant 0 : i32
        %dma_start3A_241 = tpu.memref_slice %arg14[%rem3A_88, %dma_start3A_235, %dma_start3A_240] : memref<2x7x512xi32, #tpu.memory_space<vmem>> -> memref<1x1x512xi32, #tpu.memory_space<vmem>>
        %dma_start3A_242 = tpu.memref_squeeze %dma_start3A_241 : memref<1x1x512xi32, #tpu.memory_space<vmem>> -> memref<512xi32, #tpu.memory_space<vmem>>
        %dma_start3A_243 = arith.constant 0 : i32
        %dma_start3A_244 = arith.constant 0 : i32
        %dma_start3A_245 = tpu.memref_slice %arg17[%dma_start3A_243, %dma_start3A_244] : memref<50176x32xbf16, #tpu.memory_space<vmem_shared>> -> memref<50176x32xbf16, #tpu.memory_space<vmem_shared>>
        tpu.enqueue_indirect_dma source(%dma_start3A_239 : memref<512x32xbf16, #tpu.memory_space<vmem>>) target(%dma_start3A_245 : memref<50176x32xbf16, #tpu.memory_space<vmem_shared>>) offsets(%dma_start3A_242 : memref<512xi32, #tpu.memory_space<vmem>>) semaphore(%arg24 : memref<!tpu.dma_semaphore, #tpu.memory_space<semaphore_mem>>) {add = true}
        %dma_wait3A_246 = arith.constant 0 : i32
        %dma_wait3A_247 = arith.constant 0 : i32
        %dma_wait3A_248 = arith.constant 0 : i32
        %dma_wait3A_249 = arith.constant 0 : i32
        %dma_wait3A_250 = tpu.memref_slice %arg15[%dma_wait3A_246, %dma_wait3A_248, %dma_wait3A_249] : memref<4x512x32xbf16, #tpu.memory_space<vmem>> -> memref<1x512x32xbf16, #tpu.memory_space<vmem>>
        %dma_wait3A_251 = tpu.memref_squeeze %dma_wait3A_250 : memref<1x512x32xbf16, #tpu.memory_space<vmem>> -> memref<512x32xbf16, #tpu.memory_space<vmem>>
        %dma_wait3A_252 = arith.constant 0 : i32
        %dma_wait3A_253 = tpu.memref_slice %arg14[%rem3A_88, %dma_wait3A_247, %dma_wait3A_252] : memref<2x7x512xi32, #tpu.memory_space<vmem>> -> memref<1x1x512xi32, #tpu.memory_space<vmem>>
        %dma_wait3A_254 = tpu.memref_squeeze %dma_wait3A_253 : memref<1x1x512xi32, #tpu.memory_space<vmem>> -> memref<512xi32, #tpu.memory_space<vmem>>
        %dma_wait3A_255 = arith.constant 0 : i32
        %dma_wait3A_256 = arith.constant 0 : i32
        %dma_wait3A_257 = tpu.memref_slice %arg17[%dma_wait3A_255, %dma_wait3A_256] : memref<50176x32xbf16, #tpu.memory_space<vmem_shared>> -> memref<50176x32xbf16, #tpu.memory_space<vmem_shared>>
        tpu.wait_indirect_dma semaphore(%arg22 : memref<!tpu.dma_semaphore, #tpu.memory_space<semaphore_mem>>) src(%dma_wait3A_251 : memref<512x32xbf16, #tpu.memory_space<vmem>>) dst(%dma_wait3A_257 : memref<50176x32xbf16, #tpu.memory_space<vmem_shared>>)
        %dma_start3A_258 = arith.constant 4 : i32
        %dma_start3A_259 = arith.constant 0 : i32
        %dma_start3A_260 = arith.constant 0 : i32
        %dma_start3A_261 = arith.constant 0 : i32
        %dma_start3A_262 = tpu.memref_slice %arg15[%dma_start3A_259, %dma_start3A_260, %dma_start3A_261] : memref<4x512x32xbf16, #tpu.memory_space<vmem>> -> memref<1x512x32xbf16, #tpu.memory_space<vmem>>
        %dma_start3A_263 = tpu.memref_squeeze %dma_start3A_262 : memref<1x512x32xbf16, #tpu.memory_space<vmem>> -> memref<512x32xbf16, #tpu.memory_space<vmem>>
        %dma_start3A_264 = arith.constant 0 : i32
        %dma_start3A_265 = tpu.memref_slice %arg13[%rem3A_88, %dma_start3A_258, %dma_start3A_264] : memref<2x7x512xi32, #tpu.memory_space<vmem>> -> memref<1x1x512xi32, #tpu.memory_space<vmem>>
        %dma_start3A_266 = tpu.memref_squeeze %dma_start3A_265 : memref<1x1x512xi32, #tpu.memory_space<vmem>> -> memref<512xi32, #tpu.memory_space<vmem>>
        %dma_start3A_267 = arith.constant 0 : i32
        %dma_start3A_268 = arith.constant 0 : i32
        %dma_start3A_269 = tpu.memref_slice %arg2[%dma_start3A_267, %dma_start3A_268] : memref<50000x32xbf16, #tpu.memory_space<hbm>> -> memref<50000x32xbf16, #tpu.memory_space<hbm>>
        tpu.enqueue_indirect_dma source(%dma_start3A_269 : memref<50000x32xbf16, #tpu.memory_space<hbm>>) target(%dma_start3A_263 : memref<512x32xbf16, #tpu.memory_space<vmem>>) offsets(%dma_start3A_266 : memref<512xi32, #tpu.memory_space<vmem>>) semaphore(%arg18 : memref<!tpu.dma_semaphore, #tpu.memory_space<semaphore_mem>>)
        %dma_wait3A_270 = arith.constant 3 : i32
        %dma_wait3A_271 = arith.constant 3 : i32
        %dma_wait3A_272 = arith.constant 0 : i32
        %dma_wait3A_273 = arith.constant 0 : i32
        %dma_wait3A_274 = tpu.memref_slice %arg15[%dma_wait3A_271, %dma_wait3A_272, %dma_wait3A_273] : memref<4x512x32xbf16, #tpu.memory_space<vmem>> -> memref<1x512x32xbf16, #tpu.memory_space<vmem>>
        %dma_wait3A_275 = tpu.memref_squeeze %dma_wait3A_274 : memref<1x512x32xbf16, #tpu.memory_space<vmem>> -> memref<512x32xbf16, #tpu.memory_space<vmem>>
        %dma_wait3A_276 = arith.constant 0 : i32
        %dma_wait3A_277 = tpu.memref_slice %arg13[%rem3A_88, %dma_wait3A_270, %dma_wait3A_276] : memref<2x7x512xi32, #tpu.memory_space<vmem>> -> memref<1x1x512xi32, #tpu.memory_space<vmem>>
        %dma_wait3A_278 = tpu.memref_squeeze %dma_wait3A_277 : memref<1x1x512xi32, #tpu.memory_space<vmem>> -> memref<512xi32, #tpu.memory_space<vmem>>
        %dma_wait3A_279 = arith.constant 0 : i32
        %dma_wait3A_280 = arith.constant 0 : i32
        %dma_wait3A_281 = tpu.memref_slice %arg2[%dma_wait3A_279, %dma_wait3A_280] : memref<50000x32xbf16, #tpu.memory_space<hbm>> -> memref<50000x32xbf16, #tpu.memory_space<hbm>>
        tpu.wait_indirect_dma semaphore(%arg21 : memref<!tpu.dma_semaphore, #tpu.memory_space<semaphore_mem>>) src(%dma_wait3A_281 : memref<50000x32xbf16, #tpu.memory_space<hbm>>) dst(%dma_wait3A_275 : memref<512x32xbf16, #tpu.memory_space<vmem>>)
        %dma_start3A_282 = arith.constant 3 : i32
        %dma_start3A_283 = arith.constant 3 : i32
        %dma_start3A_284 = arith.constant 0 : i32
        %dma_start3A_285 = arith.constant 0 : i32
        %dma_start3A_286 = tpu.memref_slice %arg15[%dma_start3A_282, %dma_start3A_284, %dma_start3A_285] : memref<4x512x32xbf16, #tpu.memory_space<vmem>> -> memref<1x512x32xbf16, #tpu.memory_space<vmem>>
        %dma_start3A_287 = tpu.memref_squeeze %dma_start3A_286 : memref<1x512x32xbf16, #tpu.memory_space<vmem>> -> memref<512x32xbf16, #tpu.memory_space<vmem>>
        %dma_start3A_288 = arith.constant 0 : i32
        %dma_start3A_289 = tpu.memref_slice %arg14[%rem3A_88, %dma_start3A_283, %dma_start3A_288] : memref<2x7x512xi32, #tpu.memory_space<vmem>> -> memref<1x1x512xi32, #tpu.memory_space<vmem>>
        %dma_start3A_290 = tpu.memref_squeeze %dma_start3A_289 : memref<1x1x512xi32, #tpu.memory_space<vmem>> -> memref<512xi32, #tpu.memory_space<vmem>>
        %dma_start3A_291 = arith.constant 0 : i32
        %dma_start3A_292 = arith.constant 0 : i32
        %dma_start3A_293 = tpu.memref_slice %arg17[%dma_start3A_291, %dma_start3A_292] : memref<50176x32xbf16, #tpu.memory_space<vmem_shared>> -> memref<50176x32xbf16, #tpu.memory_space<vmem_shared>>
        tpu.enqueue_indirect_dma source(%dma_start3A_287 : memref<512x32xbf16, #tpu.memory_space<vmem>>) target(%dma_start3A_293 : memref<50176x32xbf16, #tpu.memory_space<vmem_shared>>) offsets(%dma_start3A_290 : memref<512xi32, #tpu.memory_space<vmem>>) semaphore(%arg25 : memref<!tpu.dma_semaphore, #tpu.memory_space<semaphore_mem>>) {add = true}
        %dma_wait3A_294 = arith.constant 1 : i32
        %dma_wait3A_295 = arith.constant 1 : i32
        %dma_wait3A_296 = arith.constant 0 : i32
        %dma_wait3A_297 = arith.constant 0 : i32
        %dma_wait3A_298 = tpu.memref_slice %arg15[%dma_wait3A_294, %dma_wait3A_296, %dma_wait3A_297] : memref<4x512x32xbf16, #tpu.memory_space<vmem>> -> memref<1x512x32xbf16, #tpu.memory_space<vmem>>
        %dma_wait3A_299 = tpu.memref_squeeze %dma_wait3A_298 : memref<1x512x32xbf16, #tpu.memory_space<vmem>> -> memref<512x32xbf16, #tpu.memory_space<vmem>>
        %dma_wait3A_300 = arith.constant 0 : i32
        %dma_wait3A_301 = tpu.memref_slice %arg14[%rem3A_88, %dma_wait3A_295, %dma_wait3A_300] : memref<2x7x512xi32, #tpu.memory_space<vmem>> -> memref<1x1x512xi32, #tpu.memory_space<vmem>>
        %dma_wait3A_302 = tpu.memref_squeeze %dma_wait3A_301 : memref<1x1x512xi32, #tpu.memory_space<vmem>> -> memref<512xi32, #tpu.memory_space<vmem>>
        %dma_wait3A_303 = arith.constant 0 : i32
        %dma_wait3A_304 = arith.constant 0 : i32
        %dma_wait3A_305 = tpu.memref_slice %arg17[%dma_wait3A_303, %dma_wait3A_304] : memref<50176x32xbf16, #tpu.memory_space<vmem_shared>> -> memref<50176x32xbf16, #tpu.memory_space<vmem_shared>>
        tpu.wait_indirect_dma semaphore(%arg23 : memref<!tpu.dma_semaphore, #tpu.memory_space<semaphore_mem>>) src(%dma_wait3A_299 : memref<512x32xbf16, #tpu.memory_space<vmem>>) dst(%dma_wait3A_305 : memref<50176x32xbf16, #tpu.memory_space<vmem_shared>>)
        %dma_start3A_306 = arith.constant 5 : i32
        %dma_start3A_307 = arith.constant 1 : i32
        %dma_start3A_308 = arith.constant 0 : i32
        %dma_start3A_309 = arith.constant 0 : i32
        %dma_start3A_310 = tpu.memref_slice %arg15[%dma_start3A_307, %dma_start3A_308, %dma_start3A_309] : memref<4x512x32xbf16, #tpu.memory_space<vmem>> -> memref<1x512x32xbf16, #tpu.memory_space<vmem>>
        %dma_start3A_311 = tpu.memref_squeeze %dma_start3A_310 : memref<1x512x32xbf16, #tpu.memory_space<vmem>> -> memref<512x32xbf16, #tpu.memory_space<vmem>>
        %dma_start3A_312 = arith.constant 0 : i32
        %dma_start3A_313 = tpu.memref_slice %arg13[%rem3A_88, %dma_start3A_306, %dma_start3A_312] : memref<2x7x512xi32, #tpu.memory_space<vmem>> -> memref<1x1x512xi32, #tpu.memory_space<vmem>>
        %dma_start3A_314 = tpu.memref_squeeze %dma_start3A_313 : memref<1x1x512xi32, #tpu.memory_space<vmem>> -> memref<512xi32, #tpu.memory_space<vmem>>
        %dma_start3A_315 = arith.constant 0 : i32
        %dma_start3A_316 = arith.constant 0 : i32
        %dma_start3A_317 = tpu.memref_slice %arg2[%dma_start3A_315, %dma_start3A_316] : memref<50000x32xbf16, #tpu.memory_space<hbm>> -> memref<50000x32xbf16, #tpu.memory_space<hbm>>
        tpu.enqueue_indirect_dma source(%dma_start3A_317 : memref<50000x32xbf16, #tpu.memory_space<hbm>>) target(%dma_start3A_311 : memref<512x32xbf16, #tpu.memory_space<vmem>>) offsets(%dma_start3A_314 : memref<512xi32, #tpu.memory_space<vmem>>) semaphore(%arg19 : memref<!tpu.dma_semaphore, #tpu.memory_space<semaphore_mem>>)
        %dma_wait3A_318 = arith.constant 4 : i32
        %dma_wait3A_319 = arith.constant 0 : i32
        %dma_wait3A_320 = arith.constant 0 : i32
        %dma_wait3A_321 = arith.constant 0 : i32
        %dma_wait3A_322 = tpu.memref_slice %arg15[%dma_wait3A_319, %dma_wait3A_320, %dma_wait3A_321] : memref<4x512x32xbf16, #tpu.memory_space<vmem>> -> memref<1x512x32xbf16, #tpu.memory_space<vmem>>
        %dma_wait3A_323 = tpu.memref_squeeze %dma_wait3A_322 : memref<1x512x32xbf16, #tpu.memory_space<vmem>> -> memref<512x32xbf16, #tpu.memory_space<vmem>>
        %dma_wait3A_324 = arith.constant 0 : i32
        %dma_wait3A_325 = tpu.memref_slice %arg13[%rem3A_88, %dma_wait3A_318, %dma_wait3A_324] : memref<2x7x512xi32, #tpu.memory_space<vmem>> -> memref<1x1x512xi32, #tpu.memory_space<vmem>>
        %dma_wait3A_326 = tpu.memref_squeeze %dma_wait3A_325 : memref<1x1x512xi32, #tpu.memory_space<vmem>> -> memref<512xi32, #tpu.memory_space<vmem>>
        %dma_wait3A_327 = arith.constant 0 : i32
        %dma_wait3A_328 = arith.constant 0 : i32
        %dma_wait3A_329 = tpu.memref_slice %arg2[%dma_wait3A_327, %dma_wait3A_328] : memref<50000x32xbf16, #tpu.memory_space<hbm>> -> memref<50000x32xbf16, #tpu.memory_space<hbm>>
        tpu.wait_indirect_dma semaphore(%arg18 : memref<!tpu.dma_semaphore, #tpu.memory_space<semaphore_mem>>) src(%dma_wait3A_329 : memref<50000x32xbf16, #tpu.memory_space<hbm>>) dst(%dma_wait3A_323 : memref<512x32xbf16, #tpu.memory_space<vmem>>)
        %dma_start3A_330 = arith.constant 0 : i32
        %dma_start3A_331 = arith.constant 4 : i32
        %dma_start3A_332 = arith.constant 0 : i32
        %dma_start3A_333 = arith.constant 0 : i32
        %dma_start3A_334 = tpu.memref_slice %arg15[%dma_start3A_330, %dma_start3A_332, %dma_start3A_333] : memref<4x512x32xbf16, #tpu.memory_space<vmem>> -> memref<1x512x32xbf16, #tpu.memory_space<vmem>>
        %dma_start3A_335 = tpu.memref_squeeze %dma_start3A_334 : memref<1x512x32xbf16, #tpu.memory_space<vmem>> -> memref<512x32xbf16, #tpu.memory_space<vmem>>
        %dma_start3A_336 = arith.constant 0 : i32
        %dma_start3A_337 = tpu.memref_slice %arg14[%rem3A_88, %dma_start3A_331, %dma_start3A_336] : memref<2x7x512xi32, #tpu.memory_space<vmem>> -> memref<1x1x512xi32, #tpu.memory_space<vmem>>
        %dma_start3A_338 = tpu.memref_squeeze %dma_start3A_337 : memref<1x1x512xi32, #tpu.memory_space<vmem>> -> memref<512xi32, #tpu.memory_space<vmem>>
        %dma_start3A_339 = arith.constant 0 : i32
        %dma_start3A_340 = arith.constant 0 : i32
        %dma_start3A_341 = tpu.memref_slice %arg17[%dma_start3A_339, %dma_start3A_340] : memref<50176x32xbf16, #tpu.memory_space<vmem_shared>> -> memref<50176x32xbf16, #tpu.memory_space<vmem_shared>>
        tpu.enqueue_indirect_dma source(%dma_start3A_335 : memref<512x32xbf16, #tpu.memory_space<vmem>>) target(%dma_start3A_341 : memref<50176x32xbf16, #tpu.memory_space<vmem_shared>>) offsets(%dma_start3A_338 : memref<512xi32, #tpu.memory_space<vmem>>) semaphore(%arg22 : memref<!tpu.dma_semaphore, #tpu.memory_space<semaphore_mem>>) {add = true}
        %dma_wait3A_342 = arith.constant 2 : i32
        %dma_wait3A_343 = arith.constant 2 : i32
        %dma_wait3A_344 = arith.constant 0 : i32
        %dma_wait3A_345 = arith.constant 0 : i32
        %dma_wait3A_346 = tpu.memref_slice %arg15[%dma_wait3A_342, %dma_wait3A_344, %dma_wait3A_345] : memref<4x512x32xbf16, #tpu.memory_space<vmem>> -> memref<1x512x32xbf16, #tpu.memory_space<vmem>>
        %dma_wait3A_347 = tpu.memref_squeeze %dma_wait3A_346 : memref<1x512x32xbf16, #tpu.memory_space<vmem>> -> memref<512x32xbf16, #tpu.memory_space<vmem>>
        %dma_wait3A_348 = arith.constant 0 : i32
        %dma_wait3A_349 = tpu.memref_slice %arg14[%rem3A_88, %dma_wait3A_343, %dma_wait3A_348] : memref<2x7x512xi32, #tpu.memory_space<vmem>> -> memref<1x1x512xi32, #tpu.memory_space<vmem>>
        %dma_wait3A_350 = tpu.memref_squeeze %dma_wait3A_349 : memref<1x1x512xi32, #tpu.memory_space<vmem>> -> memref<512xi32, #tpu.memory_space<vmem>>
        %dma_wait3A_351 = arith.constant 0 : i32
        %dma_wait3A_352 = arith.constant 0 : i32
        %dma_wait3A_353 = tpu.memref_slice %arg17[%dma_wait3A_351, %dma_wait3A_352] : memref<50176x32xbf16, #tpu.memory_space<vmem_shared>> -> memref<50176x32xbf16, #tpu.memory_space<vmem_shared>>
        tpu.wait_indirect_dma semaphore(%arg24 : memref<!tpu.dma_semaphore, #tpu.memory_space<semaphore_mem>>) src(%dma_wait3A_347 : memref<512x32xbf16, #tpu.memory_space<vmem>>) dst(%dma_wait3A_353 : memref<50176x32xbf16, #tpu.memory_space<vmem_shared>>)
        %dma_start3A_354 = arith.constant 6 : i32
        %dma_start3A_355 = arith.constant 2 : i32
        %dma_start3A_356 = arith.constant 0 : i32
        %dma_start3A_357 = arith.constant 0 : i32
        %dma_start3A_358 = tpu.memref_slice %arg15[%dma_start3A_355, %dma_start3A_356, %dma_start3A_357] : memref<4x512x32xbf16, #tpu.memory_space<vmem>> -> memref<1x512x32xbf16, #tpu.memory_space<vmem>>
        %dma_start3A_359 = tpu.memref_squeeze %dma_start3A_358 : memref<1x512x32xbf16, #tpu.memory_space<vmem>> -> memref<512x32xbf16, #tpu.memory_space<vmem>>
        %dma_start3A_360 = arith.constant 0 : i32
        %dma_start3A_361 = tpu.memref_slice %arg13[%rem3A_88, %dma_start3A_354, %dma_start3A_360] : memref<2x7x512xi32, #tpu.memory_space<vmem>> -> memref<1x1x512xi32, #tpu.memory_space<vmem>>
        %dma_start3A_362 = tpu.memref_squeeze %dma_start3A_361 : memref<1x1x512xi32, #tpu.memory_space<vmem>> -> memref<512xi32, #tpu.memory_space<vmem>>
        %dma_start3A_363 = arith.constant 0 : i32
        %dma_start3A_364 = arith.constant 0 : i32
        %dma_start3A_365 = tpu.memref_slice %arg2[%dma_start3A_363, %dma_start3A_364] : memref<50000x32xbf16, #tpu.memory_space<hbm>> -> memref<50000x32xbf16, #tpu.memory_space<hbm>>
        tpu.enqueue_indirect_dma source(%dma_start3A_365 : memref<50000x32xbf16, #tpu.memory_space<hbm>>) target(%dma_start3A_359 : memref<512x32xbf16, #tpu.memory_space<vmem>>) offsets(%dma_start3A_362 : memref<512xi32, #tpu.memory_space<vmem>>) semaphore(%arg20 : memref<!tpu.dma_semaphore, #tpu.memory_space<semaphore_mem>>)
        %dma_wait3A_366 = arith.constant 5 : i32
        %dma_wait3A_367 = arith.constant 1 : i32
        %dma_wait3A_368 = arith.constant 0 : i32
        %dma_wait3A_369 = arith.constant 0 : i32
        %dma_wait3A_370 = tpu.memref_slice %arg15[%dma_wait3A_367, %dma_wait3A_368, %dma_wait3A_369] : memref<4x512x32xbf16, #tpu.memory_space<vmem>> -> memref<1x512x32xbf16, #tpu.memory_space<vmem>>
        %dma_wait3A_371 = tpu.memref_squeeze %dma_wait3A_370 : memref<1x512x32xbf16, #tpu.memory_space<vmem>> -> memref<512x32xbf16, #tpu.memory_space<vmem>>
        %dma_wait3A_372 = arith.constant 0 : i32
        %dma_wait3A_373 = tpu.memref_slice %arg13[%rem3A_88, %dma_wait3A_366, %dma_wait3A_372] : memref<2x7x512xi32, #tpu.memory_space<vmem>> -> memref<1x1x512xi32, #tpu.memory_space<vmem>>
        %dma_wait3A_374 = tpu.memref_squeeze %dma_wait3A_373 : memref<1x1x512xi32, #tpu.memory_space<vmem>> -> memref<512xi32, #tpu.memory_space<vmem>>
        %dma_wait3A_375 = arith.constant 0 : i32
        %dma_wait3A_376 = arith.constant 0 : i32
        %dma_wait3A_377 = tpu.memref_slice %arg2[%dma_wait3A_375, %dma_wait3A_376] : memref<50000x32xbf16, #tpu.memory_space<hbm>> -> memref<50000x32xbf16, #tpu.memory_space<hbm>>
        tpu.wait_indirect_dma semaphore(%arg19 : memref<!tpu.dma_semaphore, #tpu.memory_space<semaphore_mem>>) src(%dma_wait3A_377 : memref<50000x32xbf16, #tpu.memory_space<hbm>>) dst(%dma_wait3A_371 : memref<512x32xbf16, #tpu.memory_space<vmem>>)
        %dma_start3A_378 = arith.constant 1 : i32
        %dma_start3A_379 = arith.constant 5 : i32
        %dma_start3A_380 = arith.constant 0 : i32
        %dma_start3A_381 = arith.constant 0 : i32
        %dma_start3A_382 = tpu.memref_slice %arg15[%dma_start3A_378, %dma_start3A_380, %dma_start3A_381] : memref<4x512x32xbf16, #tpu.memory_space<vmem>> -> memref<1x512x32xbf16, #tpu.memory_space<vmem>>
        %dma_start3A_383 = tpu.memref_squeeze %dma_start3A_382 : memref<1x512x32xbf16, #tpu.memory_space<vmem>> -> memref<512x32xbf16, #tpu.memory_space<vmem>>
        %dma_start3A_384 = arith.constant 0 : i32
        %dma_start3A_385 = tpu.memref_slice %arg14[%rem3A_88, %dma_start3A_379, %dma_start3A_384] : memref<2x7x512xi32, #tpu.memory_space<vmem>> -> memref<1x1x512xi32, #tpu.memory_space<vmem>>
        %dma_start3A_386 = tpu.memref_squeeze %dma_start3A_385 : memref<1x1x512xi32, #tpu.memory_space<vmem>> -> memref<512xi32, #tpu.memory_space<vmem>>
        %dma_start3A_387 = arith.constant 0 : i32
        %dma_start3A_388 = arith.constant 0 : i32
        %dma_start3A_389 = tpu.memref_slice %arg17[%dma_start3A_387, %dma_start3A_388] : memref<50176x32xbf16, #tpu.memory_space<vmem_shared>> -> memref<50176x32xbf16, #tpu.memory_space<vmem_shared>>
        tpu.enqueue_indirect_dma source(%dma_start3A_383 : memref<512x32xbf16, #tpu.memory_space<vmem>>) target(%dma_start3A_389 : memref<50176x32xbf16, #tpu.memory_space<vmem_shared>>) offsets(%dma_start3A_386 : memref<512xi32, #tpu.memory_space<vmem>>) semaphore(%arg23 : memref<!tpu.dma_semaphore, #tpu.memory_space<semaphore_mem>>) {add = true}
        %dma_wait3A_390 = arith.constant 6 : i32
        %dma_wait3A_391 = arith.constant 2 : i32
        %dma_wait3A_392 = arith.constant 0 : i32
        %dma_wait3A_393 = arith.constant 0 : i32
        %dma_wait3A_394 = tpu.memref_slice %arg15[%dma_wait3A_391, %dma_wait3A_392, %dma_wait3A_393] : memref<4x512x32xbf16, #tpu.memory_space<vmem>> -> memref<1x512x32xbf16, #tpu.memory_space<vmem>>
        %dma_wait3A_395 = tpu.memref_squeeze %dma_wait3A_394 : memref<1x512x32xbf16, #tpu.memory_space<vmem>> -> memref<512x32xbf16, #tpu.memory_space<vmem>>
        %dma_wait3A_396 = arith.constant 0 : i32
        %dma_wait3A_397 = tpu.memref_slice %arg13[%rem3A_88, %dma_wait3A_390, %dma_wait3A_396] : memref<2x7x512xi32, #tpu.memory_space<vmem>> -> memref<1x1x512xi32, #tpu.memory_space<vmem>>
        %dma_wait3A_398 = tpu.memref_squeeze %dma_wait3A_397 : memref<1x1x512xi32, #tpu.memory_space<vmem>> -> memref<512xi32, #tpu.memory_space<vmem>>
        %dma_wait3A_399 = arith.constant 0 : i32
        %dma_wait3A_400 = arith.constant 0 : i32
        %dma_wait3A_401 = tpu.memref_slice %arg2[%dma_wait3A_399, %dma_wait3A_400] : memref<50000x32xbf16, #tpu.memory_space<hbm>> -> memref<50000x32xbf16, #tpu.memory_space<hbm>>
        tpu.wait_indirect_dma semaphore(%arg20 : memref<!tpu.dma_semaphore, #tpu.memory_space<semaphore_mem>>) src(%dma_wait3A_401 : memref<50000x32xbf16, #tpu.memory_space<hbm>>) dst(%dma_wait3A_395 : memref<512x32xbf16, #tpu.memory_space<vmem>>)
        %dma_start3A_402 = arith.constant 2 : i32
        %dma_start3A_403 = arith.constant 6 : i32
        %dma_start3A_404 = arith.constant 0 : i32
        %dma_start3A_405 = arith.constant 0 : i32
        %dma_start3A_406 = tpu.memref_slice %arg15[%dma_start3A_402, %dma_start3A_404, %dma_start3A_405] : memref<4x512x32xbf16, #tpu.memory_space<vmem>> -> memref<1x512x32xbf16, #tpu.memory_space<vmem>>
        %dma_start3A_407 = tpu.memref_squeeze %dma_start3A_406 : memref<1x512x32xbf16, #tpu.memory_space<vmem>> -> memref<512x32xbf16, #tpu.memory_space<vmem>>
        %dma_start3A_408 = arith.constant 0 : i32
        %dma_start3A_409 = tpu.memref_slice %arg14[%rem3A_88, %dma_start3A_403, %dma_start3A_408] : memref<2x7x512xi32, #tpu.memory_space<vmem>> -> memref<1x1x512xi32, #tpu.memory_space<vmem>>
        %dma_start3A_410 = tpu.memref_squeeze %dma_start3A_409 : memref<1x1x512xi32, #tpu.memory_space<vmem>> -> memref<512xi32, #tpu.memory_space<vmem>>
        %dma_start3A_411 = arith.constant 0 : i32
        %dma_start3A_412 = arith.constant 0 : i32
        %dma_start3A_413 = tpu.memref_slice %arg17[%dma_start3A_411, %dma_start3A_412] : memref<50176x32xbf16, #tpu.memory_space<vmem_shared>> -> memref<50176x32xbf16, #tpu.memory_space<vmem_shared>>
        tpu.enqueue_indirect_dma source(%dma_start3A_407 : memref<512x32xbf16, #tpu.memory_space<vmem>>) target(%dma_start3A_413 : memref<50176x32xbf16, #tpu.memory_space<vmem_shared>>) offsets(%dma_start3A_410 : memref<512xi32, #tpu.memory_space<vmem>>) semaphore(%arg24 : memref<!tpu.dma_semaphore, #tpu.memory_space<semaphore_mem>>) {add = true}
        %dma_wait3A_414 = arith.constant 3 : i32
        %dma_wait3A_415 = arith.constant 3 : i32
        %dma_wait3A_416 = arith.constant 0 : i32
        %dma_wait3A_417 = arith.constant 0 : i32
        %dma_wait3A_418 = tpu.memref_slice %arg15[%dma_wait3A_414, %dma_wait3A_416, %dma_wait3A_417] : memref<4x512x32xbf16, #tpu.memory_space<vmem>> -> memref<1x512x32xbf16, #tpu.memory_space<vmem>>
        %dma_wait3A_419 = tpu.memref_squeeze %dma_wait3A_418 : memref<1x512x32xbf16, #tpu.memory_space<vmem>> -> memref<512x32xbf16, #tpu.memory_space<vmem>>
        %dma_wait3A_420 = arith.constant 0 : i32
        %dma_wait3A_421 = tpu.memref_slice %arg14[%rem3A_88, %dma_wait3A_415, %dma_wait3A_420] : memref<2x7x512xi32, #tpu.memory_space<vmem>> -> memref<1x1x512xi32, #tpu.memory_space<vmem>>
        %dma_wait3A_422 = tpu.memref_squeeze %dma_wait3A_421 : memref<1x1x512xi32, #tpu.memory_space<vmem>> -> memref<512xi32, #tpu.memory_space<vmem>>
        %dma_wait3A_423 = arith.constant 0 : i32
        %dma_wait3A_424 = arith.constant 0 : i32
        %dma_wait3A_425 = tpu.memref_slice %arg17[%dma_wait3A_423, %dma_wait3A_424] : memref<50176x32xbf16, #tpu.memory_space<vmem_shared>> -> memref<50176x32xbf16, #tpu.memory_space<vmem_shared>>
        tpu.wait_indirect_dma semaphore(%arg25 : memref<!tpu.dma_semaphore, #tpu.memory_space<semaphore_mem>>) src(%dma_wait3A_419 : memref<512x32xbf16, #tpu.memory_space<vmem>>) dst(%dma_wait3A_425 : memref<50176x32xbf16, #tpu.memory_space<vmem_shared>>)
        %dma_wait3A_426 = arith.constant 0 : i32
        %dma_wait3A_427 = arith.constant 4 : i32
        %dma_wait3A_428 = arith.constant 0 : i32
        %dma_wait3A_429 = arith.constant 0 : i32
        %dma_wait3A_430 = tpu.memref_slice %arg15[%dma_wait3A_426, %dma_wait3A_428, %dma_wait3A_429] : memref<4x512x32xbf16, #tpu.memory_space<vmem>> -> memref<1x512x32xbf16, #tpu.memory_space<vmem>>
        %dma_wait3A_431 = tpu.memref_squeeze %dma_wait3A_430 : memref<1x512x32xbf16, #tpu.memory_space<vmem>> -> memref<512x32xbf16, #tpu.memory_space<vmem>>
        %dma_wait3A_432 = arith.constant 0 : i32
        %dma_wait3A_433 = tpu.memref_slice %arg14[%rem3A_88, %dma_wait3A_427, %dma_wait3A_432] : memref<2x7x512xi32, #tpu.memory_space<vmem>> -> memref<1x1x512xi32, #tpu.memory_space<vmem>>
        %dma_wait3A_434 = tpu.memref_squeeze %dma_wait3A_433 : memref<1x1x512xi32, #tpu.memory_space<vmem>> -> memref<512xi32, #tpu.memory_space<vmem>>
        %dma_wait3A_435 = arith.constant 0 : i32
        %dma_wait3A_436 = arith.constant 0 : i32
        %dma_wait3A_437 = tpu.memref_slice %arg17[%dma_wait3A_435, %dma_wait3A_436] : memref<50176x32xbf16, #tpu.memory_space<vmem_shared>> -> memref<50176x32xbf16, #tpu.memory_space<vmem_shared>>
        tpu.wait_indirect_dma semaphore(%arg22 : memref<!tpu.dma_semaphore, #tpu.memory_space<semaphore_mem>>) src(%dma_wait3A_431 : memref<512x32xbf16, #tpu.memory_space<vmem>>) dst(%dma_wait3A_437 : memref<50176x32xbf16, #tpu.memory_space<vmem_shared>>)
        %dma_wait3A_438 = arith.constant 1 : i32
        %dma_wait3A_439 = arith.constant 5 : i32
        %dma_wait3A_440 = arith.constant 0 : i32
        %dma_wait3A_441 = arith.constant 0 : i32
        %dma_wait3A_442 = tpu.memref_slice %arg15[%dma_wait3A_438, %dma_wait3A_440, %dma_wait3A_441] : memref<4x512x32xbf16, #tpu.memory_space<vmem>> -> memref<1x512x32xbf16, #tpu.memory_space<vmem>>
        %dma_wait3A_443 = tpu.memref_squeeze %dma_wait3A_442 : memref<1x512x32xbf16, #tpu.memory_space<vmem>> -> memref<512x32xbf16, #tpu.memory_space<vmem>>
        %dma_wait3A_444 = arith.constant 0 : i32
        %dma_wait3A_445 = tpu.memref_slice %arg14[%rem3A_88, %dma_wait3A_439, %dma_wait3A_444] : memref<2x7x512xi32, #tpu.memory_space<vmem>> -> memref<1x1x512xi32, #tpu.memory_space<vmem>>
        %dma_wait3A_446 = tpu.memref_squeeze %dma_wait3A_445 : memref<1x1x512xi32, #tpu.memory_space<vmem>> -> memref<512xi32, #tpu.memory_space<vmem>>
        %dma_wait3A_447 = arith.constant 0 : i32
        %dma_wait3A_448 = arith.constant 0 : i32
        %dma_wait3A_449 = tpu.memref_slice %arg17[%dma_wait3A_447, %dma_wait3A_448] : memref<50176x32xbf16, #tpu.memory_space<vmem_shared>> -> memref<50176x32xbf16, #tpu.memory_space<vmem_shared>>
        tpu.wait_indirect_dma semaphore(%arg23 : memref<!tpu.dma_semaphore, #tpu.memory_space<semaphore_mem>>) src(%dma_wait3A_443 : memref<512x32xbf16, #tpu.memory_space<vmem>>) dst(%dma_wait3A_449 : memref<50176x32xbf16, #tpu.memory_space<vmem_shared>>)
        %dma_wait3A_450 = arith.constant 2 : i32
        %dma_wait3A_451 = arith.constant 6 : i32
        %dma_wait3A_452 = arith.constant 0 : i32
        %dma_wait3A_453 = arith.constant 0 : i32
        %dma_wait3A_454 = tpu.memref_slice %arg15[%dma_wait3A_450, %dma_wait3A_452, %dma_wait3A_453] : memref<4x512x32xbf16, #tpu.memory_space<vmem>> -> memref<1x512x32xbf16, #tpu.memory_space<vmem>>
        %dma_wait3A_455 = tpu.memref_squeeze %dma_wait3A_454 : memref<1x512x32xbf16, #tpu.memory_space<vmem>> -> memref<512x32xbf16, #tpu.memory_space<vmem>>
        %dma_wait3A_456 = arith.constant 0 : i32
        %dma_wait3A_457 = tpu.memref_slice %arg14[%rem3A_88, %dma_wait3A_451, %dma_wait3A_456] : memref<2x7x512xi32, #tpu.memory_space<vmem>> -> memref<1x1x512xi32, #tpu.memory_space<vmem>>
        %dma_wait3A_458 = tpu.memref_squeeze %dma_wait3A_457 : memref<1x1x512xi32, #tpu.memory_space<vmem>> -> memref<512xi32, #tpu.memory_space<vmem>>
        %dma_wait3A_459 = arith.constant 0 : i32
        %dma_wait3A_460 = arith.constant 0 : i32
        %dma_wait3A_461 = tpu.memref_slice %arg17[%dma_wait3A_459, %dma_wait3A_460] : memref<50176x32xbf16, #tpu.memory_space<vmem_shared>> -> memref<50176x32xbf16, #tpu.memory_space<vmem_shared>>
        tpu.wait_indirect_dma semaphore(%arg24 : memref<!tpu.dma_semaphore, #tpu.memory_space<semaphore_mem>>) src(%dma_wait3A_455 : memref<512x32xbf16, #tpu.memory_space<vmem>>) dst(%dma_wait3A_461 : memref<50176x32xbf16, #tpu.memory_space<vmem_shared>>)
      }
      %scan3A_86 = arith.constant 14 : i32
    } else {
    }
    %eq3A_15 = arith.constant 1 : i32
    %eq3A_16 = arith.cmpi eq, %arg0, %eq3A_15 : i32
    %convert_element_type3A_17 = arith.extui %eq3A_16 : i1 to i32
    %cond3A_18 = arith.constant 0 : i32
    %cond3A_19 = arith.cmpi ne, %convert_element_type3A_17, %cond3A_18 : i32
    scf.if %cond3A_19 {
      %dma_start3A_47 = arith.constant 0 : i32
      %dma_start3A_48 = arith.constant 0 : i32
      %dma_start3A_49 = arith.constant 0 : i32
      %dma_start3A_50 = tpu.memref_slice %arg13[%dma_start3A_47, %dma_start3A_48, %dma_start3A_49] : memref<2x7x512xi32, #tpu.memory_space<vmem>> -> memref<1x7x512xi32, #tpu.memory_space<vmem>>
      %dma_start3A_51 = tpu.memref_squeeze %dma_start3A_50 : memref<1x7x512xi32, #tpu.memory_space<vmem>> -> memref<7x512xi32, #tpu.memory_space<vmem>>
      %dma_start3A_52 = arith.constant 0 : i32
      %dma_start3A_53 = arith.constant 0 : i32
      %dma_start3A_54 = tpu.memref_slice %arg4[%arg1, %dma_start3A_52, %dma_start3A_53] : memref<16x98x512xi32, #tpu.memory_space<hbm>> -> memref<1x7x512xi32, #tpu.memory_space<hbm>>
      %dma_start3A_55 = tpu.memref_squeeze %dma_start3A_54 : memref<1x7x512xi32, #tpu.memory_space<hbm>> -> memref<7x512xi32, #tpu.memory_space<hbm>>
      %dma_start3A_56 = arith.constant 0 : i32
      %dma_start3A_57 = arith.constant 0 : i32
      %dma_start3A_58 = tpu.memref_slice %arg13[%dma_start3A_47, %dma_start3A_56, %dma_start3A_57] : memref<2x7x512xi32, #tpu.memory_space<vmem>> -> memref<1x7x512xi32, #tpu.memory_space<vmem>>
      %dma_start3A_59 = tpu.memref_squeeze %dma_start3A_58 : memref<1x7x512xi32, #tpu.memory_space<vmem>> -> memref<7x512xi32, #tpu.memory_space<vmem>>
      %dma_start3A_60 = arith.constant 0 : i32
      %dma_start3A_61 = arith.constant 0 : i32
      %dma_start3A_62 = tpu.memref_slice %arg4[%arg1, %dma_start3A_60, %dma_start3A_61] : memref<16x98x512xi32, #tpu.memory_space<hbm>> -> memref<1x7x512xi32, #tpu.memory_space<hbm>>
      %dma_start3A_63 = tpu.memref_squeeze %dma_start3A_62 : memref<1x7x512xi32, #tpu.memory_space<hbm>> -> memref<7x512xi32, #tpu.memory_space<hbm>>
      tpu.enqueue_dma source(%dma_start3A_63 : memref<7x512xi32, #tpu.memory_space<hbm>>) target(%dma_start3A_59 : memref<7x512xi32, #tpu.memory_space<vmem>>) target_semaphore(%arg26 : memref<!tpu.dma_semaphore, #tpu.memory_space<semaphore_mem>>)
      %dma_start3A_64 = arith.constant 0 : i32
      %dma_start3A_65 = arith.constant 0 : i32
      %dma_start3A_66 = arith.constant 0 : i32
      %dma_start3A_67 = tpu.memref_slice %arg14[%dma_start3A_64, %dma_start3A_65, %dma_start3A_66] : memref<2x7x512xi32, #tpu.memory_space<vmem>> -> memref<1x7x512xi32, #tpu.memory_space<vmem>>
      %dma_start3A_68 = tpu.memref_squeeze %dma_start3A_67 : memref<1x7x512xi32, #tpu.memory_space<vmem>> -> memref<7x512xi32, #tpu.memory_space<vmem>>
      %dma_start3A_69 = arith.constant 0 : i32
      %dma_start3A_70 = arith.constant 0 : i32
      %dma_start3A_71 = tpu.memref_slice %arg5[%arg1, %dma_start3A_69, %dma_start3A_70] : memref<16x98x512xi32, #tpu.memory_space<hbm>> -> memref<1x7x512xi32, #tpu.memory_space<hbm>>
      %dma_start3A_72 = tpu.memref_squeeze %dma_start3A_71 : memref<1x7x512xi32, #tpu.memory_space<hbm>> -> memref<7x512xi32, #tpu.memory_space<hbm>>
      %dma_start3A_73 = arith.constant 0 : i32
      %dma_start3A_74 = arith.constant 0 : i32
      %dma_start3A_75 = tpu.memref_slice %arg14[%dma_start3A_64, %dma_start3A_73, %dma_start3A_74] : memref<2x7x512xi32, #tpu.memory_space<vmem>> -> memref<1x7x512xi32, #tpu.memory_space<vmem>>
      %dma_start3A_76 = tpu.memref_squeeze %dma_start3A_75 : memref<1x7x512xi32, #tpu.memory_space<vmem>> -> memref<7x512xi32, #tpu.memory_space<vmem>>
      %dma_start3A_77 = arith.constant 0 : i32
      %dma_start3A_78 = arith.constant 0 : i32
      %dma_start3A_79 = tpu.memref_slice %arg5[%arg1, %dma_start3A_77, %dma_start3A_78] : memref<16x98x512xi32, #tpu.memory_space<hbm>> -> memref<1x7x512xi32, #tpu.memory_space<hbm>>
      %dma_start3A_80 = tpu.memref_squeeze %dma_start3A_79 : memref<1x7x512xi32, #tpu.memory_space<hbm>> -> memref<7x512xi32, #tpu.memory_space<hbm>>
      tpu.enqueue_dma source(%dma_start3A_80 : memref<7x512xi32, #tpu.memory_space<hbm>>) target(%dma_start3A_76 : memref<7x512xi32, #tpu.memory_space<vmem>>) target_semaphore(%arg26 : memref<!tpu.dma_semaphore, #tpu.memory_space<semaphore_mem>>)
      %scan3A_81 = arith.constant 0 : i32
      %scan3A_82 = arith.constant 0 : i32
      %scan3A_83 = arith.constant 14 : i32
      %scan3A_84 = arith.addi %scan3A_82, %scan3A_83 : i32
      %scan3A_85 = arith.constant 1 : i32
      scf.for %scan3A_87 = %scan3A_82 to %scan3A_84 step %scan3A_85  : i32 {
        %rem3A = arith.constant 2 : i32
        %rem3A_88 = arith.remsi %scan3A_87, %rem3A : i32
        %add3A = arith.constant 1 : i32
        %add3A_89 = arith.addi %scan3A_87, %add3A : i32
        %lt3A = arith.constant 14 : i32
        %lt3A_90 = arith.cmpi slt, %add3A_89, %lt3A : i32
        %convert_element_type3A_91 = arith.extui %lt3A_90 : i1 to i32
        %cond3A_92 = arith.constant 0 : i32
        %cond3A_93 = arith.cmpi ne, %convert_element_type3A_91, %cond3A_92 : i32
        scf.if %cond3A_93 {
          %add3A_462 = arith.constant 1 : i32
          %add3A_463 = arith.addi %scan3A_87, %add3A_462 : i32
          %sub3A = arith.constant 1 : i32
          %sub3A_464 = arith.subi %sub3A, %rem3A_88 : i32
          %mul3A_465 = arith.constant 7 : i32
          %mul3A_466 = arith.muli %add3A_463, %mul3A_465 : i32
          %add3A_467 = arith.constant 0 : i32
          %add3A_468 = arith.addi %add3A_467, %mul3A_466 : i32
          %dma_start3A_469 = arith.constant 0 : i32
          %dma_start3A_470 = arith.constant 0 : i32
          %dma_start3A_471 = tpu.memref_slice %arg13[%sub3A_464, %dma_start3A_469, %dma_start3A_470] : memref<2x7x512xi32, #tpu.memory_space<vmem>> -> memref<1x7x512xi32, #tpu.memory_space<vmem>>
          %dma_start3A_472 = tpu.memref_squeeze %dma_start3A_471 : memref<1x7x512xi32, #tpu.memory_space<vmem>> -> memref<7x512xi32, #tpu.memory_space<vmem>>
          %dma_start3A_473 = arith.constant 0 : i32
          %dma_start3A_474 = tpu.memref_slice %arg4[%arg1, %add3A_468, %dma_start3A_473] : memref<16x98x512xi32, #tpu.memory_space<hbm>> -> memref<1x7x512xi32, #tpu.memory_space<hbm>>
          %dma_start3A_475 = tpu.memref_squeeze %dma_start3A_474 : memref<1x7x512xi32, #tpu.memory_space<hbm>> -> memref<7x512xi32, #tpu.memory_space<hbm>>
          %dma_start3A_476 = arith.constant 0 : i32
          %dma_start3A_477 = arith.constant 0 : i32
          %dma_start3A_478 = tpu.memref_slice %arg13[%sub3A_464, %dma_start3A_476, %dma_start3A_477] : memref<2x7x512xi32, #tpu.memory_space<vmem>> -> memref<1x7x512xi32, #tpu.memory_space<vmem>>
          %dma_start3A_479 = tpu.memref_squeeze %dma_start3A_478 : memref<1x7x512xi32, #tpu.memory_space<vmem>> -> memref<7x512xi32, #tpu.memory_space<vmem>>
          %dma_start3A_480 = arith.constant 0 : i32
          %dma_start3A_481 = tpu.memref_slice %arg4[%arg1, %add3A_468, %dma_start3A_480] : memref<16x98x512xi32, #tpu.memory_space<hbm>> -> memref<1x7x512xi32, #tpu.memory_space<hbm>>
          %dma_start3A_482 = tpu.memref_squeeze %dma_start3A_481 : memref<1x7x512xi32, #tpu.memory_space<hbm>> -> memref<7x512xi32, #tpu.memory_space<hbm>>
          tpu.enqueue_dma source(%dma_start3A_482 : memref<7x512xi32, #tpu.memory_space<hbm>>) target(%dma_start3A_479 : memref<7x512xi32, #tpu.memory_space<vmem>>) target_semaphore(%arg26 : memref<!tpu.dma_semaphore, #tpu.memory_space<semaphore_mem>>)
          %dma_start3A_483 = arith.constant 0 : i32
          %dma_start3A_484 = arith.constant 0 : i32
          %dma_start3A_485 = tpu.memref_slice %arg14[%sub3A_464, %dma_start3A_483, %dma_start3A_484] : memref<2x7x512xi32, #tpu.memory_space<vmem>> -> memref<1x7x512xi32, #tpu.memory_space<vmem>>
          %dma_start3A_486 = tpu.memref_squeeze %dma_start3A_485 : memref<1x7x512xi32, #tpu.memory_space<vmem>> -> memref<7x512xi32, #tpu.memory_space<vmem>>
          %dma_start3A_487 = arith.constant 0 : i32
          %dma_start3A_488 = tpu.memref_slice %arg5[%arg1, %add3A_468, %dma_start3A_487] : memref<16x98x512xi32, #tpu.memory_space<hbm>> -> memref<1x7x512xi32, #tpu.memory_space<hbm>>
          %dma_start3A_489 = tpu.memref_squeeze %dma_start3A_488 : memref<1x7x512xi32, #tpu.memory_space<hbm>> -> memref<7x512xi32, #tpu.memory_space<hbm>>
          %dma_start3A_490 = arith.constant 0 : i32
          %dma_start3A_491 = arith.constant 0 : i32
          %dma_start3A_492 = tpu.memref_slice %arg14[%sub3A_464, %dma_start3A_490, %dma_start3A_491] : memref<2x7x512xi32, #tpu.memory_space<vmem>> -> memref<1x7x512xi32, #tpu.memory_space<vmem>>
          %dma_start3A_493 = tpu.memref_squeeze %dma_start3A_492 : memref<1x7x512xi32, #tpu.memory_space<vmem>> -> memref<7x512xi32, #tpu.memory_space<vmem>>
          %dma_start3A_494 = arith.constant 0 : i32
          %dma_start3A_495 = tpu.memref_slice %arg5[%arg1, %add3A_468, %dma_start3A_494] : memref<16x98x512xi32, #tpu.memory_space<hbm>> -> memref<1x7x512xi32, #tpu.memory_space<hbm>>
          %dma_start3A_496 = tpu.memref_squeeze %dma_start3A_495 : memref<1x7x512xi32, #tpu.memory_space<hbm>> -> memref<7x512xi32, #tpu.memory_space<hbm>>
          tpu.enqueue_dma source(%dma_start3A_496 : memref<7x512xi32, #tpu.memory_space<hbm>>) target(%dma_start3A_493 : memref<7x512xi32, #tpu.memory_space<vmem>>) target_semaphore(%arg26 : memref<!tpu.dma_semaphore, #tpu.memory_space<semaphore_mem>>)
        } else {
        }
        %dma_wait3A_94 = arith.constant 0 : i32
        %dma_wait3A_95 = arith.constant 0 : i32
        %dma_wait3A_96 = tpu.memref_slice %arg13[%rem3A_88, %dma_wait3A_94, %dma_wait3A_95] : memref<2x7x512xi32, #tpu.memory_space<vmem>> -> memref<1x7x512xi32, #tpu.memory_space<vmem>>
        %dma_wait3A_97 = tpu.memref_squeeze %dma_wait3A_96 : memref<1x7x512xi32, #tpu.memory_space<vmem>> -> memref<7x512xi32, #tpu.memory_space<vmem>>
        %dma_wait3A_98 = arith.constant 0 : i32
        %dma_wait3A_99 = arith.constant 0 : i32
        %dma_wait3A_100 = tpu.memref_slice %arg4[%arg1, %dma_wait3A_98, %dma_wait3A_99] : memref<16x98x512xi32, #tpu.memory_space<hbm>> -> memref<1x7x512xi32, #tpu.memory_space<hbm>>
        %dma_wait3A_101 = tpu.memref_squeeze %dma_wait3A_100 : memref<1x7x512xi32, #tpu.memory_space<hbm>> -> memref<7x512xi32, #tpu.memory_space<hbm>>
        %dma_wait3A_102 = arith.constant 0 : i32
        %dma_wait3A_103 = arith.constant 0 : i32
        %dma_wait3A_104 = tpu.memref_slice %arg13[%rem3A_88, %dma_wait3A_102, %dma_wait3A_103] : memref<2x7x512xi32, #tpu.memory_space<vmem>> -> memref<1x7x512xi32, #tpu.memory_space<vmem>>
        %dma_wait3A_105 = tpu.memref_squeeze %dma_wait3A_104 : memref<1x7x512xi32, #tpu.memory_space<vmem>> -> memref<7x512xi32, #tpu.memory_space<vmem>>
        %dma_wait3A_106 = arith.constant 0 : i32
        %dma_wait3A_107 = arith.constant 0 : i32
        %dma_wait3A_108 = tpu.memref_slice %arg4[%arg1, %dma_wait3A_106, %dma_wait3A_107] : memref<16x98x512xi32, #tpu.memory_space<hbm>> -> memref<1x7x512xi32, #tpu.memory_space<hbm>>
        %dma_wait3A_109 = tpu.memref_squeeze %dma_wait3A_108 : memref<1x7x512xi32, #tpu.memory_space<hbm>> -> memref<7x512xi32, #tpu.memory_space<hbm>>
        tpu.wait_dma2 semaphore(%arg26 : memref<!tpu.dma_semaphore, #tpu.memory_space<semaphore_mem>>) src(%dma_wait3A_109 : memref<7x512xi32, #tpu.memory_space<hbm>>) dst(%dma_wait3A_105 : memref<7x512xi32, #tpu.memory_space<vmem>>)
        %dma_wait3A_110 = arith.constant 0 : i32
        %dma_wait3A_111 = arith.constant 0 : i32
        %dma_wait3A_112 = tpu.memref_slice %arg14[%rem3A_88, %dma_wait3A_110, %dma_wait3A_111] : memref<2x7x512xi32, #tpu.memory_space<vmem>> -> memref<1x7x512xi32, #tpu.memory_space<vmem>>
        %dma_wait3A_113 = tpu.memref_squeeze %dma_wait3A_112 : memref<1x7x512xi32, #tpu.memory_space<vmem>> -> memref<7x512xi32, #tpu.memory_space<vmem>>
        %dma_wait3A_114 = arith.constant 0 : i32
        %dma_wait3A_115 = arith.constant 0 : i32
        %dma_wait3A_116 = tpu.memref_slice %arg5[%arg1, %dma_wait3A_114, %dma_wait3A_115] : memref<16x98x512xi32, #tpu.memory_space<hbm>> -> memref<1x7x512xi32, #tpu.memory_space<hbm>>
        %dma_wait3A_117 = tpu.memref_squeeze %dma_wait3A_116 : memref<1x7x512xi32, #tpu.memory_space<hbm>> -> memref<7x512xi32, #tpu.memory_space<hbm>>
        %dma_wait3A_118 = arith.constant 0 : i32
        %dma_wait3A_119 = arith.constant 0 : i32
        %dma_wait3A_120 = tpu.memref_slice %arg14[%rem3A_88, %dma_wait3A_118, %dma_wait3A_119] : memref<2x7x512xi32, #tpu.memory_space<vmem>> -> memref<1x7x512xi32, #tpu.memory_space<vmem>>
        %dma_wait3A_121 = tpu.memref_squeeze %dma_wait3A_120 : memref<1x7x512xi32, #tpu.memory_space<vmem>> -> memref<7x512xi32, #tpu.memory_space<vmem>>
        %dma_wait3A_122 = arith.constant 0 : i32
        %dma_wait3A_123 = arith.constant 0 : i32
        %dma_wait3A_124 = tpu.memref_slice %arg5[%arg1, %dma_wait3A_122, %dma_wait3A_123] : memref<16x98x512xi32, #tpu.memory_space<hbm>> -> memref<1x7x512xi32, #tpu.memory_space<hbm>>
        %dma_wait3A_125 = tpu.memref_squeeze %dma_wait3A_124 : memref<1x7x512xi32, #tpu.memory_space<hbm>> -> memref<7x512xi32, #tpu.memory_space<hbm>>
        tpu.wait_dma2 semaphore(%arg26 : memref<!tpu.dma_semaphore, #tpu.memory_space<semaphore_mem>>) src(%dma_wait3A_125 : memref<7x512xi32, #tpu.memory_space<hbm>>) dst(%dma_wait3A_121 : memref<7x512xi32, #tpu.memory_space<vmem>>)
        %dma_start3A_126 = arith.constant 0 : i32
        %dma_start3A_127 = arith.constant 0 : i32
        %dma_start3A_128 = arith.constant 0 : i32
        %dma_start3A_129 = arith.constant 0 : i32
        %dma_start3A_130 = tpu.memref_slice %arg15[%dma_start3A_127, %dma_start3A_128, %dma_start3A_129] : memref<4x512x32xbf16, #tpu.memory_space<vmem>> -> memref<1x512x32xbf16, #tpu.memory_space<vmem>>
        %dma_start3A_131 = tpu.memref_squeeze %dma_start3A_130 : memref<1x512x32xbf16, #tpu.memory_space<vmem>> -> memref<512x32xbf16, #tpu.memory_space<vmem>>
        %dma_start3A_132 = arith.constant 0 : i32
        %dma_start3A_133 = tpu.memref_slice %arg13[%rem3A_88, %dma_start3A_126, %dma_start3A_132] : memref<2x7x512xi32, #tpu.memory_space<vmem>> -> memref<1x1x512xi32, #tpu.memory_space<vmem>>
        %dma_start3A_134 = tpu.memref_squeeze %dma_start3A_133 : memref<1x1x512xi32, #tpu.memory_space<vmem>> -> memref<512xi32, #tpu.memory_space<vmem>>
        %dma_start3A_135 = arith.constant 0 : i32
        %dma_start3A_136 = arith.constant 0 : i32
        %dma_start3A_137 = tpu.memref_slice %arg3[%dma_start3A_135, %dma_start3A_136] : memref<50000x32xbf16, #tpu.memory_space<hbm>> -> memref<50000x32xbf16, #tpu.memory_space<hbm>>
        tpu.enqueue_indirect_dma source(%dma_start3A_137 : memref<50000x32xbf16, #tpu.memory_space<hbm>>) target(%dma_start3A_131 : memref<512x32xbf16, #tpu.memory_space<vmem>>) offsets(%dma_start3A_134 : memref<512xi32, #tpu.memory_space<vmem>>) semaphore(%arg18 : memref<!tpu.dma_semaphore, #tpu.memory_space<semaphore_mem>>)
        %dma_start3A_138 = arith.constant 1 : i32
        %dma_start3A_139 = arith.constant 1 : i32
        %dma_start3A_140 = arith.constant 0 : i32
        %dma_start3A_141 = arith.constant 0 : i32
        %dma_start3A_142 = tpu.memref_slice %arg15[%dma_start3A_139, %dma_start3A_140, %dma_start3A_141] : memref<4x512x32xbf16, #tpu.memory_space<vmem>> -> memref<1x512x32xbf16, #tpu.memory_space<vmem>>
        %dma_start3A_143 = tpu.memref_squeeze %dma_start3A_142 : memref<1x512x32xbf16, #tpu.memory_space<vmem>> -> memref<512x32xbf16, #tpu.memory_space<vmem>>
        %dma_start3A_144 = arith.constant 0 : i32
        %dma_start3A_145 = tpu.memref_slice %arg13[%rem3A_88, %dma_start3A_138, %dma_start3A_144] : memref<2x7x512xi32, #tpu.memory_space<vmem>> -> memref<1x1x512xi32, #tpu.memory_space<vmem>>
        %dma_start3A_146 = tpu.memref_squeeze %dma_start3A_145 : memref<1x1x512xi32, #tpu.memory_space<vmem>> -> memref<512xi32, #tpu.memory_space<vmem>>
        %dma_start3A_147 = arith.constant 0 : i32
        %dma_start3A_148 = arith.constant 0 : i32
        %dma_start3A_149 = tpu.memref_slice %arg3[%dma_start3A_147, %dma_start3A_148] : memref<50000x32xbf16, #tpu.memory_space<hbm>> -> memref<50000x32xbf16, #tpu.memory_space<hbm>>
        tpu.enqueue_indirect_dma source(%dma_start3A_149 : memref<50000x32xbf16, #tpu.memory_space<hbm>>) target(%dma_start3A_143 : memref<512x32xbf16, #tpu.memory_space<vmem>>) offsets(%dma_start3A_146 : memref<512xi32, #tpu.memory_space<vmem>>) semaphore(%arg19 : memref<!tpu.dma_semaphore, #tpu.memory_space<semaphore_mem>>)
        %dma_start3A_150 = arith.constant 2 : i32
        %dma_start3A_151 = arith.constant 2 : i32
        %dma_start3A_152 = arith.constant 0 : i32
        %dma_start3A_153 = arith.constant 0 : i32
        %dma_start3A_154 = tpu.memref_slice %arg15[%dma_start3A_151, %dma_start3A_152, %dma_start3A_153] : memref<4x512x32xbf16, #tpu.memory_space<vmem>> -> memref<1x512x32xbf16, #tpu.memory_space<vmem>>
        %dma_start3A_155 = tpu.memref_squeeze %dma_start3A_154 : memref<1x512x32xbf16, #tpu.memory_space<vmem>> -> memref<512x32xbf16, #tpu.memory_space<vmem>>
        %dma_start3A_156 = arith.constant 0 : i32
        %dma_start3A_157 = tpu.memref_slice %arg13[%rem3A_88, %dma_start3A_150, %dma_start3A_156] : memref<2x7x512xi32, #tpu.memory_space<vmem>> -> memref<1x1x512xi32, #tpu.memory_space<vmem>>
        %dma_start3A_158 = tpu.memref_squeeze %dma_start3A_157 : memref<1x1x512xi32, #tpu.memory_space<vmem>> -> memref<512xi32, #tpu.memory_space<vmem>>
        %dma_start3A_159 = arith.constant 0 : i32
        %dma_start3A_160 = arith.constant 0 : i32
        %dma_start3A_161 = tpu.memref_slice %arg3[%dma_start3A_159, %dma_start3A_160] : memref<50000x32xbf16, #tpu.memory_space<hbm>> -> memref<50000x32xbf16, #tpu.memory_space<hbm>>
        tpu.enqueue_indirect_dma source(%dma_start3A_161 : memref<50000x32xbf16, #tpu.memory_space<hbm>>) target(%dma_start3A_155 : memref<512x32xbf16, #tpu.memory_space<vmem>>) offsets(%dma_start3A_158 : memref<512xi32, #tpu.memory_space<vmem>>) semaphore(%arg20 : memref<!tpu.dma_semaphore, #tpu.memory_space<semaphore_mem>>)
        %dma_start3A_162 = arith.constant 3 : i32
        %dma_start3A_163 = arith.constant 3 : i32
        %dma_start3A_164 = arith.constant 0 : i32
        %dma_start3A_165 = arith.constant 0 : i32
        %dma_start3A_166 = tpu.memref_slice %arg15[%dma_start3A_163, %dma_start3A_164, %dma_start3A_165] : memref<4x512x32xbf16, #tpu.memory_space<vmem>> -> memref<1x512x32xbf16, #tpu.memory_space<vmem>>
        %dma_start3A_167 = tpu.memref_squeeze %dma_start3A_166 : memref<1x512x32xbf16, #tpu.memory_space<vmem>> -> memref<512x32xbf16, #tpu.memory_space<vmem>>
        %dma_start3A_168 = arith.constant 0 : i32
        %dma_start3A_169 = tpu.memref_slice %arg13[%rem3A_88, %dma_start3A_162, %dma_start3A_168] : memref<2x7x512xi32, #tpu.memory_space<vmem>> -> memref<1x1x512xi32, #tpu.memory_space<vmem>>
        %dma_start3A_170 = tpu.memref_squeeze %dma_start3A_169 : memref<1x1x512xi32, #tpu.memory_space<vmem>> -> memref<512xi32, #tpu.memory_space<vmem>>
        %dma_start3A_171 = arith.constant 0 : i32
        %dma_start3A_172 = arith.constant 0 : i32
        %dma_start3A_173 = tpu.memref_slice %arg3[%dma_start3A_171, %dma_start3A_172] : memref<50000x32xbf16, #tpu.memory_space<hbm>> -> memref<50000x32xbf16, #tpu.memory_space<hbm>>
        tpu.enqueue_indirect_dma source(%dma_start3A_173 : memref<50000x32xbf16, #tpu.memory_space<hbm>>) target(%dma_start3A_167 : memref<512x32xbf16, #tpu.memory_space<vmem>>) offsets(%dma_start3A_170 : memref<512xi32, #tpu.memory_space<vmem>>) semaphore(%arg21 : memref<!tpu.dma_semaphore, #tpu.memory_space<semaphore_mem>>)
        %dma_wait3A_174 = arith.constant 0 : i32
        %dma_wait3A_175 = arith.constant 0 : i32
        %dma_wait3A_176 = arith.constant 0 : i32
        %dma_wait3A_177 = arith.constant 0 : i32
        %dma_wait3A_178 = tpu.memref_slice %arg15[%dma_wait3A_175, %dma_wait3A_176, %dma_wait3A_177] : memref<4x512x32xbf16, #tpu.memory_space<vmem>> -> memref<1x512x32xbf16, #tpu.memory_space<vmem>>
        %dma_wait3A_179 = tpu.memref_squeeze %dma_wait3A_178 : memref<1x512x32xbf16, #tpu.memory_space<vmem>> -> memref<512x32xbf16, #tpu.memory_space<vmem>>
        %dma_wait3A_180 = arith.constant 0 : i32
        %dma_wait3A_181 = tpu.memref_slice %arg13[%rem3A_88, %dma_wait3A_174, %dma_wait3A_180] : memref<2x7x512xi32, #tpu.memory_space<vmem>> -> memref<1x1x512xi32, #tpu.memory_space<vmem>>
        %dma_wait3A_182 = tpu.memref_squeeze %dma_wait3A_181 : memref<1x1x512xi32, #tpu.memory_space<vmem>> -> memref<512xi32, #tpu.memory_space<vmem>>
        %dma_wait3A_183 = arith.constant 0 : i32
        %dma_wait3A_184 = arith.constant 0 : i32
        %dma_wait3A_185 = tpu.memref_slice %arg3[%dma_wait3A_183, %dma_wait3A_184] : memref<50000x32xbf16, #tpu.memory_space<hbm>> -> memref<50000x32xbf16, #tpu.memory_space<hbm>>
        tpu.wait_indirect_dma semaphore(%arg18 : memref<!tpu.dma_semaphore, #tpu.memory_space<semaphore_mem>>) src(%dma_wait3A_185 : memref<50000x32xbf16, #tpu.memory_space<hbm>>) dst(%dma_wait3A_179 : memref<512x32xbf16, #tpu.memory_space<vmem>>)
        %dma_start3A_186 = arith.constant 0 : i32
        %dma_start3A_187 = arith.constant 0 : i32
        %dma_start3A_188 = arith.constant 0 : i32
        %dma_start3A_189 = arith.constant 0 : i32
        %dma_start3A_190 = tpu.memref_slice %arg15[%dma_start3A_186, %dma_start3A_188, %dma_start3A_189] : memref<4x512x32xbf16, #tpu.memory_space<vmem>> -> memref<1x512x32xbf16, #tpu.memory_space<vmem>>
        %dma_start3A_191 = tpu.memref_squeeze %dma_start3A_190 : memref<1x512x32xbf16, #tpu.memory_space<vmem>> -> memref<512x32xbf16, #tpu.memory_space<vmem>>
        %dma_start3A_192 = arith.constant 0 : i32
        %dma_start3A_193 = tpu.memref_slice %arg14[%rem3A_88, %dma_start3A_187, %dma_start3A_192] : memref<2x7x512xi32, #tpu.memory_space<vmem>> -> memref<1x1x512xi32, #tpu.memory_space<vmem>>
        %dma_start3A_194 = tpu.memref_squeeze %dma_start3A_193 : memref<1x1x512xi32, #tpu.memory_space<vmem>> -> memref<512xi32, #tpu.memory_space<vmem>>
        %dma_start3A_195 = arith.constant 0 : i32
        %dma_start3A_196 = arith.constant 0 : i32
        %dma_start3A_197 = tpu.memref_slice %arg17[%dma_start3A_195, %dma_start3A_196] : memref<50176x32xbf16, #tpu.memory_space<vmem_shared>> -> memref<50176x32xbf16, #tpu.memory_space<vmem_shared>>
        tpu.enqueue_indirect_dma source(%dma_start3A_191 : memref<512x32xbf16, #tpu.memory_space<vmem>>) target(%dma_start3A_197 : memref<50176x32xbf16, #tpu.memory_space<vmem_shared>>) offsets(%dma_start3A_194 : memref<512xi32, #tpu.memory_space<vmem>>) semaphore(%arg22 : memref<!tpu.dma_semaphore, #tpu.memory_space<semaphore_mem>>) {add = true}
        %dma_wait3A_198 = arith.constant 1 : i32
        %dma_wait3A_199 = arith.constant 1 : i32
        %dma_wait3A_200 = arith.constant 0 : i32
        %dma_wait3A_201 = arith.constant 0 : i32
        %dma_wait3A_202 = tpu.memref_slice %arg15[%dma_wait3A_199, %dma_wait3A_200, %dma_wait3A_201] : memref<4x512x32xbf16, #tpu.memory_space<vmem>> -> memref<1x512x32xbf16, #tpu.memory_space<vmem>>
        %dma_wait3A_203 = tpu.memref_squeeze %dma_wait3A_202 : memref<1x512x32xbf16, #tpu.memory_space<vmem>> -> memref<512x32xbf16, #tpu.memory_space<vmem>>
        %dma_wait3A_204 = arith.constant 0 : i32
        %dma_wait3A_205 = tpu.memref_slice %arg13[%rem3A_88, %dma_wait3A_198, %dma_wait3A_204] : memref<2x7x512xi32, #tpu.memory_space<vmem>> -> memref<1x1x512xi32, #tpu.memory_space<vmem>>
        %dma_wait3A_206 = tpu.memref_squeeze %dma_wait3A_205 : memref<1x1x512xi32, #tpu.memory_space<vmem>> -> memref<512xi32, #tpu.memory_space<vmem>>
        %dma_wait3A_207 = arith.constant 0 : i32
        %dma_wait3A_208 = arith.constant 0 : i32
        %dma_wait3A_209 = tpu.memref_slice %arg3[%dma_wait3A_207, %dma_wait3A_208] : memref<50000x32xbf16, #tpu.memory_space<hbm>> -> memref<50000x32xbf16, #tpu.memory_space<hbm>>
        tpu.wait_indirect_dma semaphore(%arg19 : memref<!tpu.dma_semaphore, #tpu.memory_space<semaphore_mem>>) src(%dma_wait3A_209 : memref<50000x32xbf16, #tpu.memory_space<hbm>>) dst(%dma_wait3A_203 : memref<512x32xbf16, #tpu.memory_space<vmem>>)
        %dma_start3A_210 = arith.constant 1 : i32
        %dma_start3A_211 = arith.constant 1 : i32
        %dma_start3A_212 = arith.constant 0 : i32
        %dma_start3A_213 = arith.constant 0 : i32
        %dma_start3A_214 = tpu.memref_slice %arg15[%dma_start3A_210, %dma_start3A_212, %dma_start3A_213] : memref<4x512x32xbf16, #tpu.memory_space<vmem>> -> memref<1x512x32xbf16, #tpu.memory_space<vmem>>
        %dma_start3A_215 = tpu.memref_squeeze %dma_start3A_214 : memref<1x512x32xbf16, #tpu.memory_space<vmem>> -> memref<512x32xbf16, #tpu.memory_space<vmem>>
        %dma_start3A_216 = arith.constant 0 : i32
        %dma_start3A_217 = tpu.memref_slice %arg14[%rem3A_88, %dma_start3A_211, %dma_start3A_216] : memref<2x7x512xi32, #tpu.memory_space<vmem>> -> memref<1x1x512xi32, #tpu.memory_space<vmem>>
        %dma_start3A_218 = tpu.memref_squeeze %dma_start3A_217 : memref<1x1x512xi32, #tpu.memory_space<vmem>> -> memref<512xi32, #tpu.memory_space<vmem>>
        %dma_start3A_219 = arith.constant 0 : i32
        %dma_start3A_220 = arith.constant 0 : i32
        %dma_start3A_221 = tpu.memref_slice %arg17[%dma_start3A_219, %dma_start3A_220] : memref<50176x32xbf16, #tpu.memory_space<vmem_shared>> -> memref<50176x32xbf16, #tpu.memory_space<vmem_shared>>
        tpu.enqueue_indirect_dma source(%dma_start3A_215 : memref<512x32xbf16, #tpu.memory_space<vmem>>) target(%dma_start3A_221 : memref<50176x32xbf16, #tpu.memory_space<vmem_shared>>) offsets(%dma_start3A_218 : memref<512xi32, #tpu.memory_space<vmem>>) semaphore(%arg23 : memref<!tpu.dma_semaphore, #tpu.memory_space<semaphore_mem>>) {add = true}
        %dma_wait3A_222 = arith.constant 2 : i32
        %dma_wait3A_223 = arith.constant 2 : i32
        %dma_wait3A_224 = arith.constant 0 : i32
        %dma_wait3A_225 = arith.constant 0 : i32
        %dma_wait3A_226 = tpu.memref_slice %arg15[%dma_wait3A_223, %dma_wait3A_224, %dma_wait3A_225] : memref<4x512x32xbf16, #tpu.memory_space<vmem>> -> memref<1x512x32xbf16, #tpu.memory_space<vmem>>
        %dma_wait3A_227 = tpu.memref_squeeze %dma_wait3A_226 : memref<1x512x32xbf16, #tpu.memory_space<vmem>> -> memref<512x32xbf16, #tpu.memory_space<vmem>>
        %dma_wait3A_228 = arith.constant 0 : i32
        %dma_wait3A_229 = tpu.memref_slice %arg13[%rem3A_88, %dma_wait3A_222, %dma_wait3A_228] : memref<2x7x512xi32, #tpu.memory_space<vmem>> -> memref<1x1x512xi32, #tpu.memory_space<vmem>>
        %dma_wait3A_230 = tpu.memref_squeeze %dma_wait3A_229 : memref<1x1x512xi32, #tpu.memory_space<vmem>> -> memref<512xi32, #tpu.memory_space<vmem>>
        %dma_wait3A_231 = arith.constant 0 : i32
        %dma_wait3A_232 = arith.constant 0 : i32
        %dma_wait3A_233 = tpu.memref_slice %arg3[%dma_wait3A_231, %dma_wait3A_232] : memref<50000x32xbf16, #tpu.memory_space<hbm>> -> memref<50000x32xbf16, #tpu.memory_space<hbm>>
        tpu.wait_indirect_dma semaphore(%arg20 : memref<!tpu.dma_semaphore, #tpu.memory_space<semaphore_mem>>) src(%dma_wait3A_233 : memref<50000x32xbf16, #tpu.memory_space<hbm>>) dst(%dma_wait3A_227 : memref<512x32xbf16, #tpu.memory_space<vmem>>)
        %dma_start3A_234 = arith.constant 2 : i32
        %dma_start3A_235 = arith.constant 2 : i32
        %dma_start3A_236 = arith.constant 0 : i32
        %dma_start3A_237 = arith.constant 0 : i32
        %dma_start3A_238 = tpu.memref_slice %arg15[%dma_start3A_234, %dma_start3A_236, %dma_start3A_237] : memref<4x512x32xbf16, #tpu.memory_space<vmem>> -> memref<1x512x32xbf16, #tpu.memory_space<vmem>>
        %dma_start3A_239 = tpu.memref_squeeze %dma_start3A_238 : memref<1x512x32xbf16, #tpu.memory_space<vmem>> -> memref<512x32xbf16, #tpu.memory_space<vmem>>
        %dma_start3A_240 = arith.constant 0 : i32
        %dma_start3A_241 = tpu.memref_slice %arg14[%rem3A_88, %dma_start3A_235, %dma_start3A_240] : memref<2x7x512xi32, #tpu.memory_space<vmem>> -> memref<1x1x512xi32, #tpu.memory_space<vmem>>
        %dma_start3A_242 = tpu.memref_squeeze %dma_start3A_241 : memref<1x1x512xi32, #tpu.memory_space<vmem>> -> memref<512xi32, #tpu.memory_space<vmem>>
        %dma_start3A_243 = arith.constant 0 : i32
        %dma_start3A_244 = arith.constant 0 : i32
        %dma_start3A_245 = tpu.memref_slice %arg17[%dma_start3A_243, %dma_start3A_244] : memref<50176x32xbf16, #tpu.memory_space<vmem_shared>> -> memref<50176x32xbf16, #tpu.memory_space<vmem_shared>>
        tpu.enqueue_indirect_dma source(%dma_start3A_239 : memref<512x32xbf16, #tpu.memory_space<vmem>>) target(%dma_start3A_245 : memref<50176x32xbf16, #tpu.memory_space<vmem_shared>>) offsets(%dma_start3A_242 : memref<512xi32, #tpu.memory_space<vmem>>) semaphore(%arg24 : memref<!tpu.dma_semaphore, #tpu.memory_space<semaphore_mem>>) {add = true}
        %dma_wait3A_246 = arith.constant 0 : i32
        %dma_wait3A_247 = arith.constant 0 : i32
        %dma_wait3A_248 = arith.constant 0 : i32
        %dma_wait3A_249 = arith.constant 0 : i32
        %dma_wait3A_250 = tpu.memref_slice %arg15[%dma_wait3A_246, %dma_wait3A_248, %dma_wait3A_249] : memref<4x512x32xbf16, #tpu.memory_space<vmem>> -> memref<1x512x32xbf16, #tpu.memory_space<vmem>>
        %dma_wait3A_251 = tpu.memref_squeeze %dma_wait3A_250 : memref<1x512x32xbf16, #tpu.memory_space<vmem>> -> memref<512x32xbf16, #tpu.memory_space<vmem>>
        %dma_wait3A_252 = arith.constant 0 : i32
        %dma_wait3A_253 = tpu.memref_slice %arg14[%rem3A_88, %dma_wait3A_247, %dma_wait3A_252] : memref<2x7x512xi32, #tpu.memory_space<vmem>> -> memref<1x1x512xi32, #tpu.memory_space<vmem>>
        %dma_wait3A_254 = tpu.memref_squeeze %dma_wait3A_253 : memref<1x1x512xi32, #tpu.memory_space<vmem>> -> memref<512xi32, #tpu.memory_space<vmem>>
        %dma_wait3A_255 = arith.constant 0 : i32
        %dma_wait3A_256 = arith.constant 0 : i32
        %dma_wait3A_257 = tpu.memref_slice %arg17[%dma_wait3A_255, %dma_wait3A_256] : memref<50176x32xbf16, #tpu.memory_space<vmem_shared>> -> memref<50176x32xbf16, #tpu.memory_space<vmem_shared>>
        tpu.wait_indirect_dma semaphore(%arg22 : memref<!tpu.dma_semaphore, #tpu.memory_space<semaphore_mem>>) src(%dma_wait3A_251 : memref<512x32xbf16, #tpu.memory_space<vmem>>) dst(%dma_wait3A_257 : memref<50176x32xbf16, #tpu.memory_space<vmem_shared>>)
        %dma_start3A_258 = arith.constant 4 : i32
        %dma_start3A_259 = arith.constant 0 : i32
        %dma_start3A_260 = arith.constant 0 : i32
        %dma_start3A_261 = arith.constant 0 : i32
        %dma_start3A_262 = tpu.memref_slice %arg15[%dma_start3A_259, %dma_start3A_260, %dma_start3A_261] : memref<4x512x32xbf16, #tpu.memory_space<vmem>> -> memref<1x512x32xbf16, #tpu.memory_space<vmem>>
        %dma_start3A_263 = tpu.memref_squeeze %dma_start3A_262 : memref<1x512x32xbf16, #tpu.memory_space<vmem>> -> memref<512x32xbf16, #tpu.memory_space<vmem>>
        %dma_start3A_264 = arith.constant 0 : i32
        %dma_start3A_265 = tpu.memref_slice %arg13[%rem3A_88, %dma_start3A_258, %dma_start3A_264] : memref<2x7x512xi32, #tpu.memory_space<vmem>> -> memref<1x1x512xi32, #tpu.memory_space<vmem>>
        %dma_start3A_266 = tpu.memref_squeeze %dma_start3A_265 : memref<1x1x512xi32, #tpu.memory_space<vmem>> -> memref<512xi32, #tpu.memory_space<vmem>>
        %dma_start3A_267 = arith.constant 0 : i32
        %dma_start3A_268 = arith.constant 0 : i32
        %dma_start3A_269 = tpu.memref_slice %arg3[%dma_start3A_267, %dma_start3A_268] : memref<50000x32xbf16, #tpu.memory_space<hbm>> -> memref<50000x32xbf16, #tpu.memory_space<hbm>>
        tpu.enqueue_indirect_dma source(%dma_start3A_269 : memref<50000x32xbf16, #tpu.memory_space<hbm>>) target(%dma_start3A_263 : memref<512x32xbf16, #tpu.memory_space<vmem>>) offsets(%dma_start3A_266 : memref<512xi32, #tpu.memory_space<vmem>>) semaphore(%arg18 : memref<!tpu.dma_semaphore, #tpu.memory_space<semaphore_mem>>)
        %dma_wait3A_270 = arith.constant 3 : i32
        %dma_wait3A_271 = arith.constant 3 : i32
        %dma_wait3A_272 = arith.constant 0 : i32
        %dma_wait3A_273 = arith.constant 0 : i32
        %dma_wait3A_274 = tpu.memref_slice %arg15[%dma_wait3A_271, %dma_wait3A_272, %dma_wait3A_273] : memref<4x512x32xbf16, #tpu.memory_space<vmem>> -> memref<1x512x32xbf16, #tpu.memory_space<vmem>>
        %dma_wait3A_275 = tpu.memref_squeeze %dma_wait3A_274 : memref<1x512x32xbf16, #tpu.memory_space<vmem>> -> memref<512x32xbf16, #tpu.memory_space<vmem>>
        %dma_wait3A_276 = arith.constant 0 : i32
        %dma_wait3A_277 = tpu.memref_slice %arg13[%rem3A_88, %dma_wait3A_270, %dma_wait3A_276] : memref<2x7x512xi32, #tpu.memory_space<vmem>> -> memref<1x1x512xi32, #tpu.memory_space<vmem>>
        %dma_wait3A_278 = tpu.memref_squeeze %dma_wait3A_277 : memref<1x1x512xi32, #tpu.memory_space<vmem>> -> memref<512xi32, #tpu.memory_space<vmem>>
        %dma_wait3A_279 = arith.constant 0 : i32
        %dma_wait3A_280 = arith.constant 0 : i32
        %dma_wait3A_281 = tpu.memref_slice %arg3[%dma_wait3A_279, %dma_wait3A_280] : memref<50000x32xbf16, #tpu.memory_space<hbm>> -> memref<50000x32xbf16, #tpu.memory_space<hbm>>
        tpu.wait_indirect_dma semaphore(%arg21 : memref<!tpu.dma_semaphore, #tpu.memory_space<semaphore_mem>>) src(%dma_wait3A_281 : memref<50000x32xbf16, #tpu.memory_space<hbm>>) dst(%dma_wait3A_275 : memref<512x32xbf16, #tpu.memory_space<vmem>>)
        %dma_start3A_282 = arith.constant 3 : i32
        %dma_start3A_283 = arith.constant 3 : i32
        %dma_start3A_284 = arith.constant 0 : i32
        %dma_start3A_285 = arith.constant 0 : i32
        %dma_start3A_286 = tpu.memref_slice %arg15[%dma_start3A_282, %dma_start3A_284, %dma_start3A_285] : memref<4x512x32xbf16, #tpu.memory_space<vmem>> -> memref<1x512x32xbf16, #tpu.memory_space<vmem>>
        %dma_start3A_287 = tpu.memref_squeeze %dma_start3A_286 : memref<1x512x32xbf16, #tpu.memory_space<vmem>> -> memref<512x32xbf16, #tpu.memory_space<vmem>>
        %dma_start3A_288 = arith.constant 0 : i32
        %dma_start3A_289 = tpu.memref_slice %arg14[%rem3A_88, %dma_start3A_283, %dma_start3A_288] : memref<2x7x512xi32, #tpu.memory_space<vmem>> -> memref<1x1x512xi32, #tpu.memory_space<vmem>>
        %dma_start3A_290 = tpu.memref_squeeze %dma_start3A_289 : memref<1x1x512xi32, #tpu.memory_space<vmem>> -> memref<512xi32, #tpu.memory_space<vmem>>
        %dma_start3A_291 = arith.constant 0 : i32
        %dma_start3A_292 = arith.constant 0 : i32
        %dma_start3A_293 = tpu.memref_slice %arg17[%dma_start3A_291, %dma_start3A_292] : memref<50176x32xbf16, #tpu.memory_space<vmem_shared>> -> memref<50176x32xbf16, #tpu.memory_space<vmem_shared>>
        tpu.enqueue_indirect_dma source(%dma_start3A_287 : memref<512x32xbf16, #tpu.memory_space<vmem>>) target(%dma_start3A_293 : memref<50176x32xbf16, #tpu.memory_space<vmem_shared>>) offsets(%dma_start3A_290 : memref<512xi32, #tpu.memory_space<vmem>>) semaphore(%arg25 : memref<!tpu.dma_semaphore, #tpu.memory_space<semaphore_mem>>) {add = true}
        %dma_wait3A_294 = arith.constant 1 : i32
        %dma_wait3A_295 = arith.constant 1 : i32
        %dma_wait3A_296 = arith.constant 0 : i32
        %dma_wait3A_297 = arith.constant 0 : i32
        %dma_wait3A_298 = tpu.memref_slice %arg15[%dma_wait3A_294, %dma_wait3A_296, %dma_wait3A_297] : memref<4x512x32xbf16, #tpu.memory_space<vmem>> -> memref<1x512x32xbf16, #tpu.memory_space<vmem>>
        %dma_wait3A_299 = tpu.memref_squeeze %dma_wait3A_298 : memref<1x512x32xbf16, #tpu.memory_space<vmem>> -> memref<512x32xbf16, #tpu.memory_space<vmem>>
        %dma_wait3A_300 = arith.constant 0 : i32
        %dma_wait3A_301 = tpu.memref_slice %arg14[%rem3A_88, %dma_wait3A_295, %dma_wait3A_300] : memref<2x7x512xi32, #tpu.memory_space<vmem>> -> memref<1x1x512xi32, #tpu.memory_space<vmem>>
        %dma_wait3A_302 = tpu.memref_squeeze %dma_wait3A_301 : memref<1x1x512xi32, #tpu.memory_space<vmem>> -> memref<512xi32, #tpu.memory_space<vmem>>
        %dma_wait3A_303 = arith.constant 0 : i32
        %dma_wait3A_304 = arith.constant 0 : i32
        %dma_wait3A_305 = tpu.memref_slice %arg17[%dma_wait3A_303, %dma_wait3A_304] : memref<50176x32xbf16, #tpu.memory_space<vmem_shared>> -> memref<50176x32xbf16, #tpu.memory_space<vmem_shared>>
        tpu.wait_indirect_dma semaphore(%arg23 : memref<!tpu.dma_semaphore, #tpu.memory_space<semaphore_mem>>) src(%dma_wait3A_299 : memref<512x32xbf16, #tpu.memory_space<vmem>>) dst(%dma_wait3A_305 : memref<50176x32xbf16, #tpu.memory_space<vmem_shared>>)
        %dma_start3A_306 = arith.constant 5 : i32
        %dma_start3A_307 = arith.constant 1 : i32
        %dma_start3A_308 = arith.constant 0 : i32
        %dma_start3A_309 = arith.constant 0 : i32
        %dma_start3A_310 = tpu.memref_slice %arg15[%dma_start3A_307, %dma_start3A_308, %dma_start3A_309] : memref<4x512x32xbf16, #tpu.memory_space<vmem>> -> memref<1x512x32xbf16, #tpu.memory_space<vmem>>
        %dma_start3A_311 = tpu.memref_squeeze %dma_start3A_310 : memref<1x512x32xbf16, #tpu.memory_space<vmem>> -> memref<512x32xbf16, #tpu.memory_space<vmem>>
        %dma_start3A_312 = arith.constant 0 : i32
        %dma_start3A_313 = tpu.memref_slice %arg13[%rem3A_88, %dma_start3A_306, %dma_start3A_312] : memref<2x7x512xi32, #tpu.memory_space<vmem>> -> memref<1x1x512xi32, #tpu.memory_space<vmem>>
        %dma_start3A_314 = tpu.memref_squeeze %dma_start3A_313 : memref<1x1x512xi32, #tpu.memory_space<vmem>> -> memref<512xi32, #tpu.memory_space<vmem>>
        %dma_start3A_315 = arith.constant 0 : i32
        %dma_start3A_316 = arith.constant 0 : i32
        %dma_start3A_317 = tpu.memref_slice %arg3[%dma_start3A_315, %dma_start3A_316] : memref<50000x32xbf16, #tpu.memory_space<hbm>> -> memref<50000x32xbf16, #tpu.memory_space<hbm>>
        tpu.enqueue_indirect_dma source(%dma_start3A_317 : memref<50000x32xbf16, #tpu.memory_space<hbm>>) target(%dma_start3A_311 : memref<512x32xbf16, #tpu.memory_space<vmem>>) offsets(%dma_start3A_314 : memref<512xi32, #tpu.memory_space<vmem>>) semaphore(%arg19 : memref<!tpu.dma_semaphore, #tpu.memory_space<semaphore_mem>>)
        %dma_wait3A_318 = arith.constant 4 : i32
        %dma_wait3A_319 = arith.constant 0 : i32
        %dma_wait3A_320 = arith.constant 0 : i32
        %dma_wait3A_321 = arith.constant 0 : i32
        %dma_wait3A_322 = tpu.memref_slice %arg15[%dma_wait3A_319, %dma_wait3A_320, %dma_wait3A_321] : memref<4x512x32xbf16, #tpu.memory_space<vmem>> -> memref<1x512x32xbf16, #tpu.memory_space<vmem>>
        %dma_wait3A_323 = tpu.memref_squeeze %dma_wait3A_322 : memref<1x512x32xbf16, #tpu.memory_space<vmem>> -> memref<512x32xbf16, #tpu.memory_space<vmem>>
        %dma_wait3A_324 = arith.constant 0 : i32
        %dma_wait3A_325 = tpu.memref_slice %arg13[%rem3A_88, %dma_wait3A_318, %dma_wait3A_324] : memref<2x7x512xi32, #tpu.memory_space<vmem>> -> memref<1x1x512xi32, #tpu.memory_space<vmem>>
        %dma_wait3A_326 = tpu.memref_squeeze %dma_wait3A_325 : memref<1x1x512xi32, #tpu.memory_space<vmem>> -> memref<512xi32, #tpu.memory_space<vmem>>
        %dma_wait3A_327 = arith.constant 0 : i32
        %dma_wait3A_328 = arith.constant 0 : i32
        %dma_wait3A_329 = tpu.memref_slice %arg3[%dma_wait3A_327, %dma_wait3A_328] : memref<50000x32xbf16, #tpu.memory_space<hbm>> -> memref<50000x32xbf16, #tpu.memory_space<hbm>>
        tpu.wait_indirect_dma semaphore(%arg18 : memref<!tpu.dma_semaphore, #tpu.memory_space<semaphore_mem>>) src(%dma_wait3A_329 : memref<50000x32xbf16, #tpu.memory_space<hbm>>) dst(%dma_wait3A_323 : memref<512x32xbf16, #tpu.memory_space<vmem>>)
        %dma_start3A_330 = arith.constant 0 : i32
        %dma_start3A_331 = arith.constant 4 : i32
        %dma_start3A_332 = arith.constant 0 : i32
        %dma_start3A_333 = arith.constant 0 : i32
        %dma_start3A_334 = tpu.memref_slice %arg15[%dma_start3A_330, %dma_start3A_332, %dma_start3A_333] : memref<4x512x32xbf16, #tpu.memory_space<vmem>> -> memref<1x512x32xbf16, #tpu.memory_space<vmem>>
        %dma_start3A_335 = tpu.memref_squeeze %dma_start3A_334 : memref<1x512x32xbf16, #tpu.memory_space<vmem>> -> memref<512x32xbf16, #tpu.memory_space<vmem>>
        %dma_start3A_336 = arith.constant 0 : i32
        %dma_start3A_337 = tpu.memref_slice %arg14[%rem3A_88, %dma_start3A_331, %dma_start3A_336] : memref<2x7x512xi32, #tpu.memory_space<vmem>> -> memref<1x1x512xi32, #tpu.memory_space<vmem>>
        %dma_start3A_338 = tpu.memref_squeeze %dma_start3A_337 : memref<1x1x512xi32, #tpu.memory_space<vmem>> -> memref<512xi32, #tpu.memory_space<vmem>>
        %dma_start3A_339 = arith.constant 0 : i32
        %dma_start3A_340 = arith.constant 0 : i32
        %dma_start3A_341 = tpu.memref_slice %arg17[%dma_start3A_339, %dma_start3A_340] : memref<50176x32xbf16, #tpu.memory_space<vmem_shared>> -> memref<50176x32xbf16, #tpu.memory_space<vmem_shared>>
        tpu.enqueue_indirect_dma source(%dma_start3A_335 : memref<512x32xbf16, #tpu.memory_space<vmem>>) target(%dma_start3A_341 : memref<50176x32xbf16, #tpu.memory_space<vmem_shared>>) offsets(%dma_start3A_338 : memref<512xi32, #tpu.memory_space<vmem>>) semaphore(%arg22 : memref<!tpu.dma_semaphore, #tpu.memory_space<semaphore_mem>>) {add = true}
        %dma_wait3A_342 = arith.constant 2 : i32
        %dma_wait3A_343 = arith.constant 2 : i32
        %dma_wait3A_344 = arith.constant 0 : i32
        %dma_wait3A_345 = arith.constant 0 : i32
        %dma_wait3A_346 = tpu.memref_slice %arg15[%dma_wait3A_342, %dma_wait3A_344, %dma_wait3A_345] : memref<4x512x32xbf16, #tpu.memory_space<vmem>> -> memref<1x512x32xbf16, #tpu.memory_space<vmem>>
        %dma_wait3A_347 = tpu.memref_squeeze %dma_wait3A_346 : memref<1x512x32xbf16, #tpu.memory_space<vmem>> -> memref<512x32xbf16, #tpu.memory_space<vmem>>
        %dma_wait3A_348 = arith.constant 0 : i32
        %dma_wait3A_349 = tpu.memref_slice %arg14[%rem3A_88, %dma_wait3A_343, %dma_wait3A_348] : memref<2x7x512xi32, #tpu.memory_space<vmem>> -> memref<1x1x512xi32, #tpu.memory_space<vmem>>
        %dma_wait3A_350 = tpu.memref_squeeze %dma_wait3A_349 : memref<1x1x512xi32, #tpu.memory_space<vmem>> -> memref<512xi32, #tpu.memory_space<vmem>>
        %dma_wait3A_351 = arith.constant 0 : i32
        %dma_wait3A_352 = arith.constant 0 : i32
        %dma_wait3A_353 = tpu.memref_slice %arg17[%dma_wait3A_351, %dma_wait3A_352] : memref<50176x32xbf16, #tpu.memory_space<vmem_shared>> -> memref<50176x32xbf16, #tpu.memory_space<vmem_shared>>
        tpu.wait_indirect_dma semaphore(%arg24 : memref<!tpu.dma_semaphore, #tpu.memory_space<semaphore_mem>>) src(%dma_wait3A_347 : memref<512x32xbf16, #tpu.memory_space<vmem>>) dst(%dma_wait3A_353 : memref<50176x32xbf16, #tpu.memory_space<vmem_shared>>)
        %dma_start3A_354 = arith.constant 6 : i32
        %dma_start3A_355 = arith.constant 2 : i32
        %dma_start3A_356 = arith.constant 0 : i32
        %dma_start3A_357 = arith.constant 0 : i32
        %dma_start3A_358 = tpu.memref_slice %arg15[%dma_start3A_355, %dma_start3A_356, %dma_start3A_357] : memref<4x512x32xbf16, #tpu.memory_space<vmem>> -> memref<1x512x32xbf16, #tpu.memory_space<vmem>>
        %dma_start3A_359 = tpu.memref_squeeze %dma_start3A_358 : memref<1x512x32xbf16, #tpu.memory_space<vmem>> -> memref<512x32xbf16, #tpu.memory_space<vmem>>
        %dma_start3A_360 = arith.constant 0 : i32
        %dma_start3A_361 = tpu.memref_slice %arg13[%rem3A_88, %dma_start3A_354, %dma_start3A_360] : memref<2x7x512xi32, #tpu.memory_space<vmem>> -> memref<1x1x512xi32, #tpu.memory_space<vmem>>
        %dma_start3A_362 = tpu.memref_squeeze %dma_start3A_361 : memref<1x1x512xi32, #tpu.memory_space<vmem>> -> memref<512xi32, #tpu.memory_space<vmem>>
        %dma_start3A_363 = arith.constant 0 : i32
        %dma_start3A_364 = arith.constant 0 : i32
        %dma_start3A_365 = tpu.memref_slice %arg3[%dma_start3A_363, %dma_start3A_364] : memref<50000x32xbf16, #tpu.memory_space<hbm>> -> memref<50000x32xbf16, #tpu.memory_space<hbm>>
        tpu.enqueue_indirect_dma source(%dma_start3A_365 : memref<50000x32xbf16, #tpu.memory_space<hbm>>) target(%dma_start3A_359 : memref<512x32xbf16, #tpu.memory_space<vmem>>) offsets(%dma_start3A_362 : memref<512xi32, #tpu.memory_space<vmem>>) semaphore(%arg20 : memref<!tpu.dma_semaphore, #tpu.memory_space<semaphore_mem>>)
        %dma_wait3A_366 = arith.constant 5 : i32
        %dma_wait3A_367 = arith.constant 1 : i32
        %dma_wait3A_368 = arith.constant 0 : i32
        %dma_wait3A_369 = arith.constant 0 : i32
        %dma_wait3A_370 = tpu.memref_slice %arg15[%dma_wait3A_367, %dma_wait3A_368, %dma_wait3A_369] : memref<4x512x32xbf16, #tpu.memory_space<vmem>> -> memref<1x512x32xbf16, #tpu.memory_space<vmem>>
        %dma_wait3A_371 = tpu.memref_squeeze %dma_wait3A_370 : memref<1x512x32xbf16, #tpu.memory_space<vmem>> -> memref<512x32xbf16, #tpu.memory_space<vmem>>
        %dma_wait3A_372 = arith.constant 0 : i32
        %dma_wait3A_373 = tpu.memref_slice %arg13[%rem3A_88, %dma_wait3A_366, %dma_wait3A_372] : memref<2x7x512xi32, #tpu.memory_space<vmem>> -> memref<1x1x512xi32, #tpu.memory_space<vmem>>
        %dma_wait3A_374 = tpu.memref_squeeze %dma_wait3A_373 : memref<1x1x512xi32, #tpu.memory_space<vmem>> -> memref<512xi32, #tpu.memory_space<vmem>>
        %dma_wait3A_375 = arith.constant 0 : i32
        %dma_wait3A_376 = arith.constant 0 : i32
        %dma_wait3A_377 = tpu.memref_slice %arg3[%dma_wait3A_375, %dma_wait3A_376] : memref<50000x32xbf16, #tpu.memory_space<hbm>> -> memref<50000x32xbf16, #tpu.memory_space<hbm>>
        tpu.wait_indirect_dma semaphore(%arg19 : memref<!tpu.dma_semaphore, #tpu.memory_space<semaphore_mem>>) src(%dma_wait3A_377 : memref<50000x32xbf16, #tpu.memory_space<hbm>>) dst(%dma_wait3A_371 : memref<512x32xbf16, #tpu.memory_space<vmem>>)
        %dma_start3A_378 = arith.constant 1 : i32
        %dma_start3A_379 = arith.constant 5 : i32
        %dma_start3A_380 = arith.constant 0 : i32
        %dma_start3A_381 = arith.constant 0 : i32
        %dma_start3A_382 = tpu.memref_slice %arg15[%dma_start3A_378, %dma_start3A_380, %dma_start3A_381] : memref<4x512x32xbf16, #tpu.memory_space<vmem>> -> memref<1x512x32xbf16, #tpu.memory_space<vmem>>
        %dma_start3A_383 = tpu.memref_squeeze %dma_start3A_382 : memref<1x512x32xbf16, #tpu.memory_space<vmem>> -> memref<512x32xbf16, #tpu.memory_space<vmem>>
        %dma_start3A_384 = arith.constant 0 : i32
        %dma_start3A_385 = tpu.memref_slice %arg14[%rem3A_88, %dma_start3A_379, %dma_start3A_384] : memref<2x7x512xi32, #tpu.memory_space<vmem>> -> memref<1x1x512xi32, #tpu.memory_space<vmem>>
        %dma_start3A_386 = tpu.memref_squeeze %dma_start3A_385 : memref<1x1x512xi32, #tpu.memory_space<vmem>> -> memref<512xi32, #tpu.memory_space<vmem>>
        %dma_start3A_387 = arith.constant 0 : i32
        %dma_start3A_388 = arith.constant 0 : i32
        %dma_start3A_389 = tpu.memref_slice %arg17[%dma_start3A_387, %dma_start3A_388] : memref<50176x32xbf16, #tpu.memory_space<vmem_shared>> -> memref<50176x32xbf16, #tpu.memory_space<vmem_shared>>
        tpu.enqueue_indirect_dma source(%dma_start3A_383 : memref<512x32xbf16, #tpu.memory_space<vmem>>) target(%dma_start3A_389 : memref<50176x32xbf16, #tpu.memory_space<vmem_shared>>) offsets(%dma_start3A_386 : memref<512xi32, #tpu.memory_space<vmem>>) semaphore(%arg23 : memref<!tpu.dma_semaphore, #tpu.memory_space<semaphore_mem>>) {add = true}
        %dma_wait3A_390 = arith.constant 6 : i32
        %dma_wait3A_391 = arith.constant 2 : i32
        %dma_wait3A_392 = arith.constant 0 : i32
        %dma_wait3A_393 = arith.constant 0 : i32
        %dma_wait3A_394 = tpu.memref_slice %arg15[%dma_wait3A_391, %dma_wait3A_392, %dma_wait3A_393] : memref<4x512x32xbf16, #tpu.memory_space<vmem>> -> memref<1x512x32xbf16, #tpu.memory_space<vmem>>
        %dma_wait3A_395 = tpu.memref_squeeze %dma_wait3A_394 : memref<1x512x32xbf16, #tpu.memory_space<vmem>> -> memref<512x32xbf16, #tpu.memory_space<vmem>>
        %dma_wait3A_396 = arith.constant 0 : i32
        %dma_wait3A_397 = tpu.memref_slice %arg13[%rem3A_88, %dma_wait3A_390, %dma_wait3A_396] : memref<2x7x512xi32, #tpu.memory_space<vmem>> -> memref<1x1x512xi32, #tpu.memory_space<vmem>>
        %dma_wait3A_398 = tpu.memref_squeeze %dma_wait3A_397 : memref<1x1x512xi32, #tpu.memory_space<vmem>> -> memref<512xi32, #tpu.memory_space<vmem>>
        %dma_wait3A_399 = arith.constant 0 : i32
        %dma_wait3A_400 = arith.constant 0 : i32
        %dma_wait3A_401 = tpu.memref_slice %arg3[%dma_wait3A_399, %dma_wait3A_400] : memref<50000x32xbf16, #tpu.memory_space<hbm>> -> memref<50000x32xbf16, #tpu.memory_space<hbm>>
        tpu.wait_indirect_dma semaphore(%arg20 : memref<!tpu.dma_semaphore, #tpu.memory_space<semaphore_mem>>) src(%dma_wait3A_401 : memref<50000x32xbf16, #tpu.memory_space<hbm>>) dst(%dma_wait3A_395 : memref<512x32xbf16, #tpu.memory_space<vmem>>)
        %dma_start3A_402 = arith.constant 2 : i32
        %dma_start3A_403 = arith.constant 6 : i32
        %dma_start3A_404 = arith.constant 0 : i32
        %dma_start3A_405 = arith.constant 0 : i32
        %dma_start3A_406 = tpu.memref_slice %arg15[%dma_start3A_402, %dma_start3A_404, %dma_start3A_405] : memref<4x512x32xbf16, #tpu.memory_space<vmem>> -> memref<1x512x32xbf16, #tpu.memory_space<vmem>>
        %dma_start3A_407 = tpu.memref_squeeze %dma_start3A_406 : memref<1x512x32xbf16, #tpu.memory_space<vmem>> -> memref<512x32xbf16, #tpu.memory_space<vmem>>
        %dma_start3A_408 = arith.constant 0 : i32
        %dma_start3A_409 = tpu.memref_slice %arg14[%rem3A_88, %dma_start3A_403, %dma_start3A_408] : memref<2x7x512xi32, #tpu.memory_space<vmem>> -> memref<1x1x512xi32, #tpu.memory_space<vmem>>
        %dma_start3A_410 = tpu.memref_squeeze %dma_start3A_409 : memref<1x1x512xi32, #tpu.memory_space<vmem>> -> memref<512xi32, #tpu.memory_space<vmem>>
        %dma_start3A_411 = arith.constant 0 : i32
        %dma_start3A_412 = arith.constant 0 : i32
        %dma_start3A_413 = tpu.memref_slice %arg17[%dma_start3A_411, %dma_start3A_412] : memref<50176x32xbf16, #tpu.memory_space<vmem_shared>> -> memref<50176x32xbf16, #tpu.memory_space<vmem_shared>>
        tpu.enqueue_indirect_dma source(%dma_start3A_407 : memref<512x32xbf16, #tpu.memory_space<vmem>>) target(%dma_start3A_413 : memref<50176x32xbf16, #tpu.memory_space<vmem_shared>>) offsets(%dma_start3A_410 : memref<512xi32, #tpu.memory_space<vmem>>) semaphore(%arg24 : memref<!tpu.dma_semaphore, #tpu.memory_space<semaphore_mem>>) {add = true}
        %dma_wait3A_414 = arith.constant 3 : i32
        %dma_wait3A_415 = arith.constant 3 : i32
        %dma_wait3A_416 = arith.constant 0 : i32
        %dma_wait3A_417 = arith.constant 0 : i32
        %dma_wait3A_418 = tpu.memref_slice %arg15[%dma_wait3A_414, %dma_wait3A_416, %dma_wait3A_417] : memref<4x512x32xbf16, #tpu.memory_space<vmem>> -> memref<1x512x32xbf16, #tpu.memory_space<vmem>>
        %dma_wait3A_419 = tpu.memref_squeeze %dma_wait3A_418 : memref<1x512x32xbf16, #tpu.memory_space<vmem>> -> memref<512x32xbf16, #tpu.memory_space<vmem>>
        %dma_wait3A_420 = arith.constant 0 : i32
        %dma_wait3A_421 = tpu.memref_slice %arg14[%rem3A_88, %dma_wait3A_415, %dma_wait3A_420] : memref<2x7x512xi32, #tpu.memory_space<vmem>> -> memref<1x1x512xi32, #tpu.memory_space<vmem>>
        %dma_wait3A_422 = tpu.memref_squeeze %dma_wait3A_421 : memref<1x1x512xi32, #tpu.memory_space<vmem>> -> memref<512xi32, #tpu.memory_space<vmem>>
        %dma_wait3A_423 = arith.constant 0 : i32
        %dma_wait3A_424 = arith.constant 0 : i32
        %dma_wait3A_425 = tpu.memref_slice %arg17[%dma_wait3A_423, %dma_wait3A_424] : memref<50176x32xbf16, #tpu.memory_space<vmem_shared>> -> memref<50176x32xbf16, #tpu.memory_space<vmem_shared>>
        tpu.wait_indirect_dma semaphore(%arg25 : memref<!tpu.dma_semaphore, #tpu.memory_space<semaphore_mem>>) src(%dma_wait3A_419 : memref<512x32xbf16, #tpu.memory_space<vmem>>) dst(%dma_wait3A_425 : memref<50176x32xbf16, #tpu.memory_space<vmem_shared>>)
        %dma_wait3A_426 = arith.constant 0 : i32
        %dma_wait3A_427 = arith.constant 4 : i32
        %dma_wait3A_428 = arith.constant 0 : i32
        %dma_wait3A_429 = arith.constant 0 : i32
        %dma_wait3A_430 = tpu.memref_slice %arg15[%dma_wait3A_426, %dma_wait3A_428, %dma_wait3A_429] : memref<4x512x32xbf16, #tpu.memory_space<vmem>> -> memref<1x512x32xbf16, #tpu.memory_space<vmem>>
        %dma_wait3A_431 = tpu.memref_squeeze %dma_wait3A_430 : memref<1x512x32xbf16, #tpu.memory_space<vmem>> -> memref<512x32xbf16, #tpu.memory_space<vmem>>
        %dma_wait3A_432 = arith.constant 0 : i32
        %dma_wait3A_433 = tpu.memref_slice %arg14[%rem3A_88, %dma_wait3A_427, %dma_wait3A_432] : memref<2x7x512xi32, #tpu.memory_space<vmem>> -> memref<1x1x512xi32, #tpu.memory_space<vmem>>
        %dma_wait3A_434 = tpu.memref_squeeze %dma_wait3A_433 : memref<1x1x512xi32, #tpu.memory_space<vmem>> -> memref<512xi32, #tpu.memory_space<vmem>>
        %dma_wait3A_435 = arith.constant 0 : i32
        %dma_wait3A_436 = arith.constant 0 : i32
        %dma_wait3A_437 = tpu.memref_slice %arg17[%dma_wait3A_435, %dma_wait3A_436] : memref<50176x32xbf16, #tpu.memory_space<vmem_shared>> -> memref<50176x32xbf16, #tpu.memory_space<vmem_shared>>
        tpu.wait_indirect_dma semaphore(%arg22 : memref<!tpu.dma_semaphore, #tpu.memory_space<semaphore_mem>>) src(%dma_wait3A_431 : memref<512x32xbf16, #tpu.memory_space<vmem>>) dst(%dma_wait3A_437 : memref<50176x32xbf16, #tpu.memory_space<vmem_shared>>)
        %dma_wait3A_438 = arith.constant 1 : i32
        %dma_wait3A_439 = arith.constant 5 : i32
        %dma_wait3A_440 = arith.constant 0 : i32
        %dma_wait3A_441 = arith.constant 0 : i32
        %dma_wait3A_442 = tpu.memref_slice %arg15[%dma_wait3A_438, %dma_wait3A_440, %dma_wait3A_441] : memref<4x512x32xbf16, #tpu.memory_space<vmem>> -> memref<1x512x32xbf16, #tpu.memory_space<vmem>>
        %dma_wait3A_443 = tpu.memref_squeeze %dma_wait3A_442 : memref<1x512x32xbf16, #tpu.memory_space<vmem>> -> memref<512x32xbf16, #tpu.memory_space<vmem>>
        %dma_wait3A_444 = arith.constant 0 : i32
        %dma_wait3A_445 = tpu.memref_slice %arg14[%rem3A_88, %dma_wait3A_439, %dma_wait3A_444] : memref<2x7x512xi32, #tpu.memory_space<vmem>> -> memref<1x1x512xi32, #tpu.memory_space<vmem>>
        %dma_wait3A_446 = tpu.memref_squeeze %dma_wait3A_445 : memref<1x1x512xi32, #tpu.memory_space<vmem>> -> memref<512xi32, #tpu.memory_space<vmem>>
        %dma_wait3A_447 = arith.constant 0 : i32
        %dma_wait3A_448 = arith.constant 0 : i32
        %dma_wait3A_449 = tpu.memref_slice %arg17[%dma_wait3A_447, %dma_wait3A_448] : memref<50176x32xbf16, #tpu.memory_space<vmem_shared>> -> memref<50176x32xbf16, #tpu.memory_space<vmem_shared>>
        tpu.wait_indirect_dma semaphore(%arg23 : memref<!tpu.dma_semaphore, #tpu.memory_space<semaphore_mem>>) src(%dma_wait3A_443 : memref<512x32xbf16, #tpu.memory_space<vmem>>) dst(%dma_wait3A_449 : memref<50176x32xbf16, #tpu.memory_space<vmem_shared>>)
        %dma_wait3A_450 = arith.constant 2 : i32
        %dma_wait3A_451 = arith.constant 6 : i32
        %dma_wait3A_452 = arith.constant 0 : i32
        %dma_wait3A_453 = arith.constant 0 : i32
        %dma_wait3A_454 = tpu.memref_slice %arg15[%dma_wait3A_450, %dma_wait3A_452, %dma_wait3A_453] : memref<4x512x32xbf16, #tpu.memory_space<vmem>> -> memref<1x512x32xbf16, #tpu.memory_space<vmem>>
        %dma_wait3A_455 = tpu.memref_squeeze %dma_wait3A_454 : memref<1x512x32xbf16, #tpu.memory_space<vmem>> -> memref<512x32xbf16, #tpu.memory_space<vmem>>
        %dma_wait3A_456 = arith.constant 0 : i32
        %dma_wait3A_457 = tpu.memref_slice %arg14[%rem3A_88, %dma_wait3A_451, %dma_wait3A_456] : memref<2x7x512xi32, #tpu.memory_space<vmem>> -> memref<1x1x512xi32, #tpu.memory_space<vmem>>
        %dma_wait3A_458 = tpu.memref_squeeze %dma_wait3A_457 : memref<1x1x512xi32, #tpu.memory_space<vmem>> -> memref<512xi32, #tpu.memory_space<vmem>>
        %dma_wait3A_459 = arith.constant 0 : i32
        %dma_wait3A_460 = arith.constant 0 : i32
        %dma_wait3A_461 = tpu.memref_slice %arg17[%dma_wait3A_459, %dma_wait3A_460] : memref<50176x32xbf16, #tpu.memory_space<vmem_shared>> -> memref<50176x32xbf16, #tpu.memory_space<vmem_shared>>
        tpu.wait_indirect_dma semaphore(%arg24 : memref<!tpu.dma_semaphore, #tpu.memory_space<semaphore_mem>>) src(%dma_wait3A_455 : memref<512x32xbf16, #tpu.memory_space<vmem>>) dst(%dma_wait3A_461 : memref<50176x32xbf16, #tpu.memory_space<vmem_shared>>)
      }
      %scan3A_86 = arith.constant 14 : i32
    } else {
    }
    %barrier3A_20 = arith.constant 0 : index
    tpu.barrier barrier_id(%barrier3A_20)
    %eq3A_21 = arith.constant 0 : i32
    %eq3A_22 = arith.cmpi eq, %arg0, %eq3A_21 : i32
    %convert_element_type3A_23 = arith.extui %eq3A_22 : i1 to i32
    %cond3A_24 = arith.constant 0 : i32
    %cond3A_25 = arith.cmpi ne, %convert_element_type3A_23, %cond3A_24 : i32
    scf.if %cond3A_25 {
      "tpu.region"() ({
        %run_scoped3A = tpu.sem_alloc : memref<!tpu.dma_semaphore, #tpu.memory_space<semaphore_mem>>
        %dma_start3A_47 = arith.constant 0 : i32
        %dma_start3A_48 = tpu.memref_slice %arg7[%mul3A_0, %dma_start3A_47] : memref<50176x32xbf16, #tpu.memory_space<hbm>> -> memref<3136x32xbf16, #tpu.memory_space<hbm>>
        %dma_start3A_49 = arith.constant 0 : i32
        %dma_start3A_50 = tpu.memref_slice %arg17[%mul3A_0, %dma_start3A_49] : memref<50176x32xbf16, #tpu.memory_space<vmem_shared>> -> memref<3136x32xbf16, #tpu.memory_space<vmem_shared>>
        tpu.enqueue_dma source(%dma_start3A_50 : memref<3136x32xbf16, #tpu.memory_space<vmem_shared>>) target(%dma_start3A_48 : memref<3136x32xbf16, #tpu.memory_space<hbm>>) target_semaphore(%run_scoped3A : memref<!tpu.dma_semaphore, #tpu.memory_space<semaphore_mem>>)
        %dma_wait3A_51 = arith.constant 0 : i32
        %dma_wait3A_52 = tpu.memref_slice %arg7[%mul3A_0, %dma_wait3A_51] : memref<50176x32xbf16, #tpu.memory_space<hbm>> -> memref<3136x32xbf16, #tpu.memory_space<hbm>>
        %dma_wait3A_53 = arith.constant 0 : i32
        %dma_wait3A_54 = tpu.memref_slice %arg17[%mul3A_0, %dma_wait3A_53] : memref<50176x32xbf16, #tpu.memory_space<vmem_shared>> -> memref<3136x32xbf16, #tpu.memory_space<vmem_shared>>
        tpu.wait_dma2 semaphore(%run_scoped3A : memref<!tpu.dma_semaphore, #tpu.memory_space<semaphore_mem>>) src(%dma_wait3A_54 : memref<3136x32xbf16, #tpu.memory_space<vmem_shared>>) dst(%dma_wait3A_52 : memref<3136x32xbf16, #tpu.memory_space<hbm>>)
        tpu.yield
      }) : () -> ()
    } else {
    }
    %eq3A_26 = arith.constant 1 : i32
    %eq3A_27 = arith.cmpi eq, %arg0, %eq3A_26 : i32
    %convert_element_type3A_28 = arith.extui %eq3A_27 : i1 to i32
    %cond3A_29 = arith.constant 0 : i32
    %cond3A_30 = arith.cmpi ne, %convert_element_type3A_28, %cond3A_29 : i32
    scf.if %cond3A_30 {
      "tpu.region"() ({
        %run_scoped3A = tpu.sem_alloc : memref<!tpu.dma_semaphore, #tpu.memory_space<semaphore_mem>>
        %dma_start3A_47 = arith.constant 0 : i32
        %dma_start3A_48 = tpu.memref_slice %arg8[%mul3A_0, %dma_start3A_47] : memref<50176x32xbf16, #tpu.memory_space<hbm>> -> memref<3136x32xbf16, #tpu.memory_space<hbm>>
        %dma_start3A_49 = arith.constant 0 : i32
        %dma_start3A_50 = tpu.memref_slice %arg17[%mul3A_0, %dma_start3A_49] : memref<50176x32xbf16, #tpu.memory_space<vmem_shared>> -> memref<3136x32xbf16, #tpu.memory_space<vmem_shared>>
        tpu.enqueue_dma source(%dma_start3A_50 : memref<3136x32xbf16, #tpu.memory_space<vmem_shared>>) target(%dma_start3A_48 : memref<3136x32xbf16, #tpu.memory_space<hbm>>) target_semaphore(%run_scoped3A : memref<!tpu.dma_semaphore, #tpu.memory_space<semaphore_mem>>)
        %dma_wait3A_51 = arith.constant 0 : i32
        %dma_wait3A_52 = tpu.memref_slice %arg8[%mul3A_0, %dma_wait3A_51] : memref<50176x32xbf16, #tpu.memory_space<hbm>> -> memref<3136x32xbf16, #tpu.memory_space<hbm>>
        %dma_wait3A_53 = arith.constant 0 : i32
        %dma_wait3A_54 = tpu.memref_slice %arg17[%mul3A_0, %dma_wait3A_53] : memref<50176x32xbf16, #tpu.memory_space<vmem_shared>> -> memref<3136x32xbf16, #tpu.memory_space<vmem_shared>>
        tpu.wait_dma2 semaphore(%run_scoped3A : memref<!tpu.dma_semaphore, #tpu.memory_space<semaphore_mem>>) src(%dma_wait3A_54 : memref<3136x32xbf16, #tpu.memory_space<vmem_shared>>) dst(%dma_wait3A_52 : memref<3136x32xbf16, #tpu.memory_space<hbm>>)
        tpu.yield
      }) : () -> ()
    } else {
    }
    %mul3A_31 = arith.constant 16 : i32
    %mul3A_32 = arith.muli %arg1, %mul3A_31 : i32
    "tpu.region"() ({
      %run_scoped3A = tpu.sem_alloc : memref<!tpu.dma_semaphore, #tpu.memory_space<semaphore_mem>>
      %dma_start3A_47 = tpu.memref_slice %arg6[%mul3A_32] : memref<256xi32, #tpu.memory_space<hbm>> -> memref<16xi32, #tpu.memory_space<hbm>>
      %dma_start3A_48 = tpu.memref_slice %arg6[%mul3A_32] : memref<256xi32, #tpu.memory_space<hbm>> -> memref<16xi32, #tpu.memory_space<hbm>>
      tpu.enqueue_dma source(%dma_start3A_48 : memref<16xi32, #tpu.memory_space<hbm>>) target(%arg27 : memref<16xi32, #tpu.memory_space<vmem>>) target_semaphore(%run_scoped3A : memref<!tpu.dma_semaphore, #tpu.memory_space<semaphore_mem>>)
      %dma_wait3A_49 = tpu.memref_slice %arg6[%mul3A_32] : memref<256xi32, #tpu.memory_space<hbm>> -> memref<16xi32, #tpu.memory_space<hbm>>
      %dma_wait3A_50 = tpu.memref_slice %arg6[%mul3A_32] : memref<256xi32, #tpu.memory_space<hbm>> -> memref<16xi32, #tpu.memory_space<hbm>>
      tpu.wait_dma2 semaphore(%run_scoped3A : memref<!tpu.dma_semaphore, #tpu.memory_space<semaphore_mem>>) src(%dma_wait3A_50 : memref<16xi32, #tpu.memory_space<hbm>>) dst(%arg27 : memref<16xi32, #tpu.memory_space<vmem>>)
      tpu.yield
    }) : () -> ()
    %dma_start3A = arith.constant 0 : i32
    %dma_start3A_33 = arith.constant 0 : i32
    %dma_start3A_34 = tpu.memref_slice %arg17[%dma_start3A, %dma_start3A_33] : memref<50176x32xbf16, #tpu.memory_space<vmem_shared>> -> memref<50176x32xbf16, #tpu.memory_space<vmem_shared>>
    tpu.enqueue_indirect_dma source(%dma_start3A_34 : memref<50176x32xbf16, #tpu.memory_space<vmem_shared>>) target(%arg28 : memref<16x32xbf16, #tpu.memory_space<vmem>>) offsets(%arg27 : memref<16xi32, #tpu.memory_space<vmem>>) semaphore(%arg18 : memref<!tpu.dma_semaphore, #tpu.memory_space<semaphore_mem>>)
    %dma_wait3A = arith.constant 0 : i32
    %dma_wait3A_35 = arith.constant 0 : i32
    %dma_wait3A_36 = tpu.memref_slice %arg17[%dma_wait3A, %dma_wait3A_35] : memref<50176x32xbf16, #tpu.memory_space<vmem_shared>> -> memref<50176x32xbf16, #tpu.memory_space<vmem_shared>>
    tpu.wait_indirect_dma semaphore(%arg18 : memref<!tpu.dma_semaphore, #tpu.memory_space<semaphore_mem>>) src(%dma_wait3A_36 : memref<50176x32xbf16, #tpu.memory_space<vmem_shared>>) dst(%arg28 : memref<16x32xbf16, #tpu.memory_space<vmem>>)
    %eq3A_37 = arith.constant 0 : i32
    %eq3A_38 = arith.cmpi eq, %arg0, %eq3A_37 : i32
    %convert_element_type3A_39 = arith.extui %eq3A_38 : i1 to i32
    %cond3A_40 = arith.constant 0 : i32
    %cond3A_41 = arith.cmpi ne, %convert_element_type3A_39, %cond3A_40 : i32
    scf.if %cond3A_41 {
      "tpu.region"() ({
        %run_scoped3A = tpu.sem_alloc : memref<!tpu.dma_semaphore, #tpu.memory_space<semaphore_mem>>
        %dma_start3A_53 = arith.constant 0 : i32
        %dma_start3A_54 = tpu.memref_slice %arg9[%mul3A_32, %dma_start3A_53] : memref<256x32xbf16, #tpu.memory_space<hbm>> -> memref<16x32xbf16, #tpu.memory_space<hbm>>
        %dma_start3A_55 = arith.constant 0 : i32
        %dma_start3A_56 = tpu.memref_slice %arg9[%mul3A_32, %dma_start3A_55] : memref<256x32xbf16, #tpu.memory_space<hbm>> -> memref<16x32xbf16, #tpu.memory_space<hbm>>
        tpu.enqueue_dma source(%arg28 : memref<16x32xbf16, #tpu.memory_space<vmem>>) target(%dma_start3A_56 : memref<16x32xbf16, #tpu.memory_space<hbm>>) target_semaphore(%run_scoped3A : memref<!tpu.dma_semaphore, #tpu.memory_space<semaphore_mem>>)
        %dma_wait3A_57 = arith.constant 0 : i32
        %dma_wait3A_58 = tpu.memref_slice %arg9[%mul3A_32, %dma_wait3A_57] : memref<256x32xbf16, #tpu.memory_space<hbm>> -> memref<16x32xbf16, #tpu.memory_space<hbm>>
        %dma_wait3A_59 = arith.constant 0 : i32
        %dma_wait3A_60 = tpu.memref_slice %arg9[%mul3A_32, %dma_wait3A_59] : memref<256x32xbf16, #tpu.memory_space<hbm>> -> memref<16x32xbf16, #tpu.memory_space<hbm>>
        tpu.wait_dma2 semaphore(%run_scoped3A : memref<!tpu.dma_semaphore, #tpu.memory_space<semaphore_mem>>) src(%arg28 : memref<16x32xbf16, #tpu.memory_space<vmem>>) dst(%dma_wait3A_60 : memref<16x32xbf16, #tpu.memory_space<hbm>>)
        tpu.yield
      }) : () -> ()
      %dma_start3A_47 = arith.constant 0 : i32
      %dma_start3A_48 = arith.constant 0 : i32
      %dma_start3A_49 = tpu.memref_slice %arg2[%dma_start3A_47, %dma_start3A_48] : memref<50000x32xbf16, #tpu.memory_space<hbm>> -> memref<50000x32xbf16, #tpu.memory_space<hbm>>
      tpu.enqueue_indirect_dma source(%dma_start3A_49 : memref<50000x32xbf16, #tpu.memory_space<hbm>>) target(%arg28 : memref<16x32xbf16, #tpu.memory_space<vmem>>) offsets(%arg27 : memref<16xi32, #tpu.memory_space<vmem>>) semaphore(%arg19 : memref<!tpu.dma_semaphore, #tpu.memory_space<semaphore_mem>>)
      %dma_wait3A_50 = arith.constant 0 : i32
      %dma_wait3A_51 = arith.constant 0 : i32
      %dma_wait3A_52 = tpu.memref_slice %arg2[%dma_wait3A_50, %dma_wait3A_51] : memref<50000x32xbf16, #tpu.memory_space<hbm>> -> memref<50000x32xbf16, #tpu.memory_space<hbm>>
      tpu.wait_indirect_dma semaphore(%arg19 : memref<!tpu.dma_semaphore, #tpu.memory_space<semaphore_mem>>) src(%dma_wait3A_52 : memref<50000x32xbf16, #tpu.memory_space<hbm>>) dst(%arg28 : memref<16x32xbf16, #tpu.memory_space<vmem>>)
      "tpu.region"() ({
        %run_scoped3A = tpu.sem_alloc : memref<!tpu.dma_semaphore, #tpu.memory_space<semaphore_mem>>
        %dma_start3A_53 = arith.constant 0 : i32
        %dma_start3A_54 = tpu.memref_slice %arg11[%mul3A_32, %dma_start3A_53] : memref<256x32xbf16, #tpu.memory_space<hbm>> -> memref<16x32xbf16, #tpu.memory_space<hbm>>
        %dma_start3A_55 = arith.constant 0 : i32
        %dma_start3A_56 = tpu.memref_slice %arg11[%mul3A_32, %dma_start3A_55] : memref<256x32xbf16, #tpu.memory_space<hbm>> -> memref<16x32xbf16, #tpu.memory_space<hbm>>
        tpu.enqueue_dma source(%arg28 : memref<16x32xbf16, #tpu.memory_space<vmem>>) target(%dma_start3A_56 : memref<16x32xbf16, #tpu.memory_space<hbm>>) target_semaphore(%run_scoped3A : memref<!tpu.dma_semaphore, #tpu.memory_space<semaphore_mem>>)
        %dma_wait3A_57 = arith.constant 0 : i32
        %dma_wait3A_58 = tpu.memref_slice %arg11[%mul3A_32, %dma_wait3A_57] : memref<256x32xbf16, #tpu.memory_space<hbm>> -> memref<16x32xbf16, #tpu.memory_space<hbm>>
        %dma_wait3A_59 = arith.constant 0 : i32
        %dma_wait3A_60 = tpu.memref_slice %arg11[%mul3A_32, %dma_wait3A_59] : memref<256x32xbf16, #tpu.memory_space<hbm>> -> memref<16x32xbf16, #tpu.memory_space<hbm>>
        tpu.wait_dma2 semaphore(%run_scoped3A : memref<!tpu.dma_semaphore, #tpu.memory_space<semaphore_mem>>) src(%arg28 : memref<16x32xbf16, #tpu.memory_space<vmem>>) dst(%dma_wait3A_60 : memref<16x32xbf16, #tpu.memory_space<hbm>>)
        tpu.yield
      }) : () -> ()
    } else {
    }
    %eq3A_42 = arith.constant 1 : i32
    %eq3A_43 = arith.cmpi eq, %arg0, %eq3A_42 : i32
    %convert_element_type3A_44 = arith.extui %eq3A_43 : i1 to i32
    %cond3A_45 = arith.constant 0 : i32
    %cond3A_46 = arith.cmpi ne, %convert_element_type3A_44, %cond3A_45 : i32
    scf.if %cond3A_46 {
      "tpu.region"() ({
        %run_scoped3A = tpu.sem_alloc : memref<!tpu.dma_semaphore, #tpu.memory_space<semaphore_mem>>
        %dma_start3A_53 = arith.constant 0 : i32
        %dma_start3A_54 = tpu.memref_slice %arg10[%mul3A_32, %dma_start3A_53] : memref<256x32xbf16, #tpu.memory_space<hbm>> -> memref<16x32xbf16, #tpu.memory_space<hbm>>
        %dma_start3A_55 = arith.constant 0 : i32
        %dma_start3A_56 = tpu.memref_slice %arg10[%mul3A_32, %dma_start3A_55] : memref<256x32xbf16, #tpu.memory_space<hbm>> -> memref<16x32xbf16, #tpu.memory_space<hbm>>
        tpu.enqueue_dma source(%arg28 : memref<16x32xbf16, #tpu.memory_space<vmem>>) target(%dma_start3A_56 : memref<16x32xbf16, #tpu.memory_space<hbm>>) target_semaphore(%run_scoped3A : memref<!tpu.dma_semaphore, #tpu.memory_space<semaphore_mem>>)
        %dma_wait3A_57 = arith.constant 0 : i32
        %dma_wait3A_58 = tpu.memref_slice %arg10[%mul3A_32, %dma_wait3A_57] : memref<256x32xbf16, #tpu.memory_space<hbm>> -> memref<16x32xbf16, #tpu.memory_space<hbm>>
        %dma_wait3A_59 = arith.constant 0 : i32
        %dma_wait3A_60 = tpu.memref_slice %arg10[%mul3A_32, %dma_wait3A_59] : memref<256x32xbf16, #tpu.memory_space<hbm>> -> memref<16x32xbf16, #tpu.memory_space<hbm>>
        tpu.wait_dma2 semaphore(%run_scoped3A : memref<!tpu.dma_semaphore, #tpu.memory_space<semaphore_mem>>) src(%arg28 : memref<16x32xbf16, #tpu.memory_space<vmem>>) dst(%dma_wait3A_60 : memref<16x32xbf16, #tpu.memory_space<hbm>>)
        tpu.yield
      }) : () -> ()
      %dma_start3A_47 = arith.constant 0 : i32
      %dma_start3A_48 = arith.constant 0 : i32
      %dma_start3A_49 = tpu.memref_slice %arg3[%dma_start3A_47, %dma_start3A_48] : memref<50000x32xbf16, #tpu.memory_space<hbm>> -> memref<50000x32xbf16, #tpu.memory_space<hbm>>
      tpu.enqueue_indirect_dma source(%dma_start3A_49 : memref<50000x32xbf16, #tpu.memory_space<hbm>>) target(%arg28 : memref<16x32xbf16, #tpu.memory_space<vmem>>) offsets(%arg27 : memref<16xi32, #tpu.memory_space<vmem>>) semaphore(%arg19 : memref<!tpu.dma_semaphore, #tpu.memory_space<semaphore_mem>>)
      %dma_wait3A_50 = arith.constant 0 : i32
      %dma_wait3A_51 = arith.constant 0 : i32
      %dma_wait3A_52 = tpu.memref_slice %arg3[%dma_wait3A_50, %dma_wait3A_51] : memref<50000x32xbf16, #tpu.memory_space<hbm>> -> memref<50000x32xbf16, #tpu.memory_space<hbm>>
      tpu.wait_indirect_dma semaphore(%arg19 : memref<!tpu.dma_semaphore, #tpu.memory_space<semaphore_mem>>) src(%dma_wait3A_52 : memref<50000x32xbf16, #tpu.memory_space<hbm>>) dst(%arg28 : memref<16x32xbf16, #tpu.memory_space<vmem>>)
      "tpu.region"() ({
        %run_scoped3A = tpu.sem_alloc : memref<!tpu.dma_semaphore, #tpu.memory_space<semaphore_mem>>
        %dma_start3A_53 = arith.constant 0 : i32
        %dma_start3A_54 = tpu.memref_slice %arg12[%mul3A_32, %dma_start3A_53] : memref<256x32xbf16, #tpu.memory_space<hbm>> -> memref<16x32xbf16, #tpu.memory_space<hbm>>
        %dma_start3A_55 = arith.constant 0 : i32
        %dma_start3A_56 = tpu.memref_slice %arg12[%mul3A_32, %dma_start3A_55] : memref<256x32xbf16, #tpu.memory_space<hbm>> -> memref<16x32xbf16, #tpu.memory_space<hbm>>
        tpu.enqueue_dma source(%arg28 : memref<16x32xbf16, #tpu.memory_space<vmem>>) target(%dma_start3A_56 : memref<16x32xbf16, #tpu.memory_space<hbm>>) target_semaphore(%run_scoped3A : memref<!tpu.dma_semaphore, #tpu.memory_space<semaphore_mem>>)
        %dma_wait3A_57 = arith.constant 0 : i32
        %dma_wait3A_58 = tpu.memref_slice %arg12[%mul3A_32, %dma_wait3A_57] : memref<256x32xbf16, #tpu.memory_space<hbm>> -> memref<16x32xbf16, #tpu.memory_space<hbm>>
        %dma_wait3A_59 = arith.constant 0 : i32
        %dma_wait3A_60 = tpu.memref_slice %arg12[%mul3A_32, %dma_wait3A_59] : memref<256x32xbf16, #tpu.memory_space<hbm>> -> memref<16x32xbf16, #tpu.memory_space<hbm>>
        tpu.wait_dma2 semaphore(%run_scoped3A : memref<!tpu.dma_semaphore, #tpu.memory_space<semaphore_mem>>) src(%arg28 : memref<16x32xbf16, #tpu.memory_space<vmem>>) dst(%dma_wait3A_60 : memref<16x32xbf16, #tpu.memory_space<hbm>>)
        tpu.yield
      }) : () -> ()
    } else {
    }
    return
  }
}

module attributes {stable_mosaic.version = 14 : i64} {
  func.func @mlp1_body(%arg0: i32, %arg1: memref<2000x32xf32, #tpu.memory_space<vmem>>, %arg2: memref<2000x32xbf16, #tpu.memory_space<vmem>>, %arg3: memref<2000x32xbf16, #tpu.memory_space<vmem>>, %arg4: memref<32x64xf32, #tpu.memory_space<vmem>>, %arg5: memref<1x64xf32, #tpu.memory_space<vmem>>, %arg6: memref<64x64xf32, #tpu.memory_space<vmem>>, %arg7: memref<1x64xf32, #tpu.memory_space<vmem>>, %arg8: memref<1x1xf32, #tpu.memory_space<smem>>, %arg9: memref<2000x32xbf16, #tpu.memory_space<vmem>>, %arg10: memref<2000x32xbf16, #tpu.memory_space<vmem>>) attributes {dimension_semantics = [#tpu.dimension_semantics<arbitrary>], iteration_bounds = array<i64: 25>, scalar_prefetch = 0 : i64, scratch_operands = 0 : i64, tpu.core_type = #tpu.core_type<tc>, window_params = [{transform_indices = @transform_0, window_bounds = array<i64: 2000, 32>}, {transform_indices = @transform_1, window_bounds = array<i64: 2000, 32>}, {transform_indices = @transform_2, window_bounds = array<i64: 2000, 32>}, {pipeline_mode = #tpu.pipeline_mode<synchronous>, transform_indices = @transform_3, window_bounds = array<i64: 32, 64>}, {pipeline_mode = #tpu.pipeline_mode<synchronous>, transform_indices = @transform_4, window_bounds = array<i64: 1, 64>}, {pipeline_mode = #tpu.pipeline_mode<synchronous>, transform_indices = @transform_5, window_bounds = array<i64: 64, 64>}, {pipeline_mode = #tpu.pipeline_mode<synchronous>, transform_indices = @transform_6, window_bounds = array<i64: 1, 64>}, {transform_indices = @transform_7, window_bounds = array<i64: 1, 1>}, {transform_indices = @transform_8, window_bounds = array<i64: 2000, 32>}, {transform_indices = @transform_9, window_bounds = array<i64: 2000, 32>}]} {
    %get3A = arith.constant 0 : index
    %get3A_0 = arith.constant 0 : index
    %get3A_1 = memref.load %arg8[%get3A, %get3A_0] : memref<1x1xf32, #tpu.memory_space<smem>>
    %add3A = arith.constant 1.000000e+00 : f32
    %add3A_2 = arith.addf %add3A, %get3A_1 : f32
    %get3A_3 = arith.constant 0 : index
    %get3A_4 = arith.constant 0 : index
    %get3A_5 = vector.load %arg1[%get3A_3, %get3A_4] : memref<2000x32xf32, #tpu.memory_space<vmem>>, vector<2000x32xf32>
    %mul3A = vector.broadcast %add3A_2 : f32 to vector<2000x32xf32>
    %mul3A_6 = arith.mulf %mul3A, %get3A_5 : vector<2000x32xf32>
    %get3A_7 = arith.constant 0 : index
    %get3A_8 = arith.constant 0 : index
    %get3A_9 = vector.load %arg2[%get3A_7, %get3A_8] : memref<2000x32xbf16, #tpu.memory_space<vmem>>, vector<2000x32xbf16>
    %convert_element_type3A = arith.extf %get3A_9 : vector<2000x32xbf16> to vector<2000x32xf32>
    %add3A_10 = arith.addf %mul3A_6, %convert_element_type3A : vector<2000x32xf32>
    %get3A_11 = arith.constant 0 : index
    %get3A_12 = arith.constant 0 : index
    %get3A_13 = vector.load %arg3[%get3A_11, %get3A_12] : memref<2000x32xbf16, #tpu.memory_space<vmem>>, vector<2000x32xbf16>
    %convert_element_type3A_14 = arith.extf %get3A_13 : vector<2000x32xbf16> to vector<2000x32xf32>
    %add3A_15 = arith.addf %add3A_10, %convert_element_type3A_14 : vector<2000x32xf32>
    %get3A_16 = arith.constant 0 : index
    %get3A_17 = arith.constant 0 : index
    %get3A_18 = vector.load %arg4[%get3A_16, %get3A_17] : memref<32x64xf32, #tpu.memory_space<vmem>>, vector<32x64xf32>
    %get3A_19 = arith.constant 0 : index
    %get3A_20 = arith.constant 0 : index
    %get3A_21 = vector.load %arg5[%get3A_19, %get3A_20] : memref<1x64xf32, #tpu.memory_space<vmem>>, vector<1x64xf32>
    %get3A_22 = arith.constant 0 : index
    %get3A_23 = arith.constant 0 : index
    %get3A_24 = vector.load %arg6[%get3A_22, %get3A_23] : memref<64x64xf32, #tpu.memory_space<vmem>>, vector<64x64xf32>
    %get3A_25 = arith.constant 0 : index
    %get3A_26 = arith.constant 0 : index
    %get3A_27 = vector.load %arg7[%get3A_25, %get3A_26] : memref<1x64xf32, #tpu.memory_space<vmem>>, vector<1x64xf32>
    %dot_general3A = arith.constant dense<0.000000e+00> : vector<2000x64xf32>
    %dot_general3A_28 = tpu.matmul %add3A_15, %get3A_18, %dot_general3A {dimension_numbers = #tpu.dot_dimension_numbers<[1], [0], [0], [1], [0, 0, 1, 1], [], []>, transpose_lhs_hint = false} : vector<2000x32xf32>, vector<32x64xf32>, vector<2000x64xf32> -> vector<2000x64xf32>
    %add3A_29 = vector.broadcast %get3A_21 : vector<1x64xf32> to vector<2000x64xf32>
    %add3A_30 = arith.addf %dot_general3A_28, %add3A_29 : vector<2000x64xf32>
    %max3A = arith.constant 0.000000e+00 : f32
    %max3A_31 = vector.broadcast %max3A : f32 to vector<2000x64xf32>
    %max3A_32 = arith.maximumf %add3A_30, %max3A_31 : vector<2000x64xf32>
    %dot_general3A_33 = arith.constant dense<0.000000e+00> : vector<2000x64xf32>
    %dot_general3A_34 = tpu.matmul %max3A_32, %get3A_24, %dot_general3A_33 {dimension_numbers = #tpu.dot_dimension_numbers<[1], [0], [0], [1], [0, 0, 1, 1], [], []>, transpose_lhs_hint = false} : vector<2000x64xf32>, vector<64x64xf32>, vector<2000x64xf32> -> vector<2000x64xf32>
    %add3A_35 = vector.broadcast %get3A_27 : vector<1x64xf32> to vector<2000x64xf32>
    %add3A_36 = arith.addf %dot_general3A_34, %add3A_35 : vector<2000x64xf32>
    %max3A_37 = arith.constant 0.000000e+00 : f32
    %max3A_38 = vector.broadcast %max3A_37 : f32 to vector<2000x64xf32>
    %max3A_39 = arith.maximumf %add3A_36, %max3A_38 : vector<2000x64xf32>
    %slice3A = vector.extract_strided_slice %max3A_39 {offsets = [0, 0], sizes = [2000, 32], strides = [1, 1]} : vector<2000x64xf32> to vector<2000x32xf32>
    %convert_element_type3A_40 = arith.truncf %slice3A : vector<2000x32xf32> to vector<2000x32xbf16>
    %swap3A = arith.constant 0 : index
    %swap3A_41 = arith.constant 0 : index
    %swap3A_42 = vector.load %arg9[%swap3A, %swap3A_41] : memref<2000x32xbf16, #tpu.memory_space<vmem>>, vector<2000x32xbf16>
    tpu.vector_store %arg9[%swap3A, %swap3A_41], %convert_element_type3A_40 {strides = array<i32>} : memref<2000x32xbf16, #tpu.memory_space<vmem>>, vector<2000x32xbf16>,
    %slice3A_43 = vector.extract_strided_slice %max3A_39 {offsets = [0, 32], sizes = [2000, 32], strides = [1, 1]} : vector<2000x64xf32> to vector<2000x32xf32>
    %convert_element_type3A_44 = arith.truncf %slice3A_43 : vector<2000x32xf32> to vector<2000x32xbf16>
    %swap3A_45 = arith.constant 0 : index
    %swap3A_46 = arith.constant 0 : index
    %swap3A_47 = vector.load %arg10[%swap3A_45, %swap3A_46] : memref<2000x32xbf16, #tpu.memory_space<vmem>>, vector<2000x32xbf16>
    tpu.vector_store %arg10[%swap3A_45, %swap3A_46], %convert_element_type3A_44 {strides = array<i32>} : memref<2000x32xbf16, #tpu.memory_space<vmem>>, vector<2000x32xbf16>,
    return
  }
  func.func @transform_0(%arg0: i32) -> (i32, i32) {
    %c0_i32 = arith.constant 0 : i32
    %c0_i32_0 = arith.constant 0 : i32
    return %arg0, %c0_i32 : i32, i32
  }
  func.func @transform_1(%arg0: i32) -> (i32, i32) {
    %c0_i32 = arith.constant 0 : i32
    %c0_i32_0 = arith.constant 0 : i32
    return %arg0, %c0_i32 : i32, i32
  }
  func.func @transform_2(%arg0: i32) -> (i32, i32) {
    %c0_i32 = arith.constant 0 : i32
    %c0_i32_0 = arith.constant 0 : i32
    return %arg0, %c0_i32 : i32, i32
  }
  func.func @transform_3(%arg0: i32) -> (i32, i32) {
    %c0_i32 = arith.constant 0 : i32
    %c0_i32_0 = arith.constant 0 : i32
    %c0_i32_1 = arith.constant 0 : i32
    return %c0_i32, %c0_i32_0 : i32, i32
  }
  func.func @transform_4(%arg0: i32) -> (i32, i32) {
    %c0_i32 = arith.constant 0 : i32
    %c0_i32_0 = arith.constant 0 : i32
    %c0_i32_1 = arith.constant 0 : i32
    return %c0_i32, %c0_i32_0 : i32, i32
  }
  func.func @transform_5(%arg0: i32) -> (i32, i32) {
    %c0_i32 = arith.constant 0 : i32
    %c0_i32_0 = arith.constant 0 : i32
    %c0_i32_1 = arith.constant 0 : i32
    return %c0_i32, %c0_i32_0 : i32, i32
  }
  func.func @transform_6(%arg0: i32) -> (i32, i32) {
    %c0_i32 = arith.constant 0 : i32
    %c0_i32_0 = arith.constant 0 : i32
    %c0_i32_1 = arith.constant 0 : i32
    return %c0_i32, %c0_i32_0 : i32, i32
  }
  func.func @transform_7(%arg0: i32) -> (i32, i32) {
    %c0_i32 = arith.constant 0 : i32
    %c0_i32_0 = arith.constant 0 : i32
    %c0_i32_1 = arith.constant 0 : i32
    return %c0_i32, %c0_i32_0 : i32, i32
  }
  func.func @transform_8(%arg0: i32) -> (i32, i32) {
    %c0_i32 = arith.constant 0 : i32
    %c0_i32_0 = arith.constant 0 : i32
    return %arg0, %c0_i32 : i32, i32
  }
  func.func @transform_9(%arg0: i32) -> (i32, i32) {
    %c0_i32 = arith.constant 0 : i32
    %c0_i32_0 = arith.constant 0 : i32
    return %arg0, %c0_i32 : i32, i32
  }
}

module attributes {stable_mosaic.version = 14 : i64} {
  func.func @head_body(%arg0: i32, %arg1: memref<2000x32xbf16, #tpu.memory_space<vmem>>, %arg2: memref<2000x32xbf16, #tpu.memory_space<vmem>>, %arg3: memref<2000x32xbf16, #tpu.memory_space<vmem>>, %arg4: memref<2000x32xbf16, #tpu.memory_space<vmem>>, %arg5: memref<64x64xf32, #tpu.memory_space<vmem>>, %arg6: memref<1x64xf32, #tpu.memory_space<vmem>>, %arg7: memref<64x64xf32, #tpu.memory_space<vmem>>, %arg8: memref<1x64xf32, #tpu.memory_space<vmem>>, %arg9: memref<1x1xf32, #tpu.memory_space<smem>>, %arg10: memref<2000x1xi32, #tpu.memory_space<vmem>>, %arg11: memref<256x32xbf16, #tpu.memory_space<vmem>>, %arg12: memref<256x32xbf16, #tpu.memory_space<vmem>>, %arg13: memref<256x32xbf16, #tpu.memory_space<vmem>>, %arg14: memref<256x32xbf16, #tpu.memory_space<vmem>>, %arg15: memref<64x40xf32, #tpu.memory_space<vmem>>, %arg16: memref<1x40xf32, #tpu.memory_space<vmem>>, %arg17: memref<256x40xf32, #tpu.memory_space<vmem>>, %arg18: memref<256x128xf32, #tpu.memory_space<vmem>>) attributes {dimension_semantics = [#tpu.dimension_semantics<arbitrary>], iteration_bounds = array<i64: 25>, scalar_prefetch = 0 : i64, scratch_operands = 1 : i64, tpu.core_type = #tpu.core_type<tc>, window_params = [{transform_indices = @transform_0, window_bounds = array<i64: 2000, 32>}, {transform_indices = @transform_1, window_bounds = array<i64: 2000, 32>}, {transform_indices = @transform_2, window_bounds = array<i64: 2000, 32>}, {transform_indices = @transform_3, window_bounds = array<i64: 2000, 32>}, {pipeline_mode = #tpu.pipeline_mode<synchronous>, transform_indices = @transform_4, window_bounds = array<i64: 64, 64>}, {pipeline_mode = #tpu.pipeline_mode<synchronous>, transform_indices = @transform_5, window_bounds = array<i64: 1, 64>}, {pipeline_mode = #tpu.pipeline_mode<synchronous>, transform_indices = @transform_6, window_bounds = array<i64: 64, 64>}, {pipeline_mode = #tpu.pipeline_mode<synchronous>, transform_indices = @transform_7, window_bounds = array<i64: 1, 64>}, {transform_indices = @transform_8, window_bounds = array<i64: 1, 1>}, {transform_indices = @transform_9, window_bounds = array<i64: 2000, 1>}, {pipeline_mode = #tpu.pipeline_mode<synchronous>, transform_indices = @transform_10, window_bounds = array<i64: 256, 32>}, {pipeline_mode = #tpu.pipeline_mode<synchronous>, transform_indices = @transform_11, window_bounds = array<i64: 256, 32>}, {pipeline_mode = #tpu.pipeline_mode<synchronous>, transform_indices = @transform_12, window_bounds = array<i64: 256, 32>}, {pipeline_mode = #tpu.pipeline_mode<synchronous>, transform_indices = @transform_13, window_bounds = array<i64: 256, 32>}, {pipeline_mode = #tpu.pipeline_mode<synchronous>, transform_indices = @transform_14, window_bounds = array<i64: 64, 40>}, {pipeline_mode = #tpu.pipeline_mode<synchronous>, transform_indices = @transform_15, window_bounds = array<i64: 1, 40>}, {pipeline_mode = #tpu.pipeline_mode<synchronous>, transform_indices = @transform_16, window_bounds = array<i64: 256, 40>}]} {
    %get3A = arith.constant 0 : index
    %get3A_0 = arith.constant 0 : index
    %get3A_1 = memref.load %arg9[%get3A, %get3A_0] : memref<1x1xf32, #tpu.memory_space<smem>>
    %add3A = arith.constant 1.000000e+00 : f32
    %add3A_2 = arith.addf %add3A, %get3A_1 : f32
    %get3A_3 = arith.constant 0 : index
    %get3A_4 = arith.constant 0 : index
    %get3A_5 = vector.load %arg1[%get3A_3, %get3A_4] : memref<2000x32xbf16, #tpu.memory_space<vmem>>, vector<2000x32xbf16>
    %get3A_6 = arith.constant 0 : index
    %get3A_7 = arith.constant 0 : index
    %get3A_8 = vector.load %arg2[%get3A_6, %get3A_7] : memref<2000x32xbf16, #tpu.memory_space<vmem>>, vector<2000x32xbf16>
    %concatenate3A = tpu.concatenate %get3A_5, %get3A_8 in 1 : vector<2000x32xbf16>, vector<2000x32xbf16> -> vector<2000x64xbf16>
    %convert_element_type3A = arith.extf %concatenate3A : vector<2000x64xbf16> to vector<2000x64xf32>
    %mul3A = vector.broadcast %add3A_2 : f32 to vector<2000x64xf32>
    %mul3A_9 = arith.mulf %mul3A, %convert_element_type3A : vector<2000x64xf32>
    %get3A_10 = arith.constant 0 : index
    %get3A_11 = arith.constant 0 : index
    %get3A_12 = vector.load %arg3[%get3A_10, %get3A_11] : memref<2000x32xbf16, #tpu.memory_space<vmem>>, vector<2000x32xbf16>
    %get3A_13 = arith.constant 0 : index
    %get3A_14 = arith.constant 0 : index
    %get3A_15 = vector.load %arg4[%get3A_13, %get3A_14] : memref<2000x32xbf16, #tpu.memory_space<vmem>>, vector<2000x32xbf16>
    %concatenate3A_16 = tpu.concatenate %get3A_12, %get3A_15 in 1 : vector<2000x32xbf16>, vector<2000x32xbf16> -> vector<2000x64xbf16>
    %convert_element_type3A_17 = arith.extf %concatenate3A_16 : vector<2000x64xbf16> to vector<2000x64xf32>
    %add3A_18 = arith.addf %mul3A_9, %convert_element_type3A_17 : vector<2000x64xf32>
    %get3A_19 = arith.constant 0 : index
    %get3A_20 = arith.constant 0 : index
    %get3A_21 = vector.load %arg5[%get3A_19, %get3A_20] : memref<64x64xf32, #tpu.memory_space<vmem>>, vector<64x64xf32>
    %get3A_22 = arith.constant 0 : index
    %get3A_23 = arith.constant 0 : index
    %get3A_24 = vector.load %arg6[%get3A_22, %get3A_23] : memref<1x64xf32, #tpu.memory_space<vmem>>, vector<1x64xf32>
    %get3A_25 = arith.constant 0 : index
    %get3A_26 = arith.constant 0 : index
    %get3A_27 = vector.load %arg7[%get3A_25, %get3A_26] : memref<64x64xf32, #tpu.memory_space<vmem>>, vector<64x64xf32>
    %get3A_28 = arith.constant 0 : index
    %get3A_29 = arith.constant 0 : index
    %get3A_30 = vector.load %arg8[%get3A_28, %get3A_29] : memref<1x64xf32, #tpu.memory_space<vmem>>, vector<1x64xf32>
    %dot_general3A = arith.constant dense<0.000000e+00> : vector<2000x64xf32>
    %dot_general3A_31 = tpu.matmul %add3A_18, %get3A_21, %dot_general3A {dimension_numbers = #tpu.dot_dimension_numbers<[1], [0], [0], [1], [0, 0, 1, 1], [], []>, transpose_lhs_hint = false} : vector<2000x64xf32>, vector<64x64xf32>, vector<2000x64xf32> -> vector<2000x64xf32>
    %add3A_32 = vector.broadcast %get3A_24 : vector<1x64xf32> to vector<2000x64xf32>
    %add3A_33 = arith.addf %dot_general3A_31, %add3A_32 : vector<2000x64xf32>
    %max3A = arith.constant 0.000000e+00 : f32
    %max3A_34 = vector.broadcast %max3A : f32 to vector<2000x64xf32>
    %max3A_35 = arith.maximumf %add3A_33, %max3A_34 : vector<2000x64xf32>
    %dot_general3A_36 = arith.constant dense<0.000000e+00> : vector<2000x64xf32>
    %dot_general3A_37 = tpu.matmul %max3A_35, %get3A_27, %dot_general3A_36 {dimension_numbers = #tpu.dot_dimension_numbers<[1], [0], [0], [1], [0, 0, 1, 1], [], []>, transpose_lhs_hint = false} : vector<2000x64xf32>, vector<64x64xf32>, vector<2000x64xf32> -> vector<2000x64xf32>
    %add3A_38 = vector.broadcast %get3A_30 : vector<1x64xf32> to vector<2000x64xf32>
    %add3A_39 = arith.addf %dot_general3A_37, %add3A_38 : vector<2000x64xf32>
    %max3A_40 = arith.constant 0.000000e+00 : f32
    %max3A_41 = vector.broadcast %max3A_40 : f32 to vector<2000x64xf32>
    %max3A_42 = arith.maximumf %add3A_39, %max3A_41 : vector<2000x64xf32>
    %iota3A = tpu.iota {dimensions = array<i32: 1>} : vector<2000x256xi32>
    %get3A_43 = arith.constant 0 : index
    %get3A_44 = arith.constant 0 : index
    %get3A_45 = vector.load %arg10[%get3A_43, %get3A_44] : memref<2000x1xi32, #tpu.memory_space<vmem>>, vector<2000x1xi32>
    %eq3A = vector.broadcast %get3A_45 : vector<2000x1xi32> to vector<2000x256xi32>
    %eq3A_46 = arith.cmpi eq, %eq3A, %iota3A : vector<2000x256xi32>
    %convert_element_type3A_47 = arith.extui %eq3A_46 : vector<2000x256xi1> to vector<2000x256xi32>
    %convert_element_type3A_48 = arith.sitofp %convert_element_type3A_47 : vector<2000x256xi32> to vector<2000x256xf32>
    %broadcast_in_dim3A = arith.constant 1.000000e+00 : f32
    %broadcast_in_dim3A_49 = vector.broadcast %broadcast_in_dim3A : f32 to vector<2000x64xf32>
    %concatenate3A_50 = tpu.concatenate %max3A_42, %broadcast_in_dim3A_49 in 1 : vector<2000x64xf32>, vector<2000x64xf32> -> vector<2000x128xf32>
    %dot_general3A_51 = arith.constant dense<0.000000e+00> : vector<256x128xf32>
    %dot_general3A_52 = tpu.matmul %convert_element_type3A_48, %concatenate3A_50, %dot_general3A_51 {dimension_numbers = #tpu.dot_dimension_numbers<[0], [0], [1], [1], [0, 1, 1, 1], [], []>, transpose_lhs_hint = false} : vector<2000x256xf32>, vector<2000x128xf32>, vector<256x128xf32> -> vector<256x128xf32>
    %eq3A_53 = arith.constant 0 : i32
    %eq3A_54 = arith.cmpi eq, %arg0, %eq3A_53 : i32
    %convert_element_type3A_55 = arith.extui %eq3A_54 : i1 to i32
    %cond3A = arith.constant 0 : i32
    %cond3A_56 = arith.cmpi ne, %convert_element_type3A_55, %cond3A : i32
    scf.if %cond3A_56 {
      %swap3A = arith.constant 0 : index
      %swap3A_66 = arith.constant 0 : index
      %swap3A_67 = vector.load %arg18[%swap3A, %swap3A_66] : memref<256x128xf32, #tpu.memory_space<vmem>>, vector<256x128xf32>
      tpu.vector_store %arg18[%swap3A, %swap3A_66], %dot_general3A_52 {strides = array<i32>} : memref<256x128xf32, #tpu.memory_space<vmem>>, vector<256x128xf32>,
    } else {
    }
    %ne3A = arith.constant 0 : i32
    %ne3A_57 = arith.cmpi ne, %arg0, %ne3A : i32
    %convert_element_type3A_58 = arith.extui %ne3A_57 : i1 to i32
    %cond3A_59 = arith.constant 0 : i32
    %cond3A_60 = arith.cmpi ne, %convert_element_type3A_58, %cond3A_59 : i32
    scf.if %cond3A_60 {
      %get3A_66 = arith.constant 0 : index
      %get3A_67 = arith.constant 0 : index
      %get3A_68 = vector.load %arg18[%get3A_66, %get3A_67] : memref<256x128xf32, #tpu.memory_space<vmem>>, vector<256x128xf32>
      %add3A_69 = arith.addf %get3A_68, %dot_general3A_52 : vector<256x128xf32>
      %swap3A = arith.constant 0 : index
      %swap3A_70 = arith.constant 0 : index
      %swap3A_71 = vector.load %arg18[%swap3A, %swap3A_70] : memref<256x128xf32, #tpu.memory_space<vmem>>, vector<256x128xf32>
      tpu.vector_store %arg18[%swap3A, %swap3A_70], %add3A_69 {strides = array<i32>} : memref<256x128xf32, #tpu.memory_space<vmem>>, vector<256x128xf32>,
    } else {
    }
    %eq3A_61 = arith.constant 24 : i32
    %eq3A_62 = arith.cmpi eq, %arg0, %eq3A_61 : i32
    %convert_element_type3A_63 = arith.extui %eq3A_62 : i1 to i32
    %cond3A_64 = arith.constant 0 : i32
    %cond3A_65 = arith.cmpi ne, %convert_element_type3A_63, %cond3A_64 : i32
    scf.if %cond3A_65 {
      %add3A_66 = arith.constant 1.000000e+00 : f32
      %add3A_67 = arith.addf %add3A_66, %get3A_1 : f32
      %get3A_68 = arith.constant 0 : index
      %get3A_69 = arith.constant 0 : index
      %get3A_70 = vector.load %arg11[%get3A_68, %get3A_69] : memref<256x32xbf16, #tpu.memory_space<vmem>>, vector<256x32xbf16>
      %get3A_71 = arith.constant 0 : index
      %get3A_72 = arith.constant 0 : index
      %get3A_73 = vector.load %arg12[%get3A_71, %get3A_72] : memref<256x32xbf16, #tpu.memory_space<vmem>>, vector<256x32xbf16>
      %concatenate3A_74 = tpu.concatenate %get3A_70, %get3A_73 in 1 : vector<256x32xbf16>, vector<256x32xbf16> -> vector<256x64xbf16>
      %convert_element_type3A_75 = arith.extf %concatenate3A_74 : vector<256x64xbf16> to vector<256x64xf32>
      %mul3A_76 = vector.broadcast %add3A_67 : f32 to vector<256x64xf32>
      %mul3A_77 = arith.mulf %mul3A_76, %convert_element_type3A_75 : vector<256x64xf32>
      %get3A_78 = arith.constant 0 : index
      %get3A_79 = arith.constant 0 : index
      %get3A_80 = vector.load %arg13[%get3A_78, %get3A_79] : memref<256x32xbf16, #tpu.memory_space<vmem>>, vector<256x32xbf16>
      %get3A_81 = arith.constant 0 : index
      %get3A_82 = arith.constant 0 : index
      %get3A_83 = vector.load %arg14[%get3A_81, %get3A_82] : memref<256x32xbf16, #tpu.memory_space<vmem>>, vector<256x32xbf16>
      %concatenate3A_84 = tpu.concatenate %get3A_80, %get3A_83 in 1 : vector<256x32xbf16>, vector<256x32xbf16> -> vector<256x64xbf16>
      %convert_element_type3A_85 = arith.extf %concatenate3A_84 : vector<256x64xbf16> to vector<256x64xf32>
      %add3A_86 = arith.addf %mul3A_77, %convert_element_type3A_85 : vector<256x64xf32>
      %get3A_87 = arith.constant 0 : index
      %get3A_88 = arith.constant 0 : index
      %get3A_89 = vector.load %arg5[%get3A_87, %get3A_88] : memref<64x64xf32, #tpu.memory_space<vmem>>, vector<64x64xf32>
      %get3A_90 = arith.constant 0 : index
      %get3A_91 = arith.constant 0 : index
      %get3A_92 = vector.load %arg6[%get3A_90, %get3A_91] : memref<1x64xf32, #tpu.memory_space<vmem>>, vector<1x64xf32>
      %get3A_93 = arith.constant 0 : index
      %get3A_94 = arith.constant 0 : index
      %get3A_95 = vector.load %arg7[%get3A_93, %get3A_94] : memref<64x64xf32, #tpu.memory_space<vmem>>, vector<64x64xf32>
      %get3A_96 = arith.constant 0 : index
      %get3A_97 = arith.constant 0 : index
      %get3A_98 = vector.load %arg8[%get3A_96, %get3A_97] : memref<1x64xf32, #tpu.memory_space<vmem>>, vector<1x64xf32>
      %dot_general3A_99 = arith.constant dense<0.000000e+00> : vector<256x64xf32>
      %dot_general3A_100 = tpu.matmul %add3A_86, %get3A_89, %dot_general3A_99 {dimension_numbers = #tpu.dot_dimension_numbers<[1], [0], [0], [1], [0, 0, 1, 1], [], []>, transpose_lhs_hint = false} : vector<256x64xf32>, vector<64x64xf32>, vector<256x64xf32> -> vector<256x64xf32>
      %add3A_101 = vector.broadcast %get3A_92 : vector<1x64xf32> to vector<256x64xf32>
      %add3A_102 = arith.addf %dot_general3A_100, %add3A_101 : vector<256x64xf32>
      %max3A_103 = arith.constant 0.000000e+00 : f32
      %max3A_104 = vector.broadcast %max3A_103 : f32 to vector<256x64xf32>
      %max3A_105 = arith.maximumf %add3A_102, %max3A_104 : vector<256x64xf32>
      %dot_general3A_106 = arith.constant dense<0.000000e+00> : vector<256x64xf32>
      %dot_general3A_107 = tpu.matmul %max3A_105, %get3A_95, %dot_general3A_106 {dimension_numbers = #tpu.dot_dimension_numbers<[1], [0], [0], [1], [0, 0, 1, 1], [], []>, transpose_lhs_hint = false} : vector<256x64xf32>, vector<64x64xf32>, vector<256x64xf32> -> vector<256x64xf32>
      %add3A_108 = vector.broadcast %get3A_98 : vector<1x64xf32> to vector<256x64xf32>
      %add3A_109 = arith.addf %dot_general3A_107, %add3A_108 : vector<256x64xf32>
      %max3A_110 = arith.constant 0.000000e+00 : f32
      %max3A_111 = vector.broadcast %max3A_110 : f32 to vector<256x64xf32>
      %max3A_112 = arith.maximumf %add3A_109, %max3A_111 : vector<256x64xf32>
      %get3A_113 = arith.constant 0 : index
      %get3A_114 = arith.constant 0 : index
      %get3A_115 = vector.load %arg18[%get3A_113, %get3A_114] : memref<256x128xf32, #tpu.memory_space<vmem>>, vector<256x128xf32>
      %slice3A = vector.extract_strided_slice %get3A_115 {offsets = [0, 0], sizes = [256, 64], strides = [1, 1]} : vector<256x128xf32> to vector<256x64xf32>
      %slice3A_116 = vector.extract_strided_slice %get3A_115 {offsets = [0, 64], sizes = [256, 64], strides = [1, 1]} : vector<256x128xf32> to vector<256x64xf32>
      %max3A_117 = arith.constant 1.000000e+00 : f32
      %max3A_118 = vector.broadcast %max3A_117 : f32 to vector<256x64xf32>
      %max3A_119 = arith.maximumf %slice3A_116, %max3A_118 : vector<256x64xf32>
      %div3A = arith.divf %slice3A, %max3A_119 : vector<256x64xf32>
      %add3A_120 = arith.addf %div3A, %max3A_112 : vector<256x64xf32>
      %get3A_121 = arith.constant 0 : index
      %get3A_122 = arith.constant 0 : index
      %get3A_123 = vector.load %arg15[%get3A_121, %get3A_122] : memref<64x40xf32, #tpu.memory_space<vmem>>, vector<64x40xf32>
      %dot_general3A_124 = arith.constant dense<0.000000e+00> : vector<256x40xf32>
      %dot_general3A_125 = tpu.matmul %add3A_120, %get3A_123, %dot_general3A_124 {dimension_numbers = #tpu.dot_dimension_numbers<[1], [0], [0], [1], [0, 0, 1, 1], [], []>, transpose_lhs_hint = false} : vector<256x64xf32>, vector<64x40xf32>, vector<256x40xf32> -> vector<256x40xf32>
      %get3A_126 = arith.constant 0 : index
      %get3A_127 = arith.constant 0 : index
      %get3A_128 = vector.load %arg16[%get3A_126, %get3A_127] : memref<1x40xf32, #tpu.memory_space<vmem>>, vector<1x40xf32>
      %add3A_129 = vector.broadcast %get3A_128 : vector<1x40xf32> to vector<256x40xf32>
      %add3A_130 = arith.addf %dot_general3A_125, %add3A_129 : vector<256x40xf32>
      %swap3A = arith.constant 0 : index
      %swap3A_131 = arith.constant 0 : index
      %swap3A_132 = vector.load %arg17[%swap3A, %swap3A_131] : memref<256x40xf32, #tpu.memory_space<vmem>>, vector<256x40xf32>
      tpu.vector_store %arg17[%swap3A, %swap3A_131], %add3A_130 {strides = array<i32>} : memref<256x40xf32, #tpu.memory_space<vmem>>, vector<256x40xf32>,
    } else {
    }
    return
  }
  func.func @transform_0(%arg0: i32) -> (i32, i32) {
    %c0_i32 = arith.constant 0 : i32
    %c0_i32_0 = arith.constant 0 : i32
    return %arg0, %c0_i32 : i32, i32
  }
  func.func @transform_1(%arg0: i32) -> (i32, i32) {
    %c0_i32 = arith.constant 0 : i32
    %c0_i32_0 = arith.constant 0 : i32
    return %arg0, %c0_i32 : i32, i32
  }
  func.func @transform_2(%arg0: i32) -> (i32, i32) {
    %c0_i32 = arith.constant 0 : i32
    %c0_i32_0 = arith.constant 0 : i32
    return %arg0, %c0_i32 : i32, i32
  }
  func.func @transform_3(%arg0: i32) -> (i32, i32) {
    %c0_i32 = arith.constant 0 : i32
    %c0_i32_0 = arith.constant 0 : i32
    return %arg0, %c0_i32 : i32, i32
  }
  func.func @transform_4(%arg0: i32) -> (i32, i32) {
    %c0_i32 = arith.constant 0 : i32
    %c0_i32_0 = arith.constant 0 : i32
    %c0_i32_1 = arith.constant 0 : i32
    return %c0_i32, %c0_i32_0 : i32, i32
  }
  func.func @transform_5(%arg0: i32) -> (i32, i32) {
    %c0_i32 = arith.constant 0 : i32
    %c0_i32_0 = arith.constant 0 : i32
    %c0_i32_1 = arith.constant 0 : i32
    return %c0_i32, %c0_i32_0 : i32, i32
  }
  func.func @transform_6(%arg0: i32) -> (i32, i32) {
    %c0_i32 = arith.constant 0 : i32
    %c0_i32_0 = arith.constant 0 : i32
    %c0_i32_1 = arith.constant 0 : i32
    return %c0_i32, %c0_i32_0 : i32, i32
  }
  func.func @transform_7(%arg0: i32) -> (i32, i32) {
    %c0_i32 = arith.constant 0 : i32
    %c0_i32_0 = arith.constant 0 : i32
    %c0_i32_1 = arith.constant 0 : i32
    return %c0_i32, %c0_i32_0 : i32, i32
  }
  func.func @transform_8(%arg0: i32) -> (i32, i32) {
    %c0_i32 = arith.constant 0 : i32
    %c0_i32_0 = arith.constant 0 : i32
    %c0_i32_1 = arith.constant 0 : i32
    return %c0_i32, %c0_i32_0 : i32, i32
  }
  func.func @transform_9(%arg0: i32) -> (i32, i32) {
    %c0_i32 = arith.constant 0 : i32
    %c0_i32_0 = arith.constant 0 : i32
    return %arg0, %c0_i32 : i32, i32
  }
  func.func @transform_10(%arg0: i32) -> (i32, i32) {
    %c0_i32 = arith.constant 0 : i32
    %c0_i32_0 = arith.constant 0 : i32
    %c0_i32_1 = arith.constant 0 : i32
    return %c0_i32, %c0_i32_0 : i32, i32
  }
  func.func @transform_11(%arg0: i32) -> (i32, i32) {
    %c0_i32 = arith.constant 0 : i32
    %c0_i32_0 = arith.constant 0 : i32
    %c0_i32_1 = arith.constant 0 : i32
    return %c0_i32, %c0_i32_0 : i32, i32
  }
  func.func @transform_12(%arg0: i32) -> (i32, i32) {
    %c0_i32 = arith.constant 0 : i32
    %c0_i32_0 = arith.constant 0 : i32
    %c0_i32_1 = arith.constant 0 : i32
    return %c0_i32, %c0_i32_0 : i32, i32
  }
  func.func @transform_13(%arg0: i32) -> (i32, i32) {
    %c0_i32 = arith.constant 0 : i32
    %c0_i32_0 = arith.constant 0 : i32
    %c0_i32_1 = arith.constant 0 : i32
    return %c0_i32, %c0_i32_0 : i32, i32
  }
  func.func @transform_14(%arg0: i32) -> (i32, i32) {
    %c0_i32 = arith.constant 0 : i32
    %c0_i32_0 = arith.constant 0 : i32
    %c0_i32_1 = arith.constant 0 : i32
    return %c0_i32, %c0_i32_0 : i32, i32
  }
  func.func @transform_15(%arg0: i32) -> (i32, i32) {
    %c0_i32 = arith.constant 0 : i32
    %c0_i32_0 = arith.constant 0 : i32
    %c0_i32_1 = arith.constant 0 : i32
    return %c0_i32, %c0_i32_0 : i32, i32
  }
  func.func @transform_16(%arg0: i32) -> (i32, i32) {
    %c0_i32 = arith.constant 0 : i32
    %c0_i32_0 = arith.constant 0 : i32
    %c0_i32_1 = arith.constant 0 : i32
    return %c0_i32, %c0_i32_0 : i32, i32
  }
}

</mosaic_0001>

<sc_bundles>
// kernel: kernel.6.cloned.1.call-start
scs
__scs_entry_jumppad:
0x0: {  	(pc) =	sbr.rel $0x88, $3  }
0x1: {  	(tag) =	ssettag $0x0;
	lr =	simm.s32 $0x1  }
0x2: {  	[smem:$0x3F91] =	sst lr;
	_ =	strace $0xD0000000  }
0x3: {  	_ = 	snop  }
0x4: {  	_ = 	snop  }
0x5: {  	_ = 	snop  }
0x6: {  	_ = 	snop  }
0x7: {  	_ = 	snop  }
__scs_overlays_trampoline_lowered:
0x8: {  	[smem:$0x3FA0] =	sst s0  }
0x9: {  	[smem:$0x3FA1] =	sst s1  }
0xa: {  	[smem:$0x3FA2] =	sst s2  }
0xb: {  	[smem:$0x3FA3] =	sst s3  }
0xc: {  	[smem:$0x3FA4] =	sst s4  }
0xd: {  	[smem:$0x3FA5] =	sst s5  }
0xe: {  	[smem:$0x3FA6] =	sst s6  }
0xf: {  	[smem:$0x3FA7] =	sst s7  }
0x10: {  	[smem:$0x3FA8] =	sst s8  }
0x11: {  	[smem:$0x3FA9] =	sst s9;
	s0 =	simm.s32 @!p0 $0x0  }
0x12: {  	s1 =	sld [smem:$0x3F8F];
	s0 =	simm.s32 @p0 $0x1  }
0x13: {  	[smem:$0x3FAA] =	sst s0;
	s0 =	simm.s32 @!p1 $0x0  }
0x14: {  	s2 =	sld [smem:$0x3F8E];
	s0 =	simm.s32 @p1 $0x1  }
0x15: {  	[smem:$0x3FAB] =	sst s0;
	s0 =	simm.s32 @!p2 $0x0  }
0x16: {  	s3 =	sld [smem:$0x3FDB];
	s0 =	simm.s32 @p2 $0x1  }
0x17: {  	s4 =	simm.s32 $0x1BF5;
	[smem:$0x3FAD] =	sst s0  }
0x18: {  	s0 =	sld [smem:$0x3F90];
	_ =	swait.ge [sflag:s4], $0x0  }
0x19: {  	s7 =	sld [smem:$0x3F91]  }
0x1a: {  	s8 =	sadd.s32 $0xFFFFE003, lr  }
0x1b: {  	s9 =	sadd.s32 $0xFFFFFEF7, lr;
	s5 =	simm.s32 $0xFFFFFFFF;
	p2 =	slt.u32 s8, $0xFFFFF086  }
0x1c: {  	p1 =	slt.u32 s9, $0xF7A;
	s5 =	simm.s32 @!p2 $0x0  }
0x1d: {  	s5 =	simm.s32 @p1 $0x1;
	p0 =	seq.s32 s7, s2  }
0x1e: {  	s7 =	smul.u32 @!p0 $0xF7A, s2;
	p2 =	seq.s32 @!p0 s5, $0x0  }
0x1f: {  	s9 =	smul.u32 $0xF7A, s1;
	s8 =	simm.s32 @!p0 $0x1BF5;
	p2 =	por !p2, p0  }
0x20: {  	[sflag:s8] =	ssyncset.s32 @!p0 $0xFFFFF086;
	s6 =	sadd.s32 @!p0 s3, s7;
	s7 =	simm.s32 @!p0 $0x108  }
0x21: {  	s3 =	sadd.s32 s3, s9;
	s6 =	sadd.s32 @!p0 $0x88, s6;
	s7 =	simm.s32 @p2 $0x1082  }
0x22: {  	[simem:s7], [sflag:s8] =	dma.local @!p0 [hbm:s6], $0xF7A  }
0x23: {  	s9 =	sor.u32 $0xD0000000, s2;
	s6 =	simm.s32 $0x108;
	_ =	swait.ge @!p0 [sflag:s8], $0x0  }
0x24: {  	s3 =	sadd.s32 $0x88, s3;
	s6 =	simm.s32 @!p1 $0x1082;
	[sflag:s4] =	ssyncset.s32 $0xFFFFF086  }
0x25: {  	[simem:s6], [sflag:s4] =	dma.local [hbm:s3], $0xF7A  }
0x26: {  	[smem:$0x3F91] =	sst s1;
	(tag) =	ssettag s2;
	_ =	strace s9  }
0x27: {  	s1 =	sld [smem:$0x3FA1]  }
0x28: {  	s2 =	sld [smem:$0x3FA2]  }
0x29: {  	s4 =	sld [smem:$0x3FA4]  }
0x2a: {  	p0 =	seq.s32 s5, $0x0;
	s5 =	sld [smem:$0x3FA5]  }
0x2b: {  	s6 =	sld [smem:$0x3FA6]  }
0x2c: {  	s7 =	sld [smem:$0x3FA7]  }
0x2d: {  	s3 =	simm.s32 $0x108;
	s8 =	sld [smem:$0x3FA8]  }
0x2e: {  	s3 =	simm.s32 @!p0 $0x1082;
	s9 =	sld [smem:$0x3FA9]  }
0x2f: {  	lr =	sadd.s32 s0, s3;
	s0 =	sld [smem:$0x3FA0]  }
0x30: {  	s3 =	sld [smem:$0x3FA3]  }
0x31: {  	[smem:$0x3FAC] =	sst s10  }
0x32: {  	s10 =	sld [smem:$0x3FAA];
	_ =	sdelay $0x3  }
0x33: {  	p0 =	seq.s32 s10, $0x1;
	s10 =	sld [smem:$0x3FAC];
	_ =	sdelay $0x3  }
0x34: {  	[smem:$0x3FAC] =	sst s10  }
0x35: {  	s10 =	sld [smem:$0x3FAB];
	_ =	sdelay $0x3  }
0x36: {  	p1 =	seq.s32 s10, $0x1;
	s10 =	sld [smem:$0x3FAC];
	_ =	sdelay $0x3  }
0x37: {  	[smem:$0x3FAC] =	sst s10  }
0x38: {  	s10 =	sld [smem:$0x3FAD]  }
0x39: {  	_ = 	snop;
	(pc) =	sbr.ind lr, $3  }
0x3a: {  	_ = 	snop  }
0x3b: {  	_ = 	snop  }
0x3c: {  	p2 =	seq.s32 s10, $0x1;
	s10 =	sld [smem:$0x3FAC]  }
0x3d: {  	_ =	shalt  }
0x3e: {  	_ =	shalt  }
0x3f: {  	_ =	shalt  }
0x40: {  	_ =	shalt  }
0x41: {  	_ =	shalt  }
0x42: {  	_ =	shalt  }
0x43: {  	_ =	shalt  }
0x44: {  	_ =	shalt  }
0x45: {  	_ =	shalt  }
0x46: {  	_ =	shalt  }
0x47: {  	_ =	shalt  }
0x48: {  	_ =	shalt  }
0x49: {  	_ =	shalt  }
0x4a: {  	_ =	shalt  }
0x4b: {  	_ =	shalt  }
0x4c: {  	_ =	shalt  }
0x4d: {  	_ =	shalt  }
0x4e: {  	_ =	shalt  }
0x4f: {  	_ =	shalt  }
0x50: {  	_ =	shalt  }
0x51: {  	_ =	shalt  }
0x52: {  	_ =	shalt  }
0x53: {  	_ =	shalt  }
0x54: {  	_ =	shalt  }
0x55: {  	_ =	shalt  }
0x56: {  	_ =	shalt  }
0x57: {  	_ =	shalt  }
0x58: {  	_ =	shalt  }
0x59: {  	_ =	shalt  }
0x5a: {  	_ =	shalt  }
0x5b: {  	_ =	shalt  }
0x5c: {  	_ =	shalt  }
0x5d: {  	_ =	shalt  }
0x5e: {  	_ =	shalt  }
0x5f: {  	_ =	shalt  }
0x60: {  	_ =	shalt  }
0x61: {  	_ =	shalt  }
0x62: {  	_ =	shalt  }
0x63: {  	_ =	shalt  }
0x64: {  	_ =	shalt  }
0x65: {  	_ =	shalt  }
0x66: {  	_ =	shalt  }
0x67: {  	_ =	shalt  }
0x68: {  	_ =	shalt  }
0x69: {  	_ =	shalt  }
0x6a: {  	_ =	shalt  }
0x6b: {  	_ =	shalt  }
0x6c: {  	_ =	shalt  }
0x6d: {  	_ =	shalt  }
0x6e: {  	_ =	shalt  }
0x6f: {  	_ =	shalt  }
0x70: {  	_ =	shalt  }
0x71: {  	_ =	shalt  }
0x72: {  	_ =	shalt  }
0x73: {  	_ =	shalt  }
0x74: {  	_ =	shalt  }
0x75: {  	_ =	shalt  }
0x76: {  	_ =	shalt  }
0x77: {  	_ =	shalt  }
0x78: {  	_ =	shalt  }
0x79: {  	_ =	shalt  }
0x7a: {  	_ =	shalt  }
0x7b: {  	_ =	shalt  }
0x7c: {  	_ =	shalt  }
0x7d: {  	_ =	shalt  }
0x7e: {  	_ =	shalt  }
0x7f: {  	_ =	shalt  }
0x80: {  	_ =	shalt  }
0x81: {  	_ =	shalt  }
0x82: {  	_ =	shalt  }
0x83: {  	_ =	shalt  }
0x84: {  	_ =	shalt  }
0x85: {  	_ =	shalt  }
0x86: {  	_ =	shalt  }
0x87: {  	_ =	shalt  }
.Lfunc_end0:
.L_simem_size_0:
called_computation_lowered:
.L_overlay_start_0:
0x88: {  	s2 =	sld [smem:$0x3FD9]  }
0x89: {  	s3 =	sld [smem:$0x3FFE];
	_ =	sdelay $0x1  }
0x8a: {  	s1 =	srdreg.scid  }
0x8b: {  	s0 =	sand.u32 $0x1, s1  }
0x8c: {  	s16 =	sshll.u32 s0, $0xA;
	s2 =	sadd.s32 s3, s2  }
0x8d: {  	s2 =	sadd.s32 s2, s16  }
0x8e: {  	[smem:$0x3FB8] =	sst s2  }
0x8f: {  	_ = 	snop  }
0x90: {  	(tm) =	ssettm $0x1  }
0x91: {  	s17 =	sld [smem:$0x3FFB];
	_ =	sdelay $0x3  }
0x92: {  	_ =	strace s17  }
0x93: {  	s2 =	sld [smem:$0x3FFC];
	_ =	sdelay $0x3  }
0x94: {  	_ =	strace s2  }
0x95: {  	s2 =	sld [smem:$0x3FFD];
	_ =	sdelay $0x3  }
0x96: {  	_ =	strace s2  }
0x97: {  	_ =	strace $0x8FFFFFFF  }
0x98: {  	s18 =	sld [smem:$0x3FDB];
	_ =	sdelay $0x1  }
0x99: {  	s19 =	simm.s32 $_scs_section_size  }
0x9a: {  	s4 =	simm.s32 $_size__tile_overlayer_lowered;
	s5 =	simm.s32 $_tile_overlayer_lowered  }
0x9b: {  	s22 =	simm.s32 $0x1BFF;
	s21 =	sshll.u32 s5, $0x1;
	s2 =	sadd.s32 s19, s18  }
0x9c: {  	s6 =	simm.s32 $0x0;
	s20 =	sshll.u32 s4, $0x1;
	s4 =	sadd.s32 s21, s2  }
0x9d: {  	[timem:s6], [sflag:s22] =	dma.local [hbm:s4], s20  }
0x9e: {  	_ =	swait.ge [sflag:s22], s20  }
0x9f: {  	s3 =	ssub.s32 $0x0, s20;
	[sflag:s22] =	ssyncset.done $0x0  }
0xa0: {  	[sflag:s22] =	ssyncadd.s32 s3;
	_ =	sdelay $0x1  }
0xa1: {  	s23 =	simm.s32 $0x1B8B  }
0xa2: {  	_ =	swait.ge [sflag:s23], $0x1  }
0xa3: {  	[sflag:s23] =	ssyncset.done $0x0  }
0xa4: {  	s25 =	simm.s32 $0x1B8E;
	s24 =	sld [smem:$0x3FFE];
	[sflag:s23] =	ssyncadd.s32 $0xFFFFFFFF  }
0xa5: {  	s26 =	simm.s32 $execute0_lowered;
	[smem:$0x3FD2] =	sst s25  }
0xa6: {  	s4 =	sshll.u32 s26, $0x1;
	_ =	strace $0x80000046;
	[dreg:$0x1] =	wrdreg $0xFFFFFFFF  }
0xa7: {  	s28 =	simm.s32 $_size_execute0_lowered;
	s2 =	sadd.s32 s2, s4;
	[dreg:$0x0] =	wrdreg $0x0  }
0xa8: {  	s4 =	sshll.u32 s28, $0x1;
	[dreg:$0x2] =	wrdreg s2  }
0xa9: {  	[dreg:$0x3] =	wrdreg s4  }
0xaa: {  	[dreg:$0x4] =	wrdreg $0xC0  }
0xab: {  	_ =	task [dreg:s6], $0x5FFFF  }
0xac: {  	[dreg:$0x1] =	wrdreg $0xFFFFFFFF  }
0xad: {  	[dreg:$0x0] =	wrdreg $0x60  }
0xae: {  	[dreg:$0x2] =	wrdreg s24  }
0xaf: {  	[dreg:$0x3] =	wrdreg $0xBB800  }
0xb0: {  	[dreg:$0x4] =	wrdreg $0x9  }
0xb1: {  	_ =	task.clear_ibuf [dreg:s6], $0x5FFFF;
	_ =	strace $0x90000046  }
0xb2: {  	s29 =	simm.s32 $0x9;
	_ =	strace $0x80000048  }
0xb3: {  	_ =	swait.ge [sflag:s29], $0x1  }
0xb4: {  	[sflag:s29] =	ssyncadd.s32 $0xFFFFFFFF  }
0xb5: {  	_ =	strace $0x90000048  }
0xb6: {  	_ =	sfence  }
0xb7: {  	s30 =	sld [smem:$0x0];
	_ =	sdelay $0x2  }
0xb8: {  	s31 =	sshll.u32 s1, $0xD;
	s1 =	sshrl.u32 s1, $0x2  }
0xb9: {  	s3 =	sand.u32 $0x4000, s31;
	s1 =	sadd.s32 s1, s30  }
0xba: {  	s0 =	sor.u32 s3, s0;
	s1 =	sshll.u32 s1, $0x11  }
0xbb: {  	s0 =	sor.u32 s1, s0  }
0xbc: {  	s0 =	sadd.s32 $0x8F2B, s0  }
0xbd: {  	[sflag:s0] =	ssyncadd.remote.s32 $0x1  }
0xbe: {  	_ =	sfence.sel $0xFFFF  }
0xbf: {  	[dreg:$0x0] =	wrdreg $0xFFFFFFFF;
	(pc) =	sbr.abs _section_cstart, $3  }
0xc0: {  	[dreg:$0x1] =	wrdreg $0xFFFFFFFF  }
0xc1: {  	_ =	task.clear_ibuf [dreg:s6], $0x2FFFF;
	_ =	strace $0x9FFFFFFF  }
0xc2: {  	(tm) =	ssettm $0x7FFFFFFF  }
0xc3: {  	_ =	shalt  }
tec
execute0_lowered:
.L_overlay_start_1:
0x0: {  	(tag) =	ssettag $0x1  }
0x1: {  	s0 =	rddreg [dreg:$0x0]  }
0x2: {  	s2 =	rddreg [dreg:$0x1];
	s3 =	simm.s32 $0x0;
	s1 =	srdreg.scid  }
0x3: {  	s11 =	stileid.u32;
	s13 =	simm.s32 $0xB800;
	s14 =	simm.s32 $0xA  }
0x4: {  	s16 =	simm.s32 $0x9;
	s17 =	simm.s32 $0x200;
	s18 =	simm.s32 $0x3800  }
0x5: {  	s19 =	simm.s32 $0x5800;
	s20 =	simm.s32 $0x7800;
	s21 =	simm.s32 $0x9800  }
0x6: {  	s28 =	simm.s32 $0x4;
	s29 =	simm.s32 $0x6;
	s30 =	simm.s32 $0x7  }
0x7: {  	s31 =	simm.s32 $0x8;
	[smem:$0x7FF] =	sst s3;
	s7 =	smul.u32 $0xC400, s11  }
0x8: {  	s1 =	sand.u32 $0x1, s1;
	s4 =	sadd.s32 $0x3400, s0;
	s24 =	smul.u32 $0x18800, s11  }
0x9: {  	s5 =	sadd.s32 $0x34400, s0;
	s6 =	sadd.s32 $0x1BC00, s0;
	s11 =	smul.u32 $0x31000, s11  }
0xa: {  	_ =	strace $0x80000047;
	s8 =	smul.u32 $0x6200, s1;
	s9 =	ssub.s32 $0x2, s1  }
0xb: {  	p0 =	seq.s32 s1, $0x1;
	s10 =	sshrl.u32 s9, $0x1;
	s25 =	sshrl.u32 s24, $0x1  }
0xc: {  	s26 =	sshrl.u32 s11, $0x2;
	s7 =	sadd.s32 s8, s7;
	s22 =	ssub.s32 s9, s10  }
0xd: {  	s10 =	sshrl.u32 s24, $0x4;
	s1 =	sadd.s32 s25, s2;
	s23 =	sshrl.u32 s7, $0x3  }
0xe: {  	s11 =	sadd.s32 s26, s2;
	s24 =	simm.s32 $0x3;
	s9 =	sadd.s32 s6, s23  }
0xf: {  	s26 =	simm.s32 $0x5;
	[dreg:$0x4] =	wrdreg s9;
	s9 =	simm.s32 $0x4CC00  }
0x10: {  	s8 =	smax.u32 s22, $0x1;
	s22 =	simm.s32 $0x1;
	s9 =	simm.s32 @!p0 $0x65400  }
0x11: {  	s12 =	sadd.s32 s5, s23;
	[dreg:$0x5] =	wrdreg s8;
	s0 =	sadd.s32 s9, s0  }
0x12: {  	s25 =	sshrl.u32 s1, $0x3;
	[dreg:$0x3] =	wrdreg s12;
	s0 =	sadd.s32 s0, s10  }
0x13: {  	v0 =	vimm.bf16 $0.0e+00;
	s23 =	simm.s32 $0x2;
	s12 =	sadd.s32 $0xE00, s7;
	[dreg:$0x6] =	wrdreg s0  }
.LBB2_1:
0x14: {  	s0 =	simm.s32 $0x0  }
.LBB2_2:
0x15: {  	p0 =	sne.s32 s0, $0xDC0  }
.Ltmp0:
0x16: {  	_ = 	snop;
	(pc) =	sbr.rel @p0 .LBB2_2-.Ltmp0, $3  }
0x17: {  	_ =	sdelay $0x1  }
0x18: {  	s1 =	sshra.s32 s0, $0x2  }
0x19: {  	s0 =	sadd.s32 $0x40, s0;
	[tilespmem:s1+$0xB800] =	vst v0  }
0x1a: {  	s0 =	sadd.s32 $0x0, s11  }
0x1b: {  	[spmem:s0] =	stream.linear.scatter [tilespmem:s13], [sflag:$0xA], $0x380, $0x38;
	[tilespmem:$0x17F80] =	vst v63  }
0x1c: {  	s0 =	simm.s32 $0xE00;
	_ =	swait.ge [sflag:s14], $0x380  }
.LBB2_4:
0x1d: {  	s1 =	sshra.s32 s0, $0x2;
	[sflag:s14] =	ssyncset.done $0x0;
	p0 =	sne.s32 s0, $0x30200  }
.Ltmp1:
0x1e: {  	s1 =	sadd.s32 s1, s11;
	[sflag:s14] =	ssyncadd.s32 $0xFFFFFC80;
	(pc) =	sbr.rel @p0 .LBB2_4-.Ltmp1, $3  }
0x1f: {  	[spmem:s1] =	stream.linear.scatter [tilespmem:s13], [sflag:$0xA], $0x380, $0x38;
	[tilespmem:$0x17F80] =	vst v63  }
0x20: {  	s0 =	sadd.s32 $0xE00, s0;
	_ =	sdelay $0x1  }
0x21: {  	_ =	swait.ge [sflag:s14], $0x380  }
0x22: {  	[sflag:s14] =	ssyncset.done $0x0  }
0x23: {  	[sflag:s14] =	ssyncadd.s32 $0xFFFFFC80  }
0x24: {  	[bflag:$0x0] =	sbarrier.arrive $0xFFFF  }
0x25: {  	s0 =	simm.s32 $0x0;
	s1 =	rddreg [dreg:$0x3]  }
0x26: {  	[tilespmem:s0], [sflag:$0x9] =	stream.linear.gather [hbm4b:s1+s0], $0xE00, $0x38;
	[tilespmem:$0x17F80] =	vst v63  }
0x27: {  	s7 =	simm.s32 $0x1C00;
	s15 =	rddreg [dreg:$0x4]  }
0x28: {  	[tilespmem:s7], [sflag:$0x9] =	stream.linear.gather [hbm4b:s15+s0], $0xE00, $0x38;
	[tilespmem:$0x17F80] =	vst v63  }
0x29: {  	p0 =	por $0x0, $0x0;
	s0 =	sand.u32 $0x1, s0  }
0x2a: {  	s1 =	sxor.u32 @!p0 $0x1, s0  }
0x2b: {  	s7 =	sshrl.u32 @!p0 s12, $0x3;
	s1 =	smul.u32 @!p0 $0xE00, s1  }
0x2c: {  	s9 =	simm.s32 @!p0 $0x0;
	s8 =	sadd.s32 @!p0 s5, s7  }
0x2d: {  	[tilespmem:s1], [sflag:$0x9] =	stream.linear.gather @!p0 [hbm4b:s8+s9], $0xE00, $0x38;
	[tilespmem:$0x17F80] =	vst v63  }
0x2e: {  	s7 =	sadd.s32 @!p0 s6, s7;
	s1 =	sadd.s32 @!p0 $0x1C00, s1  }
0x2f: {  	[tilespmem:s1], [sflag:$0x9] =	stream.linear.gather @!p0 [hbm4b:s7+s9], $0xE00, $0x38;
	[tilespmem:$0x17F80] =	vst v63  }
0x30: {  	_ =	swait.ge [sflag:s16], $0xE00  }
0x31: {  	[sflag:s16] =	ssyncset.done $0x0  }
0x32: {  	[sflag:s16] =	ssyncadd.s32 $0xFFFFF200  }
0x33: {  	_ =	swait.ge [sflag:s16], $0xE00  }
0x34: {  	s0 =	smul.u32 $0xE00, s0;
	[sflag:s16] =	ssyncset.done $0x0  }
0x35: {  	[sflag:s16] =	ssyncadd.s32 $0xFFFFF200  }
0x36: {  	[tilespmem:s18], [sflag:$0x1] =	stream.indirect.gather [hbm4b:s4+s17], $0x10, s0, s17, $0xb8;
	[tilespmem:$0x17F80] =	vst v63  }
0x37: {  	s8 =	sadd.s32 $0x200, s0  }
0x38: {  	[tilespmem:s19], [sflag:$0x2] =	stream.indirect.gather [hbm4b:s4+s17], $0x10, s8, s17, $0xb8;
	[tilespmem:$0x17F80] =	vst v63  }
0x39: {  	s9 =	sadd.s32 $0x400, s0  }
0x3a: {  	[tilespmem:s20], [sflag:$0x3] =	stream.indirect.gather [hbm4b:s4+s17], $0x10, s9, s17, $0xb8;
	[tilespmem:$0x17F80] =	vst v63  }
0x3b: {  	s10 =	sadd.s32 $0x600, s0  }
0x3c: {  	[tilespmem:s21], [sflag:$0x4] =	stream.indirect.gather [hbm4b:s4+s17], $0x10, s10, s17, $0xb8;
	[tilespmem:$0x17F80] =	vst v63  }
0x3d: {  	_ =	swait.ge [sflag:s22], $0x2000  }
0x3e: {  	[sflag:s22] =	ssyncset.done $0x0  }
0x3f: {  	s15 =	sadd.s32 $0x1C00, s0;
	[sflag:s22] =	ssyncadd.s32 $0xFFFFE000  }
0x40: {  	[spmem:s2] =	stream.indirect.scatter.add.bf16 [tilespmem:s18], [sflag:$0x5], $0x10, s15, s17, $0xb8;
	[tilespmem:$0x17F80] =	vst v63  }
0x41: {  	_ =	swait.ge [sflag:s23], $0x2000  }
0x42: {  	[sflag:s23] =	ssyncset.done $0x0  }
0x43: {  	s7 =	sadd.s32 $0x1E00, s0;
	[sflag:s23] =	ssyncadd.s32 $0xFFFFE000  }
0x44: {  	[spmem:s2] =	stream.indirect.scatter.add.bf16 [tilespmem:s19], [sflag:$0x6], $0x10, s7, s17, $0xb8;
	[tilespmem:$0x17F80] =	vst v63  }
0x45: {  	_ =	swait.ge [sflag:s24], $0x2000  }
0x46: {  	[sflag:s24] =	ssyncset.done $0x0  }
0x47: {  	s8 =	sor.u32 $0x2000, s0;
	[sflag:s24] =	ssyncadd.s32 $0xFFFFE000  }
0x48: {  	[spmem:s2] =	stream.indirect.scatter.add.bf16 [tilespmem:s20], [sflag:$0x7], $0x10, s8, s17, $0xb8;
	[tilespmem:$0x17F80] =	vst v63  }
0x49: {  	_ =	swait.ge [sflag:s26], $0x2000  }
0x4a: {  	[sflag:s26] =	ssyncset.done $0x0  }
0x4b: {  	s9 =	sadd.s32 $0x800, s0;
	[sflag:s26] =	ssyncadd.s32 $0xFFFFE000  }
0x4c: {  	[tilespmem:s18], [sflag:$0x1] =	stream.indirect.gather [hbm4b:s4+s17], $0x10, s9, s17, $0xb8;
	[tilespmem:$0x17F80] =	vst v63  }
0x4d: {  	_ =	swait.ge [sflag:s28], $0x2000  }
0x4e: {  	[sflag:s28] =	ssyncset.done $0x0  }
0x4f: {  	s10 =	sadd.s32 $0x2200, s0;
	[sflag:s28] =	ssyncadd.s32 $0xFFFFE000  }
0x50: {  	[spmem:s2] =	stream.indirect.scatter.add.bf16 [tilespmem:s21], [sflag:$0x8], $0x10, s10, s17, $0xb8;
	[tilespmem:$0x17F80] =	vst v63  }
0x51: {  	_ =	swait.ge [sflag:s29], $0x2000  }
0x52: {  	[sflag:s29] =	ssyncset.done $0x0  }
0x53: {  	s15 =	sadd.s32 $0xA00, s0;
	[sflag:s29] =	ssyncadd.s32 $0xFFFFE000  }
0x54: {  	[tilespmem:s19], [sflag:$0x2] =	stream.indirect.gather [hbm4b:s4+s17], $0x10, s15, s17, $0xb8;
	[tilespmem:$0x17F80] =	vst v63  }
0x55: {  	_ =	swait.ge [sflag:s22], $0x2000  }
0x56: {  	[sflag:s22] =	ssyncset.done $0x0  }
0x57: {  	s7 =	sadd.s32 $0x2400, s0;
	[sflag:s22] =	ssyncadd.s32 $0xFFFFE000  }
0x58: {  	[spmem:s2] =	stream.indirect.scatter.add.bf16 [tilespmem:s18], [sflag:$0x5], $0x10, s7, s17, $0xb8;
	[tilespmem:$0x17F80] =	vst v63  }
0x59: {  	_ =	swait.ge [sflag:s30], $0x2000  }
0x5a: {  	[sflag:s30] =	ssyncset.done $0x0  }
0x5b: {  	s8 =	sadd.s32 $0xC00, s0;
	[sflag:s30] =	ssyncadd.s32 $0xFFFFE000  }
0x5c: {  	[tilespmem:s20], [sflag:$0x3] =	stream.indirect.gather [hbm4b:s4+s17], $0x10, s8, s17, $0xb8;
	[tilespmem:$0x17F80] =	vst v63  }
0x5d: {  	_ =	swait.ge [sflag:s23], $0x2000  }
0x5e: {  	[sflag:s23] =	ssyncset.done $0x0  }
0x5f: {  	s9 =	sadd.s32 $0x2600, s0;
	[sflag:s23] =	ssyncadd.s32 $0xFFFFE000  }
0x60: {  	[spmem:s2] =	stream.indirect.scatter.add.bf16 [tilespmem:s19], [sflag:$0x6], $0x10, s9, s17, $0xb8;
	[tilespmem:$0x17F80] =	vst v63  }
0x61: {  	_ =	swait.ge [sflag:s24], $0x2000  }
0x62: {  	[sflag:s24] =	ssyncset.done $0x0  }
0x63: {  	s0 =	sadd.s32 $0x2800, s0;
	[sflag:s24] =	ssyncadd.s32 $0xFFFFE000  }
0x64: {  	[spmem:s2] =	stream.indirect.scatter.add.bf16 [tilespmem:s20], [sflag:$0x7], $0x10, s0, s17, $0xb8;
	[tilespmem:$0x17F80] =	vst v63  }
0x65: {  	_ =	swait.ge [sflag:s31], $0x2000  }
0x66: {  	[sflag:s31] =	ssyncset.done $0x0  }
0x67: {  	[sflag:s31] =	ssyncadd.s32 $0xFFFFE000  }
0x68: {  	_ =	swait.ge [sflag:s26], $0x2000  }
0x69: {  	[sflag:s26] =	ssyncset.done $0x0  }
0x6a: {  	[sflag:s26] =	ssyncadd.s32 $0xFFFFE000  }
0x6b: {  	s10 =	simm.s32 $0x1;
	_ =	swait.ge [sflag:s29], $0x2000  }
0x6c: {  	p1 =	por $0x0, $0x0;
	s7 =	sand.u32 $0x1, s10;
	[sflag:s29] =	ssyncset.done $0x0  }
0x6d: {  	s15 =	sadd.s32 $0xE00, s12;
	s1 =	sxor.u32 @!p1 $0x1, s7;
	[sflag:s29] =	ssyncadd.s32 $0xFFFFE000  }
0x6e: {  	s1 =	smul.u32 @!p1 $0xE00, s1;
	s8 =	sshrl.u32 @!p1 s15, $0x3;
	_ =	swait.ge [sflag:s30], $0x2000  }
0x6f: {  	s9 =	sadd.s32 @!p1 s5, s8;
	s0 =	simm.s32 $0x2;
	[sflag:s30] =	ssyncset.done $0x0  }
.LBB2_6:
0x70: {  	s10 =	simm.s32 @!p1 $0x0;
	s8 =	sadd.s32 @!p1 s6, s8;
	[sflag:s30] =	ssyncadd.s32 $0xFFFFE000  }
0x71: {  	[tilespmem:s1], [sflag:$0x9] =	stream.linear.gather @!p1 [hbm4b:s9+s10], $0xE00, $0x38;
	[tilespmem:$0x17F80] =	vst v63  }
0x72: {  	s9 =	sadd.s32 @!p1 $0x1C00, s1;
	s1 =	smov.u32 s0;
	s0 =	sadd.s32 $0x1, s0  }
0x73: {  	[tilespmem:s9], [sflag:$0x9] =	stream.linear.gather @!p1 [hbm4b:s8+s10], $0xE00, $0x38;
	[tilespmem:$0x17F80] =	vst v63  }
0x74: {  	p0 =	sne.s32 s0, $0x7;
	_ =	swait.ge [sflag:s16], $0xE00  }
0x75: {  	[sflag:s16] =	ssyncset.done $0x0  }
0x76: {  	[sflag:s16] =	ssyncadd.s32 $0xFFFFF200  }
0x77: {  	_ =	swait.ge [sflag:s16], $0xE00  }
0x78: {  	s7 =	smul.u32 $0xE00, s7;
	[sflag:s16] =	ssyncset.done $0x0  }
0x79: {  	[sflag:s16] =	ssyncadd.s32 $0xFFFFF200  }
0x7a: {  	[tilespmem:s18], [sflag:$0x1] =	stream.indirect.gather [hbm4b:s4+s17], $0x10, s7, s17, $0xb8;
	[tilespmem:$0x17F80] =	vst v63  }
0x7b: {  	s8 =	sadd.s32 $0x200, s7  }
0x7c: {  	[tilespmem:s19], [sflag:$0x2] =	stream.indirect.gather [hbm4b:s4+s17], $0x10, s8, s17, $0xb8;
	[tilespmem:$0x17F80] =	vst v63  }
0x7d: {  	s8 =	sadd.s32 $0x400, s7  }
0x7e: {  	[tilespmem:s20], [sflag:$0x3] =	stream.indirect.gather [hbm4b:s4+s17], $0x10, s8, s17, $0xb8;
	[tilespmem:$0x17F80] =	vst v63  }
0x7f: {  	s8 =	sadd.s32 $0x600, s7  }
0x80: {  	[tilespmem:s21], [sflag:$0x4] =	stream.indirect.gather [hbm4b:s4+s17], $0x10, s8, s17, $0xb8;
	[tilespmem:$0x17F80] =	vst v63  }
0x81: {  	_ =	swait.ge [sflag:s22], $0x2000  }
0x82: {  	[sflag:s22] =	ssyncset.done $0x0  }
0x83: {  	s8 =	sadd.s32 $0x1C00, s7;
	[sflag:s22] =	ssyncadd.s32 $0xFFFFE000  }
0x84: {  	[spmem:s2] =	stream.indirect.scatter.add.bf16 [tilespmem:s18], [sflag:$0x5], $0x10, s8, s17, $0xb8;
	[tilespmem:$0x17F80] =	vst v63  }
0x85: {  	_ =	swait.ge [sflag:s23], $0x2000  }
0x86: {  	[sflag:s23] =	ssyncset.done $0x0  }
0x87: {  	s8 =	sadd.s32 $0x1E00, s7;
	[sflag:s23] =	ssyncadd.s32 $0xFFFFE000  }
0x88: {  	[spmem:s2] =	stream.indirect.scatter.add.bf16 [tilespmem:s19], [sflag:$0x6], $0x10, s8, s17, $0xb8;
	[tilespmem:$0x17F80] =	vst v63  }
0x89: {  	_ =	swait.ge [sflag:s24], $0x2000  }
0x8a: {  	[sflag:s24] =	ssyncset.done $0x0  }
0x8b: {  	s8 =	sor.u32 $0x2000, s7;
	[sflag:s24] =	ssyncadd.s32 $0xFFFFE000  }
0x8c: {  	[spmem:s2] =	stream.indirect.scatter.add.bf16 [tilespmem:s20], [sflag:$0x7], $0x10, s8, s17, $0xb8;
	[tilespmem:$0x17F80] =	vst v63  }
0x8d: {  	_ =	swait.ge [sflag:s26], $0x2000  }
0x8e: {  	[sflag:s26] =	ssyncset.done $0x0  }
0x8f: {  	s8 =	sadd.s32 $0x800, s7;
	[sflag:s26] =	ssyncadd.s32 $0xFFFFE000  }
0x90: {  	[tilespmem:s18], [sflag:$0x1] =	stream.indirect.gather [hbm4b:s4+s17], $0x10, s8, s17, $0xb8;
	[tilespmem:$0x17F80] =	vst v63  }
0x91: {  	_ =	swait.ge [sflag:s28], $0x2000  }
0x92: {  	[sflag:s28] =	ssyncset.done $0x0  }
0x93: {  	s8 =	sadd.s32 $0x2200, s7;
	[sflag:s28] =	ssyncadd.s32 $0xFFFFE000  }
0x94: {  	[spmem:s2] =	stream.indirect.scatter.add.bf16 [tilespmem:s21], [sflag:$0x8], $0x10, s8, s17, $0xb8;
	[tilespmem:$0x17F80] =	vst v63  }
0x95: {  	_ =	swait.ge [sflag:s29], $0x2000  }
0x96: {  	[sflag:s29] =	ssyncset.done $0x0  }
0x97: {  	s8 =	sadd.s32 $0xA00, s7;
	[sflag:s29] =	ssyncadd.s32 $0xFFFFE000  }
0x98: {  	[tilespmem:s19], [sflag:$0x2] =	stream.indirect.gather [hbm4b:s4+s17], $0x10, s8, s17, $0xb8;
	[tilespmem:$0x17F80] =	vst v63  }
0x99: {  	_ =	swait.ge [sflag:s22], $0x2000  }
0x9a: {  	[sflag:s22] =	ssyncset.done $0x0  }
0x9b: {  	s8 =	sadd.s32 $0x2400, s7;
	[sflag:s22] =	ssyncadd.s32 $0xFFFFE000  }
0x9c: {  	[spmem:s2] =	stream.indirect.scatter.add.bf16 [tilespmem:s18], [sflag:$0x5], $0x10, s8, s17, $0xb8;
	[tilespmem:$0x17F80] =	vst v63  }
0x9d: {  	_ =	swait.ge [sflag:s30], $0x2000  }
0x9e: {  	[sflag:s30] =	ssyncset.done $0x0  }
0x9f: {  	s8 =	sadd.s32 $0xC00, s7;
	[sflag:s30] =	ssyncadd.s32 $0xFFFFE000  }
0xa0: {  	[tilespmem:s20], [sflag:$0x3] =	stream.indirect.gather [hbm4b:s4+s17], $0x10, s8, s17, $0xb8;
	[tilespmem:$0x17F80] =	vst v63  }
0xa1: {  	_ =	swait.ge [sflag:s23], $0x2000  }
0xa2: {  	[sflag:s23] =	ssyncset.done $0x0  }
0xa3: {  	s8 =	sadd.s32 $0x2600, s7;
	[sflag:s23] =	ssyncadd.s32 $0xFFFFE000  }
0xa4: {  	[spmem:s2] =	stream.indirect.scatter.add.bf16 [tilespmem:s19], [sflag:$0x6], $0x10, s8, s17, $0xb8;
	[tilespmem:$0x17F80] =	vst v63  }
0xa5: {  	_ =	swait.ge [sflag:s24], $0x2000  }
0xa6: {  	[sflag:s24] =	ssyncset.done $0x0  }
0xa7: {  	s7 =	sadd.s32 $0x2800, s7;
	[sflag:s24] =	ssyncadd.s32 $0xFFFFE000  }
0xa8: {  	[spmem:s2] =	stream.indirect.scatter.add.bf16 [tilespmem:s20], [sflag:$0x7], $0x10, s7, s17, $0xb8;
	[tilespmem:$0x17F80] =	vst v63  }
0xa9: {  	_ =	swait.ge [sflag:s31], $0x2000  }
0xaa: {  	[sflag:s31] =	ssyncset.done $0x0  }
0xab: {  	[sflag:s31] =	ssyncadd.s32 $0xFFFFE000  }
0xac: {  	_ =	swait.ge [sflag:s26], $0x2000  }
0xad: {  	[sflag:s26] =	ssyncset.done $0x0  }
0xae: {  	[sflag:s26] =	ssyncadd.s32 $0xFFFFE000  }
.Ltmp2:
0xaf: {  	_ =	swait.ge [sflag:s29], $0x2000;
	(pc) =	sbr.rel @p0 .LBB2_6-.Ltmp2, $4  }
0xb0: {  	s15 =	sadd.s32 $0xE00, s15;
	[sflag:s29] =	ssyncset.done $0x0  }
0xb1: {  	p1 =	seq.s32 s1, $0x6;
	s7 =	sand.u32 $0x1, s1;
	[sflag:s29] =	ssyncadd.s32 $0xFFFFE000  }
0xb2: {  	s8 =	sshrl.u32 @!p1 s15, $0x3;
	s1 =	sxor.u32 @!p1 $0x1, s7;
	_ =	swait.ge [sflag:s30], $0x2000  }
0xb3: {  	s9 =	sadd.s32 @!p1 s5, s8;
	s1 =	smul.u32 @!p1 $0xE00, s1;
	[sflag:s30] =	ssyncset.done $0x0  }
0xb4: {  	s0 =	simm.s32 @!p1 $0x0;
	[sflag:s30] =	ssyncadd.s32 $0xFFFFE000  }
0xb5: {  	[tilespmem:s1], [sflag:$0x9] =	stream.linear.gather @!p1 [hbm4b:s9+s0], $0xE00, $0x38;
	[tilespmem:$0x17F80] =	vst v63  }
0xb6: {  	s8 =	sadd.s32 @!p1 s6, s8;
	s1 =	sadd.s32 @!p1 $0x1C00, s1  }
0xb7: {  	[tilespmem:s1], [sflag:$0x9] =	stream.linear.gather @!p1 [hbm4b:s8+s0], $0xE00, $0x38;
	[tilespmem:$0x17F80] =	vst v63  }
0xb8: {  	_ =	swait.ge [sflag:s16], $0xE00  }
0xb9: {  	[sflag:s16] =	ssyncset.done $0x0  }
0xba: {  	[sflag:s16] =	ssyncadd.s32 $0xFFFFF200  }
0xbb: {  	_ =	swait.ge [sflag:s16], $0xE00  }
0xbc: {  	s0 =	smul.u32 $0xE00, s7;
	[sflag:s16] =	ssyncset.done $0x0  }
0xbd: {  	[sflag:s16] =	ssyncadd.s32 $0xFFFFF200  }
0xbe: {  	[tilespmem:s18], [sflag:$0x1] =	stream.indirect.gather [hbm4b:s4+s17], $0x10, s0, s17, $0xb8;
	[tilespmem:$0x17F80] =	vst v63  }
0xbf: {  	s7 =	sadd.s32 $0x200, s0  }
0xc0: {  	[tilespmem:s19], [sflag:$0x2] =	stream.indirect.gather [hbm4b:s4+s17], $0x10, s7, s17, $0xb8;
	[tilespmem:$0x17F80] =	vst v63  }
0xc1: {  	s8 =	sadd.s32 $0x400, s0  }
0xc2: {  	[tilespmem:s20], [sflag:$0x3] =	stream.indirect.gather [hbm4b:s4+s17], $0x10, s8, s17, $0xb8;
	[tilespmem:$0x17F80] =	vst v63  }
0xc3: {  	s9 =	sadd.s32 $0x600, s0  }
0xc4: {  	[tilespmem:s21], [sflag:$0x4] =	stream.indirect.gather [hbm4b:s4+s17], $0x10, s9, s17, $0xb8;
	[tilespmem:$0x17F80] =	vst v63  }
0xc5: {  	_ =	swait.ge [sflag:s22], $0x2000  }
0xc6: {  	[sflag:s22] =	ssyncset.done $0x0  }
0xc7: {  	s10 =	sadd.s32 $0x1C00, s0;
	[sflag:s22] =	ssyncadd.s32 $0xFFFFE000  }
0xc8: {  	[spmem:s2] =	stream.indirect.scatter.add.bf16 [tilespmem:s18], [sflag:$0x5], $0x10, s10, s17, $0xb8;
	[tilespmem:$0x17F80] =	vst v63  }
0xc9: {  	_ =	swait.ge [sflag:s23], $0x2000  }
0xca: {  	[sflag:s23] =	ssyncset.done $0x0  }
0xcb: {  	s15 =	sadd.s32 $0x1E00, s0;
	[sflag:s23] =	ssyncadd.s32 $0xFFFFE000  }
0xcc: {  	[spmem:s2] =	stream.indirect.scatter.add.bf16 [tilespmem:s19], [sflag:$0x6], $0x10, s15, s17, $0xb8;
	[tilespmem:$0x17F80] =	vst v63  }
0xcd: {  	_ =	swait.ge [sflag:s24], $0x2000  }
0xce: {  	[sflag:s24] =	ssyncset.done $0x0  }
0xcf: {  	s7 =	sor.u32 $0x2000, s0;
	[sflag:s24] =	ssyncadd.s32 $0xFFFFE000  }
0xd0: {  	[spmem:s2] =	stream.indirect.scatter.add.bf16 [tilespmem:s20], [sflag:$0x7], $0x10, s7, s17, $0xb8;
	[tilespmem:$0x17F80] =	vst v63  }
0xd1: {  	_ =	swait.ge [sflag:s26], $0x2000  }
0xd2: {  	[sflag:s26] =	ssyncset.done $0x0  }
0xd3: {  	s8 =	sadd.s32 $0x800, s0;
	[sflag:s26] =	ssyncadd.s32 $0xFFFFE000  }
0xd4: {  	[tilespmem:s18], [sflag:$0x1] =	stream.indirect.gather [hbm4b:s4+s17], $0x10, s8, s17, $0xb8;
	[tilespmem:$0x17F80] =	vst v63  }
0xd5: {  	_ =	swait.ge [sflag:s28], $0x2000  }
0xd6: {  	[sflag:s28] =	ssyncset.done $0x0  }
0xd7: {  	s9 =	sadd.s32 $0x2200, s0;
	[sflag:s28] =	ssyncadd.s32 $0xFFFFE000  }
0xd8: {  	[spmem:s2] =	stream.indirect.scatter.add.bf16 [tilespmem:s21], [sflag:$0x8], $0x10, s9, s17, $0xb8;
	[tilespmem:$0x17F80] =	vst v63  }
0xd9: {  	_ =	swait.ge [sflag:s29], $0x2000  }
0xda: {  	[sflag:s29] =	ssyncset.done $0x0  }
0xdb: {  	s10 =	sadd.s32 $0xA00, s0;
	[sflag:s29] =	ssyncadd.s32 $0xFFFFE000  }
0xdc: {  	[tilespmem:s19], [sflag:$0x2] =	stream.indirect.gather [hbm4b:s4+s17], $0x10, s10, s17, $0xb8;
	[tilespmem:$0x17F80] =	vst v63  }
0xdd: {  	_ =	swait.ge [sflag:s22], $0x2000  }
0xde: {  	[sflag:s22] =	ssyncset.done $0x0  }
0xdf: {  	s15 =	sadd.s32 $0x2400, s0;
	[sflag:s22] =	ssyncadd.s32 $0xFFFFE000  }
0xe0: {  	[spmem:s2] =	stream.indirect.scatter.add.bf16 [tilespmem:s18], [sflag:$0x5], $0x10, s15, s17, $0xb8;
	[tilespmem:$0x17F80] =	vst v63  }
0xe1: {  	_ =	swait.ge [sflag:s30], $0x2000  }
0xe2: {  	[sflag:s30] =	ssyncset.done $0x0  }
0xe3: {  	s7 =	sadd.s32 $0xC00, s0;
	[sflag:s30] =	ssyncadd.s32 $0xFFFFE000  }
0xe4: {  	[tilespmem:s20], [sflag:$0x3] =	stream.indirect.gather [hbm4b:s4+s17], $0x10, s7, s17, $0xb8;
	[tilespmem:$0x17F80] =	vst v63  }
0xe5: {  	_ =	swait.ge [sflag:s23], $0x2000  }
0xe6: {  	[sflag:s23] =	ssyncset.done $0x0  }
0xe7: {  	s8 =	sadd.s32 $0x2600, s0;
	[sflag:s23] =	ssyncadd.s32 $0xFFFFE000  }
0xe8: {  	[spmem:s2] =	stream.indirect.scatter.add.bf16 [tilespmem:s19], [sflag:$0x6], $0x10, s8, s17, $0xb8;
	[tilespmem:$0x17F80] =	vst v63  }
0xe9: {  	_ =	swait.ge [sflag:s24], $0x2000  }
0xea: {  	[sflag:s24] =	ssyncset.done $0x0  }
0xeb: {  	s0 =	sadd.s32 $0x2800, s0;
	[sflag:s24] =	ssyncadd.s32 $0xFFFFE000  }
0xec: {  	[spmem:s2] =	stream.indirect.scatter.add.bf16 [tilespmem:s20], [sflag:$0x7], $0x10, s0, s17, $0xb8;
	[tilespmem:$0x17F80] =	vst v63  }
0xed: {  	_ =	swait.ge [sflag:s31], $0x2000  }
0xee: {  	[sflag:s31] =	ssyncset.done $0x0  }
0xef: {  	[sflag:s31] =	ssyncadd.s32 $0xFFFFE000  }
0xf0: {  	_ =	swait.ge [sflag:s26], $0x2000  }
0xf1: {  	[sflag:s26] =	ssyncset.done $0x0  }
0xf2: {  	[sflag:s26] =	ssyncadd.s32 $0xFFFFE000  }
0xf3: {  	_ =	swait.ge [sflag:s29], $0x2000  }
0xf4: {  	[sflag:s29] =	ssyncset.done $0x0  }
0xf5: {  	[sflag:s29] =	ssyncadd.s32 $0xFFFFE000  }
0xf6: {  	_ =	swait.ge [sflag:s30], $0x2000  }
0xf7: {  	[sflag:s30] =	ssyncset.done $0x0  }
0xf8: {  	s9 =	stileid.u32;
	[sflag:s30] =	ssyncadd.s32 $0xFFFFE000  }
0xf9: {  	s0 =	sshll.u32 s9, $0x6;
	[bflag:$0x0] =	sbarrier.arrive $0xFFFF  }
0xfa: {  	s0 =	sor.u32 $0x1C0A, s0;
	s10 =	rddreg [dreg:$0x6]  }
0xfb: {  	[hbm:s10], [sflag:s0] =	dma.local [spmem:s25], $0x1880  }
0xfc: {  	_ =	swait.ge [sflag:s14], $0x1880  }
0xfd: {  	s3 =	sadd.s32 $0x1, s3;
	s15 =	rddreg [dreg:$0x5]  }
0xfe: {  	p0 =	sne.s32 s3, s15  }
.Ltmp3:
0xff: {  	_ = 	snop;
	(pc) =	sbr.rel @p0 .LBB2_1-.Ltmp3, $3  }
0x100: {  	_ =	sdelay $0x1  }
0x101: {  	[sflag:s14] =	ssyncset.done $0x0  }
0x102: {  	[sflag:s14] =	ssyncadd.s32 $0xFFFFE780  }
0x103: {  	_ =	sfence.sel $0x180000  }
0x104: {  	[bflag:$0x0] =	sbarrier.arrive $0xFFFF  }
0x105: {  	_ =	strace $0x90000047  }
0x106: {  	s0 =	stileid.u32;
	[bflag:$0x2] =	sbarrier.arrive $0xFFFF  }
0x107: {  	p0 =	sne.s32 s0, $0x0;
	s0 =	rddreg [dreg:$0x2]  }
0x108: {  	s0 =	sadd.s32 @!p0 $0x100000, s0  }
0x109: {  	[sflag:s0] =	ssyncadd.tile.s32 @!p0 $0x1;
	_ =	shalt  }
.Lfunc_end2:
_tile_overlayer_lowered:
.L_overlay_start_2:
0x10a: {  	(tag) =	ssettag $0x2  }
0x10b: {  	s0 =	rddreg [dreg:$0x0];
	s2 =	stileid.u32  }
0x10c: {  	s1 =	rddreg [dreg:$0x1];
	p0 =	sne.s32 s2, $0x0  }
0x10d: {  	s3 =	rddreg [dreg:$0x2];
	[bflag:$0x3] =	sbarrier.arrive $0xFFFF;
	s2 =	simm.s32 @!p0 $0x1C0A  }
0x10e: {  	[timem:s3], [sflag:s2] =	dma.local @!p0 [hbm:s0], s1  }
0x10f: {  	s0 =	simm.s32 @!p0 $0xA  }
0x110: {  	_ =	swait.ge @!p0 [sflag:s0], s1  }
0x111: {  	s1 =	ssub.s32 @!p0 $0x0, s1;
	[sflag:s0] =	ssyncset.done @!p0 $0x0  }
0x112: {  	[sflag:s0] =	ssyncadd.s32 @!p0 s1  }
0x113: {  	[bflag:$0x3] =	sbarrier.arrive $0xFFFF  }
0x114: {  	_ =	shalt  }

// kernel: kernel.9.cloned.1.call-start
scs
__scs_entry_jumppad:
0x0: {  	(pc) =	sbr.rel $0x88, $3  }
0x1: {  	(tag) =	ssettag $0x0;
	lr =	simm.s32 $0x1  }
0x2: {  	[smem:$0x3F91] =	sst lr;
	_ =	strace $0xD0000000  }
0x3: {  	_ = 	snop  }
0x4: {  	_ = 	snop  }
0x5: {  	_ = 	snop  }
0x6: {  	_ = 	snop  }
0x7: {  	_ = 	snop  }
__scs_overlays_trampoline_lowered:
0x8: {  	[smem:$0x3FA0] =	sst s0  }
0x9: {  	[smem:$0x3FA1] =	sst s1  }
0xa: {  	[smem:$0x3FA2] =	sst s2  }
0xb: {  	[smem:$0x3FA3] =	sst s3  }
0xc: {  	[smem:$0x3FA4] =	sst s4  }
0xd: {  	[smem:$0x3FA5] =	sst s5  }
0xe: {  	[smem:$0x3FA6] =	sst s6  }
0xf: {  	[smem:$0x3FA7] =	sst s7  }
0x10: {  	[smem:$0x3FA8] =	sst s8  }
0x11: {  	[smem:$0x3FA9] =	sst s9;
	s0 =	simm.s32 @!p0 $0x0  }
0x12: {  	s1 =	sld [smem:$0x3F8F];
	s0 =	simm.s32 @p0 $0x1  }
0x13: {  	[smem:$0x3FAA] =	sst s0;
	s0 =	simm.s32 @!p1 $0x0  }
0x14: {  	s2 =	sld [smem:$0x3F8E];
	s0 =	simm.s32 @p1 $0x1  }
0x15: {  	[smem:$0x3FAB] =	sst s0;
	s0 =	simm.s32 @!p2 $0x0  }
0x16: {  	s3 =	sld [smem:$0x3FDB];
	s0 =	simm.s32 @p2 $0x1  }
0x17: {  	s4 =	simm.s32 $0x1BF5;
	[smem:$0x3FAD] =	sst s0  }
0x18: {  	s0 =	sld [smem:$0x3F90];
	_ =	swait.ge [sflag:s4], $0x0  }
0x19: {  	s7 =	sld [smem:$0x3F91]  }
0x1a: {  	s8 =	sadd.s32 $0xFFFFE003, lr  }
0x1b: {  	s9 =	sadd.s32 $0xFFFFFEF7, lr;
	s5 =	simm.s32 $0xFFFFFFFF;
	p2 =	slt.u32 s8, $0xFFFFF086  }
0x1c: {  	p1 =	slt.u32 s9, $0xF7A;
	s5 =	simm.s32 @!p2 $0x0  }
0x1d: {  	s5 =	simm.s32 @p1 $0x1;
	p0 =	seq.s32 s7, s2  }
0x1e: {  	s7 =	smul.u32 @!p0 $0xF7A, s2;
	p2 =	seq.s32 @!p0 s5, $0x0  }
0x1f: {  	s9 =	smul.u32 $0xF7A, s1;
	s8 =	simm.s32 @!p0 $0x1BF5;
	p2 =	por !p2, p0  }
0x20: {  	[sflag:s8] =	ssyncset.s32 @!p0 $0xFFFFF086;
	s6 =	sadd.s32 @!p0 s3, s7;
	s7 =	simm.s32 @!p0 $0x108  }
0x21: {  	s3 =	sadd.s32 s3, s9;
	s6 =	sadd.s32 @!p0 $0x88, s6;
	s7 =	simm.s32 @p2 $0x1082  }
0x22: {  	[simem:s7], [sflag:s8] =	dma.local @!p0 [hbm:s6], $0xF7A  }
0x23: {  	s9 =	sor.u32 $0xD0000000, s2;
	s6 =	simm.s32 $0x108;
	_ =	swait.ge @!p0 [sflag:s8], $0x0  }
0x24: {  	s3 =	sadd.s32 $0x88, s3;
	s6 =	simm.s32 @!p1 $0x1082;
	[sflag:s4] =	ssyncset.s32 $0xFFFFF086  }
0x25: {  	[simem:s6], [sflag:s4] =	dma.local [hbm:s3], $0xF7A  }
0x26: {  	[smem:$0x3F91] =	sst s1;
	(tag) =	ssettag s2;
	_ =	strace s9  }
0x27: {  	s1 =	sld [smem:$0x3FA1]  }
0x28: {  	s2 =	sld [smem:$0x3FA2]  }
0x29: {  	s4 =	sld [smem:$0x3FA4]  }
0x2a: {  	p0 =	seq.s32 s5, $0x0;
	s5 =	sld [smem:$0x3FA5]  }
0x2b: {  	s6 =	sld [smem:$0x3FA6]  }
0x2c: {  	s7 =	sld [smem:$0x3FA7]  }
0x2d: {  	s3 =	simm.s32 $0x108;
	s8 =	sld [smem:$0x3FA8]  }
0x2e: {  	s3 =	simm.s32 @!p0 $0x1082;
	s9 =	sld [smem:$0x3FA9]  }
0x2f: {  	lr =	sadd.s32 s0, s3;
	s0 =	sld [smem:$0x3FA0]  }
0x30: {  	s3 =	sld [smem:$0x3FA3]  }
0x31: {  	[smem:$0x3FAC] =	sst s10  }
0x32: {  	s10 =	sld [smem:$0x3FAA];
	_ =	sdelay $0x3  }
0x33: {  	p0 =	seq.s32 s10, $0x1;
	s10 =	sld [smem:$0x3FAC];
	_ =	sdelay $0x3  }
0x34: {  	[smem:$0x3FAC] =	sst s10  }
0x35: {  	s10 =	sld [smem:$0x3FAB];
	_ =	sdelay $0x3  }
0x36: {  	p1 =	seq.s32 s10, $0x1;
	s10 =	sld [smem:$0x3FAC];
	_ =	sdelay $0x3  }
0x37: {  	[smem:$0x3FAC] =	sst s10  }
0x38: {  	s10 =	sld [smem:$0x3FAD]  }
0x39: {  	_ = 	snop;
	(pc) =	sbr.ind lr, $3  }
0x3a: {  	_ = 	snop  }
0x3b: {  	_ = 	snop  }
0x3c: {  	p2 =	seq.s32 s10, $0x1;
	s10 =	sld [smem:$0x3FAC]  }
0x3d: {  	_ =	shalt  }
0x3e: {  	_ =	shalt  }
0x3f: {  	_ =	shalt  }
0x40: {  	_ =	shalt  }
0x41: {  	_ =	shalt  }
0x42: {  	_ =	shalt  }
0x43: {  	_ =	shalt  }
0x44: {  	_ =	shalt  }
0x45: {  	_ =	shalt  }
0x46: {  	_ =	shalt  }
0x47: {  	_ =	shalt  }
0x48: {  	_ =	shalt  }
0x49: {  	_ =	shalt  }
0x4a: {  	_ =	shalt  }
0x4b: {  	_ =	shalt  }
0x4c: {  	_ =	shalt  }
0x4d: {  	_ =	shalt  }
0x4e: {  	_ =	shalt  }
0x4f: {  	_ =	shalt  }
0x50: {  	_ =	shalt  }
0x51: {  	_ =	shalt  }
0x52: {  	_ =	shalt  }
0x53: {  	_ =	shalt  }
0x54: {  	_ =	shalt  }
0x55: {  	_ =	shalt  }
0x56: {  	_ =	shalt  }
0x57: {  	_ =	shalt  }
0x58: {  	_ =	shalt  }
0x59: {  	_ =	shalt  }
0x5a: {  	_ =	shalt  }
0x5b: {  	_ =	shalt  }
0x5c: {  	_ =	shalt  }
0x5d: {  	_ =	shalt  }
0x5e: {  	_ =	shalt  }
0x5f: {  	_ =	shalt  }
0x60: {  	_ =	shalt  }
0x61: {  	_ =	shalt  }
0x62: {  	_ =	shalt  }
0x63: {  	_ =	shalt  }
0x64: {  	_ =	shalt  }
0x65: {  	_ =	shalt  }
0x66: {  	_ =	shalt  }
0x67: {  	_ =	shalt  }
0x68: {  	_ =	shalt  }
0x69: {  	_ =	shalt  }
0x6a: {  	_ =	shalt  }
0x6b: {  	_ =	shalt  }
0x6c: {  	_ =	shalt  }
0x6d: {  	_ =	shalt  }
0x6e: {  	_ =	shalt  }
0x6f: {  	_ =	shalt  }
0x70: {  	_ =	shalt  }
0x71: {  	_ =	shalt  }
0x72: {  	_ =	shalt  }
0x73: {  	_ =	shalt  }
0x74: {  	_ =	shalt  }
0x75: {  	_ =	shalt  }
0x76: {  	_ =	shalt  }
0x77: {  	_ =	shalt  }
0x78: {  	_ =	shalt  }
0x79: {  	_ =	shalt  }
0x7a: {  	_ =	shalt  }
0x7b: {  	_ =	shalt  }
0x7c: {  	_ =	shalt  }
0x7d: {  	_ =	shalt  }
0x7e: {  	_ =	shalt  }
0x7f: {  	_ =	shalt  }
0x80: {  	_ =	shalt  }
0x81: {  	_ =	shalt  }
0x82: {  	_ =	shalt  }
0x83: {  	_ =	shalt  }
0x84: {  	_ =	shalt  }
0x85: {  	_ =	shalt  }
0x86: {  	_ =	shalt  }
0x87: {  	_ =	shalt  }
.Lfunc_end0:
.L_simem_size_0:
called_computation.1_lowered:
.L_overlay_start_0:
0x88: {  	s2 =	sld [smem:$0x3FD9]  }
0x89: {  	s3 =	sld [smem:$0x3FFE];
	_ =	sdelay $0x1  }
0x8a: {  	s1 =	srdreg.scid  }
0x8b: {  	s0 =	sand.u32 $0x1, s1  }
0x8c: {  	s17 =	sshll.u32 s0, $0xA;
	s2 =	sadd.s32 s3, s2  }
0x8d: {  	s2 =	sadd.s32 s2, s17  }
0x8e: {  	[smem:$0x3FB8] =	sst s2  }
0x8f: {  	_ = 	snop  }
0x90: {  	s2 =	sld [smem:$0x3FC6]  }
0x91: {  	s18 =	sld [smem:$0x3FD0];
	(tm) =	ssettm $0x1  }
0x92: {  	s4 =	sld [smem:$0x3FFB];
	_ =	sdelay $0x3  }
0x93: {  	_ =	strace s4  }
0x94: {  	s4 =	sld [smem:$0x3FFC];
	_ =	sdelay $0x3  }
0x95: {  	_ =	strace s4  }
0x96: {  	s4 =	sld [smem:$0x3FFD];
	_ =	sdelay $0x3  }
0x97: {  	_ =	strace s4  }
0x98: {  	_ =	strace $0x8FFFFFFF  }
0x99: {  	s19 =	sld [smem:$0x3FDB];
	_ =	sdelay $0x1  }
0x9a: {  	s5 =	simm.s32 $_scs_section_size  }
0x9b: {  	s6 =	simm.s32 $_size__tile_overlayer_lowered;
	s7 =	simm.s32 $_tile_overlayer_lowered  }
0x9c: {  	s22 =	simm.s32 $0x1BFF;
	s21 =	sshll.u32 s7, $0x1;
	s4 =	sadd.s32 s5, s19  }
0x9d: {  	s8 =	simm.s32 $0x0;
	s20 =	sshll.u32 s6, $0x1;
	s6 =	sadd.s32 s21, s4  }
0x9e: {  	[timem:s8], [sflag:s22] =	dma.local [hbm:s6], s20  }
0x9f: {  	_ =	swait.ge [sflag:s22], s20  }
0xa0: {  	s5 =	ssub.s32 $0x0, s20;
	[sflag:s22] =	ssyncset.done $0x0  }
0xa1: {  	[sflag:s22] =	ssyncadd.s32 s5;
	_ =	sdelay $0x1  }
0xa2: {  	s23 =	simm.s32 $0x1B8B  }
0xa3: {  	_ =	swait.ge [sflag:s23], $0x1  }
0xa4: {  	[sflag:s23] =	ssyncset.done $0x0  }
0xa5: {  	s25 =	simm.s32 $0x1B8E;
	s24 =	sld [smem:$0x3FFE];
	[sflag:s23] =	ssyncadd.s32 $0xFFFFFFFF  }
0xa6: {  	s26 =	simm.s32 $execute0_lowered;
	[smem:$0x3FD2] =	sst s25  }
0xa7: {  	s6 =	sshll.u32 s26, $0x1;
	_ =	strace $0x80000049;
	[dreg:$0x1] =	wrdreg $0xFFFFFFFF  }
0xa8: {  	s28 =	simm.s32 $_size_execute0_lowered;
	s4 =	sadd.s32 s4, s6;
	[dreg:$0x0] =	wrdreg $0x0  }
0xa9: {  	s6 =	sshll.u32 s28, $0x1;
	[dreg:$0x2] =	wrdreg s4  }
0xaa: {  	[dreg:$0x3] =	wrdreg s6  }
0xab: {  	[dreg:$0x4] =	wrdreg $0xC0  }
0xac: {  	_ =	task [dreg:s8], $0x5FFFF  }
0xad: {  	[dreg:$0x1] =	wrdreg $0xFFFFFFFF  }
0xae: {  	[dreg:$0x0] =	wrdreg $0x60  }
0xaf: {  	[dreg:$0x2] =	wrdreg s24  }
0xb0: {  	[dreg:$0x3] =	wrdreg s2  }
0xb1: {  	[dreg:$0x4] =	wrdreg s18  }
0xb2: {  	[dreg:$0x5] =	wrdreg $0xBB800  }
0xb3: {  	[dreg:$0x6] =	wrdreg $0x9  }
0xb4: {  	_ =	task.clear_ibuf [dreg:s8], $0x7FFFF;
	_ =	strace $0x90000049  }
0xb5: {  	s29 =	simm.s32 $0x9;
	_ =	strace $0x8000004B  }
0xb6: {  	_ =	swait.ge [sflag:s29], $0x1  }
0xb7: {  	[sflag:s29] =	ssyncadd.s32 $0xFFFFFFFF  }
0xb8: {  	_ =	strace $0x9000004B  }
0xb9: {  	_ =	sfence  }
0xba: {  	s30 =	sld [smem:$0x0];
	_ =	sdelay $0x2  }
0xbb: {  	s31 =	sshll.u32 s1, $0xD;
	s1 =	sshrl.u32 s1, $0x2  }
0xbc: {  	s3 =	sand.u32 $0x4000, s31;
	s1 =	sadd.s32 s1, s30  }
0xbd: {  	s0 =	sor.u32 s3, s0;
	s1 =	sshll.u32 s1, $0x11  }
0xbe: {  	s0 =	sor.u32 s1, s0  }
0xbf: {  	s0 =	sadd.s32 $0x8F2B, s0  }
0xc0: {  	[sflag:s0] =	ssyncadd.remote.s32 $0x1  }
0xc1: {  	_ =	sfence.sel $0xFFFF  }
0xc2: {  	[dreg:$0x0] =	wrdreg $0xFFFFFFFF;
	(pc) =	sbr.abs _section_cstart, $3  }
0xc3: {  	[dreg:$0x1] =	wrdreg $0xFFFFFFFF  }
0xc4: {  	_ =	task.clear_ibuf [dreg:s8], $0x2FFFF;
	_ =	strace $0x9FFFFFFF  }
0xc5: {  	(tm) =	ssettm $0x7FFFFFFF  }
tec
execute0_lowered:
.L_overlay_start_1:
0x0: {  	(tag) =	ssettag $0x1  }
0x1: {  	s0 =	rddreg [dreg:$0x0]  }
0x2: {  	s1 =	rddreg [dreg:$0x1]  }
0x3: {  	s2 =	rddreg [dreg:$0x3];
	s3 =	simm.s32 $0x0;
	s10 =	srdreg.scid  }
0x4: {  	s12 =	stileid.u32;
	s28 =	simm.s32 $0x3800;
	s29 =	simm.s32 $0x5800  }
0x5: {  	s30 =	simm.s32 $0x7800;
	s31 =	simm.s32 $0x9800;
	[smem:$0x7FF] =	sst s3  }
0x6: {  	s4 =	sadd.s32 $0x4CC00, s0;
	s5 =	sadd.s32 $0x3400, s0;
	s26 =	sadd.s32 $0x34400, s0  }
0x7: {  	s6 =	sadd.s32 $0x1BC00, s0;
	s7 =	sadd.s32 $0x7DC00, s0;
	s8 =	sadd.s32 $0x65400, s0  }
0x8: {  	s11 =	smul.u32 $0xC400, s12;
	_ =	strace $0x8000004A;
	[dreg:$0x5] =	wrdreg s7  }
0x9: {  	s9 =	sadd.s32 $0x96400, s0;
	s13 =	sadd.s32 $0x96600, s0;
	[dreg:$0x6] =	wrdreg s8  }
0xa: {  	s0 =	sadd.s32 $0x96800, s0;
	s18 =	smul.u32 $0x31000, s12;
	[dreg:$0x7] =	wrdreg s9  }
0xb: {  	s20 =	sshll.u32 s12, $0x1;
	s21 =	smul.u32 $0x1880, s12;
	[dreg:$0x8] =	wrdreg s13  }
0xc: {  	s22 =	sshll.u32 s12, $0x5;
	s7 =	sand.u32 $0x1, s10;
	[dreg:$0x9] =	wrdreg s0  }
0xd: {  	s1 =	sadd.s32 s1, s20;
	[dreg:$0xe] =	wrdreg s22;
	s22 =	simm.s32 $0xA  }
0xe: {  	s13 =	simm.s32 $0x17F90;
	s14 =	ssub.s32 $0x2, s7;
	s8 =	sshrl.u32 s11, $0x3  }
0xf: {  	s11 =	smul.u32 $0x18800, s12;
	[dreg:$0xd] =	wrdreg s1;
	s23 =	sshrl.u32 s18, $0x2  }
0x10: {  	s24 =	sadd.s32 s21, s6;
	s25 =	sadd.s32 s21, s26;
	s21 =	simm.s32 $0xB800  }
0x11: {  	p0 =	sne.s32 s7, $0x0;
	s1 =	simm.s32 $0x2;
	s7 =	simm.s32 $0x3  }
0x12: {  	s10 =	sshrl.u32 s14, $0x1;
	s16 =	sadd.s32 s26, s8;
	s8 =	sadd.s32 s6, s8  }
0x13: {  	s18 =	sadd.s32 s23, s2;
	s20 =	sadd.s32 $0x1C0, s25;
	[dreg:$0xa] =	wrdreg s16  }
0x14: {  	s23 =	simm.s32 $0x5;
	s15 =	ssub.s32 s14, s10;
	[dreg:$0xb] =	wrdreg s8  }
0x15: {  	s17 =	sshrl.u32 s11, $0x4;
	s19 =	sshrl.u32 s11, $0x1;
	s8 =	simm.s32 $0x4  }
.Ltmp0:
0x16: {  	s10 =	simm.s32 $0x7;
	s11 =	simm.s32 $0x8;
	(pc) =	sbr.rel .LBB2_1-.Ltmp0, $4  }
0x17: {  	s14 =	simm.s32 $0x0;
	[dreg:$0xc] =	wrdreg s17;
	s9 =	sadd.s32 s19, s2  }
0x18: {  	s0 =	smax.u32 s15, $0x1;
	s17 =	sadd.s32 $0x1C0, s24;
	s24 =	simm.s32 $0x9  }
0x19: {  	[dreg:$0xf] =	wrdreg s0;
	s26 =	sshrl.u32 s9, $0x3;
	s0 =	simm.s32 $0x1  }
0x1a: {  	v0 =	vimm.bf16 $0.0e+00;
	s9 =	simm.s32 $0x6;
	[dreg:$0x10] =	wrdreg s26;
	s26 =	simm.s32 $0x200  }
.LBB2_11:
0x1b: {  	[sflag:s10] =	ssyncadd.s32 $0xFFFFE000  }
0x1c: {  	[tilespmem:s16], [sflag:$0x9] =	stream.linear.gather @!p2 [hbm4b:s25+s6], $0xE00, $0x38;
	[tilespmem:$0x18090] =	vst v63  }
0x1d: {  	s12 =	sadd.s32 $0x1C0, s19;
	s15 =	sadd.s32 @!p2 $0x1C00, s16  }
0x1e: {  	[tilespmem:s15], [sflag:$0x9] =	stream.linear.gather @!p2 [hbm4b:s12+s6], $0xE00, $0x38;
	[tilespmem:$0x18090] =	vst v63  }
0x1f: {  	_ =	swait.ge [sflag:s24], $0xE00  }
0x20: {  	[sflag:s24] =	ssyncset.done $0x0  }
0x21: {  	[sflag:s24] =	ssyncadd.s32 $0xFFFFF200  }
0x22: {  	_ =	swait.ge [sflag:s24], $0xE00  }
0x23: {  	s3 =	smul.u32 $0xE00, s3;
	[sflag:s24] =	ssyncset.done $0x0  }
0x24: {  	[sflag:s24] =	ssyncadd.s32 $0xFFFFF200  }
0x25: {  	[tilespmem:s28], [sflag:$0x1] =	stream.indirect.gather [hbm4b:s5+s26], $0x10, s3, s26, $0xb8;
	[tilespmem:$0x18090] =	vst v63  }
0x26: {  	s19 =	sadd.s32 $0x200, s3  }
0x27: {  	[tilespmem:s29], [sflag:$0x2] =	stream.indirect.gather [hbm4b:s5+s26], $0x10, s19, s26, $0xb8;
	[tilespmem:$0x18090] =	vst v63  }
0x28: {  	s25 =	sadd.s32 $0x400, s3  }
0x29: {  	[tilespmem:s30], [sflag:$0x3] =	stream.indirect.gather [hbm4b:s5+s26], $0x10, s25, s26, $0xb8;
	[tilespmem:$0x18090] =	vst v63  }
0x2a: {  	s12 =	sadd.s32 $0x600, s3  }
0x2b: {  	[tilespmem:s31], [sflag:$0x4] =	stream.indirect.gather [hbm4b:s5+s26], $0x10, s12, s26, $0xb8;
	[tilespmem:$0x18090] =	vst v63  }
0x2c: {  	_ =	swait.ge [sflag:s0], $0x2000  }
0x2d: {  	[sflag:s0] =	ssyncset.done $0x0  }
0x2e: {  	s15 =	sadd.s32 $0x1C00, s3;
	[sflag:s0] =	ssyncadd.s32 $0xFFFFE000  }
0x2f: {  	[spmem:s2] =	stream.indirect.scatter.add.bf16 [tilespmem:s28], [sflag:$0x5], $0x10, s15, s26, $0xb8;
	[tilespmem:$0x18090] =	vst v63  }
0x30: {  	_ =	swait.ge [sflag:s1], $0x2000  }
0x31: {  	[sflag:s1] =	ssyncset.done $0x0  }
0x32: {  	s16 =	sadd.s32 $0x1E00, s3;
	[sflag:s1] =	ssyncadd.s32 $0xFFFFE000  }
0x33: {  	[spmem:s2] =	stream.indirect.scatter.add.bf16 [tilespmem:s29], [sflag:$0x6], $0x10, s16, s26, $0xb8;
	[tilespmem:$0x18090] =	vst v63  }
0x34: {  	_ =	swait.ge [sflag:s7], $0x2000  }
0x35: {  	[sflag:s7] =	ssyncset.done $0x0  }
0x36: {  	s19 =	sor.u32 $0x2000, s3;
	[sflag:s7] =	ssyncadd.s32 $0xFFFFE000  }
0x37: {  	[spmem:s2] =	stream.indirect.scatter.add.bf16 [tilespmem:s30], [sflag:$0x7], $0x10, s19, s26, $0xb8;
	[tilespmem:$0x18090] =	vst v63  }
0x38: {  	_ =	swait.ge [sflag:s23], $0x2000  }
0x39: {  	[sflag:s23] =	ssyncset.done $0x0  }
0x3a: {  	s25 =	sadd.s32 $0x800, s3;
	[sflag:s23] =	ssyncadd.s32 $0xFFFFE000  }
0x3b: {  	[tilespmem:s28], [sflag:$0x1] =	stream.indirect.gather [hbm4b:s5+s26], $0x10, s25, s26, $0xb8;
	[tilespmem:$0x18090] =	vst v63  }
0x3c: {  	_ =	swait.ge [sflag:s8], $0x2000  }
0x3d: {  	[sflag:s8] =	ssyncset.done $0x0  }
0x3e: {  	s12 =	sadd.s32 $0x2200, s3;
	[sflag:s8] =	ssyncadd.s32 $0xFFFFE000  }
0x3f: {  	[spmem:s2] =	stream.indirect.scatter.add.bf16 [tilespmem:s31], [sflag:$0x8], $0x10, s12, s26, $0xb8;
	[tilespmem:$0x18090] =	vst v63  }
0x40: {  	_ =	swait.ge [sflag:s9], $0x2000  }
0x41: {  	[sflag:s9] =	ssyncset.done $0x0  }
0x42: {  	s15 =	sadd.s32 $0xA00, s3;
	[sflag:s9] =	ssyncadd.s32 $0xFFFFE000  }
0x43: {  	[tilespmem:s29], [sflag:$0x2] =	stream.indirect.gather [hbm4b:s5+s26], $0x10, s15, s26, $0xb8;
	[tilespmem:$0x18090] =	vst v63  }
0x44: {  	_ =	swait.ge [sflag:s0], $0x2000  }
0x45: {  	[sflag:s0] =	ssyncset.done $0x0  }
0x46: {  	s16 =	sadd.s32 $0x2400, s3;
	[sflag:s0] =	ssyncadd.s32 $0xFFFFE000  }
0x47: {  	[spmem:s2] =	stream.indirect.scatter.add.bf16 [tilespmem:s28], [sflag:$0x5], $0x10, s16, s26, $0xb8;
	[tilespmem:$0x18090] =	vst v63  }
0x48: {  	_ =	swait.ge [sflag:s10], $0x2000  }
0x49: {  	[sflag:s10] =	ssyncset.done $0x0  }
0x4a: {  	s19 =	sadd.s32 $0xC00, s3;
	[sflag:s10] =	ssyncadd.s32 $0xFFFFE000  }
0x4b: {  	[tilespmem:s30], [sflag:$0x3] =	stream.indirect.gather [hbm4b:s5+s26], $0x10, s19, s26, $0xb8;
	[tilespmem:$0x18090] =	vst v63  }
0x4c: {  	_ =	swait.ge [sflag:s1], $0x2000  }
0x4d: {  	[sflag:s1] =	ssyncset.done $0x0  }
0x4e: {  	s25 =	sadd.s32 $0x2600, s3;
	[sflag:s1] =	ssyncadd.s32 $0xFFFFE000  }
0x4f: {  	[spmem:s2] =	stream.indirect.scatter.add.bf16 [tilespmem:s29], [sflag:$0x6], $0x10, s25, s26, $0xb8;
	[tilespmem:$0x18090] =	vst v63  }
0x50: {  	_ =	swait.ge [sflag:s7], $0x2000  }
0x51: {  	[sflag:s7] =	ssyncset.done $0x0  }
0x52: {  	s3 =	sadd.s32 $0x2800, s3;
	[sflag:s7] =	ssyncadd.s32 $0xFFFFE000  }
0x53: {  	[spmem:s2] =	stream.indirect.scatter.add.bf16 [tilespmem:s30], [sflag:$0x7], $0x10, s3, s26, $0xb8;
	[tilespmem:$0x18090] =	vst v63  }
0x54: {  	_ =	swait.ge [sflag:s11], $0x2000  }
0x55: {  	[sflag:s11] =	ssyncset.done $0x0  }
0x56: {  	[sflag:s11] =	ssyncadd.s32 $0xFFFFE000  }
0x57: {  	_ =	swait.ge [sflag:s23], $0x2000  }
0x58: {  	[sflag:s23] =	ssyncset.done $0x0  }
0x59: {  	[sflag:s23] =	ssyncadd.s32 $0xFFFFE000  }
0x5a: {  	_ =	swait.ge [sflag:s9], $0x2000  }
0x5b: {  	[sflag:s9] =	ssyncset.done $0x0  }
0x5c: {  	[sflag:s9] =	ssyncadd.s32 $0xFFFFE000  }
0x5d: {  	_ =	swait.ge [sflag:s10], $0x2000  }
0x5e: {  	s3 =	rddreg [dreg:$0x9]  }
0x5f: {  	[sflag:s10] =	ssyncset.done $0x0;
	s12 =	rddreg [dreg:$0x7]  }
0x60: {  	s6 =	smov.u32 s5;
	s15 =	rddreg [dreg:$0x6];
	[sflag:s10] =	ssyncadd.s32 $0xFFFFE000  }
.LBB2_12:
0x61: {  	s16 =	stileid.u32  }
0x62: {  	s19 =	rddreg [dreg:$0xc];
	[bflag:$0x0] =	sbarrier.arrive $0xFFFF;
	s16 =	sshll.u32 s16, $0x6  }
0x63: {  	s15 =	sadd.s32 s15, s19;
	s25 =	rddreg [dreg:$0x10];
	s16 =	sor.u32 $0x1C0A, s16  }
0x64: {  	[hbm:s15], [sflag:s16] =	dma.local [spmem:s25], $0x1880  }
0x65: {  	_ =	swait.ge [sflag:s22], $0x1880  }
0x66: {  	s19 =	simm.s32 $0x17F80;
	[sflag:s22] =	ssyncset.done $0x0  }
0x67: {  	s15 =	simm.s32 $0x0;
	s25 =	rddreg [dreg:$0xd];
	[sflag:s22] =	ssyncadd.s32 $0xFFFFE780  }
0x68: {  	[tilespmem:s19], [sflag:$0xA] =	stream.linear.gather [hbm4b:s25+s15], $0x10, $0x38;
	[tilespmem:$0x18090] =	vst v63  }
0x69: {  	_ =	swait.ge [sflag:s22], $0x10  }
0x6a: {  	[sflag:s22] =	ssyncset.done $0x0  }
0x6b: {  	s25 =	simm.s32 $0x10;
	[sflag:s22] =	ssyncadd.s32 $0xFFFFFFF0  }
0x6c: {  	[tilespmem:s13], [sflag:$0x1] =	stream.indirect.gather [spmem:s2], $0x10, s19, s25, $0xb8;
	[tilespmem:$0x18090] =	vst v63  }
0x6d: {  	_ =	swait.ge [sflag:s0], $0x100  }
0x6e: {  	[sflag:s0] =	ssyncset.done $0x0;
	s16 =	rddreg [dreg:$0xe]  }
0x6f: {  	[sflag:s0] =	ssyncadd.s32 $0xFFFFFF00;
	s12 =	sadd.s32 s12, s16  }
0x70: {  	[hbm4b:s12+s15] =	stream.linear.scatter [tilespmem:s13], [sflag:$0xA], $0x100, $0x38;
	[tilespmem:$0x18090] =	vst v63  }
0x71: {  	_ =	swait.ge [sflag:s22], $0x100  }
0x72: {  	[sflag:s22] =	ssyncset.done $0x0  }
0x73: {  	[sflag:s22] =	ssyncadd.s32 $0xFFFFFF00  }
0x74: {  	[tilespmem:s13], [sflag:$0x2] =	stream.indirect.gather [hbm4b:s6+s25], $0x10, s19, s25, $0xb8;
	[tilespmem:$0x18090] =	vst v63  }
0x75: {  	_ =	swait.ge [sflag:s1], $0x100  }
0x76: {  	[sflag:s1] =	ssyncset.done $0x0  }
0x77: {  	s3 =	sadd.s32 s3, s16;
	[sflag:s1] =	ssyncadd.s32 $0xFFFFFF00  }
0x78: {  	[hbm4b:s3+s15] =	stream.linear.scatter [tilespmem:s13], [sflag:$0xA], $0x100, $0x38;
	[tilespmem:$0x18090] =	vst v63  }
0x79: {  	_ =	swait.ge [sflag:s22], $0x100  }
0x7a: {  	s14 =	sadd.s32 $0x1, s14;
	s25 =	rddreg [dreg:$0xf]  }
0x7b: {  	p1 =	sne.s32 s14, s25  }
.Ltmp1:
0x7c: {  	_ = 	snop;
	(pc) =	sbr.rel @!p1 .LBB2_13-.Ltmp1, $3  }
0x7d: {  	_ =	sdelay $0x1  }
0x7e: {  	[sflag:s22] =	ssyncset.done $0x0  }
0x7f: {  	[sflag:s22] =	ssyncadd.s32 $0xFFFFFF00  }
.LBB2_1:
0x80: {  	s3 =	simm.s32 $0x0  }
.LBB2_2:
0x81: {  	p1 =	sne.s32 s3, $0xDC0  }
.Ltmp2:
0x82: {  	_ = 	snop;
	(pc) =	sbr.rel @p1 .LBB2_2-.Ltmp2, $3  }
0x83: {  	_ =	sdelay $0x1  }
0x84: {  	s6 =	sshra.s32 s3, $0x2  }
0x85: {  	s3 =	sadd.s32 $0x40, s3;
	[tilespmem:s6+$0xB800] =	vst v0  }
0x86: {  	s3 =	sadd.s32 $0x0, s18  }
0x87: {  	[spmem:s3] =	stream.linear.scatter [tilespmem:s21], [sflag:$0xA], $0x380, $0x38;
	[tilespmem:$0x18090] =	vst v63  }
0x88: {  	s3 =	simm.s32 $0xE00;
	_ =	swait.ge [sflag:s22], $0x380  }
.LBB2_4:
0x89: {  	s6 =	sshra.s32 s3, $0x2;
	[sflag:s22] =	ssyncset.done $0x0;
	p1 =	sne.s32 s3, $0x30200  }
.Ltmp3:
0x8a: {  	s6 =	sadd.s32 s6, s18;
	[sflag:s22] =	ssyncadd.s32 $0xFFFFFC80;
	(pc) =	sbr.rel @p1 .LBB2_4-.Ltmp3, $3  }
0x8b: {  	[spmem:s6] =	stream.linear.scatter [tilespmem:s21], [sflag:$0xA], $0x380, $0x38;
	[tilespmem:$0x18090] =	vst v63  }
0x8c: {  	s3 =	sadd.s32 $0xE00, s3;
	_ =	sdelay $0x1  }
0x8d: {  	_ =	swait.ge [sflag:s22], $0x380  }
0x8e: {  	[sflag:s22] =	ssyncset.done $0x0  }
0x8f: {  	[sflag:s22] =	ssyncadd.s32 $0xFFFFFC80  }
0x90: {  	[bflag:$0x0] =	sbarrier.arrive $0xFFFF  }
.Ltmp4:
0x91: {  	s3 =	simm.s32 $0x0;
	s6 =	rddreg [dreg:$0xa];
	(pc) =	sbr.rel @p0 .LBB2_9-.Ltmp4, $4  }
0x92: {  	[tilespmem:s3], [sflag:$0x9] =	stream.linear.gather [hbm4b:s6+s3], $0xE00, $0x38;
	[tilespmem:$0x18090] =	vst v63  }
0x93: {  	s12 =	simm.s32 $0x1C00;
	s25 =	rddreg [dreg:$0xb]  }
0x94: {  	[tilespmem:s12], [sflag:$0x9] =	stream.linear.gather [hbm4b:s25+s3], $0xE00, $0x38;
	[tilespmem:$0x18090] =	vst v63  }
0x95: {  	p1 =	por $0x0, $0x0;
	s3 =	sand.u32 $0x1, s3  }
0x96: {  	s6 =	sxor.u32 @!p1 $0x1, s3  }
0x97: {  	s6 =	smul.u32 @!p1 $0xE00, s6  }
0x98: {  	s12 =	simm.s32 @!p1 $0x0  }
0x99: {  	[tilespmem:s6], [sflag:$0x9] =	stream.linear.gather @!p1 [hbm4b:s20+s12], $0xE00, $0x38;
	[tilespmem:$0x18090] =	vst v63  }
0x9a: {  	s6 =	sadd.s32 @!p1 $0x1C00, s6  }
0x9b: {  	[tilespmem:s6], [sflag:$0x9] =	stream.linear.gather @!p1 [hbm4b:s17+s12], $0xE00, $0x38;
	[tilespmem:$0x18090] =	vst v63  }
0x9c: {  	_ =	swait.ge [sflag:s24], $0xE00  }
0x9d: {  	[sflag:s24] =	ssyncset.done $0x0  }
0x9e: {  	[sflag:s24] =	ssyncadd.s32 $0xFFFFF200  }
0x9f: {  	_ =	swait.ge [sflag:s24], $0xE00  }
0xa0: {  	s3 =	smul.u32 $0xE00, s3;
	[sflag:s24] =	ssyncset.done $0x0  }
0xa1: {  	[sflag:s24] =	ssyncadd.s32 $0xFFFFF200  }
0xa2: {  	[tilespmem:s28], [sflag:$0x1] =	stream.indirect.gather [hbm4b:s4+s26], $0x10, s3, s26, $0xb8;
	[tilespmem:$0x18090] =	vst v63  }
0xa3: {  	s16 =	sadd.s32 $0x200, s3  }
0xa4: {  	[tilespmem:s29], [sflag:$0x2] =	stream.indirect.gather [hbm4b:s4+s26], $0x10, s16, s26, $0xb8;
	[tilespmem:$0x18090] =	vst v63  }
0xa5: {  	s19 =	sadd.s32 $0x400, s3  }
0xa6: {  	[tilespmem:s30], [sflag:$0x3] =	stream.indirect.gather [hbm4b:s4+s26], $0x10, s19, s26, $0xb8;
	[tilespmem:$0x18090] =	vst v63  }
0xa7: {  	s25 =	sadd.s32 $0x600, s3  }
0xa8: {  	[tilespmem:s31], [sflag:$0x4] =	stream.indirect.gather [hbm4b:s4+s26], $0x10, s25, s26, $0xb8;
	[tilespmem:$0x18090] =	vst v63  }
0xa9: {  	_ =	swait.ge [sflag:s0], $0x2000  }
0xaa: {  	[sflag:s0] =	ssyncset.done $0x0  }
0xab: {  	s12 =	sadd.s32 $0x1C00, s3;
	[sflag:s0] =	ssyncadd.s32 $0xFFFFE000  }
0xac: {  	[spmem:s2] =	stream.indirect.scatter.add.bf16 [tilespmem:s28], [sflag:$0x5], $0x10, s12, s26, $0xb8;
	[tilespmem:$0x18090] =	vst v63  }
0xad: {  	_ =	swait.ge [sflag:s1], $0x2000  }
0xae: {  	[sflag:s1] =	ssyncset.done $0x0  }
0xaf: {  	s15 =	sadd.s32 $0x1E00, s3;
	[sflag:s1] =	ssyncadd.s32 $0xFFFFE000  }
0xb0: {  	[spmem:s2] =	stream.indirect.scatter.add.bf16 [tilespmem:s29], [sflag:$0x6], $0x10, s15, s26, $0xb8;
	[tilespmem:$0x18090] =	vst v63  }
0xb1: {  	_ =	swait.ge [sflag:s7], $0x2000  }
0xb2: {  	[sflag:s7] =	ssyncset.done $0x0  }
0xb3: {  	s16 =	sor.u32 $0x2000, s3;
	[sflag:s7] =	ssyncadd.s32 $0xFFFFE000  }
0xb4: {  	[spmem:s2] =	stream.indirect.scatter.add.bf16 [tilespmem:s30], [sflag:$0x7], $0x10, s16, s26, $0xb8;
	[tilespmem:$0x18090] =	vst v63  }
0xb5: {  	_ =	swait.ge [sflag:s23], $0x2000  }
0xb6: {  	[sflag:s23] =	ssyncset.done $0x0  }
0xb7: {  	s19 =	sadd.s32 $0x800, s3;
	[sflag:s23] =	ssyncadd.s32 $0xFFFFE000  }
0xb8: {  	[tilespmem:s28], [sflag:$0x1] =	stream.indirect.gather [hbm4b:s4+s26], $0x10, s19, s26, $0xb8;
	[tilespmem:$0x18090] =	vst v63  }
0xb9: {  	_ =	swait.ge [sflag:s8], $0x2000  }
0xba: {  	[sflag:s8] =	ssyncset.done $0x0  }
0xbb: {  	s25 =	sadd.s32 $0x2200, s3;
	[sflag:s8] =	ssyncadd.s32 $0xFFFFE000  }
0xbc: {  	[spmem:s2] =	stream.indirect.scatter.add.bf16 [tilespmem:s31], [sflag:$0x8], $0x10, s25, s26, $0xb8;
	[tilespmem:$0x18090] =	vst v63  }
0xbd: {  	_ =	swait.ge [sflag:s9], $0x2000  }
0xbe: {  	[sflag:s9] =	ssyncset.done $0x0  }
0xbf: {  	s12 =	sadd.s32 $0xA00, s3;
	[sflag:s9] =	ssyncadd.s32 $0xFFFFE000  }
0xc0: {  	[tilespmem:s29], [sflag:$0x2] =	stream.indirect.gather [hbm4b:s4+s26], $0x10, s12, s26, $0xb8;
	[tilespmem:$0x18090] =	vst v63  }
0xc1: {  	_ =	swait.ge [sflag:s0], $0x2000  }
0xc2: {  	[sflag:s0] =	ssyncset.done $0x0  }
0xc3: {  	s15 =	sadd.s32 $0x2400, s3;
	[sflag:s0] =	ssyncadd.s32 $0xFFFFE000  }
0xc4: {  	[spmem:s2] =	stream.indirect.scatter.add.bf16 [tilespmem:s28], [sflag:$0x5], $0x10, s15, s26, $0xb8;
	[tilespmem:$0x18090] =	vst v63  }
0xc5: {  	_ =	swait.ge [sflag:s10], $0x2000  }
0xc6: {  	[sflag:s10] =	ssyncset.done $0x0  }
0xc7: {  	s16 =	sadd.s32 $0xC00, s3;
	[sflag:s10] =	ssyncadd.s32 $0xFFFFE000  }
0xc8: {  	[tilespmem:s30], [sflag:$0x3] =	stream.indirect.gather [hbm4b:s4+s26], $0x10, s16, s26, $0xb8;
	[tilespmem:$0x18090] =	vst v63  }
0xc9: {  	_ =	swait.ge [sflag:s1], $0x2000  }
0xca: {  	[sflag:s1] =	ssyncset.done $0x0  }
0xcb: {  	s19 =	sadd.s32 $0x2600, s3;
	[sflag:s1] =	ssyncadd.s32 $0xFFFFE000  }
0xcc: {  	[spmem:s2] =	stream.indirect.scatter.add.bf16 [tilespmem:s29], [sflag:$0x6], $0x10, s19, s26, $0xb8;
	[tilespmem:$0x18090] =	vst v63  }
0xcd: {  	_ =	swait.ge [sflag:s7], $0x2000  }
0xce: {  	[sflag:s7] =	ssyncset.done $0x0  }
0xcf: {  	s3 =	sadd.s32 $0x2800, s3;
	[sflag:s7] =	ssyncadd.s32 $0xFFFFE000  }
0xd0: {  	[spmem:s2] =	stream.indirect.scatter.add.bf16 [tilespmem:s30], [sflag:$0x7], $0x10, s3, s26, $0xb8;
	[tilespmem:$0x18090] =	vst v63  }
0xd1: {  	_ =	swait.ge [sflag:s11], $0x2000  }
0xd2: {  	[sflag:s11] =	ssyncset.done $0x0  }
0xd3: {  	[sflag:s11] =	ssyncadd.s32 $0xFFFFE000  }
0xd4: {  	_ =	swait.ge [sflag:s23], $0x2000  }
0xd5: {  	[sflag:s23] =	ssyncset.done $0x0  }
0xd6: {  	[sflag:s23] =	ssyncadd.s32 $0xFFFFE000  }
0xd7: {  	p2 =	por $0x0, $0x0;
	_ =	swait.ge [sflag:s9], $0x2000  }
0xd8: {  	s6 =	simm.s32 @!p2 $0x0;
	s25 =	simm.s32 $0x1;
	[sflag:s9] =	ssyncset.done $0x0  }
0xd9: {  	s15 =	simm.s32 $0x2;
	s3 =	sand.u32 $0x1, s25;
	[sflag:s9] =	ssyncadd.s32 $0xFFFFE000  }
0xda: {  	s19 =	smov.u32 s17;
	s12 =	sxor.u32 @!p2 $0x1, s3;
	_ =	swait.ge [sflag:s10], $0x2000  }
0xdb: {  	s25 =	sadd.s32 $0x1C0, s20;
	s16 =	smul.u32 @!p2 $0xE00, s12;
	[sflag:s10] =	ssyncset.done $0x0  }
.LBB2_7:
0xdc: {  	[sflag:s10] =	ssyncadd.s32 $0xFFFFE000  }
0xdd: {  	s19 =	sadd.s32 $0x1C0, s19;
	s12 =	smov.u32 s15;
	s15 =	sadd.s32 $0x1, s15  }
0xde: {  	[tilespmem:s16], [sflag:$0x9] =	stream.linear.gather @!p2 [hbm4b:s25+s6], $0xE00, $0x38;
	[tilespmem:$0x18090] =	vst v63  }
0xdf: {  	p1 =	seq.s32 s15, $0xE;
	s16 =	sadd.s32 @!p2 $0x1C00, s16  }
0xe0: {  	[tilespmem:s16], [sflag:$0x9] =	stream.linear.gather @!p2 [hbm4b:s19+s6], $0xE00, $0x38;
	[tilespmem:$0x18090] =	vst v63  }
0xe1: {  	_ =	swait.ge [sflag:s24], $0xE00  }
0xe2: {  	[sflag:s24] =	ssyncset.done $0x0  }
0xe3: {  	[sflag:s24] =	ssyncadd.s32 $0xFFFFF200  }
0xe4: {  	_ =	swait.ge [sflag:s24], $0xE00  }
0xe5: {  	s3 =	smul.u32 $0xE00, s3;
	[sflag:s24] =	ssyncset.done $0x0  }
0xe6: {  	[sflag:s24] =	ssyncadd.s32 $0xFFFFF200  }
0xe7: {  	[tilespmem:s28], [sflag:$0x1] =	stream.indirect.gather [hbm4b:s4+s26], $0x10, s3, s26, $0xb8;
	[tilespmem:$0x18090] =	vst v63  }
0xe8: {  	s6 =	sadd.s32 $0x200, s3  }
0xe9: {  	[tilespmem:s29], [sflag:$0x2] =	stream.indirect.gather [hbm4b:s4+s26], $0x10, s6, s26, $0xb8;
	[tilespmem:$0x18090] =	vst v63  }
0xea: {  	s6 =	sadd.s32 $0x400, s3  }
0xeb: {  	[tilespmem:s30], [sflag:$0x3] =	stream.indirect.gather [hbm4b:s4+s26], $0x10, s6, s26, $0xb8;
	[tilespmem:$0x18090] =	vst v63  }
0xec: {  	s6 =	sadd.s32 $0x600, s3  }
0xed: {  	[tilespmem:s31], [sflag:$0x4] =	stream.indirect.gather [hbm4b:s4+s26], $0x10, s6, s26, $0xb8;
	[tilespmem:$0x18090] =	vst v63  }
0xee: {  	_ =	swait.ge [sflag:s0], $0x2000  }
0xef: {  	[sflag:s0] =	ssyncset.done $0x0  }
0xf0: {  	s6 =	sadd.s32 $0x1C00, s3;
	[sflag:s0] =	ssyncadd.s32 $0xFFFFE000  }
0xf1: {  	[spmem:s2] =	stream.indirect.scatter.add.bf16 [tilespmem:s28], [sflag:$0x5], $0x10, s6, s26, $0xb8;
	[tilespmem:$0x18090] =	vst v63  }
0xf2: {  	_ =	swait.ge [sflag:s1], $0x2000  }
0xf3: {  	[sflag:s1] =	ssyncset.done $0x0  }
0xf4: {  	s6 =	sadd.s32 $0x1E00, s3;
	[sflag:s1] =	ssyncadd.s32 $0xFFFFE000  }
0xf5: {  	[spmem:s2] =	stream.indirect.scatter.add.bf16 [tilespmem:s29], [sflag:$0x6], $0x10, s6, s26, $0xb8;
	[tilespmem:$0x18090] =	vst v63  }
0xf6: {  	_ =	swait.ge [sflag:s7], $0x2000  }
0xf7: {  	[sflag:s7] =	ssyncset.done $0x0  }
0xf8: {  	s6 =	sor.u32 $0x2000, s3;
	[sflag:s7] =	ssyncadd.s32 $0xFFFFE000  }
0xf9: {  	[spmem:s2] =	stream.indirect.scatter.add.bf16 [tilespmem:s30], [sflag:$0x7], $0x10, s6, s26, $0xb8;
	[tilespmem:$0x18090] =	vst v63  }
0xfa: {  	_ =	swait.ge [sflag:s23], $0x2000  }
0xfb: {  	[sflag:s23] =	ssyncset.done $0x0  }
0xfc: {  	s6 =	sadd.s32 $0x800, s3;
	[sflag:s23] =	ssyncadd.s32 $0xFFFFE000  }
0xfd: {  	[tilespmem:s28], [sflag:$0x1] =	stream.indirect.gather [hbm4b:s4+s26], $0x10, s6, s26, $0xb8;
	[tilespmem:$0x18090] =	vst v63  }
0xfe: {  	_ =	swait.ge [sflag:s8], $0x2000  }
0xff: {  	[sflag:s8] =	ssyncset.done $0x0  }
0x100: {  	s6 =	sadd.s32 $0x2200, s3;
	[sflag:s8] =	ssyncadd.s32 $0xFFFFE000  }
0x101: {  	[spmem:s2] =	stream.indirect.scatter.add.bf16 [tilespmem:s31], [sflag:$0x8], $0x10, s6, s26, $0xb8;
	[tilespmem:$0x18090] =	vst v63  }
0x102: {  	_ =	swait.ge [sflag:s9], $0x2000  }
0x103: {  	[sflag:s9] =	ssyncset.done $0x0  }
0x104: {  	s6 =	sadd.s32 $0xA00, s3;
	[sflag:s9] =	ssyncadd.s32 $0xFFFFE000  }
0x105: {  	[tilespmem:s29], [sflag:$0x2] =	stream.indirect.gather [hbm4b:s4+s26], $0x10, s6, s26, $0xb8;
	[tilespmem:$0x18090] =	vst v63  }
0x106: {  	_ =	swait.ge [sflag:s0], $0x2000  }
0x107: {  	[sflag:s0] =	ssyncset.done $0x0  }
0x108: {  	s6 =	sadd.s32 $0x2400, s3;
	[sflag:s0] =	ssyncadd.s32 $0xFFFFE000  }
0x109: {  	[spmem:s2] =	stream.indirect.scatter.add.bf16 [tilespmem:s28], [sflag:$0x5], $0x10, s6, s26, $0xb8;
	[tilespmem:$0x18090] =	vst v63  }
0x10a: {  	_ =	swait.ge [sflag:s10], $0x2000  }
0x10b: {  	[sflag:s10] =	ssyncset.done $0x0  }
0x10c: {  	s6 =	sadd.s32 $0xC00, s3;
	[sflag:s10] =	ssyncadd.s32 $0xFFFFE000  }
0x10d: {  	[tilespmem:s30], [sflag:$0x3] =	stream.indirect.gather [hbm4b:s4+s26], $0x10, s6, s26, $0xb8;
	[tilespmem:$0x18090] =	vst v63  }
0x10e: {  	_ =	swait.ge [sflag:s1], $0x2000  }
0x10f: {  	[sflag:s1] =	ssyncset.done $0x0  }
0x110: {  	s6 =	sadd.s32 $0x2600, s3;
	[sflag:s1] =	ssyncadd.s32 $0xFFFFE000  }
0x111: {  	[spmem:s2] =	stream.indirect.scatter.add.bf16 [tilespmem:s29], [sflag:$0x6], $0x10, s6, s26, $0xb8;
	[tilespmem:$0x18090] =	vst v63  }
0x112: {  	_ =	swait.ge [sflag:s7], $0x2000  }
0x113: {  	[sflag:s7] =	ssyncset.done $0x0  }
0x114: {  	s3 =	sadd.s32 $0x2800, s3;
	[sflag:s7] =	ssyncadd.s32 $0xFFFFE000  }
0x115: {  	[spmem:s2] =	stream.indirect.scatter.add.bf16 [tilespmem:s30], [sflag:$0x7], $0x10, s3, s26, $0xb8;
	[tilespmem:$0x18090] =	vst v63  }
0x116: {  	_ =	swait.ge [sflag:s11], $0x2000  }
0x117: {  	[sflag:s11] =	ssyncset.done $0x0  }
0x118: {  	[sflag:s11] =	ssyncadd.s32 $0xFFFFE000  }
0x119: {  	_ =	swait.ge [sflag:s23], $0x2000  }
0x11a: {  	[sflag:s23] =	ssyncset.done $0x0  }
0x11b: {  	[sflag:s23] =	ssyncadd.s32 $0xFFFFE000  }
.Ltmp5:
0x11c: {  	_ =	swait.ge [sflag:s9], $0x2000;
	(pc) =	sbr.rel @!p1 .LBB2_7-.Ltmp5, $4  }
0x11d: {  	[sflag:s9] =	ssyncset.done $0x0  }
0x11e: {  	p2 =	seq.s32 s12, $0xD;
	s3 =	sand.u32 $0x1, s12;
	[sflag:s9] =	ssyncadd.s32 $0xFFFFE000  }
0x11f: {  	s6 =	simm.s32 @!p2 $0x0;
	s12 =	sxor.u32 @!p2 $0x1, s3;
	_ =	swait.ge [sflag:s10], $0x2000  }
0x120: {  	s25 =	sadd.s32 $0x1C0, s25;
	s16 =	smul.u32 @!p2 $0xE00, s12;
	[sflag:s10] =	ssyncset.done $0x0  }
0x121: {  	[sflag:s10] =	ssyncadd.s32 $0xFFFFE000  }
0x122: {  	[tilespmem:s16], [sflag:$0x9] =	stream.linear.gather @!p2 [hbm4b:s25+s6], $0xE00, $0x38;
	[tilespmem:$0x18090] =	vst v63  }
0x123: {  	s12 =	sadd.s32 $0x1C0, s19;
	s15 =	sadd.s32 @!p2 $0x1C00, s16  }
0x124: {  	[tilespmem:s15], [sflag:$0x9] =	stream.linear.gather @!p2 [hbm4b:s12+s6], $0xE00, $0x38;
	[tilespmem:$0x18090] =	vst v63  }
0x125: {  	_ =	swait.ge [sflag:s24], $0xE00  }
0x126: {  	[sflag:s24] =	ssyncset.done $0x0  }
0x127: {  	[sflag:s24] =	ssyncadd.s32 $0xFFFFF200  }
0x128: {  	_ =	swait.ge [sflag:s24], $0xE00  }
0x129: {  	s3 =	smul.u32 $0xE00, s3;
	[sflag:s24] =	ssyncset.done $0x0  }
0x12a: {  	[sflag:s24] =	ssyncadd.s32 $0xFFFFF200  }
0x12b: {  	[tilespmem:s28], [sflag:$0x1] =	stream.indirect.gather [hbm4b:s4+s26], $0x10, s3, s26, $0xb8;
	[tilespmem:$0x18090] =	vst v63  }
0x12c: {  	s19 =	sadd.s32 $0x200, s3  }
0x12d: {  	[tilespmem:s29], [sflag:$0x2] =	stream.indirect.gather [hbm4b:s4+s26], $0x10, s19, s26, $0xb8;
	[tilespmem:$0x18090] =	vst v63  }
0x12e: {  	s25 =	sadd.s32 $0x400, s3  }
0x12f: {  	[tilespmem:s30], [sflag:$0x3] =	stream.indirect.gather [hbm4b:s4+s26], $0x10, s25, s26, $0xb8;
	[tilespmem:$0x18090] =	vst v63  }
0x130: {  	s12 =	sadd.s32 $0x600, s3  }
0x131: {  	[tilespmem:s31], [sflag:$0x4] =	stream.indirect.gather [hbm4b:s4+s26], $0x10, s12, s26, $0xb8;
	[tilespmem:$0x18090] =	vst v63  }
0x132: {  	_ =	swait.ge [sflag:s0], $0x2000  }
0x133: {  	[sflag:s0] =	ssyncset.done $0x0  }
0x134: {  	s15 =	sadd.s32 $0x1C00, s3;
	[sflag:s0] =	ssyncadd.s32 $0xFFFFE000  }
0x135: {  	[spmem:s2] =	stream.indirect.scatter.add.bf16 [tilespmem:s28], [sflag:$0x5], $0x10, s15, s26, $0xb8;
	[tilespmem:$0x18090] =	vst v63  }
0x136: {  	_ =	swait.ge [sflag:s1], $0x2000  }
0x137: {  	[sflag:s1] =	ssyncset.done $0x0  }
0x138: {  	s16 =	sadd.s32 $0x1E00, s3;
	[sflag:s1] =	ssyncadd.s32 $0xFFFFE000  }
0x139: {  	[spmem:s2] =	stream.indirect.scatter.add.bf16 [tilespmem:s29], [sflag:$0x6], $0x10, s16, s26, $0xb8;
	[tilespmem:$0x18090] =	vst v63  }
0x13a: {  	_ =	swait.ge [sflag:s7], $0x2000  }
0x13b: {  	[sflag:s7] =	ssyncset.done $0x0  }
0x13c: {  	s19 =	sor.u32 $0x2000, s3;
	[sflag:s7] =	ssyncadd.s32 $0xFFFFE000  }
0x13d: {  	[spmem:s2] =	stream.indirect.scatter.add.bf16 [tilespmem:s30], [sflag:$0x7], $0x10, s19, s26, $0xb8;
	[tilespmem:$0x18090] =	vst v63  }
0x13e: {  	_ =	swait.ge [sflag:s23], $0x2000  }
0x13f: {  	[sflag:s23] =	ssyncset.done $0x0  }
0x140: {  	s25 =	sadd.s32 $0x800, s3;
	[sflag:s23] =	ssyncadd.s32 $0xFFFFE000  }
0x141: {  	[tilespmem:s28], [sflag:$0x1] =	stream.indirect.gather [hbm4b:s4+s26], $0x10, s25, s26, $0xb8;
	[tilespmem:$0x18090] =	vst v63  }
0x142: {  	_ =	swait.ge [sflag:s8], $0x2000  }
0x143: {  	[sflag:s8] =	ssyncset.done $0x0  }
0x144: {  	s12 =	sadd.s32 $0x2200, s3;
	[sflag:s8] =	ssyncadd.s32 $0xFFFFE000  }
0x145: {  	[spmem:s2] =	stream.indirect.scatter.add.bf16 [tilespmem:s31], [sflag:$0x8], $0x10, s12, s26, $0xb8;
	[tilespmem:$0x18090] =	vst v63  }
0x146: {  	_ =	swait.ge [sflag:s9], $0x2000  }
0x147: {  	[sflag:s9] =	ssyncset.done $0x0  }
0x148: {  	s15 =	sadd.s32 $0xA00, s3;
	[sflag:s9] =	ssyncadd.s32 $0xFFFFE000  }
0x149: {  	[tilespmem:s29], [sflag:$0x2] =	stream.indirect.gather [hbm4b:s4+s26], $0x10, s15, s26, $0xb8;
	[tilespmem:$0x18090] =	vst v63  }
0x14a: {  	_ =	swait.ge [sflag:s0], $0x2000  }
0x14b: {  	[sflag:s0] =	ssyncset.done $0x0  }
0x14c: {  	s16 =	sadd.s32 $0x2400, s3;
	[sflag:s0] =	ssyncadd.s32 $0xFFFFE000  }
0x14d: {  	[spmem:s2] =	stream.indirect.scatter.add.bf16 [tilespmem:s28], [sflag:$0x5], $0x10, s16, s26, $0xb8;
	[tilespmem:$0x18090] =	vst v63  }
0x14e: {  	_ =	swait.ge [sflag:s10], $0x2000  }
0x14f: {  	[sflag:s10] =	ssyncset.done $0x0  }
0x150: {  	s19 =	sadd.s32 $0xC00, s3;
	[sflag:s10] =	ssyncadd.s32 $0xFFFFE000  }
0x151: {  	[tilespmem:s30], [sflag:$0x3] =	stream.indirect.gather [hbm4b:s4+s26], $0x10, s19, s26, $0xb8;
	[tilespmem:$0x18090] =	vst v63  }
0x152: {  	_ =	swait.ge [sflag:s1], $0x2000  }
0x153: {  	[sflag:s1] =	ssyncset.done $0x0  }
0x154: {  	s25 =	sadd.s32 $0x2600, s3;
	[sflag:s1] =	ssyncadd.s32 $0xFFFFE000  }
0x155: {  	[spmem:s2] =	stream.indirect.scatter.add.bf16 [tilespmem:s29], [sflag:$0x6], $0x10, s25, s26, $0xb8;
	[tilespmem:$0x18090] =	vst v63  }
0x156: {  	_ =	swait.ge [sflag:s7], $0x2000  }
0x157: {  	[sflag:s7] =	ssyncset.done $0x0  }
0x158: {  	s3 =	sadd.s32 $0x2800, s3;
	[sflag:s7] =	ssyncadd.s32 $0xFFFFE000  }
0x159: {  	[spmem:s2] =	stream.indirect.scatter.add.bf16 [tilespmem:s30], [sflag:$0x7], $0x10, s3, s26, $0xb8;
	[tilespmem:$0x18090] =	vst v63  }
0x15a: {  	_ =	swait.ge [sflag:s11], $0x2000  }
0x15b: {  	[sflag:s11] =	ssyncset.done $0x0  }
0x15c: {  	[sflag:s11] =	ssyncadd.s32 $0xFFFFE000  }
0x15d: {  	_ =	swait.ge [sflag:s23], $0x2000  }
0x15e: {  	[sflag:s23] =	ssyncset.done $0x0  }
0x15f: {  	[sflag:s23] =	ssyncadd.s32 $0xFFFFE000  }
0x160: {  	_ =	swait.ge [sflag:s9], $0x2000  }
0x161: {  	[sflag:s9] =	ssyncset.done $0x0  }
.Ltmp6:
0x162: {  	[sflag:s9] =	ssyncadd.s32 $0xFFFFE000;
	(pc) =	sbr.rel .LBB2_12-.Ltmp6, $4  }
0x163: {  	_ =	swait.ge [sflag:s10], $0x2000  }
0x164: {  	[sflag:s10] =	ssyncset.done $0x0;
	s3 =	rddreg [dreg:$0x8]  }
0x165: {  	s15 =	rddreg [dreg:$0x5];
	[sflag:s10] =	ssyncadd.s32 $0xFFFFE000  }
0x166: {  	s6 =	smov.u32 s4;
	s12 =	rddreg [dreg:$0x2]  }
.LBB2_9:
0x167: {  	s6 =	sxor.u32 @!p1 $0x1, s3  }
0x168: {  	s6 =	smul.u32 @!p1 $0xE00, s6  }
0x169: {  	s12 =	simm.s32 @!p1 $0x0  }
0x16a: {  	[tilespmem:s6], [sflag:$0x9] =	stream.linear.gather @!p1 [hbm4b:s20+s12], $0xE00, $0x38;
	[tilespmem:$0x18090] =	vst v63  }
0x16b: {  	s6 =	sadd.s32 @!p1 $0x1C00, s6  }
0x16c: {  	[tilespmem:s6], [sflag:$0x9] =	stream.linear.gather @!p1 [hbm4b:s17+s12], $0xE00, $0x38;
	[tilespmem:$0x18090] =	vst v63  }
0x16d: {  	_ =	swait.ge [sflag:s24], $0xE00  }
0x16e: {  	[sflag:s24] =	ssyncset.done $0x0  }
0x16f: {  	[sflag:s24] =	ssyncadd.s32 $0xFFFFF200  }
0x170: {  	_ =	swait.ge [sflag:s24], $0xE00  }
0x171: {  	s3 =	smul.u32 $0xE00, s3;
	[sflag:s24] =	ssyncset.done $0x0  }
0x172: {  	[sflag:s24] =	ssyncadd.s32 $0xFFFFF200  }
0x173: {  	[tilespmem:s28], [sflag:$0x1] =	stream.indirect.gather [hbm4b:s5+s26], $0x10, s3, s26, $0xb8;
	[tilespmem:$0x18090] =	vst v63  }
0x174: {  	s16 =	sadd.s32 $0x200, s3  }
0x175: {  	[tilespmem:s29], [sflag:$0x2] =	stream.indirect.gather [hbm4b:s5+s26], $0x10, s16, s26, $0xb8;
	[tilespmem:$0x18090] =	vst v63  }
0x176: {  	s19 =	sadd.s32 $0x400, s3  }
0x177: {  	[tilespmem:s30], [sflag:$0x3] =	stream.indirect.gather [hbm4b:s5+s26], $0x10, s19, s26, $0xb8;
	[tilespmem:$0x18090] =	vst v63  }
0x178: {  	s25 =	sadd.s32 $0x600, s3  }
0x179: {  	[tilespmem:s31], [sflag:$0x4] =	stream.indirect.gather [hbm4b:s5+s26], $0x10, s25, s26, $0xb8;
	[tilespmem:$0x18090] =	vst v63  }
0x17a: {  	_ =	swait.ge [sflag:s0], $0x2000  }
0x17b: {  	[sflag:s0] =	ssyncset.done $0x0  }
0x17c: {  	s12 =	sadd.s32 $0x1C00, s3;
	[sflag:s0] =	ssyncadd.s32 $0xFFFFE000  }
0x17d: {  	[spmem:s2] =	stream.indirect.scatter.add.bf16 [tilespmem:s28], [sflag:$0x5], $0x10, s12, s26, $0xb8;
	[tilespmem:$0x18090] =	vst v63  }
0x17e: {  	_ =	swait.ge [sflag:s1], $0x2000  }
0x17f: {  	[sflag:s1] =	ssyncset.done $0x0  }
0x180: {  	s15 =	sadd.s32 $0x1E00, s3;
	[sflag:s1] =	ssyncadd.s32 $0xFFFFE000  }
0x181: {  	[spmem:s2] =	stream.indirect.scatter.add.bf16 [tilespmem:s29], [sflag:$0x6], $0x10, s15, s26, $0xb8;
	[tilespmem:$0x18090] =	vst v63  }
0x182: {  	_ =	swait.ge [sflag:s7], $0x2000  }
0x183: {  	[sflag:s7] =	ssyncset.done $0x0  }
0x184: {  	s16 =	sor.u32 $0x2000, s3;
	[sflag:s7] =	ssyncadd.s32 $0xFFFFE000  }
0x185: {  	[spmem:s2] =	stream.indirect.scatter.add.bf16 [tilespmem:s30], [sflag:$0x7], $0x10, s16, s26, $0xb8;
	[tilespmem:$0x18090] =	vst v63  }
0x186: {  	_ =	swait.ge [sflag:s23], $0x2000  }
0x187: {  	[sflag:s23] =	ssyncset.done $0x0  }
0x188: {  	s19 =	sadd.s32 $0x800, s3;
	[sflag:s23] =	ssyncadd.s32 $0xFFFFE000  }
0x189: {  	[tilespmem:s28], [sflag:$0x1] =	stream.indirect.gather [hbm4b:s5+s26], $0x10, s19, s26, $0xb8;
	[tilespmem:$0x18090] =	vst v63  }
0x18a: {  	_ =	swait.ge [sflag:s8], $0x2000  }
0x18b: {  	[sflag:s8] =	ssyncset.done $0x0  }
0x18c: {  	s25 =	sadd.s32 $0x2200, s3;
	[sflag:s8] =	ssyncadd.s32 $0xFFFFE000  }
0x18d: {  	[spmem:s2] =	stream.indirect.scatter.add.bf16 [tilespmem:s31], [sflag:$0x8], $0x10, s25, s26, $0xb8;
	[tilespmem:$0x18090] =	vst v63  }
0x18e: {  	_ =	swait.ge [sflag:s9], $0x2000  }
0x18f: {  	[sflag:s9] =	ssyncset.done $0x0  }
0x190: {  	s12 =	sadd.s32 $0xA00, s3;
	[sflag:s9] =	ssyncadd.s32 $0xFFFFE000  }
0x191: {  	[tilespmem:s29], [sflag:$0x2] =	stream.indirect.gather [hbm4b:s5+s26], $0x10, s12, s26, $0xb8;
	[tilespmem:$0x18090] =	vst v63  }
0x192: {  	_ =	swait.ge [sflag:s0], $0x2000  }
0x193: {  	[sflag:s0] =	ssyncset.done $0x0  }
0x194: {  	s15 =	sadd.s32 $0x2400, s3;
	[sflag:s0] =	ssyncadd.s32 $0xFFFFE000  }
0x195: {  	[spmem:s2] =	stream.indirect.scatter.add.bf16 [tilespmem:s28], [sflag:$0x5], $0x10, s15, s26, $0xb8;
	[tilespmem:$0x18090] =	vst v63  }
0x196: {  	_ =	swait.ge [sflag:s10], $0x2000  }
0x197: {  	[sflag:s10] =	ssyncset.done $0x0  }
0x198: {  	s16 =	sadd.s32 $0xC00, s3;
	[sflag:s10] =	ssyncadd.s32 $0xFFFFE000  }
0x199: {  	[tilespmem:s30], [sflag:$0x3] =	stream.indirect.gather [hbm4b:s5+s26], $0x10, s16, s26, $0xb8;
	[tilespmem:$0x18090] =	vst v63  }
0x19a: {  	_ =	swait.ge [sflag:s1], $0x2000  }
0x19b: {  	[sflag:s1] =	ssyncset.done $0x0  }
0x19c: {  	s19 =	sadd.s32 $0x2600, s3;
	[sflag:s1] =	ssyncadd.s32 $0xFFFFE000  }
0x19d: {  	[spmem:s2] =	stream.indirect.scatter.add.bf16 [tilespmem:s29], [sflag:$0x6], $0x10, s19, s26, $0xb8;
	[tilespmem:$0x18090] =	vst v63  }
0x19e: {  	_ =	swait.ge [sflag:s7], $0x2000  }
0x19f: {  	[sflag:s7] =	ssyncset.done $0x0  }
0x1a0: {  	s3 =	sadd.s32 $0x2800, s3;
	[sflag:s7] =	ssyncadd.s32 $0xFFFFE000  }
0x1a1: {  	[spmem:s2] =	stream.indirect.scatter.add.bf16 [tilespmem:s30], [sflag:$0x7], $0x10, s3, s26, $0xb8;
	[tilespmem:$0x18090] =	vst v63  }
0x1a2: {  	_ =	swait.ge [sflag:s11], $0x2000  }
0x1a3: {  	[sflag:s11] =	ssyncset.done $0x0  }
0x1a4: {  	[sflag:s11] =	ssyncadd.s32 $0xFFFFE000  }
0x1a5: {  	_ =	swait.ge [sflag:s23], $0x2000  }
0x1a6: {  	[sflag:s23] =	ssyncset.done $0x0  }
0x1a7: {  	[sflag:s23] =	ssyncadd.s32 $0xFFFFE000  }
0x1a8: {  	p2 =	por $0x0, $0x0;
	_ =	swait.ge [sflag:s9], $0x2000  }
0x1a9: {  	s6 =	simm.s32 @!p2 $0x0;
	s25 =	simm.s32 $0x1;
	[sflag:s9] =	ssyncset.done $0x0  }
0x1aa: {  	s15 =	simm.s32 $0x2;
	s3 =	sand.u32 $0x1, s25;
	[sflag:s9] =	ssyncadd.s32 $0xFFFFE000  }
0x1ab: {  	s19 =	smov.u32 s17;
	s12 =	sxor.u32 @!p2 $0x1, s3;
	_ =	swait.ge [sflag:s10], $0x2000  }
0x1ac: {  	s25 =	sadd.s32 $0x1C0, s20;
	s16 =	smul.u32 @!p2 $0xE00, s12;
	[sflag:s10] =	ssyncset.done $0x0  }
.LBB2_10:
0x1ad: {  	[sflag:s10] =	ssyncadd.s32 $0xFFFFE000  }
0x1ae: {  	s19 =	sadd.s32 $0x1C0, s19;
	s12 =	smov.u32 s15;
	s15 =	sadd.s32 $0x1, s15  }
0x1af: {  	[tilespmem:s16], [sflag:$0x9] =	stream.linear.gather @!p2 [hbm4b:s25+s6], $0xE00, $0x38;
	[tilespmem:$0x18090] =	vst v63  }
0x1b0: {  	p1 =	sne.s32 s15, $0xE;
	s16 =	sadd.s32 @!p2 $0x1C00, s16  }
0x1b1: {  	[tilespmem:s16], [sflag:$0x9] =	stream.linear.gather @!p2 [hbm4b:s19+s6], $0xE00, $0x38;
	[tilespmem:$0x18090] =	vst v63  }
0x1b2: {  	_ =	swait.ge [sflag:s24], $0xE00  }
0x1b3: {  	[sflag:s24] =	ssyncset.done $0x0  }
0x1b4: {  	[sflag:s24] =	ssyncadd.s32 $0xFFFFF200  }
0x1b5: {  	_ =	swait.ge [sflag:s24], $0xE00  }
0x1b6: {  	s3 =	smul.u32 $0xE00, s3;
	[sflag:s24] =	ssyncset.done $0x0  }
0x1b7: {  	[sflag:s24] =	ssyncadd.s32 $0xFFFFF200  }
0x1b8: {  	[tilespmem:s28], [sflag:$0x1] =	stream.indirect.gather [hbm4b:s5+s26], $0x10, s3, s26, $0xb8;
	[tilespmem:$0x18090] =	vst v63  }
0x1b9: {  	s6 =	sadd.s32 $0x200, s3  }
0x1ba: {  	[tilespmem:s29], [sflag:$0x2] =	stream.indirect.gather [hbm4b:s5+s26], $0x10, s6, s26, $0xb8;
	[tilespmem:$0x18090] =	vst v63  }
0x1bb: {  	s6 =	sadd.s32 $0x400, s3  }
0x1bc: {  	[tilespmem:s30], [sflag:$0x3] =	stream.indirect.gather [hbm4b:s5+s26], $0x10, s6, s26, $0xb8;
	[tilespmem:$0x18090] =	vst v63  }
0x1bd: {  	s6 =	sadd.s32 $0x600, s3  }
0x1be: {  	[tilespmem:s31], [sflag:$0x4] =	stream.indirect.gather [hbm4b:s5+s26], $0x10, s6, s26, $0xb8;
	[tilespmem:$0x18090] =	vst v63  }
0x1bf: {  	_ =	swait.ge [sflag:s0], $0x2000  }
0x1c0: {  	[sflag:s0] =	ssyncset.done $0x0  }
0x1c1: {  	s6 =	sadd.s32 $0x1C00, s3;
	[sflag:s0] =	ssyncadd.s32 $0xFFFFE000  }
0x1c2: {  	[spmem:s2] =	stream.indirect.scatter.add.bf16 [tilespmem:s28], [sflag:$0x5], $0x10, s6, s26, $0xb8;
	[tilespmem:$0x18090] =	vst v63  }
0x1c3: {  	_ =	swait.ge [sflag:s1], $0x2000  }
0x1c4: {  	[sflag:s1] =	ssyncset.done $0x0  }
0x1c5: {  	s6 =	sadd.s32 $0x1E00, s3;
	[sflag:s1] =	ssyncadd.s32 $0xFFFFE000  }
0x1c6: {  	[spmem:s2] =	stream.indirect.scatter.add.bf16 [tilespmem:s29], [sflag:$0x6], $0x10, s6, s26, $0xb8;
	[tilespmem:$0x18090] =	vst v63  }
0x1c7: {  	_ =	swait.ge [sflag:s7], $0x2000  }
0x1c8: {  	[sflag:s7] =	ssyncset.done $0x0  }
0x1c9: {  	s6 =	sor.u32 $0x2000, s3;
	[sflag:s7] =	ssyncadd.s32 $0xFFFFE000  }
0x1ca: {  	[spmem:s2] =	stream.indirect.scatter.add.bf16 [tilespmem:s30], [sflag:$0x7], $0x10, s6, s26, $0xb8;
	[tilespmem:$0x18090] =	vst v63  }
0x1cb: {  	_ =	swait.ge [sflag:s23], $0x2000  }
0x1cc: {  	[sflag:s23] =	ssyncset.done $0x0  }
0x1cd: {  	s6 =	sadd.s32 $0x800, s3;
	[sflag:s23] =	ssyncadd.s32 $0xFFFFE000  }
0x1ce: {  	[tilespmem:s28], [sflag:$0x1] =	stream.indirect.gather [hbm4b:s5+s26], $0x10, s6, s26, $0xb8;
	[tilespmem:$0x18090] =	vst v63  }
0x1cf: {  	_ =	swait.ge [sflag:s8], $0x2000  }
0x1d0: {  	[sflag:s8] =	ssyncset.done $0x0  }
0x1d1: {  	s6 =	sadd.s32 $0x2200, s3;
	[sflag:s8] =	ssyncadd.s32 $0xFFFFE000  }
0x1d2: {  	[spmem:s2] =	stream.indirect.scatter.add.bf16 [tilespmem:s31], [sflag:$0x8], $0x10, s6, s26, $0xb8;
	[tilespmem:$0x18090] =	vst v63  }
0x1d3: {  	_ =	swait.ge [sflag:s9], $0x2000  }
0x1d4: {  	[sflag:s9] =	ssyncset.done $0x0  }
0x1d5: {  	s6 =	sadd.s32 $0xA00, s3;
	[sflag:s9] =	ssyncadd.s32 $0xFFFFE000  }
0x1d6: {  	[tilespmem:s29], [sflag:$0x2] =	stream.indirect.gather [hbm4b:s5+s26], $0x10, s6, s26, $0xb8;
	[tilespmem:$0x18090] =	vst v63  }
0x1d7: {  	_ =	swait.ge [sflag:s0], $0x2000  }
0x1d8: {  	[sflag:s0] =	ssyncset.done $0x0  }
0x1d9: {  	s6 =	sadd.s32 $0x2400, s3;
	[sflag:s0] =	ssyncadd.s32 $0xFFFFE000  }
0x1da: {  	[spmem:s2] =	stream.indirect.scatter.add.bf16 [tilespmem:s28], [sflag:$0x5], $0x10, s6, s26, $0xb8;
	[tilespmem:$0x18090] =	vst v63  }
0x1db: {  	_ =	swait.ge [sflag:s10], $0x2000  }
0x1dc: {  	[sflag:s10] =	ssyncset.done $0x0  }
0x1dd: {  	s6 =	sadd.s32 $0xC00, s3;
	[sflag:s10] =	ssyncadd.s32 $0xFFFFE000  }
0x1de: {  	[tilespmem:s30], [sflag:$0x3] =	stream.indirect.gather [hbm4b:s5+s26], $0x10, s6, s26, $0xb8;
	[tilespmem:$0x18090] =	vst v63  }
0x1df: {  	_ =	swait.ge [sflag:s1], $0x2000  }
0x1e0: {  	[sflag:s1] =	ssyncset.done $0x0  }
0x1e1: {  	s6 =	sadd.s32 $0x2600, s3;
	[sflag:s1] =	ssyncadd.s32 $0xFFFFE000  }
0x1e2: {  	[spmem:s2] =	stream.indirect.scatter.add.bf16 [tilespmem:s29], [sflag:$0x6], $0x10, s6, s26, $0xb8;
	[tilespmem:$0x18090] =	vst v63  }
0x1e3: {  	_ =	swait.ge [sflag:s7], $0x2000  }
0x1e4: {  	[sflag:s7] =	ssyncset.done $0x0  }
0x1e5: {  	s3 =	sadd.s32 $0x2800, s3;
	[sflag:s7] =	ssyncadd.s32 $0xFFFFE000  }
0x1e6: {  	[spmem:s2] =	stream.indirect.scatter.add.bf16 [tilespmem:s30], [sflag:$0x7], $0x10, s3, s26, $0xb8;
	[tilespmem:$0x18090] =	vst v63  }
0x1e7: {  	_ =	swait.ge [sflag:s11], $0x2000  }
0x1e8: {  	[sflag:s11] =	ssyncset.done $0x0  }
0x1e9: {  	[sflag:s11] =	ssyncadd.s32 $0xFFFFE000  }
0x1ea: {  	_ =	swait.ge [sflag:s23], $0x2000  }
0x1eb: {  	[sflag:s23] =	ssyncset.done $0x0  }
0x1ec: {  	[sflag:s23] =	ssyncadd.s32 $0xFFFFE000  }
.Ltmp7:
0x1ed: {  	_ =	swait.ge [sflag:s9], $0x2000;
	(pc) =	sbr.rel @p1 .LBB2_10-.Ltmp7, $4  }
0x1ee: {  	[sflag:s9] =	ssyncset.done $0x0  }
0x1ef: {  	p2 =	seq.s32 s12, $0xD;
	s3 =	sand.u32 $0x1, s12;
	[sflag:s9] =	ssyncadd.s32 $0xFFFFE000  }
0x1f0: {  	s6 =	simm.s32 @!p2 $0x0;
	s12 =	sxor.u32 @!p2 $0x1, s3;
	_ =	swait.ge [sflag:s10], $0x2000  }
0x1f1: {  	s25 =	sadd.s32 $0x1C0, s25;
	s16 =	smul.u32 @!p2 $0xE00, s12;
	[sflag:s10] =	ssyncset.done $0x0  }
.Ltmp8:
0x1f2: {  	_ = 	snop;
	(pc) =	sbr.rel .LBB2_11-.Ltmp8, $1  }
0x1f3: {  	_ =	sdelay $0x3  }
.LBB2_13:
0x1f4: {  	_ =	sfence.sel $0x180000  }
0x1f5: {  	[bflag:$0x0] =	sbarrier.arrive $0xFFFF  }
0x1f6: {  	_ =	strace $0x9000004A  }
0x1f7: {  	s0 =	stileid.u32;
	[bflag:$0x2] =	sbarrier.arrive $0xFFFF  }
0x1f8: {  	p0 =	sne.s32 s0, $0x0;
	s0 =	rddreg [dreg:$0x4]  }
0x1f9: {  	s0 =	sadd.s32 @!p0 $0x100000, s0  }
0x1fa: {  	[sflag:s0] =	ssyncadd.tile.s32 @!p0 $0x1;
	_ =	shalt  }
.Lfunc_end2:
_tile_overlayer_lowered:
.L_overlay_start_2:
0x1fb: {  	(tag) =	ssettag $0x2  }
0x1fc: {  	s0 =	rddreg [dreg:$0x0];
	s2 =	stileid.u32  }
0x1fd: {  	s1 =	rddreg [dreg:$0x1];
	p0 =	sne.s32 s2, $0x0  }
0x1fe: {  	s3 =	rddreg [dreg:$0x2];
	[bflag:$0x3] =	sbarrier.arrive $0xFFFF;
	s2 =	simm.s32 @!p0 $0x1C0A  }
0x1ff: {  	[timem:s3], [sflag:s2] =	dma.local @!p0 [hbm:s0], s1  }
0x200: {  	s0 =	simm.s32 @!p0 $0xA  }
0x201: {  	_ =	swait.ge @!p0 [sflag:s0], s1  }
0x202: {  	s1 =	ssub.s32 @!p0 $0x0, s1;
	[sflag:s0] =	ssyncset.done @!p0 $0x0  }
0x203: {  	[sflag:s0] =	ssyncadd.s32 @!p0 s1  }
0x204: {  	[bflag:$0x3] =	sbarrier.arrive $0xFFFF  }
0x205: {  	_ =	shalt  }

</sc_bundles>
